<compile_context>
chip_gen: v7x
topology: tpu7x:2x2x1
jax: 0.10.2.dev20260603
libtpu: 0.0.44.dev20260713+nightly
codegen_flags: <defaults>
</compile_context>

<pallas_src>
import jax
import jax.numpy as jnp
from jax import lax
from jax.experimental import pallas as pl
from jax.experimental.pallas import tpu as pltpu
from jax.experimental.pallas import tpu_sc as plsc
from jax._src.pallas import mpmd as _mpmd

K_MAX = 100000
P_DIM = 64
MODEL_DIM = 64
N = 16384
RATE = 0.1

NC = 2
NS = 16
CHUNK = 128
PAD = 80
NCH = (N // CHUNK) // NS

_MESH = dict(core_axis_name="c", subcore_axis_name="s", num_cores=NC,
             num_subcores=NS)
_SC_PARAMS = pltpu.CompilerParams(use_tc_tiling_on_sc=False)


_DEPTH = 2


def _k12_body(protos, ids2d, iota2d, values, zb, ones16, pgath, sums,
              slot, acc, idxg_v, idxs_v, iot_v, rep_v, row_v, buf_v,
              s1, s2, s3):
    cid = lax.axis_index("c")
    sid = lax.axis_index("s")
    wid = cid * NS + sid
    ng = (N // CHUNK) // (NC * NS)
    nrow = (N // CHUNK) // NS

    @pl.when(cid == 0)
    def _seed():
        pltpu.sync_copy(zb, buf_v.at[0])
        zs = [pltpu.async_copy(
            buf_v.at[0], acc.at[pl.ds((sid * nrow + j) * CHUNK, CHUNK)], s3)
            for j in range(nrow)]
        pltpu.sync_copy(ids2d.at[pl.ds(sid * nrow, nrow)], idxs_v)
        pltpu.sync_copy(iota2d.at[pl.ds(sid * nrow, nrow)], iot_v)
        puts = [pltpu.async_copy(iot_v.at[c], slot.at[idxs_v.at[c]], s2)
                for c in range(nrow)]
        for d in zs + puts:
            d.wait()

    pltpu.sync_copy(ids2d.at[pl.ds(wid * ng, ng)], idxg_v)
    gets = {c: pltpu.async_copy(protos.at[idxg_v.at[c]], row_v.at[c % 2], s1)
            for c in range(min(2, ng))}
    wrs = {}
    for c in range(ng):
        gets[c].wait()
        base = (wid * ng + c) * CHUNK
        wrs[c] = pltpu.async_copy(row_v.at[c % 2],
                                  pgath.at[pl.ds(base, CHUNK)], s2)
        nc = c + 2
        if nc < ng:
            wrs[c].wait()
            gets[nc] = pltpu.async_copy(protos.at[idxg_v.at[nc]],
                                        row_v.at[nc % 2], s1)
    for c in range(max(0, ng - 2), ng):
        wrs[c].wait()

    plsc.subcore_barrier()

    @pl.when(cid == 0)
    def _accum():
        for d in range(_DEPTH):
            pltpu.sync_copy(ones16, buf_v.at[d, :, pl.ds(P_DIM, PAD - P_DIM)])
        reps = [pltpu.async_copy(slot.at[idxs_v.at[c]], rep_v.at[c], s1)
                for c in range(nrow)]
        vals = {c: pltpu.async_copy(
            values.at[pl.ds((sid * nrow + c) * CHUNK, CHUNK)],
            buf_v.at[c % _DEPTH, :, pl.ds(0, P_DIM)], s2)
            for c in range(_DEPTH)}
        adds = {}
        for c in range(nrow):
            reps[c].wait()
            vals[c].wait()
            adds[c] = pltpu.async_copy(buf_v.at[c % _DEPTH],
                                       acc.at[rep_v.at[c]], s3, add=True)
            nc = c + _DEPTH
            if nc < nrow:
                adds[c].wait()
                vals[nc] = pltpu.async_copy(
                    values.at[pl.ds((sid * nrow + nc) * CHUNK, CHUNK)],
                    buf_v.at[nc % _DEPTH, :, pl.ds(0, P_DIM)], s2)
        for c in range(max(0, nrow - _DEPTH), nrow):
            adds[c].wait()

    plsc.subcore_barrier()

    @pl.when(cid == 0)
    def _readback():
        gets = {c: pltpu.async_copy(acc.at[rep_v.at[c]],
                                    buf_v.at[c % _DEPTH], s1)
                for c in range(_DEPTH)}
        wrs = {}
        for c in range(nrow):
            gets[c].wait()
            wrs[c] = pltpu.async_copy(
                buf_v.at[c % _DEPTH],
                sums.at[pl.ds((sid * nrow + c) * CHUNK, CHUNK)], s2)
            nc = c + _DEPTH
            if nc < nrow:
                wrs[c].wait()
                gets[nc] = pltpu.async_copy(acc.at[rep_v.at[nc]],
                                            buf_v.at[nc % _DEPTH], s1)
        for c in range(max(0, nrow - _DEPTH), nrow):
            wrs[c].wait()


def _k12(prototypes, ids2d, iota2d, values, zblock, ones16):
    ng = (N // CHUNK) // (NC * NS)
    nrow = (N // CHUNK) // NS
    return pl.kernel(
        _k12_body,
        out_type=(
            jax.ShapeDtypeStruct((N, P_DIM), jnp.float32),
            jax.ShapeDtypeStruct((N, PAD), jnp.float32),
        ),
        mesh=plsc.VectorSubcoreMesh(**_MESH),
        compiler_params=_SC_PARAMS,
        scratch_types=[
            pltpu.VMEM_SHARED((K_MAX,), jnp.int32),
            pltpu.VMEM_SHARED((N, PAD), jnp.float32),
            pltpu.VMEM((ng, CHUNK), jnp.int32),
            pltpu.VMEM((nrow, CHUNK), jnp.int32),
            pltpu.VMEM((nrow, CHUNK), jnp.int32),
            pltpu.VMEM((nrow, CHUNK), jnp.int32),
            pltpu.VMEM((2, CHUNK, P_DIM), jnp.float32),
            pltpu.VMEM((_DEPTH, CHUNK, PAD), jnp.float32),
            pltpu.SemaphoreType.DMA,
            pltpu.SemaphoreType.DMA,
            pltpu.SemaphoreType.DMA,
        ],
    )(prototypes, ids2d, iota2d, values, zblock, ones16)


def _k3_body(pg, sums, w, fin, dec):
    s = sums[:, :P_DIM]
    cnt = sums[:, P_DIM:P_DIM + 1]
    f = (1.0 - RATE) * pg[...] + RATE * (s / cnt)
    fin[...] = f
    dec[...] = lax.dot_general(f, w[...], (((1,), (1,)), ((), ())),
                               preferred_element_type=jnp.float32)


def _k3(p_gath, sums_g, decoder_w):
    blk = 2048
    grid = N // blk
    return pl.pallas_call(
        _k3_body,
        grid=(grid,),
        in_specs=[
            pl.BlockSpec((blk, P_DIM), lambda i: (i, 0)),
            pl.BlockSpec((blk, PAD), lambda i: (i, 0)),
            pl.BlockSpec((MODEL_DIM, P_DIM), lambda i: (0, 0)),
        ],
        out_specs=(
            pl.BlockSpec((blk, P_DIM), lambda i: (i, 0)),
            pl.BlockSpec((blk, MODEL_DIM), lambda i: (i, 0)),
        ),
        out_shape=(
            jax.ShapeDtypeStruct((N, P_DIM), jnp.float32),
            jax.ShapeDtypeStruct((N, MODEL_DIM), jnp.float32),
        ),
    )(p_gath, sums_g, decoder_w)


def _k4_body(ids2d, fin, copy_in, out_ref, idx_v, row_v, gsem, ssem):
    del copy_in
    wid = lax.axis_index("c") * NS + lax.axis_index("s")
    nrow = (N // CHUNK) // (NC * NS)
    pltpu.sync_copy(ids2d.at[pl.ds(wid * nrow, nrow)], idx_v)
    gets = [pltpu.async_copy(
        fin.at[pl.ds((wid * nrow + c) * CHUNK, CHUNK)], row_v.at[c], gsem)
        for c in range(nrow)]
    puts = []
    for c in range(nrow):
        gets[c].wait()
        puts.append(pltpu.async_copy(row_v.at[c], out_ref.at[idx_v.at[c]],
                                     ssem))
    for d in puts:
        d.wait()


def _k4(ids2d, final, prototypes):
    nrow = (N // CHUNK) // (NC * NS)
    out, = _mpmd._mpmd_map(
        [(plsc.VectorSubcoreMesh(**_MESH), _k4_body)],
        out_types=[jax.ShapeDtypeStruct((K_MAX, P_DIM), jnp.float32)],
        input_output_aliases={2: 0},
        compiler_params=_SC_PARAMS,
        scratch_types=[
            pltpu.VMEM((nrow, CHUNK), jnp.int32),
            pltpu.VMEM((nrow, CHUNK, P_DIM), jnp.float32),
            pltpu.SemaphoreType.DMA,
            pltpu.SemaphoreType.DMA,
        ],
    )(ids2d, final, prototypes)
    return out


def kernel(bucket_ids, values, prototypes, decoder_w):
    ids = bucket_ids.astype(jnp.int32)
    ids2d = ids.reshape(N // CHUNK, CHUNK)
    iota2d = jnp.arange(N, dtype=jnp.int32).reshape(N // CHUNK, CHUNK)
    zblock = jnp.zeros((CHUNK, PAD), jnp.float32)
    ones16 = jnp.ones((CHUNK, PAD - P_DIM), jnp.float32)

    p_gath, sums_g = _k12(prototypes, ids2d, iota2d, values, zblock, ones16)
    final, decoded = _k3(p_gath, sums_g, decoder_w)
    new_protos = _k4(ids2d, final, prototypes)
    return new_protos, decoded

# --- scband reference (transcript-rebuilt; emitter-appended) ---
"""Pipeline reference for scband-bucket-prototypes-89043261981282 (READ-ONLY COPY).

The authoritative reference and input builder live on the scoring server;
editing this copy changes nothing except your own understanding.
"""

import jax, jax.numpy as jnp
import numpy as np

K_MAX = 100000
P_DIM = 64
MODEL_DIM = 64
N = 16384
RATE = 0.1


def setup_inputs(seed: int = 0) -> dict:
    key = jax.random.key(seed)
    k1, k2, k3, k4 = jax.random.split(key, 4)
    bucket_ids = jax.random.randint(k1, (N,), 0, K_MAX, dtype=jnp.int64) if jax.config.jax_enable_x64 else jax.random.randint(k1, (N,), 0, K_MAX, dtype=jnp.int32)
    values = jax.random.normal(k2, (N, P_DIM), dtype=jnp.float32)
    prototypes = jax.random.normal(k3, (K_MAX, P_DIM), dtype=jnp.float32)
    decoder_w = jax.random.normal(k4, (MODEL_DIM, P_DIM), dtype=jnp.float32) * 0.02
    return {"bucket_ids": bucket_ids, "values": values, "prototypes": prototypes, "decoder_w": decoder_w}


def reference(bucket_ids, values, prototypes, decoder_w):
    # update_batch: per-bucket mean of new observations (values are detached in torch)
    vals = jax.lax.stop_gradient(values)
    sums = jax.ops.segment_sum(vals, bucket_ids, num_segments=K_MAX)
    counts = jax.ops.segment_sum(jnp.ones((N,), dtype=jnp.float32), bucket_ids, num_segments=K_MAX)
    means = sums / jnp.maximum(counts, 1.0)[:, None]
    touched = (counts > 0)[:, None]
    new_protos = jnp.where(touched, (1.0 - RATE) * prototypes + RATE * means, prototypes)
    # read: gather updated prototypes for each observed bucket, decode to model_dim
    gathered = jnp.take(new_protos, bucket_ids, axis=0)
    decoded = gathered @ decoder_w.T
    return new_protos, decoded

if __name__ == "__main__":
    import jax
    _d = setup_inputs()
    print(jax.jit(kernel)(*tuple(_d.values())))

</pallas_src>

<mosaic_0001>
#map = affine_map<(d0, d1) -> (0, 0)>
module attributes {stable_mosaic.version = 14 : i64} {
  func.func @_k12_body(%arg0: i32, %arg1: i32, %arg2: memref<100000x64xf32, #tpu.memory_space<hbm>>, %arg3: memref<128x128xi32, #tpu.memory_space<hbm>>, %arg4: memref<128x128xi32, #tpu.memory_space<hbm>>, %arg5: memref<16384x64xf32, #tpu.memory_space<hbm>>, %arg6: memref<128x80xf32, #tpu.memory_space<hbm>>, %arg7: memref<128x16xf32, #tpu.memory_space<hbm>>, %arg8: memref<16384x64xf32, #tpu.memory_space<hbm>>, %arg9: memref<16384x80xf32, #tpu.memory_space<hbm>>, %arg10: memref<100000xi32, #tpu.memory_space<vmem_shared>>, %arg11: memref<16384x80xf32, #tpu.memory_space<vmem_shared>>, %arg12: memref<4x128xi32, #tpu.memory_space<vmem>>, %arg13: memref<8x128xi32, #tpu.memory_space<vmem>>, %arg14: memref<8x128xi32, #tpu.memory_space<vmem>>, %arg15: memref<8x128xi32, #tpu.memory_space<vmem>>, %arg16: memref<2x128x64xf32, #tpu.memory_space<vmem>>, %arg17: memref<2x128x80xf32, #tpu.memory_space<vmem>>, %arg18: memref<!tpu.dma_semaphore, #tpu.memory_space<semaphore_mem>>, %arg19: memref<!tpu.dma_semaphore, #tpu.memory_space<semaphore_mem>>, %arg20: memref<!tpu.dma_semaphore, #tpu.memory_space<semaphore_mem>>) attributes {dimension_semantics = [#tpu.dimension_semantics<core_parallel>, #tpu.dimension_semantics<subcore_parallel>], iteration_bounds = array<i64: 2, 16>, scalar_prefetch = 0 : i64, scratch_operands = 11 : i64, tpu.core_type = #tpu.core_type<sc_vector_subcore>, window_params = [{transform_indices = #map}, {transform_indices = #map}, {transform_indices = #map}, {transform_indices = #map}, {transform_indices = #map}, {transform_indices = #map}, {transform_indices = #map}, {transform_indices = #map}]} {
    %mul3A = arith.constant 16 : i32
    %mul3A_0 = arith.muli %arg0, %mul3A : i32
    %add3A = arith.addi %mul3A_0, %arg1 : i32
    %eq3A = arith.constant 0 : i32
    %eq3A_1 = arith.cmpi eq, %arg0, %eq3A : i32
    %convert_element_type3A = arith.extui %eq3A_1 : i1 to i32
    %cond3A = arith.constant 0 : i32
    %cond3A_2 = arith.cmpi ne, %convert_element_type3A, %cond3A : i32
    scf.if %cond3A_2 {
      %run_scoped3A = arith.constant 0 : i32
      "tpu.region"() ({
        %run_scoped3A_658 = tpu.sem_alloc : memref<!tpu.dma_semaphore, #tpu.memory_space<semaphore_mem>>
        %dma_start3A_659 = arith.constant 0 : i32
        %dma_start3A_660 = arith.constant 0 : i32
        %dma_start3A_661 = tpu.memref_slice %arg17[%run_scoped3A, %dma_start3A_659, %dma_start3A_660] : memref<2x128x80xf32, #tpu.memory_space<vmem>> -> memref<1x128x80xf32, #tpu.memory_space<vmem>>
        %dma_start3A_662 = tpu.memref_squeeze %dma_start3A_661 : memref<1x128x80xf32, #tpu.memory_space<vmem>> -> memref<128x80xf32, #tpu.memory_space<vmem>>
        %dma_start3A_663 = arith.constant 0 : i32
        %dma_start3A_664 = arith.constant 0 : i32
        %dma_start3A_665 = tpu.memref_slice %arg17[%run_scoped3A, %dma_start3A_663, %dma_start3A_664] : memref<2x128x80xf32, #tpu.memory_space<vmem>> -> memref<1x128x80xf32, #tpu.memory_space<vmem>>
        %dma_start3A_666 = tpu.memref_squeeze %dma_start3A_665 : memref<1x128x80xf32, #tpu.memory_space<vmem>> -> memref<128x80xf32, #tpu.memory_space<vmem>>
        tpu.enqueue_dma source(%arg6 : memref<128x80xf32, #tpu.memory_space<hbm>>) target(%dma_start3A_666 : memref<128x80xf32, #tpu.memory_space<vmem>>) target_semaphore(%run_scoped3A_658 : memref<!tpu.dma_semaphore, #tpu.memory_space<semaphore_mem>>)
        %dma_wait3A_667 = arith.constant 0 : i32
        %dma_wait3A_668 = arith.constant 0 : i32
        %dma_wait3A_669 = tpu.memref_slice %arg17[%run_scoped3A, %dma_wait3A_667, %dma_wait3A_668] : memref<2x128x80xf32, #tpu.memory_space<vmem>> -> memref<1x128x80xf32, #tpu.memory_space<vmem>>
        %dma_wait3A_670 = tpu.memref_squeeze %dma_wait3A_669 : memref<1x128x80xf32, #tpu.memory_space<vmem>> -> memref<128x80xf32, #tpu.memory_space<vmem>>
        %dma_wait3A_671 = arith.constant 0 : i32
        %dma_wait3A_672 = arith.constant 0 : i32
        %dma_wait3A_673 = tpu.memref_slice %arg17[%run_scoped3A, %dma_wait3A_671, %dma_wait3A_672] : memref<2x128x80xf32, #tpu.memory_space<vmem>> -> memref<1x128x80xf32, #tpu.memory_space<vmem>>
        %dma_wait3A_674 = tpu.memref_squeeze %dma_wait3A_673 : memref<1x128x80xf32, #tpu.memory_space<vmem>> -> memref<128x80xf32, #tpu.memory_space<vmem>>
        tpu.wait_dma2 semaphore(%run_scoped3A_658 : memref<!tpu.dma_semaphore, #tpu.memory_space<semaphore_mem>>) src(%arg6 : memref<128x80xf32, #tpu.memory_space<hbm>>) dst(%dma_wait3A_674 : memref<128x80xf32, #tpu.memory_space<vmem>>)
        tpu.yield
      }) : () -> ()
      %mul3A_238 = arith.constant 8 : i32
      %mul3A_239 = arith.muli %arg1, %mul3A_238 : i32
      %add3A_240 = arith.constant 0 : i32
      %add3A_241 = arith.addi %mul3A_239, %add3A_240 : i32
      %mul3A_242 = arith.constant 128 : i32
      %mul3A_243 = arith.muli %add3A_241, %mul3A_242 : i32
      %dma_start3A_244 = arith.constant 0 : i32
      %dma_start3A_245 = arith.constant 0 : i32
      %dma_start3A_246 = arith.constant 0 : i32
      %dma_start3A_247 = tpu.memref_slice %arg17[%dma_start3A_244, %dma_start3A_245, %dma_start3A_246] : memref<2x128x80xf32, #tpu.memory_space<vmem>> -> memref<1x128x80xf32, #tpu.memory_space<vmem>>
      %dma_start3A_248 = tpu.memref_squeeze %dma_start3A_247 : memref<1x128x80xf32, #tpu.memory_space<vmem>> -> memref<128x80xf32, #tpu.memory_space<vmem>>
      %dma_start3A_249 = arith.constant 0 : i32
      %dma_start3A_250 = tpu.memref_slice %arg11[%mul3A_243, %dma_start3A_249] : memref<16384x80xf32, #tpu.memory_space<vmem_shared>> -> memref<128x80xf32, #tpu.memory_space<vmem_shared>>
      %dma_start3A_251 = arith.constant 0 : i32
      %dma_start3A_252 = tpu.memref_slice %arg11[%mul3A_243, %dma_start3A_251] : memref<16384x80xf32, #tpu.memory_space<vmem_shared>> -> memref<128x80xf32, #tpu.memory_space<vmem_shared>>
      %dma_start3A_253 = arith.constant 0 : i32
      %dma_start3A_254 = arith.constant 0 : i32
      %dma_start3A_255 = tpu.memref_slice %arg17[%dma_start3A_244, %dma_start3A_253, %dma_start3A_254] : memref<2x128x80xf32, #tpu.memory_space<vmem>> -> memref<1x128x80xf32, #tpu.memory_space<vmem>>
      %dma_start3A_256 = tpu.memref_squeeze %dma_start3A_255 : memref<1x128x80xf32, #tpu.memory_space<vmem>> -> memref<128x80xf32, #tpu.memory_space<vmem>>
      tpu.enqueue_dma source(%dma_start3A_256 : memref<128x80xf32, #tpu.memory_space<vmem>>) target(%dma_start3A_252 : memref<128x80xf32, #tpu.memory_space<vmem_shared>>) target_semaphore(%arg20 : memref<!tpu.dma_semaphore, #tpu.memory_space<semaphore_mem>>)
      %mul3A_257 = arith.constant 8 : i32
      %mul3A_258 = arith.muli %arg1, %mul3A_257 : i32
      %add3A_259 = arith.constant 1 : i32
      %add3A_260 = arith.addi %mul3A_258, %add3A_259 : i32
      %mul3A_261 = arith.constant 128 : i32
      %mul3A_262 = arith.muli %add3A_260, %mul3A_261 : i32
      %dma_start3A_263 = arith.constant 0 : i32
      %dma_start3A_264 = arith.constant 0 : i32
      %dma_start3A_265 = arith.constant 0 : i32
      %dma_start3A_266 = tpu.memref_slice %arg17[%dma_start3A_263, %dma_start3A_264, %dma_start3A_265] : memref<2x128x80xf32, #tpu.memory_space<vmem>> -> memref<1x128x80xf32, #tpu.memory_space<vmem>>
      %dma_start3A_267 = tpu.memref_squeeze %dma_start3A_266 : memref<1x128x80xf32, #tpu.memory_space<vmem>> -> memref<128x80xf32, #tpu.memory_space<vmem>>
      %dma_start3A_268 = arith.constant 0 : i32
      %dma_start3A_269 = tpu.memref_slice %arg11[%mul3A_262, %dma_start3A_268] : memref<16384x80xf32, #tpu.memory_space<vmem_shared>> -> memref<128x80xf32, #tpu.memory_space<vmem_shared>>
      %dma_start3A_270 = arith.constant 0 : i32
      %dma_start3A_271 = tpu.memref_slice %arg11[%mul3A_262, %dma_start3A_270] : memref<16384x80xf32, #tpu.memory_space<vmem_shared>> -> memref<128x80xf32, #tpu.memory_space<vmem_shared>>
      %dma_start3A_272 = arith.constant 0 : i32
      %dma_start3A_273 = arith.constant 0 : i32
      %dma_start3A_274 = tpu.memref_slice %arg17[%dma_start3A_263, %dma_start3A_272, %dma_start3A_273] : memref<2x128x80xf32, #tpu.memory_space<vmem>> -> memref<1x128x80xf32, #tpu.memory_space<vmem>>
      %dma_start3A_275 = tpu.memref_squeeze %dma_start3A_274 : memref<1x128x80xf32, #tpu.memory_space<vmem>> -> memref<128x80xf32, #tpu.memory_space<vmem>>
      tpu.enqueue_dma source(%dma_start3A_275 : memref<128x80xf32, #tpu.memory_space<vmem>>) target(%dma_start3A_271 : memref<128x80xf32, #tpu.memory_space<vmem_shared>>) target_semaphore(%arg20 : memref<!tpu.dma_semaphore, #tpu.memory_space<semaphore_mem>>)
      %mul3A_276 = arith.constant 8 : i32
      %mul3A_277 = arith.muli %arg1, %mul3A_276 : i32
      %add3A_278 = arith.constant 2 : i32
      %add3A_279 = arith.addi %mul3A_277, %add3A_278 : i32
      %mul3A_280 = arith.constant 128 : i32
      %mul3A_281 = arith.muli %add3A_279, %mul3A_280 : i32
      %dma_start3A_282 = arith.constant 0 : i32
      %dma_start3A_283 = arith.constant 0 : i32
      %dma_start3A_284 = arith.constant 0 : i32
      %dma_start3A_285 = tpu.memref_slice %arg17[%dma_start3A_282, %dma_start3A_283, %dma_start3A_284] : memref<2x128x80xf32, #tpu.memory_space<vmem>> -> memref<1x128x80xf32, #tpu.memory_space<vmem>>
      %dma_start3A_286 = tpu.memref_squeeze %dma_start3A_285 : memref<1x128x80xf32, #tpu.memory_space<vmem>> -> memref<128x80xf32, #tpu.memory_space<vmem>>
      %dma_start3A_287 = arith.constant 0 : i32
      %dma_start3A_288 = tpu.memref_slice %arg11[%mul3A_281, %dma_start3A_287] : memref<16384x80xf32, #tpu.memory_space<vmem_shared>> -> memref<128x80xf32, #tpu.memory_space<vmem_shared>>
      %dma_start3A_289 = arith.constant 0 : i32
      %dma_start3A_290 = tpu.memref_slice %arg11[%mul3A_281, %dma_start3A_289] : memref<16384x80xf32, #tpu.memory_space<vmem_shared>> -> memref<128x80xf32, #tpu.memory_space<vmem_shared>>
      %dma_start3A_291 = arith.constant 0 : i32
      %dma_start3A_292 = arith.constant 0 : i32
      %dma_start3A_293 = tpu.memref_slice %arg17[%dma_start3A_282, %dma_start3A_291, %dma_start3A_292] : memref<2x128x80xf32, #tpu.memory_space<vmem>> -> memref<1x128x80xf32, #tpu.memory_space<vmem>>
      %dma_start3A_294 = tpu.memref_squeeze %dma_start3A_293 : memref<1x128x80xf32, #tpu.memory_space<vmem>> -> memref<128x80xf32, #tpu.memory_space<vmem>>
      tpu.enqueue_dma source(%dma_start3A_294 : memref<128x80xf32, #tpu.memory_space<vmem>>) target(%dma_start3A_290 : memref<128x80xf32, #tpu.memory_space<vmem_shared>>) target_semaphore(%arg20 : memref<!tpu.dma_semaphore, #tpu.memory_space<semaphore_mem>>)
      %mul3A_295 = arith.constant 8 : i32
      %mul3A_296 = arith.muli %arg1, %mul3A_295 : i32
      %add3A_297 = arith.constant 3 : i32
      %add3A_298 = arith.addi %mul3A_296, %add3A_297 : i32
      %mul3A_299 = arith.constant 128 : i32
      %mul3A_300 = arith.muli %add3A_298, %mul3A_299 : i32
      %dma_start3A_301 = arith.constant 0 : i32
      %dma_start3A_302 = arith.constant 0 : i32
      %dma_start3A_303 = arith.constant 0 : i32
      %dma_start3A_304 = tpu.memref_slice %arg17[%dma_start3A_301, %dma_start3A_302, %dma_start3A_303] : memref<2x128x80xf32, #tpu.memory_space<vmem>> -> memref<1x128x80xf32, #tpu.memory_space<vmem>>
      %dma_start3A_305 = tpu.memref_squeeze %dma_start3A_304 : memref<1x128x80xf32, #tpu.memory_space<vmem>> -> memref<128x80xf32, #tpu.memory_space<vmem>>
      %dma_start3A_306 = arith.constant 0 : i32
      %dma_start3A_307 = tpu.memref_slice %arg11[%mul3A_300, %dma_start3A_306] : memref<16384x80xf32, #tpu.memory_space<vmem_shared>> -> memref<128x80xf32, #tpu.memory_space<vmem_shared>>
      %dma_start3A_308 = arith.constant 0 : i32
      %dma_start3A_309 = tpu.memref_slice %arg11[%mul3A_300, %dma_start3A_308] : memref<16384x80xf32, #tpu.memory_space<vmem_shared>> -> memref<128x80xf32, #tpu.memory_space<vmem_shared>>
      %dma_start3A_310 = arith.constant 0 : i32
      %dma_start3A_311 = arith.constant 0 : i32
      %dma_start3A_312 = tpu.memref_slice %arg17[%dma_start3A_301, %dma_start3A_310, %dma_start3A_311] : memref<2x128x80xf32, #tpu.memory_space<vmem>> -> memref<1x128x80xf32, #tpu.memory_space<vmem>>
      %dma_start3A_313 = tpu.memref_squeeze %dma_start3A_312 : memref<1x128x80xf32, #tpu.memory_space<vmem>> -> memref<128x80xf32, #tpu.memory_space<vmem>>
      tpu.enqueue_dma source(%dma_start3A_313 : memref<128x80xf32, #tpu.memory_space<vmem>>) target(%dma_start3A_309 : memref<128x80xf32, #tpu.memory_space<vmem_shared>>) target_semaphore(%arg20 : memref<!tpu.dma_semaphore, #tpu.memory_space<semaphore_mem>>)
      %mul3A_314 = arith.constant 8 : i32
      %mul3A_315 = arith.muli %arg1, %mul3A_314 : i32
      %add3A_316 = arith.constant 4 : i32
      %add3A_317 = arith.addi %mul3A_315, %add3A_316 : i32
      %mul3A_318 = arith.constant 128 : i32
      %mul3A_319 = arith.muli %add3A_317, %mul3A_318 : i32
      %dma_start3A_320 = arith.constant 0 : i32
      %dma_start3A_321 = arith.constant 0 : i32
      %dma_start3A_322 = arith.constant 0 : i32
      %dma_start3A_323 = tpu.memref_slice %arg17[%dma_start3A_320, %dma_start3A_321, %dma_start3A_322] : memref<2x128x80xf32, #tpu.memory_space<vmem>> -> memref<1x128x80xf32, #tpu.memory_space<vmem>>
      %dma_start3A_324 = tpu.memref_squeeze %dma_start3A_323 : memref<1x128x80xf32, #tpu.memory_space<vmem>> -> memref<128x80xf32, #tpu.memory_space<vmem>>
      %dma_start3A_325 = arith.constant 0 : i32
      %dma_start3A_326 = tpu.memref_slice %arg11[%mul3A_319, %dma_start3A_325] : memref<16384x80xf32, #tpu.memory_space<vmem_shared>> -> memref<128x80xf32, #tpu.memory_space<vmem_shared>>
      %dma_start3A_327 = arith.constant 0 : i32
      %dma_start3A_328 = tpu.memref_slice %arg11[%mul3A_319, %dma_start3A_327] : memref<16384x80xf32, #tpu.memory_space<vmem_shared>> -> memref<128x80xf32, #tpu.memory_space<vmem_shared>>
      %dma_start3A_329 = arith.constant 0 : i32
      %dma_start3A_330 = arith.constant 0 : i32
      %dma_start3A_331 = tpu.memref_slice %arg17[%dma_start3A_320, %dma_start3A_329, %dma_start3A_330] : memref<2x128x80xf32, #tpu.memory_space<vmem>> -> memref<1x128x80xf32, #tpu.memory_space<vmem>>
      %dma_start3A_332 = tpu.memref_squeeze %dma_start3A_331 : memref<1x128x80xf32, #tpu.memory_space<vmem>> -> memref<128x80xf32, #tpu.memory_space<vmem>>
      tpu.enqueue_dma source(%dma_start3A_332 : memref<128x80xf32, #tpu.memory_space<vmem>>) target(%dma_start3A_328 : memref<128x80xf32, #tpu.memory_space<vmem_shared>>) target_semaphore(%arg20 : memref<!tpu.dma_semaphore, #tpu.memory_space<semaphore_mem>>)
      %mul3A_333 = arith.constant 8 : i32
      %mul3A_334 = arith.muli %arg1, %mul3A_333 : i32
      %add3A_335 = arith.constant 5 : i32
      %add3A_336 = arith.addi %mul3A_334, %add3A_335 : i32
      %mul3A_337 = arith.constant 128 : i32
      %mul3A_338 = arith.muli %add3A_336, %mul3A_337 : i32
      %dma_start3A_339 = arith.constant 0 : i32
      %dma_start3A_340 = arith.constant 0 : i32
      %dma_start3A_341 = arith.constant 0 : i32
      %dma_start3A_342 = tpu.memref_slice %arg17[%dma_start3A_339, %dma_start3A_340, %dma_start3A_341] : memref<2x128x80xf32, #tpu.memory_space<vmem>> -> memref<1x128x80xf32, #tpu.memory_space<vmem>>
      %dma_start3A_343 = tpu.memref_squeeze %dma_start3A_342 : memref<1x128x80xf32, #tpu.memory_space<vmem>> -> memref<128x80xf32, #tpu.memory_space<vmem>>
      %dma_start3A_344 = arith.constant 0 : i32
      %dma_start3A_345 = tpu.memref_slice %arg11[%mul3A_338, %dma_start3A_344] : memref<16384x80xf32, #tpu.memory_space<vmem_shared>> -> memref<128x80xf32, #tpu.memory_space<vmem_shared>>
      %dma_start3A_346 = arith.constant 0 : i32
      %dma_start3A_347 = tpu.memref_slice %arg11[%mul3A_338, %dma_start3A_346] : memref<16384x80xf32, #tpu.memory_space<vmem_shared>> -> memref<128x80xf32, #tpu.memory_space<vmem_shared>>
      %dma_start3A_348 = arith.constant 0 : i32
      %dma_start3A_349 = arith.constant 0 : i32
      %dma_start3A_350 = tpu.memref_slice %arg17[%dma_start3A_339, %dma_start3A_348, %dma_start3A_349] : memref<2x128x80xf32, #tpu.memory_space<vmem>> -> memref<1x128x80xf32, #tpu.memory_space<vmem>>
      %dma_start3A_351 = tpu.memref_squeeze %dma_start3A_350 : memref<1x128x80xf32, #tpu.memory_space<vmem>> -> memref<128x80xf32, #tpu.memory_space<vmem>>
      tpu.enqueue_dma source(%dma_start3A_351 : memref<128x80xf32, #tpu.memory_space<vmem>>) target(%dma_start3A_347 : memref<128x80xf32, #tpu.memory_space<vmem_shared>>) target_semaphore(%arg20 : memref<!tpu.dma_semaphore, #tpu.memory_space<semaphore_mem>>)
      %mul3A_352 = arith.constant 8 : i32
      %mul3A_353 = arith.muli %arg1, %mul3A_352 : i32
      %add3A_354 = arith.constant 6 : i32
      %add3A_355 = arith.addi %mul3A_353, %add3A_354 : i32
      %mul3A_356 = arith.constant 128 : i32
      %mul3A_357 = arith.muli %add3A_355, %mul3A_356 : i32
      %dma_start3A_358 = arith.constant 0 : i32
      %dma_start3A_359 = arith.constant 0 : i32
      %dma_start3A_360 = arith.constant 0 : i32
      %dma_start3A_361 = tpu.memref_slice %arg17[%dma_start3A_358, %dma_start3A_359, %dma_start3A_360] : memref<2x128x80xf32, #tpu.memory_space<vmem>> -> memref<1x128x80xf32, #tpu.memory_space<vmem>>
      %dma_start3A_362 = tpu.memref_squeeze %dma_start3A_361 : memref<1x128x80xf32, #tpu.memory_space<vmem>> -> memref<128x80xf32, #tpu.memory_space<vmem>>
      %dma_start3A_363 = arith.constant 0 : i32
      %dma_start3A_364 = tpu.memref_slice %arg11[%mul3A_357, %dma_start3A_363] : memref<16384x80xf32, #tpu.memory_space<vmem_shared>> -> memref<128x80xf32, #tpu.memory_space<vmem_shared>>
      %dma_start3A_365 = arith.constant 0 : i32
      %dma_start3A_366 = tpu.memref_slice %arg11[%mul3A_357, %dma_start3A_365] : memref<16384x80xf32, #tpu.memory_space<vmem_shared>> -> memref<128x80xf32, #tpu.memory_space<vmem_shared>>
      %dma_start3A_367 = arith.constant 0 : i32
      %dma_start3A_368 = arith.constant 0 : i32
      %dma_start3A_369 = tpu.memref_slice %arg17[%dma_start3A_358, %dma_start3A_367, %dma_start3A_368] : memref<2x128x80xf32, #tpu.memory_space<vmem>> -> memref<1x128x80xf32, #tpu.memory_space<vmem>>
      %dma_start3A_370 = tpu.memref_squeeze %dma_start3A_369 : memref<1x128x80xf32, #tpu.memory_space<vmem>> -> memref<128x80xf32, #tpu.memory_space<vmem>>
      tpu.enqueue_dma source(%dma_start3A_370 : memref<128x80xf32, #tpu.memory_space<vmem>>) target(%dma_start3A_366 : memref<128x80xf32, #tpu.memory_space<vmem_shared>>) target_semaphore(%arg20 : memref<!tpu.dma_semaphore, #tpu.memory_space<semaphore_mem>>)
      %mul3A_371 = arith.constant 8 : i32
      %mul3A_372 = arith.muli %arg1, %mul3A_371 : i32
      %add3A_373 = arith.constant 7 : i32
      %add3A_374 = arith.addi %mul3A_372, %add3A_373 : i32
      %mul3A_375 = arith.constant 128 : i32
      %mul3A_376 = arith.muli %add3A_374, %mul3A_375 : i32
      %dma_start3A_377 = arith.constant 0 : i32
      %dma_start3A_378 = arith.constant 0 : i32
      %dma_start3A_379 = arith.constant 0 : i32
      %dma_start3A_380 = tpu.memref_slice %arg17[%dma_start3A_377, %dma_start3A_378, %dma_start3A_379] : memref<2x128x80xf32, #tpu.memory_space<vmem>> -> memref<1x128x80xf32, #tpu.memory_space<vmem>>
      %dma_start3A_381 = tpu.memref_squeeze %dma_start3A_380 : memref<1x128x80xf32, #tpu.memory_space<vmem>> -> memref<128x80xf32, #tpu.memory_space<vmem>>
      %dma_start3A_382 = arith.constant 0 : i32
      %dma_start3A_383 = tpu.memref_slice %arg11[%mul3A_376, %dma_start3A_382] : memref<16384x80xf32, #tpu.memory_space<vmem_shared>> -> memref<128x80xf32, #tpu.memory_space<vmem_shared>>
      %dma_start3A_384 = arith.constant 0 : i32
      %dma_start3A_385 = tpu.memref_slice %arg11[%mul3A_376, %dma_start3A_384] : memref<16384x80xf32, #tpu.memory_space<vmem_shared>> -> memref<128x80xf32, #tpu.memory_space<vmem_shared>>
      %dma_start3A_386 = arith.constant 0 : i32
      %dma_start3A_387 = arith.constant 0 : i32
      %dma_start3A_388 = tpu.memref_slice %arg17[%dma_start3A_377, %dma_start3A_386, %dma_start3A_387] : memref<2x128x80xf32, #tpu.memory_space<vmem>> -> memref<1x128x80xf32, #tpu.memory_space<vmem>>
      %dma_start3A_389 = tpu.memref_squeeze %dma_start3A_388 : memref<1x128x80xf32, #tpu.memory_space<vmem>> -> memref<128x80xf32, #tpu.memory_space<vmem>>
      tpu.enqueue_dma source(%dma_start3A_389 : memref<128x80xf32, #tpu.memory_space<vmem>>) target(%dma_start3A_385 : memref<128x80xf32, #tpu.memory_space<vmem_shared>>) target_semaphore(%arg20 : memref<!tpu.dma_semaphore, #tpu.memory_space<semaphore_mem>>)
      %mul3A_390 = arith.constant 8 : i32
      %mul3A_391 = arith.muli %arg1, %mul3A_390 : i32
      "tpu.region"() ({
        %run_scoped3A_658 = tpu.sem_alloc : memref<!tpu.dma_semaphore, #tpu.memory_space<semaphore_mem>>
        %dma_start3A_659 = arith.constant 0 : i32
        %dma_start3A_660 = tpu.memref_slice %arg3[%mul3A_391, %dma_start3A_659] : memref<128x128xi32, #tpu.memory_space<hbm>> -> memref<8x128xi32, #tpu.memory_space<hbm>>
        %dma_start3A_661 = arith.constant 0 : i32
        %dma_start3A_662 = tpu.memref_slice %arg3[%mul3A_391, %dma_start3A_661] : memref<128x128xi32, #tpu.memory_space<hbm>> -> memref<8x128xi32, #tpu.memory_space<hbm>>
        tpu.enqueue_dma source(%dma_start3A_662 : memref<8x128xi32, #tpu.memory_space<hbm>>) target(%arg13 : memref<8x128xi32, #tpu.memory_space<vmem>>) target_semaphore(%run_scoped3A_658 : memref<!tpu.dma_semaphore, #tpu.memory_space<semaphore_mem>>)
        %dma_wait3A_663 = arith.constant 0 : i32
        %dma_wait3A_664 = tpu.memref_slice %arg3[%mul3A_391, %dma_wait3A_663] : memref<128x128xi32, #tpu.memory_space<hbm>> -> memref<8x128xi32, #tpu.memory_space<hbm>>
        %dma_wait3A_665 = arith.constant 0 : i32
        %dma_wait3A_666 = tpu.memref_slice %arg3[%mul3A_391, %dma_wait3A_665] : memref<128x128xi32, #tpu.memory_space<hbm>> -> memref<8x128xi32, #tpu.memory_space<hbm>>
        tpu.wait_dma2 semaphore(%run_scoped3A_658 : memref<!tpu.dma_semaphore, #tpu.memory_space<semaphore_mem>>) src(%dma_wait3A_666 : memref<8x128xi32, #tpu.memory_space<hbm>>) dst(%arg13 : memref<8x128xi32, #tpu.memory_space<vmem>>)
        tpu.yield
      }) : () -> ()
      %mul3A_392 = arith.constant 8 : i32
      %mul3A_393 = arith.muli %arg1, %mul3A_392 : i32
      "tpu.region"() ({
        %run_scoped3A_658 = tpu.sem_alloc : memref<!tpu.dma_semaphore, #tpu.memory_space<semaphore_mem>>
        %dma_start3A_659 = arith.constant 0 : i32
        %dma_start3A_660 = tpu.memref_slice %arg4[%mul3A_393, %dma_start3A_659] : memref<128x128xi32, #tpu.memory_space<hbm>> -> memref<8x128xi32, #tpu.memory_space<hbm>>
        %dma_start3A_661 = arith.constant 0 : i32
        %dma_start3A_662 = tpu.memref_slice %arg4[%mul3A_393, %dma_start3A_661] : memref<128x128xi32, #tpu.memory_space<hbm>> -> memref<8x128xi32, #tpu.memory_space<hbm>>
        tpu.enqueue_dma source(%dma_start3A_662 : memref<8x128xi32, #tpu.memory_space<hbm>>) target(%arg14 : memref<8x128xi32, #tpu.memory_space<vmem>>) target_semaphore(%run_scoped3A_658 : memref<!tpu.dma_semaphore, #tpu.memory_space<semaphore_mem>>)
        %dma_wait3A_663 = arith.constant 0 : i32
        %dma_wait3A_664 = tpu.memref_slice %arg4[%mul3A_393, %dma_wait3A_663] : memref<128x128xi32, #tpu.memory_space<hbm>> -> memref<8x128xi32, #tpu.memory_space<hbm>>
        %dma_wait3A_665 = arith.constant 0 : i32
        %dma_wait3A_666 = tpu.memref_slice %arg4[%mul3A_393, %dma_wait3A_665] : memref<128x128xi32, #tpu.memory_space<hbm>> -> memref<8x128xi32, #tpu.memory_space<hbm>>
        tpu.wait_dma2 semaphore(%run_scoped3A_658 : memref<!tpu.dma_semaphore, #tpu.memory_space<semaphore_mem>>) src(%dma_wait3A_666 : memref<8x128xi32, #tpu.memory_space<hbm>>) dst(%arg14 : memref<8x128xi32, #tpu.memory_space<vmem>>)
        tpu.yield
      }) : () -> ()
      %dma_start3A_394 = arith.constant 0 : i32
      %dma_start3A_395 = arith.constant 0 : i32
      %dma_start3A_396 = arith.constant 0 : i32
      %dma_start3A_397 = tpu.memref_slice %arg14[%dma_start3A_394, %dma_start3A_396] : memref<8x128xi32, #tpu.memory_space<vmem>> -> memref<1x128xi32, #tpu.memory_space<vmem>>
      %dma_start3A_398 = tpu.memref_squeeze %dma_start3A_397 : memref<1x128xi32, #tpu.memory_space<vmem>> -> memref<128xi32, #tpu.memory_space<vmem>>
      %dma_start3A_399 = arith.constant 0 : i32
      %dma_start3A_400 = tpu.memref_slice %arg13[%dma_start3A_395, %dma_start3A_399] : memref<8x128xi32, #tpu.memory_space<vmem>> -> memref<1x128xi32, #tpu.memory_space<vmem>>
      %dma_start3A_401 = tpu.memref_squeeze %dma_start3A_400 : memref<1x128xi32, #tpu.memory_space<vmem>> -> memref<128xi32, #tpu.memory_space<vmem>>
      %dma_start3A_402 = arith.constant 0 : i32
      %dma_start3A_403 = tpu.memref_slice %arg10[%dma_start3A_402] : memref<100000xi32, #tpu.memory_space<vmem_shared>> -> memref<100000xi32, #tpu.memory_space<vmem_shared>>
      tpu.enqueue_indirect_dma source(%dma_start3A_398 : memref<128xi32, #tpu.memory_space<vmem>>) target(%dma_start3A_403 : memref<100000xi32, #tpu.memory_space<vmem_shared>>) offsets(%dma_start3A_401 : memref<128xi32, #tpu.memory_space<vmem>>) semaphore(%arg19 : memref<!tpu.dma_semaphore, #tpu.memory_space<semaphore_mem>>)
      %dma_start3A_404 = arith.constant 1 : i32
      %dma_start3A_405 = arith.constant 1 : i32
      %dma_start3A_406 = arith.constant 0 : i32
      %dma_start3A_407 = tpu.memref_slice %arg14[%dma_start3A_404, %dma_start3A_406] : memref<8x128xi32, #tpu.memory_space<vmem>> -> memref<1x128xi32, #tpu.memory_space<vmem>>
      %dma_start3A_408 = tpu.memref_squeeze %dma_start3A_407 : memref<1x128xi32, #tpu.memory_space<vmem>> -> memref<128xi32, #tpu.memory_space<vmem>>
      %dma_start3A_409 = arith.constant 0 : i32
      %dma_start3A_410 = tpu.memref_slice %arg13[%dma_start3A_405, %dma_start3A_409] : memref<8x128xi32, #tpu.memory_space<vmem>> -> memref<1x128xi32, #tpu.memory_space<vmem>>
      %dma_start3A_411 = tpu.memref_squeeze %dma_start3A_410 : memref<1x128xi32, #tpu.memory_space<vmem>> -> memref<128xi32, #tpu.memory_space<vmem>>
      %dma_start3A_412 = arith.constant 0 : i32
      %dma_start3A_413 = tpu.memref_slice %arg10[%dma_start3A_412] : memref<100000xi32, #tpu.memory_space<vmem_shared>> -> memref<100000xi32, #tpu.memory_space<vmem_shared>>
      tpu.enqueue_indirect_dma source(%dma_start3A_408 : memref<128xi32, #tpu.memory_space<vmem>>) target(%dma_start3A_413 : memref<100000xi32, #tpu.memory_space<vmem_shared>>) offsets(%dma_start3A_411 : memref<128xi32, #tpu.memory_space<vmem>>) semaphore(%arg19 : memref<!tpu.dma_semaphore, #tpu.memory_space<semaphore_mem>>)
      %dma_start3A_414 = arith.constant 2 : i32
      %dma_start3A_415 = arith.constant 2 : i32
      %dma_start3A_416 = arith.constant 0 : i32
      %dma_start3A_417 = tpu.memref_slice %arg14[%dma_start3A_414, %dma_start3A_416] : memref<8x128xi32, #tpu.memory_space<vmem>> -> memref<1x128xi32, #tpu.memory_space<vmem>>
      %dma_start3A_418 = tpu.memref_squeeze %dma_start3A_417 : memref<1x128xi32, #tpu.memory_space<vmem>> -> memref<128xi32, #tpu.memory_space<vmem>>
      %dma_start3A_419 = arith.constant 0 : i32
      %dma_start3A_420 = tpu.memref_slice %arg13[%dma_start3A_415, %dma_start3A_419] : memref<8x128xi32, #tpu.memory_space<vmem>> -> memref<1x128xi32, #tpu.memory_space<vmem>>
      %dma_start3A_421 = tpu.memref_squeeze %dma_start3A_420 : memref<1x128xi32, #tpu.memory_space<vmem>> -> memref<128xi32, #tpu.memory_space<vmem>>
      %dma_start3A_422 = arith.constant 0 : i32
      %dma_start3A_423 = tpu.memref_slice %arg10[%dma_start3A_422] : memref<100000xi32, #tpu.memory_space<vmem_shared>> -> memref<100000xi32, #tpu.memory_space<vmem_shared>>
      tpu.enqueue_indirect_dma source(%dma_start3A_418 : memref<128xi32, #tpu.memory_space<vmem>>) target(%dma_start3A_423 : memref<100000xi32, #tpu.memory_space<vmem_shared>>) offsets(%dma_start3A_421 : memref<128xi32, #tpu.memory_space<vmem>>) semaphore(%arg19 : memref<!tpu.dma_semaphore, #tpu.memory_space<semaphore_mem>>)
      %dma_start3A_424 = arith.constant 3 : i32
      %dma_start3A_425 = arith.constant 3 : i32
      %dma_start3A_426 = arith.constant 0 : i32
      %dma_start3A_427 = tpu.memref_slice %arg14[%dma_start3A_424, %dma_start3A_426] : memref<8x128xi32, #tpu.memory_space<vmem>> -> memref<1x128xi32, #tpu.memory_space<vmem>>
      %dma_start3A_428 = tpu.memref_squeeze %dma_start3A_427 : memref<1x128xi32, #tpu.memory_space<vmem>> -> memref<128xi32, #tpu.memory_space<vmem>>
      %dma_start3A_429 = arith.constant 0 : i32
      %dma_start3A_430 = tpu.memref_slice %arg13[%dma_start3A_425, %dma_start3A_429] : memref<8x128xi32, #tpu.memory_space<vmem>> -> memref<1x128xi32, #tpu.memory_space<vmem>>
      %dma_start3A_431 = tpu.memref_squeeze %dma_start3A_430 : memref<1x128xi32, #tpu.memory_space<vmem>> -> memref<128xi32, #tpu.memory_space<vmem>>
      %dma_start3A_432 = arith.constant 0 : i32
      %dma_start3A_433 = tpu.memref_slice %arg10[%dma_start3A_432] : memref<100000xi32, #tpu.memory_space<vmem_shared>> -> memref<100000xi32, #tpu.memory_space<vmem_shared>>
      tpu.enqueue_indirect_dma source(%dma_start3A_428 : memref<128xi32, #tpu.memory_space<vmem>>) target(%dma_start3A_433 : memref<100000xi32, #tpu.memory_space<vmem_shared>>) offsets(%dma_start3A_431 : memref<128xi32, #tpu.memory_space<vmem>>) semaphore(%arg19 : memref<!tpu.dma_semaphore, #tpu.memory_space<semaphore_mem>>)
      %dma_start3A_434 = arith.constant 4 : i32
      %dma_start3A_435 = arith.constant 4 : i32
      %dma_start3A_436 = arith.constant 0 : i32
      %dma_start3A_437 = tpu.memref_slice %arg14[%dma_start3A_434, %dma_start3A_436] : memref<8x128xi32, #tpu.memory_space<vmem>> -> memref<1x128xi32, #tpu.memory_space<vmem>>
      %dma_start3A_438 = tpu.memref_squeeze %dma_start3A_437 : memref<1x128xi32, #tpu.memory_space<vmem>> -> memref<128xi32, #tpu.memory_space<vmem>>
      %dma_start3A_439 = arith.constant 0 : i32
      %dma_start3A_440 = tpu.memref_slice %arg13[%dma_start3A_435, %dma_start3A_439] : memref<8x128xi32, #tpu.memory_space<vmem>> -> memref<1x128xi32, #tpu.memory_space<vmem>>
      %dma_start3A_441 = tpu.memref_squeeze %dma_start3A_440 : memref<1x128xi32, #tpu.memory_space<vmem>> -> memref<128xi32, #tpu.memory_space<vmem>>
      %dma_start3A_442 = arith.constant 0 : i32
      %dma_start3A_443 = tpu.memref_slice %arg10[%dma_start3A_442] : memref<100000xi32, #tpu.memory_space<vmem_shared>> -> memref<100000xi32, #tpu.memory_space<vmem_shared>>
      tpu.enqueue_indirect_dma source(%dma_start3A_438 : memref<128xi32, #tpu.memory_space<vmem>>) target(%dma_start3A_443 : memref<100000xi32, #tpu.memory_space<vmem_shared>>) offsets(%dma_start3A_441 : memref<128xi32, #tpu.memory_space<vmem>>) semaphore(%arg19 : memref<!tpu.dma_semaphore, #tpu.memory_space<semaphore_mem>>)
      %dma_start3A_444 = arith.constant 5 : i32
      %dma_start3A_445 = arith.constant 5 : i32
      %dma_start3A_446 = arith.constant 0 : i32
      %dma_start3A_447 = tpu.memref_slice %arg14[%dma_start3A_444, %dma_start3A_446] : memref<8x128xi32, #tpu.memory_space<vmem>> -> memref<1x128xi32, #tpu.memory_space<vmem>>
      %dma_start3A_448 = tpu.memref_squeeze %dma_start3A_447 : memref<1x128xi32, #tpu.memory_space<vmem>> -> memref<128xi32, #tpu.memory_space<vmem>>
      %dma_start3A_449 = arith.constant 0 : i32
      %dma_start3A_450 = tpu.memref_slice %arg13[%dma_start3A_445, %dma_start3A_449] : memref<8x128xi32, #tpu.memory_space<vmem>> -> memref<1x128xi32, #tpu.memory_space<vmem>>
      %dma_start3A_451 = tpu.memref_squeeze %dma_start3A_450 : memref<1x128xi32, #tpu.memory_space<vmem>> -> memref<128xi32, #tpu.memory_space<vmem>>
      %dma_start3A_452 = arith.constant 0 : i32
      %dma_start3A_453 = tpu.memref_slice %arg10[%dma_start3A_452] : memref<100000xi32, #tpu.memory_space<vmem_shared>> -> memref<100000xi32, #tpu.memory_space<vmem_shared>>
      tpu.enqueue_indirect_dma source(%dma_start3A_448 : memref<128xi32, #tpu.memory_space<vmem>>) target(%dma_start3A_453 : memref<100000xi32, #tpu.memory_space<vmem_shared>>) offsets(%dma_start3A_451 : memref<128xi32, #tpu.memory_space<vmem>>) semaphore(%arg19 : memref<!tpu.dma_semaphore, #tpu.memory_space<semaphore_mem>>)
      %dma_start3A_454 = arith.constant 6 : i32
      %dma_start3A_455 = arith.constant 6 : i32
      %dma_start3A_456 = arith.constant 0 : i32
      %dma_start3A_457 = tpu.memref_slice %arg14[%dma_start3A_454, %dma_start3A_456] : memref<8x128xi32, #tpu.memory_space<vmem>> -> memref<1x128xi32, #tpu.memory_space<vmem>>
      %dma_start3A_458 = tpu.memref_squeeze %dma_start3A_457 : memref<1x128xi32, #tpu.memory_space<vmem>> -> memref<128xi32, #tpu.memory_space<vmem>>
      %dma_start3A_459 = arith.constant 0 : i32
      %dma_start3A_460 = tpu.memref_slice %arg13[%dma_start3A_455, %dma_start3A_459] : memref<8x128xi32, #tpu.memory_space<vmem>> -> memref<1x128xi32, #tpu.memory_space<vmem>>
      %dma_start3A_461 = tpu.memref_squeeze %dma_start3A_460 : memref<1x128xi32, #tpu.memory_space<vmem>> -> memref<128xi32, #tpu.memory_space<vmem>>
      %dma_start3A_462 = arith.constant 0 : i32
      %dma_start3A_463 = tpu.memref_slice %arg10[%dma_start3A_462] : memref<100000xi32, #tpu.memory_space<vmem_shared>> -> memref<100000xi32, #tpu.memory_space<vmem_shared>>
      tpu.enqueue_indirect_dma source(%dma_start3A_458 : memref<128xi32, #tpu.memory_space<vmem>>) target(%dma_start3A_463 : memref<100000xi32, #tpu.memory_space<vmem_shared>>) offsets(%dma_start3A_461 : memref<128xi32, #tpu.memory_space<vmem>>) semaphore(%arg19 : memref<!tpu.dma_semaphore, #tpu.memory_space<semaphore_mem>>)
      %dma_start3A_464 = arith.constant 7 : i32
      %dma_start3A_465 = arith.constant 7 : i32
      %dma_start3A_466 = arith.constant 0 : i32
      %dma_start3A_467 = tpu.memref_slice %arg14[%dma_start3A_464, %dma_start3A_466] : memref<8x128xi32, #tpu.memory_space<vmem>> -> memref<1x128xi32, #tpu.memory_space<vmem>>
      %dma_start3A_468 = tpu.memref_squeeze %dma_start3A_467 : memref<1x128xi32, #tpu.memory_space<vmem>> -> memref<128xi32, #tpu.memory_space<vmem>>
      %dma_start3A_469 = arith.constant 0 : i32
      %dma_start3A_470 = tpu.memref_slice %arg13[%dma_start3A_465, %dma_start3A_469] : memref<8x128xi32, #tpu.memory_space<vmem>> -> memref<1x128xi32, #tpu.memory_space<vmem>>
      %dma_start3A_471 = tpu.memref_squeeze %dma_start3A_470 : memref<1x128xi32, #tpu.memory_space<vmem>> -> memref<128xi32, #tpu.memory_space<vmem>>
      %dma_start3A_472 = arith.constant 0 : i32
      %dma_start3A_473 = tpu.memref_slice %arg10[%dma_start3A_472] : memref<100000xi32, #tpu.memory_space<vmem_shared>> -> memref<100000xi32, #tpu.memory_space<vmem_shared>>
      tpu.enqueue_indirect_dma source(%dma_start3A_468 : memref<128xi32, #tpu.memory_space<vmem>>) target(%dma_start3A_473 : memref<100000xi32, #tpu.memory_space<vmem_shared>>) offsets(%dma_start3A_471 : memref<128xi32, #tpu.memory_space<vmem>>) semaphore(%arg19 : memref<!tpu.dma_semaphore, #tpu.memory_space<semaphore_mem>>)
      %dma_wait3A_474 = arith.constant 0 : i32
      %dma_wait3A_475 = arith.constant 0 : i32
      %dma_wait3A_476 = arith.constant 0 : i32
      %dma_wait3A_477 = tpu.memref_slice %arg17[%dma_wait3A_474, %dma_wait3A_475, %dma_wait3A_476] : memref<2x128x80xf32, #tpu.memory_space<vmem>> -> memref<1x128x80xf32, #tpu.memory_space<vmem>>
      %dma_wait3A_478 = tpu.memref_squeeze %dma_wait3A_477 : memref<1x128x80xf32, #tpu.memory_space<vmem>> -> memref<128x80xf32, #tpu.memory_space<vmem>>
      %dma_wait3A_479 = arith.constant 0 : i32
      %dma_wait3A_480 = tpu.memref_slice %arg11[%mul3A_243, %dma_wait3A_479] : memref<16384x80xf32, #tpu.memory_space<vmem_shared>> -> memref<128x80xf32, #tpu.memory_space<vmem_shared>>
      %dma_wait3A_481 = arith.constant 0 : i32
      %dma_wait3A_482 = tpu.memref_slice %arg11[%mul3A_243, %dma_wait3A_481] : memref<16384x80xf32, #tpu.memory_space<vmem_shared>> -> memref<128x80xf32, #tpu.memory_space<vmem_shared>>
      %dma_wait3A_483 = arith.constant 0 : i32
      %dma_wait3A_484 = arith.constant 0 : i32
      %dma_wait3A_485 = tpu.memref_slice %arg17[%dma_wait3A_474, %dma_wait3A_483, %dma_wait3A_484] : memref<2x128x80xf32, #tpu.memory_space<vmem>> -> memref<1x128x80xf32, #tpu.memory_space<vmem>>
      %dma_wait3A_486 = tpu.memref_squeeze %dma_wait3A_485 : memref<1x128x80xf32, #tpu.memory_space<vmem>> -> memref<128x80xf32, #tpu.memory_space<vmem>>
      tpu.wait_dma2 semaphore(%arg20 : memref<!tpu.dma_semaphore, #tpu.memory_space<semaphore_mem>>) src(%dma_wait3A_486 : memref<128x80xf32, #tpu.memory_space<vmem>>) dst(%dma_wait3A_482 : memref<128x80xf32, #tpu.memory_space<vmem_shared>>)
      %dma_wait3A_487 = arith.constant 0 : i32
      %dma_wait3A_488 = arith.constant 0 : i32
      %dma_wait3A_489 = arith.constant 0 : i32
      %dma_wait3A_490 = tpu.memref_slice %arg17[%dma_wait3A_487, %dma_wait3A_488, %dma_wait3A_489] : memref<2x128x80xf32, #tpu.memory_space<vmem>> -> memref<1x128x80xf32, #tpu.memory_space<vmem>>
      %dma_wait3A_491 = tpu.memref_squeeze %dma_wait3A_490 : memref<1x128x80xf32, #tpu.memory_space<vmem>> -> memref<128x80xf32, #tpu.memory_space<vmem>>
      %dma_wait3A_492 = arith.constant 0 : i32
      %dma_wait3A_493 = tpu.memref_slice %arg11[%mul3A_262, %dma_wait3A_492] : memref<16384x80xf32, #tpu.memory_space<vmem_shared>> -> memref<128x80xf32, #tpu.memory_space<vmem_shared>>
      %dma_wait3A_494 = arith.constant 0 : i32
      %dma_wait3A_495 = tpu.memref_slice %arg11[%mul3A_262, %dma_wait3A_494] : memref<16384x80xf32, #tpu.memory_space<vmem_shared>> -> memref<128x80xf32, #tpu.memory_space<vmem_shared>>
      %dma_wait3A_496 = arith.constant 0 : i32
      %dma_wait3A_497 = arith.constant 0 : i32
      %dma_wait3A_498 = tpu.memref_slice %arg17[%dma_wait3A_487, %dma_wait3A_496, %dma_wait3A_497] : memref<2x128x80xf32, #tpu.memory_space<vmem>> -> memref<1x128x80xf32, #tpu.memory_space<vmem>>
      %dma_wait3A_499 = tpu.memref_squeeze %dma_wait3A_498 : memref<1x128x80xf32, #tpu.memory_space<vmem>> -> memref<128x80xf32, #tpu.memory_space<vmem>>
      tpu.wait_dma2 semaphore(%arg20 : memref<!tpu.dma_semaphore, #tpu.memory_space<semaphore_mem>>) src(%dma_wait3A_499 : memref<128x80xf32, #tpu.memory_space<vmem>>) dst(%dma_wait3A_495 : memref<128x80xf32, #tpu.memory_space<vmem_shared>>)
      %dma_wait3A_500 = arith.constant 0 : i32
      %dma_wait3A_501 = arith.constant 0 : i32
      %dma_wait3A_502 = arith.constant 0 : i32
      %dma_wait3A_503 = tpu.memref_slice %arg17[%dma_wait3A_500, %dma_wait3A_501, %dma_wait3A_502] : memref<2x128x80xf32, #tpu.memory_space<vmem>> -> memref<1x128x80xf32, #tpu.memory_space<vmem>>
      %dma_wait3A_504 = tpu.memref_squeeze %dma_wait3A_503 : memref<1x128x80xf32, #tpu.memory_space<vmem>> -> memref<128x80xf32, #tpu.memory_space<vmem>>
      %dma_wait3A_505 = arith.constant 0 : i32
      %dma_wait3A_506 = tpu.memref_slice %arg11[%mul3A_281, %dma_wait3A_505] : memref<16384x80xf32, #tpu.memory_space<vmem_shared>> -> memref<128x80xf32, #tpu.memory_space<vmem_shared>>
      %dma_wait3A_507 = arith.constant 0 : i32
      %dma_wait3A_508 = tpu.memref_slice %arg11[%mul3A_281, %dma_wait3A_507] : memref<16384x80xf32, #tpu.memory_space<vmem_shared>> -> memref<128x80xf32, #tpu.memory_space<vmem_shared>>
      %dma_wait3A_509 = arith.constant 0 : i32
      %dma_wait3A_510 = arith.constant 0 : i32
      %dma_wait3A_511 = tpu.memref_slice %arg17[%dma_wait3A_500, %dma_wait3A_509, %dma_wait3A_510] : memref<2x128x80xf32, #tpu.memory_space<vmem>> -> memref<1x128x80xf32, #tpu.memory_space<vmem>>
      %dma_wait3A_512 = tpu.memref_squeeze %dma_wait3A_511 : memref<1x128x80xf32, #tpu.memory_space<vmem>> -> memref<128x80xf32, #tpu.memory_space<vmem>>
      tpu.wait_dma2 semaphore(%arg20 : memref<!tpu.dma_semaphore, #tpu.memory_space<semaphore_mem>>) src(%dma_wait3A_512 : memref<128x80xf32, #tpu.memory_space<vmem>>) dst(%dma_wait3A_508 : memref<128x80xf32, #tpu.memory_space<vmem_shared>>)
      %dma_wait3A_513 = arith.constant 0 : i32
      %dma_wait3A_514 = arith.constant 0 : i32
      %dma_wait3A_515 = arith.constant 0 : i32
      %dma_wait3A_516 = tpu.memref_slice %arg17[%dma_wait3A_513, %dma_wait3A_514, %dma_wait3A_515] : memref<2x128x80xf32, #tpu.memory_space<vmem>> -> memref<1x128x80xf32, #tpu.memory_space<vmem>>
      %dma_wait3A_517 = tpu.memref_squeeze %dma_wait3A_516 : memref<1x128x80xf32, #tpu.memory_space<vmem>> -> memref<128x80xf32, #tpu.memory_space<vmem>>
      %dma_wait3A_518 = arith.constant 0 : i32
      %dma_wait3A_519 = tpu.memref_slice %arg11[%mul3A_300, %dma_wait3A_518] : memref<16384x80xf32, #tpu.memory_space<vmem_shared>> -> memref<128x80xf32, #tpu.memory_space<vmem_shared>>
      %dma_wait3A_520 = arith.constant 0 : i32
      %dma_wait3A_521 = tpu.memref_slice %arg11[%mul3A_300, %dma_wait3A_520] : memref<16384x80xf32, #tpu.memory_space<vmem_shared>> -> memref<128x80xf32, #tpu.memory_space<vmem_shared>>
      %dma_wait3A_522 = arith.constant 0 : i32
      %dma_wait3A_523 = arith.constant 0 : i32
      %dma_wait3A_524 = tpu.memref_slice %arg17[%dma_wait3A_513, %dma_wait3A_522, %dma_wait3A_523] : memref<2x128x80xf32, #tpu.memory_space<vmem>> -> memref<1x128x80xf32, #tpu.memory_space<vmem>>
      %dma_wait3A_525 = tpu.memref_squeeze %dma_wait3A_524 : memref<1x128x80xf32, #tpu.memory_space<vmem>> -> memref<128x80xf32, #tpu.memory_space<vmem>>
      tpu.wait_dma2 semaphore(%arg20 : memref<!tpu.dma_semaphore, #tpu.memory_space<semaphore_mem>>) src(%dma_wait3A_525 : memref<128x80xf32, #tpu.memory_space<vmem>>) dst(%dma_wait3A_521 : memref<128x80xf32, #tpu.memory_space<vmem_shared>>)
      %dma_wait3A_526 = arith.constant 0 : i32
      %dma_wait3A_527 = arith.constant 0 : i32
      %dma_wait3A_528 = arith.constant 0 : i32
      %dma_wait3A_529 = tpu.memref_slice %arg17[%dma_wait3A_526, %dma_wait3A_527, %dma_wait3A_528] : memref<2x128x80xf32, #tpu.memory_space<vmem>> -> memref<1x128x80xf32, #tpu.memory_space<vmem>>
      %dma_wait3A_530 = tpu.memref_squeeze %dma_wait3A_529 : memref<1x128x80xf32, #tpu.memory_space<vmem>> -> memref<128x80xf32, #tpu.memory_space<vmem>>
      %dma_wait3A_531 = arith.constant 0 : i32
      %dma_wait3A_532 = tpu.memref_slice %arg11[%mul3A_319, %dma_wait3A_531] : memref<16384x80xf32, #tpu.memory_space<vmem_shared>> -> memref<128x80xf32, #tpu.memory_space<vmem_shared>>
      %dma_wait3A_533 = arith.constant 0 : i32
      %dma_wait3A_534 = tpu.memref_slice %arg11[%mul3A_319, %dma_wait3A_533] : memref<16384x80xf32, #tpu.memory_space<vmem_shared>> -> memref<128x80xf32, #tpu.memory_space<vmem_shared>>
      %dma_wait3A_535 = arith.constant 0 : i32
      %dma_wait3A_536 = arith.constant 0 : i32
      %dma_wait3A_537 = tpu.memref_slice %arg17[%dma_wait3A_526, %dma_wait3A_535, %dma_wait3A_536] : memref<2x128x80xf32, #tpu.memory_space<vmem>> -> memref<1x128x80xf32, #tpu.memory_space<vmem>>
      %dma_wait3A_538 = tpu.memref_squeeze %dma_wait3A_537 : memref<1x128x80xf32, #tpu.memory_space<vmem>> -> memref<128x80xf32, #tpu.memory_space<vmem>>
      tpu.wait_dma2 semaphore(%arg20 : memref<!tpu.dma_semaphore, #tpu.memory_space<semaphore_mem>>) src(%dma_wait3A_538 : memref<128x80xf32, #tpu.memory_space<vmem>>) dst(%dma_wait3A_534 : memref<128x80xf32, #tpu.memory_space<vmem_shared>>)
      %dma_wait3A_539 = arith.constant 0 : i32
      %dma_wait3A_540 = arith.constant 0 : i32
      %dma_wait3A_541 = arith.constant 0 : i32
      %dma_wait3A_542 = tpu.memref_slice %arg17[%dma_wait3A_539, %dma_wait3A_540, %dma_wait3A_541] : memref<2x128x80xf32, #tpu.memory_space<vmem>> -> memref<1x128x80xf32, #tpu.memory_space<vmem>>
      %dma_wait3A_543 = tpu.memref_squeeze %dma_wait3A_542 : memref<1x128x80xf32, #tpu.memory_space<vmem>> -> memref<128x80xf32, #tpu.memory_space<vmem>>
      %dma_wait3A_544 = arith.constant 0 : i32
      %dma_wait3A_545 = tpu.memref_slice %arg11[%mul3A_338, %dma_wait3A_544] : memref<16384x80xf32, #tpu.memory_space<vmem_shared>> -> memref<128x80xf32, #tpu.memory_space<vmem_shared>>
      %dma_wait3A_546 = arith.constant 0 : i32
      %dma_wait3A_547 = tpu.memref_slice %arg11[%mul3A_338, %dma_wait3A_546] : memref<16384x80xf32, #tpu.memory_space<vmem_shared>> -> memref<128x80xf32, #tpu.memory_space<vmem_shared>>
      %dma_wait3A_548 = arith.constant 0 : i32
      %dma_wait3A_549 = arith.constant 0 : i32
      %dma_wait3A_550 = tpu.memref_slice %arg17[%dma_wait3A_539, %dma_wait3A_548, %dma_wait3A_549] : memref<2x128x80xf32, #tpu.memory_space<vmem>> -> memref<1x128x80xf32, #tpu.memory_space<vmem>>
      %dma_wait3A_551 = tpu.memref_squeeze %dma_wait3A_550 : memref<1x128x80xf32, #tpu.memory_space<vmem>> -> memref<128x80xf32, #tpu.memory_space<vmem>>
      tpu.wait_dma2 semaphore(%arg20 : memref<!tpu.dma_semaphore, #tpu.memory_space<semaphore_mem>>) src(%dma_wait3A_551 : memref<128x80xf32, #tpu.memory_space<vmem>>) dst(%dma_wait3A_547 : memref<128x80xf32, #tpu.memory_space<vmem_shared>>)
      %dma_wait3A_552 = arith.constant 0 : i32
      %dma_wait3A_553 = arith.constant 0 : i32
      %dma_wait3A_554 = arith.constant 0 : i32
      %dma_wait3A_555 = tpu.memref_slice %arg17[%dma_wait3A_552, %dma_wait3A_553, %dma_wait3A_554] : memref<2x128x80xf32, #tpu.memory_space<vmem>> -> memref<1x128x80xf32, #tpu.memory_space<vmem>>
      %dma_wait3A_556 = tpu.memref_squeeze %dma_wait3A_555 : memref<1x128x80xf32, #tpu.memory_space<vmem>> -> memref<128x80xf32, #tpu.memory_space<vmem>>
      %dma_wait3A_557 = arith.constant 0 : i32
      %dma_wait3A_558 = tpu.memref_slice %arg11[%mul3A_357, %dma_wait3A_557] : memref<16384x80xf32, #tpu.memory_space<vmem_shared>> -> memref<128x80xf32, #tpu.memory_space<vmem_shared>>
      %dma_wait3A_559 = arith.constant 0 : i32
      %dma_wait3A_560 = tpu.memref_slice %arg11[%mul3A_357, %dma_wait3A_559] : memref<16384x80xf32, #tpu.memory_space<vmem_shared>> -> memref<128x80xf32, #tpu.memory_space<vmem_shared>>
      %dma_wait3A_561 = arith.constant 0 : i32
      %dma_wait3A_562 = arith.constant 0 : i32
      %dma_wait3A_563 = tpu.memref_slice %arg17[%dma_wait3A_552, %dma_wait3A_561, %dma_wait3A_562] : memref<2x128x80xf32, #tpu.memory_space<vmem>> -> memref<1x128x80xf32, #tpu.memory_space<vmem>>
      %dma_wait3A_564 = tpu.memref_squeeze %dma_wait3A_563 : memref<1x128x80xf32, #tpu.memory_space<vmem>> -> memref<128x80xf32, #tpu.memory_space<vmem>>
      tpu.wait_dma2 semaphore(%arg20 : memref<!tpu.dma_semaphore, #tpu.memory_space<semaphore_mem>>) src(%dma_wait3A_564 : memref<128x80xf32, #tpu.memory_space<vmem>>) dst(%dma_wait3A_560 : memref<128x80xf32, #tpu.memory_space<vmem_shared>>)
      %dma_wait3A_565 = arith.constant 0 : i32
      %dma_wait3A_566 = arith.constant 0 : i32
      %dma_wait3A_567 = arith.constant 0 : i32
      %dma_wait3A_568 = tpu.memref_slice %arg17[%dma_wait3A_565, %dma_wait3A_566, %dma_wait3A_567] : memref<2x128x80xf32, #tpu.memory_space<vmem>> -> memref<1x128x80xf32, #tpu.memory_space<vmem>>
      %dma_wait3A_569 = tpu.memref_squeeze %dma_wait3A_568 : memref<1x128x80xf32, #tpu.memory_space<vmem>> -> memref<128x80xf32, #tpu.memory_space<vmem>>
      %dma_wait3A_570 = arith.constant 0 : i32
      %dma_wait3A_571 = tpu.memref_slice %arg11[%mul3A_376, %dma_wait3A_570] : memref<16384x80xf32, #tpu.memory_space<vmem_shared>> -> memref<128x80xf32, #tpu.memory_space<vmem_shared>>
      %dma_wait3A_572 = arith.constant 0 : i32
      %dma_wait3A_573 = tpu.memref_slice %arg11[%mul3A_376, %dma_wait3A_572] : memref<16384x80xf32, #tpu.memory_space<vmem_shared>> -> memref<128x80xf32, #tpu.memory_space<vmem_shared>>
      %dma_wait3A_574 = arith.constant 0 : i32
      %dma_wait3A_575 = arith.constant 0 : i32
      %dma_wait3A_576 = tpu.memref_slice %arg17[%dma_wait3A_565, %dma_wait3A_574, %dma_wait3A_575] : memref<2x128x80xf32, #tpu.memory_space<vmem>> -> memref<1x128x80xf32, #tpu.memory_space<vmem>>
      %dma_wait3A_577 = tpu.memref_squeeze %dma_wait3A_576 : memref<1x128x80xf32, #tpu.memory_space<vmem>> -> memref<128x80xf32, #tpu.memory_space<vmem>>
      tpu.wait_dma2 semaphore(%arg20 : memref<!tpu.dma_semaphore, #tpu.memory_space<semaphore_mem>>) src(%dma_wait3A_577 : memref<128x80xf32, #tpu.memory_space<vmem>>) dst(%dma_wait3A_573 : memref<128x80xf32, #tpu.memory_space<vmem_shared>>)
      %dma_wait3A_578 = arith.constant 0 : i32
      %dma_wait3A_579 = arith.constant 0 : i32
      %dma_wait3A_580 = arith.constant 0 : i32
      %dma_wait3A_581 = tpu.memref_slice %arg14[%dma_wait3A_578, %dma_wait3A_580] : memref<8x128xi32, #tpu.memory_space<vmem>> -> memref<1x128xi32, #tpu.memory_space<vmem>>
      %dma_wait3A_582 = tpu.memref_squeeze %dma_wait3A_581 : memref<1x128xi32, #tpu.memory_space<vmem>> -> memref<128xi32, #tpu.memory_space<vmem>>
      %dma_wait3A_583 = arith.constant 0 : i32
      %dma_wait3A_584 = tpu.memref_slice %arg13[%dma_wait3A_579, %dma_wait3A_583] : memref<8x128xi32, #tpu.memory_space<vmem>> -> memref<1x128xi32, #tpu.memory_space<vmem>>
      %dma_wait3A_585 = tpu.memref_squeeze %dma_wait3A_584 : memref<1x128xi32, #tpu.memory_space<vmem>> -> memref<128xi32, #tpu.memory_space<vmem>>
      %dma_wait3A_586 = arith.constant 0 : i32
      %dma_wait3A_587 = tpu.memref_slice %arg10[%dma_wait3A_586] : memref<100000xi32, #tpu.memory_space<vmem_shared>> -> memref<100000xi32, #tpu.memory_space<vmem_shared>>
      tpu.wait_indirect_dma semaphore(%arg19 : memref<!tpu.dma_semaphore, #tpu.memory_space<semaphore_mem>>) src(%dma_wait3A_582 : memref<128xi32, #tpu.memory_space<vmem>>) dst(%dma_wait3A_587 : memref<100000xi32, #tpu.memory_space<vmem_shared>>)
      %dma_wait3A_588 = arith.constant 1 : i32
      %dma_wait3A_589 = arith.constant 1 : i32
      %dma_wait3A_590 = arith.constant 0 : i32
      %dma_wait3A_591 = tpu.memref_slice %arg14[%dma_wait3A_588, %dma_wait3A_590] : memref<8x128xi32, #tpu.memory_space<vmem>> -> memref<1x128xi32, #tpu.memory_space<vmem>>
      %dma_wait3A_592 = tpu.memref_squeeze %dma_wait3A_591 : memref<1x128xi32, #tpu.memory_space<vmem>> -> memref<128xi32, #tpu.memory_space<vmem>>
      %dma_wait3A_593 = arith.constant 0 : i32
      %dma_wait3A_594 = tpu.memref_slice %arg13[%dma_wait3A_589, %dma_wait3A_593] : memref<8x128xi32, #tpu.memory_space<vmem>> -> memref<1x128xi32, #tpu.memory_space<vmem>>
      %dma_wait3A_595 = tpu.memref_squeeze %dma_wait3A_594 : memref<1x128xi32, #tpu.memory_space<vmem>> -> memref<128xi32, #tpu.memory_space<vmem>>
      %dma_wait3A_596 = arith.constant 0 : i32
      %dma_wait3A_597 = tpu.memref_slice %arg10[%dma_wait3A_596] : memref<100000xi32, #tpu.memory_space<vmem_shared>> -> memref<100000xi32, #tpu.memory_space<vmem_shared>>
      tpu.wait_indirect_dma semaphore(%arg19 : memref<!tpu.dma_semaphore, #tpu.memory_space<semaphore_mem>>) src(%dma_wait3A_592 : memref<128xi32, #tpu.memory_space<vmem>>) dst(%dma_wait3A_597 : memref<100000xi32, #tpu.memory_space<vmem_shared>>)
      %dma_wait3A_598 = arith.constant 2 : i32
      %dma_wait3A_599 = arith.constant 2 : i32
      %dma_wait3A_600 = arith.constant 0 : i32
      %dma_wait3A_601 = tpu.memref_slice %arg14[%dma_wait3A_598, %dma_wait3A_600] : memref<8x128xi32, #tpu.memory_space<vmem>> -> memref<1x128xi32, #tpu.memory_space<vmem>>
      %dma_wait3A_602 = tpu.memref_squeeze %dma_wait3A_601 : memref<1x128xi32, #tpu.memory_space<vmem>> -> memref<128xi32, #tpu.memory_space<vmem>>
      %dma_wait3A_603 = arith.constant 0 : i32
      %dma_wait3A_604 = tpu.memref_slice %arg13[%dma_wait3A_599, %dma_wait3A_603] : memref<8x128xi32, #tpu.memory_space<vmem>> -> memref<1x128xi32, #tpu.memory_space<vmem>>
      %dma_wait3A_605 = tpu.memref_squeeze %dma_wait3A_604 : memref<1x128xi32, #tpu.memory_space<vmem>> -> memref<128xi32, #tpu.memory_space<vmem>>
      %dma_wait3A_606 = arith.constant 0 : i32
      %dma_wait3A_607 = tpu.memref_slice %arg10[%dma_wait3A_606] : memref<100000xi32, #tpu.memory_space<vmem_shared>> -> memref<100000xi32, #tpu.memory_space<vmem_shared>>
      tpu.wait_indirect_dma semaphore(%arg19 : memref<!tpu.dma_semaphore, #tpu.memory_space<semaphore_mem>>) src(%dma_wait3A_602 : memref<128xi32, #tpu.memory_space<vmem>>) dst(%dma_wait3A_607 : memref<100000xi32, #tpu.memory_space<vmem_shared>>)
      %dma_wait3A_608 = arith.constant 3 : i32
      %dma_wait3A_609 = arith.constant 3 : i32
      %dma_wait3A_610 = arith.constant 0 : i32
      %dma_wait3A_611 = tpu.memref_slice %arg14[%dma_wait3A_608, %dma_wait3A_610] : memref<8x128xi32, #tpu.memory_space<vmem>> -> memref<1x128xi32, #tpu.memory_space<vmem>>
      %dma_wait3A_612 = tpu.memref_squeeze %dma_wait3A_611 : memref<1x128xi32, #tpu.memory_space<vmem>> -> memref<128xi32, #tpu.memory_space<vmem>>
      %dma_wait3A_613 = arith.constant 0 : i32
      %dma_wait3A_614 = tpu.memref_slice %arg13[%dma_wait3A_609, %dma_wait3A_613] : memref<8x128xi32, #tpu.memory_space<vmem>> -> memref<1x128xi32, #tpu.memory_space<vmem>>
      %dma_wait3A_615 = tpu.memref_squeeze %dma_wait3A_614 : memref<1x128xi32, #tpu.memory_space<vmem>> -> memref<128xi32, #tpu.memory_space<vmem>>
      %dma_wait3A_616 = arith.constant 0 : i32
      %dma_wait3A_617 = tpu.memref_slice %arg10[%dma_wait3A_616] : memref<100000xi32, #tpu.memory_space<vmem_shared>> -> memref<100000xi32, #tpu.memory_space<vmem_shared>>
      tpu.wait_indirect_dma semaphore(%arg19 : memref<!tpu.dma_semaphore, #tpu.memory_space<semaphore_mem>>) src(%dma_wait3A_612 : memref<128xi32, #tpu.memory_space<vmem>>) dst(%dma_wait3A_617 : memref<100000xi32, #tpu.memory_space<vmem_shared>>)
      %dma_wait3A_618 = arith.constant 4 : i32
      %dma_wait3A_619 = arith.constant 4 : i32
      %dma_wait3A_620 = arith.constant 0 : i32
      %dma_wait3A_621 = tpu.memref_slice %arg14[%dma_wait3A_618, %dma_wait3A_620] : memref<8x128xi32, #tpu.memory_space<vmem>> -> memref<1x128xi32, #tpu.memory_space<vmem>>
      %dma_wait3A_622 = tpu.memref_squeeze %dma_wait3A_621 : memref<1x128xi32, #tpu.memory_space<vmem>> -> memref<128xi32, #tpu.memory_space<vmem>>
      %dma_wait3A_623 = arith.constant 0 : i32
      %dma_wait3A_624 = tpu.memref_slice %arg13[%dma_wait3A_619, %dma_wait3A_623] : memref<8x128xi32, #tpu.memory_space<vmem>> -> memref<1x128xi32, #tpu.memory_space<vmem>>
      %dma_wait3A_625 = tpu.memref_squeeze %dma_wait3A_624 : memref<1x128xi32, #tpu.memory_space<vmem>> -> memref<128xi32, #tpu.memory_space<vmem>>
      %dma_wait3A_626 = arith.constant 0 : i32
      %dma_wait3A_627 = tpu.memref_slice %arg10[%dma_wait3A_626] : memref<100000xi32, #tpu.memory_space<vmem_shared>> -> memref<100000xi32, #tpu.memory_space<vmem_shared>>
      tpu.wait_indirect_dma semaphore(%arg19 : memref<!tpu.dma_semaphore, #tpu.memory_space<semaphore_mem>>) src(%dma_wait3A_622 : memref<128xi32, #tpu.memory_space<vmem>>) dst(%dma_wait3A_627 : memref<100000xi32, #tpu.memory_space<vmem_shared>>)
      %dma_wait3A_628 = arith.constant 5 : i32
      %dma_wait3A_629 = arith.constant 5 : i32
      %dma_wait3A_630 = arith.constant 0 : i32
      %dma_wait3A_631 = tpu.memref_slice %arg14[%dma_wait3A_628, %dma_wait3A_630] : memref<8x128xi32, #tpu.memory_space<vmem>> -> memref<1x128xi32, #tpu.memory_space<vmem>>
      %dma_wait3A_632 = tpu.memref_squeeze %dma_wait3A_631 : memref<1x128xi32, #tpu.memory_space<vmem>> -> memref<128xi32, #tpu.memory_space<vmem>>
      %dma_wait3A_633 = arith.constant 0 : i32
      %dma_wait3A_634 = tpu.memref_slice %arg13[%dma_wait3A_629, %dma_wait3A_633] : memref<8x128xi32, #tpu.memory_space<vmem>> -> memref<1x128xi32, #tpu.memory_space<vmem>>
      %dma_wait3A_635 = tpu.memref_squeeze %dma_wait3A_634 : memref<1x128xi32, #tpu.memory_space<vmem>> -> memref<128xi32, #tpu.memory_space<vmem>>
      %dma_wait3A_636 = arith.constant 0 : i32
      %dma_wait3A_637 = tpu.memref_slice %arg10[%dma_wait3A_636] : memref<100000xi32, #tpu.memory_space<vmem_shared>> -> memref<100000xi32, #tpu.memory_space<vmem_shared>>
      tpu.wait_indirect_dma semaphore(%arg19 : memref<!tpu.dma_semaphore, #tpu.memory_space<semaphore_mem>>) src(%dma_wait3A_632 : memref<128xi32, #tpu.memory_space<vmem>>) dst(%dma_wait3A_637 : memref<100000xi32, #tpu.memory_space<vmem_shared>>)
      %dma_wait3A_638 = arith.constant 6 : i32
      %dma_wait3A_639 = arith.constant 6 : i32
      %dma_wait3A_640 = arith.constant 0 : i32
      %dma_wait3A_641 = tpu.memref_slice %arg14[%dma_wait3A_638, %dma_wait3A_640] : memref<8x128xi32, #tpu.memory_space<vmem>> -> memref<1x128xi32, #tpu.memory_space<vmem>>
      %dma_wait3A_642 = tpu.memref_squeeze %dma_wait3A_641 : memref<1x128xi32, #tpu.memory_space<vmem>> -> memref<128xi32, #tpu.memory_space<vmem>>
      %dma_wait3A_643 = arith.constant 0 : i32
      %dma_wait3A_644 = tpu.memref_slice %arg13[%dma_wait3A_639, %dma_wait3A_643] : memref<8x128xi32, #tpu.memory_space<vmem>> -> memref<1x128xi32, #tpu.memory_space<vmem>>
      %dma_wait3A_645 = tpu.memref_squeeze %dma_wait3A_644 : memref<1x128xi32, #tpu.memory_space<vmem>> -> memref<128xi32, #tpu.memory_space<vmem>>
      %dma_wait3A_646 = arith.constant 0 : i32
      %dma_wait3A_647 = tpu.memref_slice %arg10[%dma_wait3A_646] : memref<100000xi32, #tpu.memory_space<vmem_shared>> -> memref<100000xi32, #tpu.memory_space<vmem_shared>>
      tpu.wait_indirect_dma semaphore(%arg19 : memref<!tpu.dma_semaphore, #tpu.memory_space<semaphore_mem>>) src(%dma_wait3A_642 : memref<128xi32, #tpu.memory_space<vmem>>) dst(%dma_wait3A_647 : memref<100000xi32, #tpu.memory_space<vmem_shared>>)
      %dma_wait3A_648 = arith.constant 7 : i32
      %dma_wait3A_649 = arith.constant 7 : i32
      %dma_wait3A_650 = arith.constant 0 : i32
      %dma_wait3A_651 = tpu.memref_slice %arg14[%dma_wait3A_648, %dma_wait3A_650] : memref<8x128xi32, #tpu.memory_space<vmem>> -> memref<1x128xi32, #tpu.memory_space<vmem>>
      %dma_wait3A_652 = tpu.memref_squeeze %dma_wait3A_651 : memref<1x128xi32, #tpu.memory_space<vmem>> -> memref<128xi32, #tpu.memory_space<vmem>>
      %dma_wait3A_653 = arith.constant 0 : i32
      %dma_wait3A_654 = tpu.memref_slice %arg13[%dma_wait3A_649, %dma_wait3A_653] : memref<8x128xi32, #tpu.memory_space<vmem>> -> memref<1x128xi32, #tpu.memory_space<vmem>>
      %dma_wait3A_655 = tpu.memref_squeeze %dma_wait3A_654 : memref<1x128xi32, #tpu.memory_space<vmem>> -> memref<128xi32, #tpu.memory_space<vmem>>
      %dma_wait3A_656 = arith.constant 0 : i32
      %dma_wait3A_657 = tpu.memref_slice %arg10[%dma_wait3A_656] : memref<100000xi32, #tpu.memory_space<vmem_shared>> -> memref<100000xi32, #tpu.memory_space<vmem_shared>>
      tpu.wait_indirect_dma semaphore(%arg19 : memref<!tpu.dma_semaphore, #tpu.memory_space<semaphore_mem>>) src(%dma_wait3A_652 : memref<128xi32, #tpu.memory_space<vmem>>) dst(%dma_wait3A_657 : memref<100000xi32, #tpu.memory_space<vmem_shared>>)
    } else {
    }
    %mul3A_3 = arith.constant 4 : i32
    %mul3A_4 = arith.muli %add3A, %mul3A_3 : i32
    "tpu.region"() ({
      %run_scoped3A = tpu.sem_alloc : memref<!tpu.dma_semaphore, #tpu.memory_space<semaphore_mem>>
      %dma_start3A_238 = arith.constant 0 : i32
      %dma_start3A_239 = tpu.memref_slice %arg3[%mul3A_4, %dma_start3A_238] : memref<128x128xi32, #tpu.memory_space<hbm>> -> memref<4x128xi32, #tpu.memory_space<hbm>>
      %dma_start3A_240 = arith.constant 0 : i32
      %dma_start3A_241 = tpu.memref_slice %arg3[%mul3A_4, %dma_start3A_240] : memref<128x128xi32, #tpu.memory_space<hbm>> -> memref<4x128xi32, #tpu.memory_space<hbm>>
      tpu.enqueue_dma source(%dma_start3A_241 : memref<4x128xi32, #tpu.memory_space<hbm>>) target(%arg12 : memref<4x128xi32, #tpu.memory_space<vmem>>) target_semaphore(%run_scoped3A : memref<!tpu.dma_semaphore, #tpu.memory_space<semaphore_mem>>)
      %dma_wait3A_242 = arith.constant 0 : i32
      %dma_wait3A_243 = tpu.memref_slice %arg3[%mul3A_4, %dma_wait3A_242] : memref<128x128xi32, #tpu.memory_space<hbm>> -> memref<4x128xi32, #tpu.memory_space<hbm>>
      %dma_wait3A_244 = arith.constant 0 : i32
      %dma_wait3A_245 = tpu.memref_slice %arg3[%mul3A_4, %dma_wait3A_244] : memref<128x128xi32, #tpu.memory_space<hbm>> -> memref<4x128xi32, #tpu.memory_space<hbm>>
      tpu.wait_dma2 semaphore(%run_scoped3A : memref<!tpu.dma_semaphore, #tpu.memory_space<semaphore_mem>>) src(%dma_wait3A_245 : memref<4x128xi32, #tpu.memory_space<hbm>>) dst(%arg12 : memref<4x128xi32, #tpu.memory_space<vmem>>)
      tpu.yield
    }) : () -> ()
    %dma_start3A = arith.constant 0 : i32
    %dma_start3A_5 = arith.constant 0 : i32
    %dma_start3A_6 = arith.constant 0 : i32
    %dma_start3A_7 = arith.constant 0 : i32
    %dma_start3A_8 = tpu.memref_slice %arg16[%dma_start3A_5, %dma_start3A_6, %dma_start3A_7] : memref<2x128x64xf32, #tpu.memory_space<vmem>> -> memref<1x128x64xf32, #tpu.memory_space<vmem>>
    %dma_start3A_9 = tpu.memref_squeeze %dma_start3A_8 : memref<1x128x64xf32, #tpu.memory_space<vmem>> -> memref<128x64xf32, #tpu.memory_space<vmem>>
    %dma_start3A_10 = arith.constant 0 : i32
    %dma_start3A_11 = tpu.memref_slice %arg12[%dma_start3A, %dma_start3A_10] : memref<4x128xi32, #tpu.memory_space<vmem>> -> memref<1x128xi32, #tpu.memory_space<vmem>>
    %dma_start3A_12 = tpu.memref_squeeze %dma_start3A_11 : memref<1x128xi32, #tpu.memory_space<vmem>> -> memref<128xi32, #tpu.memory_space<vmem>>
    %dma_start3A_13 = arith.constant 0 : i32
    %dma_start3A_14 = arith.constant 0 : i32
    %dma_start3A_15 = tpu.memref_slice %arg2[%dma_start3A_13, %dma_start3A_14] : memref<100000x64xf32, #tpu.memory_space<hbm>> -> memref<100000x64xf32, #tpu.memory_space<hbm>>
    tpu.enqueue_indirect_dma source(%dma_start3A_15 : memref<100000x64xf32, #tpu.memory_space<hbm>>) target(%dma_start3A_9 : memref<128x64xf32, #tpu.memory_space<vmem>>) offsets(%dma_start3A_12 : memref<128xi32, #tpu.memory_space<vmem>>) semaphore(%arg18 : memref<!tpu.dma_semaphore, #tpu.memory_space<semaphore_mem>>)
    %dma_start3A_16 = arith.constant 1 : i32
    %dma_start3A_17 = arith.constant 1 : i32
    %dma_start3A_18 = arith.constant 0 : i32
    %dma_start3A_19 = arith.constant 0 : i32
    %dma_start3A_20 = tpu.memref_slice %arg16[%dma_start3A_17, %dma_start3A_18, %dma_start3A_19] : memref<2x128x64xf32, #tpu.memory_space<vmem>> -> memref<1x128x64xf32, #tpu.memory_space<vmem>>
    %dma_start3A_21 = tpu.memref_squeeze %dma_start3A_20 : memref<1x128x64xf32, #tpu.memory_space<vmem>> -> memref<128x64xf32, #tpu.memory_space<vmem>>
    %dma_start3A_22 = arith.constant 0 : i32
    %dma_start3A_23 = tpu.memref_slice %arg12[%dma_start3A_16, %dma_start3A_22] : memref<4x128xi32, #tpu.memory_space<vmem>> -> memref<1x128xi32, #tpu.memory_space<vmem>>
    %dma_start3A_24 = tpu.memref_squeeze %dma_start3A_23 : memref<1x128xi32, #tpu.memory_space<vmem>> -> memref<128xi32, #tpu.memory_space<vmem>>
    %dma_start3A_25 = arith.constant 0 : i32
    %dma_start3A_26 = arith.constant 0 : i32
    %dma_start3A_27 = tpu.memref_slice %arg2[%dma_start3A_25, %dma_start3A_26] : memref<100000x64xf32, #tpu.memory_space<hbm>> -> memref<100000x64xf32, #tpu.memory_space<hbm>>
    tpu.enqueue_indirect_dma source(%dma_start3A_27 : memref<100000x64xf32, #tpu.memory_space<hbm>>) target(%dma_start3A_21 : memref<128x64xf32, #tpu.memory_space<vmem>>) offsets(%dma_start3A_24 : memref<128xi32, #tpu.memory_space<vmem>>) semaphore(%arg18 : memref<!tpu.dma_semaphore, #tpu.memory_space<semaphore_mem>>)
    %dma_wait3A = arith.constant 0 : i32
    %dma_wait3A_28 = arith.constant 0 : i32
    %dma_wait3A_29 = arith.constant 0 : i32
    %dma_wait3A_30 = arith.constant 0 : i32
    %dma_wait3A_31 = tpu.memref_slice %arg16[%dma_wait3A_28, %dma_wait3A_29, %dma_wait3A_30] : memref<2x128x64xf32, #tpu.memory_space<vmem>> -> memref<1x128x64xf32, #tpu.memory_space<vmem>>
    %dma_wait3A_32 = tpu.memref_squeeze %dma_wait3A_31 : memref<1x128x64xf32, #tpu.memory_space<vmem>> -> memref<128x64xf32, #tpu.memory_space<vmem>>
    %dma_wait3A_33 = arith.constant 0 : i32
    %dma_wait3A_34 = tpu.memref_slice %arg12[%dma_wait3A, %dma_wait3A_33] : memref<4x128xi32, #tpu.memory_space<vmem>> -> memref<1x128xi32, #tpu.memory_space<vmem>>
    %dma_wait3A_35 = tpu.memref_squeeze %dma_wait3A_34 : memref<1x128xi32, #tpu.memory_space<vmem>> -> memref<128xi32, #tpu.memory_space<vmem>>
    %dma_wait3A_36 = arith.constant 0 : i32
    %dma_wait3A_37 = arith.constant 0 : i32
    %dma_wait3A_38 = tpu.memref_slice %arg2[%dma_wait3A_36, %dma_wait3A_37] : memref<100000x64xf32, #tpu.memory_space<hbm>> -> memref<100000x64xf32, #tpu.memory_space<hbm>>
    tpu.wait_indirect_dma semaphore(%arg18 : memref<!tpu.dma_semaphore, #tpu.memory_space<semaphore_mem>>) src(%dma_wait3A_38 : memref<100000x64xf32, #tpu.memory_space<hbm>>) dst(%dma_wait3A_32 : memref<128x64xf32, #tpu.memory_space<vmem>>)
    %mul3A_39 = arith.constant 4 : i32
    %mul3A_40 = arith.muli %add3A, %mul3A_39 : i32
    %add3A_41 = arith.constant 0 : i32
    %add3A_42 = arith.addi %mul3A_40, %add3A_41 : i32
    %mul3A_43 = arith.constant 128 : i32
    %mul3A_44 = arith.muli %add3A_42, %mul3A_43 : i32
    %dma_start3A_45 = arith.constant 0 : i32
    %dma_start3A_46 = arith.constant 0 : i32
    %dma_start3A_47 = arith.constant 0 : i32
    %dma_start3A_48 = tpu.memref_slice %arg16[%dma_start3A_45, %dma_start3A_46, %dma_start3A_47] : memref<2x128x64xf32, #tpu.memory_space<vmem>> -> memref<1x128x64xf32, #tpu.memory_space<vmem>>
    %dma_start3A_49 = tpu.memref_squeeze %dma_start3A_48 : memref<1x128x64xf32, #tpu.memory_space<vmem>> -> memref<128x64xf32, #tpu.memory_space<vmem>>
    %dma_start3A_50 = arith.constant 0 : i32
    %dma_start3A_51 = tpu.memref_slice %arg8[%mul3A_44, %dma_start3A_50] : memref<16384x64xf32, #tpu.memory_space<hbm>> -> memref<128x64xf32, #tpu.memory_space<hbm>>
    %dma_start3A_52 = arith.constant 0 : i32
    %dma_start3A_53 = tpu.memref_slice %arg8[%mul3A_44, %dma_start3A_52] : memref<16384x64xf32, #tpu.memory_space<hbm>> -> memref<128x64xf32, #tpu.memory_space<hbm>>
    %dma_start3A_54 = arith.constant 0 : i32
    %dma_start3A_55 = arith.constant 0 : i32
    %dma_start3A_56 = tpu.memref_slice %arg16[%dma_start3A_45, %dma_start3A_54, %dma_start3A_55] : memref<2x128x64xf32, #tpu.memory_space<vmem>> -> memref<1x128x64xf32, #tpu.memory_space<vmem>>
    %dma_start3A_57 = tpu.memref_squeeze %dma_start3A_56 : memref<1x128x64xf32, #tpu.memory_space<vmem>> -> memref<128x64xf32, #tpu.memory_space<vmem>>
    tpu.enqueue_dma source(%dma_start3A_57 : memref<128x64xf32, #tpu.memory_space<vmem>>) target(%dma_start3A_53 : memref<128x64xf32, #tpu.memory_space<hbm>>) target_semaphore(%arg19 : memref<!tpu.dma_semaphore, #tpu.memory_space<semaphore_mem>>)
    %dma_wait3A_58 = arith.constant 0 : i32
    %dma_wait3A_59 = arith.constant 0 : i32
    %dma_wait3A_60 = arith.constant 0 : i32
    %dma_wait3A_61 = tpu.memref_slice %arg16[%dma_wait3A_58, %dma_wait3A_59, %dma_wait3A_60] : memref<2x128x64xf32, #tpu.memory_space<vmem>> -> memref<1x128x64xf32, #tpu.memory_space<vmem>>
    %dma_wait3A_62 = tpu.memref_squeeze %dma_wait3A_61 : memref<1x128x64xf32, #tpu.memory_space<vmem>> -> memref<128x64xf32, #tpu.memory_space<vmem>>
    %dma_wait3A_63 = arith.constant 0 : i32
    %dma_wait3A_64 = tpu.memref_slice %arg8[%mul3A_44, %dma_wait3A_63] : memref<16384x64xf32, #tpu.memory_space<hbm>> -> memref<128x64xf32, #tpu.memory_space<hbm>>
    %dma_wait3A_65 = arith.constant 0 : i32
    %dma_wait3A_66 = tpu.memref_slice %arg8[%mul3A_44, %dma_wait3A_65] : memref<16384x64xf32, #tpu.memory_space<hbm>> -> memref<128x64xf32, #tpu.memory_space<hbm>>
    %dma_wait3A_67 = arith.constant 0 : i32
    %dma_wait3A_68 = arith.constant 0 : i32
    %dma_wait3A_69 = tpu.memref_slice %arg16[%dma_wait3A_58, %dma_wait3A_67, %dma_wait3A_68] : memref<2x128x64xf32, #tpu.memory_space<vmem>> -> memref<1x128x64xf32, #tpu.memory_space<vmem>>
    %dma_wait3A_70 = tpu.memref_squeeze %dma_wait3A_69 : memref<1x128x64xf32, #tpu.memory_space<vmem>> -> memref<128x64xf32, #tpu.memory_space<vmem>>
    tpu.wait_dma2 semaphore(%arg19 : memref<!tpu.dma_semaphore, #tpu.memory_space<semaphore_mem>>) src(%dma_wait3A_70 : memref<128x64xf32, #tpu.memory_space<vmem>>) dst(%dma_wait3A_66 : memref<128x64xf32, #tpu.memory_space<hbm>>)
    %dma_start3A_71 = arith.constant 2 : i32
    %dma_start3A_72 = arith.constant 0 : i32
    %dma_start3A_73 = arith.constant 0 : i32
    %dma_start3A_74 = arith.constant 0 : i32
    %dma_start3A_75 = tpu.memref_slice %arg16[%dma_start3A_72, %dma_start3A_73, %dma_start3A_74] : memref<2x128x64xf32, #tpu.memory_space<vmem>> -> memref<1x128x64xf32, #tpu.memory_space<vmem>>
    %dma_start3A_76 = tpu.memref_squeeze %dma_start3A_75 : memref<1x128x64xf32, #tpu.memory_space<vmem>> -> memref<128x64xf32, #tpu.memory_space<vmem>>
    %dma_start3A_77 = arith.constant 0 : i32
    %dma_start3A_78 = tpu.memref_slice %arg12[%dma_start3A_71, %dma_start3A_77] : memref<4x128xi32, #tpu.memory_space<vmem>> -> memref<1x128xi32, #tpu.memory_space<vmem>>
    %dma_start3A_79 = tpu.memref_squeeze %dma_start3A_78 : memref<1x128xi32, #tpu.memory_space<vmem>> -> memref<128xi32, #tpu.memory_space<vmem>>
    %dma_start3A_80 = arith.constant 0 : i32
    %dma_start3A_81 = arith.constant 0 : i32
    %dma_start3A_82 = tpu.memref_slice %arg2[%dma_start3A_80, %dma_start3A_81] : memref<100000x64xf32, #tpu.memory_space<hbm>> -> memref<100000x64xf32, #tpu.memory_space<hbm>>
    tpu.enqueue_indirect_dma source(%dma_start3A_82 : memref<100000x64xf32, #tpu.memory_space<hbm>>) target(%dma_start3A_76 : memref<128x64xf32, #tpu.memory_space<vmem>>) offsets(%dma_start3A_79 : memref<128xi32, #tpu.memory_space<vmem>>) semaphore(%arg18 : memref<!tpu.dma_semaphore, #tpu.memory_space<semaphore_mem>>)
    %dma_wait3A_83 = arith.constant 1 : i32
    %dma_wait3A_84 = arith.constant 1 : i32
    %dma_wait3A_85 = arith.constant 0 : i32
    %dma_wait3A_86 = arith.constant 0 : i32
    %dma_wait3A_87 = tpu.memref_slice %arg16[%dma_wait3A_84, %dma_wait3A_85, %dma_wait3A_86] : memref<2x128x64xf32, #tpu.memory_space<vmem>> -> memref<1x128x64xf32, #tpu.memory_space<vmem>>
    %dma_wait3A_88 = tpu.memref_squeeze %dma_wait3A_87 : memref<1x128x64xf32, #tpu.memory_space<vmem>> -> memref<128x64xf32, #tpu.memory_space<vmem>>
    %dma_wait3A_89 = arith.constant 0 : i32
    %dma_wait3A_90 = tpu.memref_slice %arg12[%dma_wait3A_83, %dma_wait3A_89] : memref<4x128xi32, #tpu.memory_space<vmem>> -> memref<1x128xi32, #tpu.memory_space<vmem>>
    %dma_wait3A_91 = tpu.memref_squeeze %dma_wait3A_90 : memref<1x128xi32, #tpu.memory_space<vmem>> -> memref<128xi32, #tpu.memory_space<vmem>>
    %dma_wait3A_92 = arith.constant 0 : i32
    %dma_wait3A_93 = arith.constant 0 : i32
    %dma_wait3A_94 = tpu.memref_slice %arg2[%dma_wait3A_92, %dma_wait3A_93] : memref<100000x64xf32, #tpu.memory_space<hbm>> -> memref<100000x64xf32, #tpu.memory_space<hbm>>
    tpu.wait_indirect_dma semaphore(%arg18 : memref<!tpu.dma_semaphore, #tpu.memory_space<semaphore_mem>>) src(%dma_wait3A_94 : memref<100000x64xf32, #tpu.memory_space<hbm>>) dst(%dma_wait3A_88 : memref<128x64xf32, #tpu.memory_space<vmem>>)
    %mul3A_95 = arith.constant 4 : i32
    %mul3A_96 = arith.muli %add3A, %mul3A_95 : i32
    %add3A_97 = arith.constant 1 : i32
    %add3A_98 = arith.addi %mul3A_96, %add3A_97 : i32
    %mul3A_99 = arith.constant 128 : i32
    %mul3A_100 = arith.muli %add3A_98, %mul3A_99 : i32
    %dma_start3A_101 = arith.constant 1 : i32
    %dma_start3A_102 = arith.constant 0 : i32
    %dma_start3A_103 = arith.constant 0 : i32
    %dma_start3A_104 = tpu.memref_slice %arg16[%dma_start3A_101, %dma_start3A_102, %dma_start3A_103] : memref<2x128x64xf32, #tpu.memory_space<vmem>> -> memref<1x128x64xf32, #tpu.memory_space<vmem>>
    %dma_start3A_105 = tpu.memref_squeeze %dma_start3A_104 : memref<1x128x64xf32, #tpu.memory_space<vmem>> -> memref<128x64xf32, #tpu.memory_space<vmem>>
    %dma_start3A_106 = arith.constant 0 : i32
    %dma_start3A_107 = tpu.memref_slice %arg8[%mul3A_100, %dma_start3A_106] : memref<16384x64xf32, #tpu.memory_space<hbm>> -> memref<128x64xf32, #tpu.memory_space<hbm>>
    %dma_start3A_108 = arith.constant 0 : i32
    %dma_start3A_109 = tpu.memref_slice %arg8[%mul3A_100, %dma_start3A_108] : memref<16384x64xf32, #tpu.memory_space<hbm>> -> memref<128x64xf32, #tpu.memory_space<hbm>>
    %dma_start3A_110 = arith.constant 0 : i32
    %dma_start3A_111 = arith.constant 0 : i32
    %dma_start3A_112 = tpu.memref_slice %arg16[%dma_start3A_101, %dma_start3A_110, %dma_start3A_111] : memref<2x128x64xf32, #tpu.memory_space<vmem>> -> memref<1x128x64xf32, #tpu.memory_space<vmem>>
    %dma_start3A_113 = tpu.memref_squeeze %dma_start3A_112 : memref<1x128x64xf32, #tpu.memory_space<vmem>> -> memref<128x64xf32, #tpu.memory_space<vmem>>
    tpu.enqueue_dma source(%dma_start3A_113 : memref<128x64xf32, #tpu.memory_space<vmem>>) target(%dma_start3A_109 : memref<128x64xf32, #tpu.memory_space<hbm>>) target_semaphore(%arg19 : memref<!tpu.dma_semaphore, #tpu.memory_space<semaphore_mem>>)
    %dma_wait3A_114 = arith.constant 1 : i32
    %dma_wait3A_115 = arith.constant 0 : i32
    %dma_wait3A_116 = arith.constant 0 : i32
    %dma_wait3A_117 = tpu.memref_slice %arg16[%dma_wait3A_114, %dma_wait3A_115, %dma_wait3A_116] : memref<2x128x64xf32, #tpu.memory_space<vmem>> -> memref<1x128x64xf32, #tpu.memory_space<vmem>>
    %dma_wait3A_118 = tpu.memref_squeeze %dma_wait3A_117 : memref<1x128x64xf32, #tpu.memory_space<vmem>> -> memref<128x64xf32, #tpu.memory_space<vmem>>
    %dma_wait3A_119 = arith.constant 0 : i32
    %dma_wait3A_120 = tpu.memref_slice %arg8[%mul3A_100, %dma_wait3A_119] : memref<16384x64xf32, #tpu.memory_space<hbm>> -> memref<128x64xf32, #tpu.memory_space<hbm>>
    %dma_wait3A_121 = arith.constant 0 : i32
    %dma_wait3A_122 = tpu.memref_slice %arg8[%mul3A_100, %dma_wait3A_121] : memref<16384x64xf32, #tpu.memory_space<hbm>> -> memref<128x64xf32, #tpu.memory_space<hbm>>
    %dma_wait3A_123 = arith.constant 0 : i32
    %dma_wait3A_124 = arith.constant 0 : i32
    %dma_wait3A_125 = tpu.memref_slice %arg16[%dma_wait3A_114, %dma_wait3A_123, %dma_wait3A_124] : memref<2x128x64xf32, #tpu.memory_space<vmem>> -> memref<1x128x64xf32, #tpu.memory_space<vmem>>
    %dma_wait3A_126 = tpu.memref_squeeze %dma_wait3A_125 : memref<1x128x64xf32, #tpu.memory_space<vmem>> -> memref<128x64xf32, #tpu.memory_space<vmem>>
    tpu.wait_dma2 semaphore(%arg19 : memref<!tpu.dma_semaphore, #tpu.memory_space<semaphore_mem>>) src(%dma_wait3A_126 : memref<128x64xf32, #tpu.memory_space<vmem>>) dst(%dma_wait3A_122 : memref<128x64xf32, #tpu.memory_space<hbm>>)
    %dma_start3A_127 = arith.constant 3 : i32
    %dma_start3A_128 = arith.constant 1 : i32
    %dma_start3A_129 = arith.constant 0 : i32
    %dma_start3A_130 = arith.constant 0 : i32
    %dma_start3A_131 = tpu.memref_slice %arg16[%dma_start3A_128, %dma_start3A_129, %dma_start3A_130] : memref<2x128x64xf32, #tpu.memory_space<vmem>> -> memref<1x128x64xf32, #tpu.memory_space<vmem>>
    %dma_start3A_132 = tpu.memref_squeeze %dma_start3A_131 : memref<1x128x64xf32, #tpu.memory_space<vmem>> -> memref<128x64xf32, #tpu.memory_space<vmem>>
    %dma_start3A_133 = arith.constant 0 : i32
    %dma_start3A_134 = tpu.memref_slice %arg12[%dma_start3A_127, %dma_start3A_133] : memref<4x128xi32, #tpu.memory_space<vmem>> -> memref<1x128xi32, #tpu.memory_space<vmem>>
    %dma_start3A_135 = tpu.memref_squeeze %dma_start3A_134 : memref<1x128xi32, #tpu.memory_space<vmem>> -> memref<128xi32, #tpu.memory_space<vmem>>
    %dma_start3A_136 = arith.constant 0 : i32
    %dma_start3A_137 = arith.constant 0 : i32
    %dma_start3A_138 = tpu.memref_slice %arg2[%dma_start3A_136, %dma_start3A_137] : memref<100000x64xf32, #tpu.memory_space<hbm>> -> memref<100000x64xf32, #tpu.memory_space<hbm>>
    tpu.enqueue_indirect_dma source(%dma_start3A_138 : memref<100000x64xf32, #tpu.memory_space<hbm>>) target(%dma_start3A_132 : memref<128x64xf32, #tpu.memory_space<vmem>>) offsets(%dma_start3A_135 : memref<128xi32, #tpu.memory_space<vmem>>) semaphore(%arg18 : memref<!tpu.dma_semaphore, #tpu.memory_space<semaphore_mem>>)
    %dma_wait3A_139 = arith.constant 2 : i32
    %dma_wait3A_140 = arith.constant 0 : i32
    %dma_wait3A_141 = arith.constant 0 : i32
    %dma_wait3A_142 = arith.constant 0 : i32
    %dma_wait3A_143 = tpu.memref_slice %arg16[%dma_wait3A_140, %dma_wait3A_141, %dma_wait3A_142] : memref<2x128x64xf32, #tpu.memory_space<vmem>> -> memref<1x128x64xf32, #tpu.memory_space<vmem>>
    %dma_wait3A_144 = tpu.memref_squeeze %dma_wait3A_143 : memref<1x128x64xf32, #tpu.memory_space<vmem>> -> memref<128x64xf32, #tpu.memory_space<vmem>>
    %dma_wait3A_145 = arith.constant 0 : i32
    %dma_wait3A_146 = tpu.memref_slice %arg12[%dma_wait3A_139, %dma_wait3A_145] : memref<4x128xi32, #tpu.memory_space<vmem>> -> memref<1x128xi32, #tpu.memory_space<vmem>>
    %dma_wait3A_147 = tpu.memref_squeeze %dma_wait3A_146 : memref<1x128xi32, #tpu.memory_space<vmem>> -> memref<128xi32, #tpu.memory_space<vmem>>
    %dma_wait3A_148 = arith.constant 0 : i32
    %dma_wait3A_149 = arith.constant 0 : i32
    %dma_wait3A_150 = tpu.memref_slice %arg2[%dma_wait3A_148, %dma_wait3A_149] : memref<100000x64xf32, #tpu.memory_space<hbm>> -> memref<100000x64xf32, #tpu.memory_space<hbm>>
    tpu.wait_indirect_dma semaphore(%arg18 : memref<!tpu.dma_semaphore, #tpu.memory_space<semaphore_mem>>) src(%dma_wait3A_150 : memref<100000x64xf32, #tpu.memory_space<hbm>>) dst(%dma_wait3A_144 : memref<128x64xf32, #tpu.memory_space<vmem>>)
    %mul3A_151 = arith.constant 4 : i32
    %mul3A_152 = arith.muli %add3A, %mul3A_151 : i32
    %add3A_153 = arith.constant 2 : i32
    %add3A_154 = arith.addi %mul3A_152, %add3A_153 : i32
    %mul3A_155 = arith.constant 128 : i32
    %mul3A_156 = arith.muli %add3A_154, %mul3A_155 : i32
    %dma_start3A_157 = arith.constant 0 : i32
    %dma_start3A_158 = arith.constant 0 : i32
    %dma_start3A_159 = arith.constant 0 : i32
    %dma_start3A_160 = tpu.memref_slice %arg16[%dma_start3A_157, %dma_start3A_158, %dma_start3A_159] : memref<2x128x64xf32, #tpu.memory_space<vmem>> -> memref<1x128x64xf32, #tpu.memory_space<vmem>>
    %dma_start3A_161 = tpu.memref_squeeze %dma_start3A_160 : memref<1x128x64xf32, #tpu.memory_space<vmem>> -> memref<128x64xf32, #tpu.memory_space<vmem>>
    %dma_start3A_162 = arith.constant 0 : i32
    %dma_start3A_163 = tpu.memref_slice %arg8[%mul3A_156, %dma_start3A_162] : memref<16384x64xf32, #tpu.memory_space<hbm>> -> memref<128x64xf32, #tpu.memory_space<hbm>>
    %dma_start3A_164 = arith.constant 0 : i32
    %dma_start3A_165 = tpu.memref_slice %arg8[%mul3A_156, %dma_start3A_164] : memref<16384x64xf32, #tpu.memory_space<hbm>> -> memref<128x64xf32, #tpu.memory_space<hbm>>
    %dma_start3A_166 = arith.constant 0 : i32
    %dma_start3A_167 = arith.constant 0 : i32
    %dma_start3A_168 = tpu.memref_slice %arg16[%dma_start3A_157, %dma_start3A_166, %dma_start3A_167] : memref<2x128x64xf32, #tpu.memory_space<vmem>> -> memref<1x128x64xf32, #tpu.memory_space<vmem>>
    %dma_start3A_169 = tpu.memref_squeeze %dma_start3A_168 : memref<1x128x64xf32, #tpu.memory_space<vmem>> -> memref<128x64xf32, #tpu.memory_space<vmem>>
    tpu.enqueue_dma source(%dma_start3A_169 : memref<128x64xf32, #tpu.memory_space<vmem>>) target(%dma_start3A_165 : memref<128x64xf32, #tpu.memory_space<hbm>>) target_semaphore(%arg19 : memref<!tpu.dma_semaphore, #tpu.memory_space<semaphore_mem>>)
    %dma_wait3A_170 = arith.constant 3 : i32
    %dma_wait3A_171 = arith.constant 1 : i32
    %dma_wait3A_172 = arith.constant 0 : i32
    %dma_wait3A_173 = arith.constant 0 : i32
    %dma_wait3A_174 = tpu.memref_slice %arg16[%dma_wait3A_171, %dma_wait3A_172, %dma_wait3A_173] : memref<2x128x64xf32, #tpu.memory_space<vmem>> -> memref<1x128x64xf32, #tpu.memory_space<vmem>>
    %dma_wait3A_175 = tpu.memref_squeeze %dma_wait3A_174 : memref<1x128x64xf32, #tpu.memory_space<vmem>> -> memref<128x64xf32, #tpu.memory_space<vmem>>
    %dma_wait3A_176 = arith.constant 0 : i32
    %dma_wait3A_177 = tpu.memref_slice %arg12[%dma_wait3A_170, %dma_wait3A_176] : memref<4x128xi32, #tpu.memory_space<vmem>> -> memref<1x128xi32, #tpu.memory_space<vmem>>
    %dma_wait3A_178 = tpu.memref_squeeze %dma_wait3A_177 : memref<1x128xi32, #tpu.memory_space<vmem>> -> memref<128xi32, #tpu.memory_space<vmem>>
    %dma_wait3A_179 = arith.constant 0 : i32
    %dma_wait3A_180 = arith.constant 0 : i32
    %dma_wait3A_181 = tpu.memref_slice %arg2[%dma_wait3A_179, %dma_wait3A_180] : memref<100000x64xf32, #tpu.memory_space<hbm>> -> memref<100000x64xf32, #tpu.memory_space<hbm>>
    tpu.wait_indirect_dma semaphore(%arg18 : memref<!tpu.dma_semaphore, #tpu.memory_space<semaphore_mem>>) src(%dma_wait3A_181 : memref<100000x64xf32, #tpu.memory_space<hbm>>) dst(%dma_wait3A_175 : memref<128x64xf32, #tpu.memory_space<vmem>>)
    %mul3A_182 = arith.constant 4 : i32
    %mul3A_183 = arith.muli %add3A, %mul3A_182 : i32
    %add3A_184 = arith.constant 3 : i32
    %add3A_185 = arith.addi %mul3A_183, %add3A_184 : i32
    %mul3A_186 = arith.constant 128 : i32
    %mul3A_187 = arith.muli %add3A_185, %mul3A_186 : i32
    %dma_start3A_188 = arith.constant 1 : i32
    %dma_start3A_189 = arith.constant 0 : i32
    %dma_start3A_190 = arith.constant 0 : i32
    %dma_start3A_191 = tpu.memref_slice %arg16[%dma_start3A_188, %dma_start3A_189, %dma_start3A_190] : memref<2x128x64xf32, #tpu.memory_space<vmem>> -> memref<1x128x64xf32, #tpu.memory_space<vmem>>
    %dma_start3A_192 = tpu.memref_squeeze %dma_start3A_191 : memref<1x128x64xf32, #tpu.memory_space<vmem>> -> memref<128x64xf32, #tpu.memory_space<vmem>>
    %dma_start3A_193 = arith.constant 0 : i32
    %dma_start3A_194 = tpu.memref_slice %arg8[%mul3A_187, %dma_start3A_193] : memref<16384x64xf32, #tpu.memory_space<hbm>> -> memref<128x64xf32, #tpu.memory_space<hbm>>
    %dma_start3A_195 = arith.constant 0 : i32
    %dma_start3A_196 = tpu.memref_slice %arg8[%mul3A_187, %dma_start3A_195] : memref<16384x64xf32, #tpu.memory_space<hbm>> -> memref<128x64xf32, #tpu.memory_space<hbm>>
    %dma_start3A_197 = arith.constant 0 : i32
    %dma_start3A_198 = arith.constant 0 : i32
    %dma_start3A_199 = tpu.memref_slice %arg16[%dma_start3A_188, %dma_start3A_197, %dma_start3A_198] : memref<2x128x64xf32, #tpu.memory_space<vmem>> -> memref<1x128x64xf32, #tpu.memory_space<vmem>>
    %dma_start3A_200 = tpu.memref_squeeze %dma_start3A_199 : memref<1x128x64xf32, #tpu.memory_space<vmem>> -> memref<128x64xf32, #tpu.memory_space<vmem>>
    tpu.enqueue_dma source(%dma_start3A_200 : memref<128x64xf32, #tpu.memory_space<vmem>>) target(%dma_start3A_196 : memref<128x64xf32, #tpu.memory_space<hbm>>) target_semaphore(%arg19 : memref<!tpu.dma_semaphore, #tpu.memory_space<semaphore_mem>>)
    %dma_wait3A_201 = arith.constant 0 : i32
    %dma_wait3A_202 = arith.constant 0 : i32
    %dma_wait3A_203 = arith.constant 0 : i32
    %dma_wait3A_204 = tpu.memref_slice %arg16[%dma_wait3A_201, %dma_wait3A_202, %dma_wait3A_203] : memref<2x128x64xf32, #tpu.memory_space<vmem>> -> memref<1x128x64xf32, #tpu.memory_space<vmem>>
    %dma_wait3A_205 = tpu.memref_squeeze %dma_wait3A_204 : memref<1x128x64xf32, #tpu.memory_space<vmem>> -> memref<128x64xf32, #tpu.memory_space<vmem>>
    %dma_wait3A_206 = arith.constant 0 : i32
    %dma_wait3A_207 = tpu.memref_slice %arg8[%mul3A_156, %dma_wait3A_206] : memref<16384x64xf32, #tpu.memory_space<hbm>> -> memref<128x64xf32, #tpu.memory_space<hbm>>
    %dma_wait3A_208 = arith.constant 0 : i32
    %dma_wait3A_209 = tpu.memref_slice %arg8[%mul3A_156, %dma_wait3A_208] : memref<16384x64xf32, #tpu.memory_space<hbm>> -> memref<128x64xf32, #tpu.memory_space<hbm>>
    %dma_wait3A_210 = arith.constant 0 : i32
    %dma_wait3A_211 = arith.constant 0 : i32
    %dma_wait3A_212 = tpu.memref_slice %arg16[%dma_wait3A_201, %dma_wait3A_210, %dma_wait3A_211] : memref<2x128x64xf32, #tpu.memory_space<vmem>> -> memref<1x128x64xf32, #tpu.memory_space<vmem>>
    %dma_wait3A_213 = tpu.memref_squeeze %dma_wait3A_212 : memref<1x128x64xf32, #tpu.memory_space<vmem>> -> memref<128x64xf32, #tpu.memory_space<vmem>>
    tpu.wait_dma2 semaphore(%arg19 : memref<!tpu.dma_semaphore, #tpu.memory_space<semaphore_mem>>) src(%dma_wait3A_213 : memref<128x64xf32, #tpu.memory_space<vmem>>) dst(%dma_wait3A_209 : memref<128x64xf32, #tpu.memory_space<hbm>>)
    %dma_wait3A_214 = arith.constant 1 : i32
    %dma_wait3A_215 = arith.constant 0 : i32
    %dma_wait3A_216 = arith.constant 0 : i32
    %dma_wait3A_217 = tpu.memref_slice %arg16[%dma_wait3A_214, %dma_wait3A_215, %dma_wait3A_216] : memref<2x128x64xf32, #tpu.memory_space<vmem>> -> memref<1x128x64xf32, #tpu.memory_space<vmem>>
    %dma_wait3A_218 = tpu.memref_squeeze %dma_wait3A_217 : memref<1x128x64xf32, #tpu.memory_space<vmem>> -> memref<128x64xf32, #tpu.memory_space<vmem>>
    %dma_wait3A_219 = arith.constant 0 : i32
    %dma_wait3A_220 = tpu.memref_slice %arg8[%mul3A_187, %dma_wait3A_219] : memref<16384x64xf32, #tpu.memory_space<hbm>> -> memref<128x64xf32, #tpu.memory_space<hbm>>
    %dma_wait3A_221 = arith.constant 0 : i32
    %dma_wait3A_222 = tpu.memref_slice %arg8[%mul3A_187, %dma_wait3A_221] : memref<16384x64xf32, #tpu.memory_space<hbm>> -> memref<128x64xf32, #tpu.memory_space<hbm>>
    %dma_wait3A_223 = arith.constant 0 : i32
    %dma_wait3A_224 = arith.constant 0 : i32
    %dma_wait3A_225 = tpu.memref_slice %arg16[%dma_wait3A_214, %dma_wait3A_223, %dma_wait3A_224] : memref<2x128x64xf32, #tpu.memory_space<vmem>> -> memref<1x128x64xf32, #tpu.memory_space<vmem>>
    %dma_wait3A_226 = tpu.memref_squeeze %dma_wait3A_225 : memref<1x128x64xf32, #tpu.memory_space<vmem>> -> memref<128x64xf32, #tpu.memory_space<vmem>>
    tpu.wait_dma2 semaphore(%arg19 : memref<!tpu.dma_semaphore, #tpu.memory_space<semaphore_mem>>) src(%dma_wait3A_226 : memref<128x64xf32, #tpu.memory_space<vmem>>) dst(%dma_wait3A_222 : memref<128x64xf32, #tpu.memory_space<hbm>>)
    %barrier3A = arith.constant 0 : index
    tpu.barrier barrier_id(%barrier3A)
    %eq3A_227 = arith.constant 0 : i32
    %eq3A_228 = arith.cmpi eq, %arg0, %eq3A_227 : i32
    %convert_element_type3A_229 = arith.extui %eq3A_228 : i1 to i32
    %cond3A_230 = arith.constant 0 : i32
    %cond3A_231 = arith.cmpi ne, %convert_element_type3A_229, %cond3A_230 : i32
    scf.if %cond3A_231 {
      %run_scoped3A = arith.constant 0 : i32
      "tpu.region"() ({
        %run_scoped3A_847 = tpu.sem_alloc : memref<!tpu.dma_semaphore, #tpu.memory_space<semaphore_mem>>
        %dma_start3A_848 = arith.constant 0 : i32
        %dma_start3A_849 = arith.constant 64 : i32
        %dma_start3A_850 = tpu.memref_slice %arg17[%run_scoped3A, %dma_start3A_848, %dma_start3A_849] : memref<2x128x80xf32, #tpu.memory_space<vmem>> -> memref<1x128x16xf32, #tpu.memory_space<vmem>>
        %dma_start3A_851 = tpu.memref_squeeze %dma_start3A_850 : memref<1x128x16xf32, #tpu.memory_space<vmem>> -> memref<128x16xf32, #tpu.memory_space<vmem>>
        %dma_start3A_852 = arith.constant 0 : i32
        %dma_start3A_853 = arith.constant 64 : i32
        %dma_start3A_854 = tpu.memref_slice %arg17[%run_scoped3A, %dma_start3A_852, %dma_start3A_853] : memref<2x128x80xf32, #tpu.memory_space<vmem>> -> memref<1x128x16xf32, #tpu.memory_space<vmem>>
        %dma_start3A_855 = tpu.memref_squeeze %dma_start3A_854 : memref<1x128x16xf32, #tpu.memory_space<vmem>> -> memref<128x16xf32, #tpu.memory_space<vmem>>
        tpu.enqueue_dma source(%arg7 : memref<128x16xf32, #tpu.memory_space<hbm>>) target(%dma_start3A_855 : memref<128x16xf32, #tpu.memory_space<vmem>>) target_semaphore(%run_scoped3A_847 : memref<!tpu.dma_semaphore, #tpu.memory_space<semaphore_mem>>)
        %dma_wait3A_856 = arith.constant 0 : i32
        %dma_wait3A_857 = arith.constant 64 : i32
        %dma_wait3A_858 = tpu.memref_slice %arg17[%run_scoped3A, %dma_wait3A_856, %dma_wait3A_857] : memref<2x128x80xf32, #tpu.memory_space<vmem>> -> memref<1x128x16xf32, #tpu.memory_space<vmem>>
        %dma_wait3A_859 = tpu.memref_squeeze %dma_wait3A_858 : memref<1x128x16xf32, #tpu.memory_space<vmem>> -> memref<128x16xf32, #tpu.memory_space<vmem>>
        %dma_wait3A_860 = arith.constant 0 : i32
        %dma_wait3A_861 = arith.constant 64 : i32
        %dma_wait3A_862 = tpu.memref_slice %arg17[%run_scoped3A, %dma_wait3A_860, %dma_wait3A_861] : memref<2x128x80xf32, #tpu.memory_space<vmem>> -> memref<1x128x16xf32, #tpu.memory_space<vmem>>
        %dma_wait3A_863 = tpu.memref_squeeze %dma_wait3A_862 : memref<1x128x16xf32, #tpu.memory_space<vmem>> -> memref<128x16xf32, #tpu.memory_space<vmem>>
        tpu.wait_dma2 semaphore(%run_scoped3A_847 : memref<!tpu.dma_semaphore, #tpu.memory_space<semaphore_mem>>) src(%arg7 : memref<128x16xf32, #tpu.memory_space<hbm>>) dst(%dma_wait3A_863 : memref<128x16xf32, #tpu.memory_space<vmem>>)
        tpu.yield
      }) : () -> ()
      %run_scoped3A_238 = arith.constant 1 : i32
      "tpu.region"() ({
        %run_scoped3A_847 = tpu.sem_alloc : memref<!tpu.dma_semaphore, #tpu.memory_space<semaphore_mem>>
        %dma_start3A_848 = arith.constant 0 : i32
        %dma_start3A_849 = arith.constant 64 : i32
        %dma_start3A_850 = tpu.memref_slice %arg17[%run_scoped3A_238, %dma_start3A_848, %dma_start3A_849] : memref<2x128x80xf32, #tpu.memory_space<vmem>> -> memref<1x128x16xf32, #tpu.memory_space<vmem>>
        %dma_start3A_851 = tpu.memref_squeeze %dma_start3A_850 : memref<1x128x16xf32, #tpu.memory_space<vmem>> -> memref<128x16xf32, #tpu.memory_space<vmem>>
        %dma_start3A_852 = arith.constant 0 : i32
        %dma_start3A_853 = arith.constant 64 : i32
        %dma_start3A_854 = tpu.memref_slice %arg17[%run_scoped3A_238, %dma_start3A_852, %dma_start3A_853] : memref<2x128x80xf32, #tpu.memory_space<vmem>> -> memref<1x128x16xf32, #tpu.memory_space<vmem>>
        %dma_start3A_855 = tpu.memref_squeeze %dma_start3A_854 : memref<1x128x16xf32, #tpu.memory_space<vmem>> -> memref<128x16xf32, #tpu.memory_space<vmem>>
        tpu.enqueue_dma source(%arg7 : memref<128x16xf32, #tpu.memory_space<hbm>>) target(%dma_start3A_855 : memref<128x16xf32, #tpu.memory_space<vmem>>) target_semaphore(%run_scoped3A_847 : memref<!tpu.dma_semaphore, #tpu.memory_space<semaphore_mem>>)
        %dma_wait3A_856 = arith.constant 0 : i32
        %dma_wait3A_857 = arith.constant 64 : i32
        %dma_wait3A_858 = tpu.memref_slice %arg17[%run_scoped3A_238, %dma_wait3A_856, %dma_wait3A_857] : memref<2x128x80xf32, #tpu.memory_space<vmem>> -> memref<1x128x16xf32, #tpu.memory_space<vmem>>
        %dma_wait3A_859 = tpu.memref_squeeze %dma_wait3A_858 : memref<1x128x16xf32, #tpu.memory_space<vmem>> -> memref<128x16xf32, #tpu.memory_space<vmem>>
        %dma_wait3A_860 = arith.constant 0 : i32
        %dma_wait3A_861 = arith.constant 64 : i32
        %dma_wait3A_862 = tpu.memref_slice %arg17[%run_scoped3A_238, %dma_wait3A_860, %dma_wait3A_861] : memref<2x128x80xf32, #tpu.memory_space<vmem>> -> memref<1x128x16xf32, #tpu.memory_space<vmem>>
        %dma_wait3A_863 = tpu.memref_squeeze %dma_wait3A_862 : memref<1x128x16xf32, #tpu.memory_space<vmem>> -> memref<128x16xf32, #tpu.memory_space<vmem>>
        tpu.wait_dma2 semaphore(%run_scoped3A_847 : memref<!tpu.dma_semaphore, #tpu.memory_space<semaphore_mem>>) src(%arg7 : memref<128x16xf32, #tpu.memory_space<hbm>>) dst(%dma_wait3A_863 : memref<128x16xf32, #tpu.memory_space<vmem>>)
        tpu.yield
      }) : () -> ()
      %dma_start3A_239 = arith.constant 0 : i32
      %dma_start3A_240 = arith.constant 0 : i32
      %dma_start3A_241 = arith.constant 0 : i32
      %dma_start3A_242 = tpu.memref_slice %arg15[%dma_start3A_240, %dma_start3A_241] : memref<8x128xi32, #tpu.memory_space<vmem>> -> memref<1x128xi32, #tpu.memory_space<vmem>>
      %dma_start3A_243 = tpu.memref_squeeze %dma_start3A_242 : memref<1x128xi32, #tpu.memory_space<vmem>> -> memref<128xi32, #tpu.memory_space<vmem>>
      %dma_start3A_244 = arith.constant 0 : i32
      %dma_start3A_245 = tpu.memref_slice %arg13[%dma_start3A_239, %dma_start3A_244] : memref<8x128xi32, #tpu.memory_space<vmem>> -> memref<1x128xi32, #tpu.memory_space<vmem>>
      %dma_start3A_246 = tpu.memref_squeeze %dma_start3A_245 : memref<1x128xi32, #tpu.memory_space<vmem>> -> memref<128xi32, #tpu.memory_space<vmem>>
      %dma_start3A_247 = arith.constant 0 : i32
      %dma_start3A_248 = tpu.memref_slice %arg10[%dma_start3A_247] : memref<100000xi32, #tpu.memory_space<vmem_shared>> -> memref<100000xi32, #tpu.memory_space<vmem_shared>>
      tpu.enqueue_indirect_dma source(%dma_start3A_248 : memref<100000xi32, #tpu.memory_space<vmem_shared>>) target(%dma_start3A_243 : memref<128xi32, #tpu.memory_space<vmem>>) offsets(%dma_start3A_246 : memref<128xi32, #tpu.memory_space<vmem>>) semaphore(%arg18 : memref<!tpu.dma_semaphore, #tpu.memory_space<semaphore_mem>>)
      %dma_start3A_249 = arith.constant 1 : i32
      %dma_start3A_250 = arith.constant 1 : i32
      %dma_start3A_251 = arith.constant 0 : i32
      %dma_start3A_252 = tpu.memref_slice %arg15[%dma_start3A_250, %dma_start3A_251] : memref<8x128xi32, #tpu.memory_space<vmem>> -> memref<1x128xi32, #tpu.memory_space<vmem>>
      %dma_start3A_253 = tpu.memref_squeeze %dma_start3A_252 : memref<1x128xi32, #tpu.memory_space<vmem>> -> memref<128xi32, #tpu.memory_space<vmem>>
      %dma_start3A_254 = arith.constant 0 : i32
      %dma_start3A_255 = tpu.memref_slice %arg13[%dma_start3A_249, %dma_start3A_254] : memref<8x128xi32, #tpu.memory_space<vmem>> -> memref<1x128xi32, #tpu.memory_space<vmem>>
      %dma_start3A_256 = tpu.memref_squeeze %dma_start3A_255 : memref<1x128xi32, #tpu.memory_space<vmem>> -> memref<128xi32, #tpu.memory_space<vmem>>
      %dma_start3A_257 = arith.constant 0 : i32
      %dma_start3A_258 = tpu.memref_slice %arg10[%dma_start3A_257] : memref<100000xi32, #tpu.memory_space<vmem_shared>> -> memref<100000xi32, #tpu.memory_space<vmem_shared>>
      tpu.enqueue_indirect_dma source(%dma_start3A_258 : memref<100000xi32, #tpu.memory_space<vmem_shared>>) target(%dma_start3A_253 : memref<128xi32, #tpu.memory_space<vmem>>) offsets(%dma_start3A_256 : memref<128xi32, #tpu.memory_space<vmem>>) semaphore(%arg18 : memref<!tpu.dma_semaphore, #tpu.memory_space<semaphore_mem>>)
      %dma_start3A_259 = arith.constant 2 : i32
      %dma_start3A_260 = arith.constant 2 : i32
      %dma_start3A_261 = arith.constant 0 : i32
      %dma_start3A_262 = tpu.memref_slice %arg15[%dma_start3A_260, %dma_start3A_261] : memref<8x128xi32, #tpu.memory_space<vmem>> -> memref<1x128xi32, #tpu.memory_space<vmem>>
      %dma_start3A_263 = tpu.memref_squeeze %dma_start3A_262 : memref<1x128xi32, #tpu.memory_space<vmem>> -> memref<128xi32, #tpu.memory_space<vmem>>
      %dma_start3A_264 = arith.constant 0 : i32
      %dma_start3A_265 = tpu.memref_slice %arg13[%dma_start3A_259, %dma_start3A_264] : memref<8x128xi32, #tpu.memory_space<vmem>> -> memref<1x128xi32, #tpu.memory_space<vmem>>
      %dma_start3A_266 = tpu.memref_squeeze %dma_start3A_265 : memref<1x128xi32, #tpu.memory_space<vmem>> -> memref<128xi32, #tpu.memory_space<vmem>>
      %dma_start3A_267 = arith.constant 0 : i32
      %dma_start3A_268 = tpu.memref_slice %arg10[%dma_start3A_267] : memref<100000xi32, #tpu.memory_space<vmem_shared>> -> memref<100000xi32, #tpu.memory_space<vmem_shared>>
      tpu.enqueue_indirect_dma source(%dma_start3A_268 : memref<100000xi32, #tpu.memory_space<vmem_shared>>) target(%dma_start3A_263 : memref<128xi32, #tpu.memory_space<vmem>>) offsets(%dma_start3A_266 : memref<128xi32, #tpu.memory_space<vmem>>) semaphore(%arg18 : memref<!tpu.dma_semaphore, #tpu.memory_space<semaphore_mem>>)
      %dma_start3A_269 = arith.constant 3 : i32
      %dma_start3A_270 = arith.constant 3 : i32
      %dma_start3A_271 = arith.constant 0 : i32
      %dma_start3A_272 = tpu.memref_slice %arg15[%dma_start3A_270, %dma_start3A_271] : memref<8x128xi32, #tpu.memory_space<vmem>> -> memref<1x128xi32, #tpu.memory_space<vmem>>
      %dma_start3A_273 = tpu.memref_squeeze %dma_start3A_272 : memref<1x128xi32, #tpu.memory_space<vmem>> -> memref<128xi32, #tpu.memory_space<vmem>>
      %dma_start3A_274 = arith.constant 0 : i32
      %dma_start3A_275 = tpu.memref_slice %arg13[%dma_start3A_269, %dma_start3A_274] : memref<8x128xi32, #tpu.memory_space<vmem>> -> memref<1x128xi32, #tpu.memory_space<vmem>>
      %dma_start3A_276 = tpu.memref_squeeze %dma_start3A_275 : memref<1x128xi32, #tpu.memory_space<vmem>> -> memref<128xi32, #tpu.memory_space<vmem>>
      %dma_start3A_277 = arith.constant 0 : i32
      %dma_start3A_278 = tpu.memref_slice %arg10[%dma_start3A_277] : memref<100000xi32, #tpu.memory_space<vmem_shared>> -> memref<100000xi32, #tpu.memory_space<vmem_shared>>
      tpu.enqueue_indirect_dma source(%dma_start3A_278 : memref<100000xi32, #tpu.memory_space<vmem_shared>>) target(%dma_start3A_273 : memref<128xi32, #tpu.memory_space<vmem>>) offsets(%dma_start3A_276 : memref<128xi32, #tpu.memory_space<vmem>>) semaphore(%arg18 : memref<!tpu.dma_semaphore, #tpu.memory_space<semaphore_mem>>)
      %dma_start3A_279 = arith.constant 4 : i32
      %dma_start3A_280 = arith.constant 4 : i32
      %dma_start3A_281 = arith.constant 0 : i32
      %dma_start3A_282 = tpu.memref_slice %arg15[%dma_start3A_280, %dma_start3A_281] : memref<8x128xi32, #tpu.memory_space<vmem>> -> memref<1x128xi32, #tpu.memory_space<vmem>>
      %dma_start3A_283 = tpu.memref_squeeze %dma_start3A_282 : memref<1x128xi32, #tpu.memory_space<vmem>> -> memref<128xi32, #tpu.memory_space<vmem>>
      %dma_start3A_284 = arith.constant 0 : i32
      %dma_start3A_285 = tpu.memref_slice %arg13[%dma_start3A_279, %dma_start3A_284] : memref<8x128xi32, #tpu.memory_space<vmem>> -> memref<1x128xi32, #tpu.memory_space<vmem>>
      %dma_start3A_286 = tpu.memref_squeeze %dma_start3A_285 : memref<1x128xi32, #tpu.memory_space<vmem>> -> memref<128xi32, #tpu.memory_space<vmem>>
      %dma_start3A_287 = arith.constant 0 : i32
      %dma_start3A_288 = tpu.memref_slice %arg10[%dma_start3A_287] : memref<100000xi32, #tpu.memory_space<vmem_shared>> -> memref<100000xi32, #tpu.memory_space<vmem_shared>>
      tpu.enqueue_indirect_dma source(%dma_start3A_288 : memref<100000xi32, #tpu.memory_space<vmem_shared>>) target(%dma_start3A_283 : memref<128xi32, #tpu.memory_space<vmem>>) offsets(%dma_start3A_286 : memref<128xi32, #tpu.memory_space<vmem>>) semaphore(%arg18 : memref<!tpu.dma_semaphore, #tpu.memory_space<semaphore_mem>>)
      %dma_start3A_289 = arith.constant 5 : i32
      %dma_start3A_290 = arith.constant 5 : i32
      %dma_start3A_291 = arith.constant 0 : i32
      %dma_start3A_292 = tpu.memref_slice %arg15[%dma_start3A_290, %dma_start3A_291] : memref<8x128xi32, #tpu.memory_space<vmem>> -> memref<1x128xi32, #tpu.memory_space<vmem>>
      %dma_start3A_293 = tpu.memref_squeeze %dma_start3A_292 : memref<1x128xi32, #tpu.memory_space<vmem>> -> memref<128xi32, #tpu.memory_space<vmem>>
      %dma_start3A_294 = arith.constant 0 : i32
      %dma_start3A_295 = tpu.memref_slice %arg13[%dma_start3A_289, %dma_start3A_294] : memref<8x128xi32, #tpu.memory_space<vmem>> -> memref<1x128xi32, #tpu.memory_space<vmem>>
      %dma_start3A_296 = tpu.memref_squeeze %dma_start3A_295 : memref<1x128xi32, #tpu.memory_space<vmem>> -> memref<128xi32, #tpu.memory_space<vmem>>
      %dma_start3A_297 = arith.constant 0 : i32
      %dma_start3A_298 = tpu.memref_slice %arg10[%dma_start3A_297] : memref<100000xi32, #tpu.memory_space<vmem_shared>> -> memref<100000xi32, #tpu.memory_space<vmem_shared>>
      tpu.enqueue_indirect_dma source(%dma_start3A_298 : memref<100000xi32, #tpu.memory_space<vmem_shared>>) target(%dma_start3A_293 : memref<128xi32, #tpu.memory_space<vmem>>) offsets(%dma_start3A_296 : memref<128xi32, #tpu.memory_space<vmem>>) semaphore(%arg18 : memref<!tpu.dma_semaphore, #tpu.memory_space<semaphore_mem>>)
      %dma_start3A_299 = arith.constant 6 : i32
      %dma_start3A_300 = arith.constant 6 : i32
      %dma_start3A_301 = arith.constant 0 : i32
      %dma_start3A_302 = tpu.memref_slice %arg15[%dma_start3A_300, %dma_start3A_301] : memref<8x128xi32, #tpu.memory_space<vmem>> -> memref<1x128xi32, #tpu.memory_space<vmem>>
      %dma_start3A_303 = tpu.memref_squeeze %dma_start3A_302 : memref<1x128xi32, #tpu.memory_space<vmem>> -> memref<128xi32, #tpu.memory_space<vmem>>
      %dma_start3A_304 = arith.constant 0 : i32
      %dma_start3A_305 = tpu.memref_slice %arg13[%dma_start3A_299, %dma_start3A_304] : memref<8x128xi32, #tpu.memory_space<vmem>> -> memref<1x128xi32, #tpu.memory_space<vmem>>
      %dma_start3A_306 = tpu.memref_squeeze %dma_start3A_305 : memref<1x128xi32, #tpu.memory_space<vmem>> -> memref<128xi32, #tpu.memory_space<vmem>>
      %dma_start3A_307 = arith.constant 0 : i32
      %dma_start3A_308 = tpu.memref_slice %arg10[%dma_start3A_307] : memref<100000xi32, #tpu.memory_space<vmem_shared>> -> memref<100000xi32, #tpu.memory_space<vmem_shared>>
      tpu.enqueue_indirect_dma source(%dma_start3A_308 : memref<100000xi32, #tpu.memory_space<vmem_shared>>) target(%dma_start3A_303 : memref<128xi32, #tpu.memory_space<vmem>>) offsets(%dma_start3A_306 : memref<128xi32, #tpu.memory_space<vmem>>) semaphore(%arg18 : memref<!tpu.dma_semaphore, #tpu.memory_space<semaphore_mem>>)
      %dma_start3A_309 = arith.constant 7 : i32
      %dma_start3A_310 = arith.constant 7 : i32
      %dma_start3A_311 = arith.constant 0 : i32
      %dma_start3A_312 = tpu.memref_slice %arg15[%dma_start3A_310, %dma_start3A_311] : memref<8x128xi32, #tpu.memory_space<vmem>> -> memref<1x128xi32, #tpu.memory_space<vmem>>
      %dma_start3A_313 = tpu.memref_squeeze %dma_start3A_312 : memref<1x128xi32, #tpu.memory_space<vmem>> -> memref<128xi32, #tpu.memory_space<vmem>>
      %dma_start3A_314 = arith.constant 0 : i32
      %dma_start3A_315 = tpu.memref_slice %arg13[%dma_start3A_309, %dma_start3A_314] : memref<8x128xi32, #tpu.memory_space<vmem>> -> memref<1x128xi32, #tpu.memory_space<vmem>>
      %dma_start3A_316 = tpu.memref_squeeze %dma_start3A_315 : memref<1x128xi32, #tpu.memory_space<vmem>> -> memref<128xi32, #tpu.memory_space<vmem>>
      %dma_start3A_317 = arith.constant 0 : i32
      %dma_start3A_318 = tpu.memref_slice %arg10[%dma_start3A_317] : memref<100000xi32, #tpu.memory_space<vmem_shared>> -> memref<100000xi32, #tpu.memory_space<vmem_shared>>
      tpu.enqueue_indirect_dma source(%dma_start3A_318 : memref<100000xi32, #tpu.memory_space<vmem_shared>>) target(%dma_start3A_313 : memref<128xi32, #tpu.memory_space<vmem>>) offsets(%dma_start3A_316 : memref<128xi32, #tpu.memory_space<vmem>>) semaphore(%arg18 : memref<!tpu.dma_semaphore, #tpu.memory_space<semaphore_mem>>)
      %mul3A_319 = arith.constant 8 : i32
      %mul3A_320 = arith.muli %arg1, %mul3A_319 : i32
      %add3A_321 = arith.constant 0 : i32
      %add3A_322 = arith.addi %mul3A_320, %add3A_321 : i32
      %mul3A_323 = arith.constant 128 : i32
      %mul3A_324 = arith.muli %add3A_322, %mul3A_323 : i32
      %dma_start3A_325 = arith.constant 0 : i32
      %dma_start3A_326 = arith.constant 0 : i32
      %dma_start3A_327 = arith.constant 0 : i32
      %dma_start3A_328 = tpu.memref_slice %arg17[%dma_start3A_325, %dma_start3A_326, %dma_start3A_327] : memref<2x128x80xf32, #tpu.memory_space<vmem>> -> memref<1x128x64xf32, #tpu.memory_space<vmem>>
      %dma_start3A_329 = tpu.memref_squeeze %dma_start3A_328 : memref<1x128x64xf32, #tpu.memory_space<vmem>> -> memref<128x64xf32, #tpu.memory_space<vmem>>
      %dma_start3A_330 = arith.constant 0 : i32
      %dma_start3A_331 = tpu.memref_slice %arg5[%mul3A_324, %dma_start3A_330] : memref<16384x64xf32, #tpu.memory_space<hbm>> -> memref<128x64xf32, #tpu.memory_space<hbm>>
      %dma_start3A_332 = arith.constant 0 : i32
      %dma_start3A_333 = arith.constant 0 : i32
      %dma_start3A_334 = tpu.memref_slice %arg17[%dma_start3A_325, %dma_start3A_332, %dma_start3A_333] : memref<2x128x80xf32, #tpu.memory_space<vmem>> -> memref<1x128x64xf32, #tpu.memory_space<vmem>>
      %dma_start3A_335 = tpu.memref_squeeze %dma_start3A_334 : memref<1x128x64xf32, #tpu.memory_space<vmem>> -> memref<128x64xf32, #tpu.memory_space<vmem>>
      %dma_start3A_336 = arith.constant 0 : i32
      %dma_start3A_337 = tpu.memref_slice %arg5[%mul3A_324, %dma_start3A_336] : memref<16384x64xf32, #tpu.memory_space<hbm>> -> memref<128x64xf32, #tpu.memory_space<hbm>>
      tpu.enqueue_dma source(%dma_start3A_337 : memref<128x64xf32, #tpu.memory_space<hbm>>) target(%dma_start3A_335 : memref<128x64xf32, #tpu.memory_space<vmem>>) target_semaphore(%arg19 : memref<!tpu.dma_semaphore, #tpu.memory_space<semaphore_mem>>)
      %mul3A_338 = arith.constant 8 : i32
      %mul3A_339 = arith.muli %arg1, %mul3A_338 : i32
      %add3A_340 = arith.constant 1 : i32
      %add3A_341 = arith.addi %mul3A_339, %add3A_340 : i32
      %mul3A_342 = arith.constant 128 : i32
      %mul3A_343 = arith.muli %add3A_341, %mul3A_342 : i32
      %dma_start3A_344 = arith.constant 1 : i32
      %dma_start3A_345 = arith.constant 0 : i32
      %dma_start3A_346 = arith.constant 0 : i32
      %dma_start3A_347 = tpu.memref_slice %arg17[%dma_start3A_344, %dma_start3A_345, %dma_start3A_346] : memref<2x128x80xf32, #tpu.memory_space<vmem>> -> memref<1x128x64xf32, #tpu.memory_space<vmem>>
      %dma_start3A_348 = tpu.memref_squeeze %dma_start3A_347 : memref<1x128x64xf32, #tpu.memory_space<vmem>> -> memref<128x64xf32, #tpu.memory_space<vmem>>
      %dma_start3A_349 = arith.constant 0 : i32
      %dma_start3A_350 = tpu.memref_slice %arg5[%mul3A_343, %dma_start3A_349] : memref<16384x64xf32, #tpu.memory_space<hbm>> -> memref<128x64xf32, #tpu.memory_space<hbm>>
      %dma_start3A_351 = arith.constant 0 : i32
      %dma_start3A_352 = arith.constant 0 : i32
      %dma_start3A_353 = tpu.memref_slice %arg17[%dma_start3A_344, %dma_start3A_351, %dma_start3A_352] : memref<2x128x80xf32, #tpu.memory_space<vmem>> -> memref<1x128x64xf32, #tpu.memory_space<vmem>>
      %dma_start3A_354 = tpu.memref_squeeze %dma_start3A_353 : memref<1x128x64xf32, #tpu.memory_space<vmem>> -> memref<128x64xf32, #tpu.memory_space<vmem>>
      %dma_start3A_355 = arith.constant 0 : i32
      %dma_start3A_356 = tpu.memref_slice %arg5[%mul3A_343, %dma_start3A_355] : memref<16384x64xf32, #tpu.memory_space<hbm>> -> memref<128x64xf32, #tpu.memory_space<hbm>>
      tpu.enqueue_dma source(%dma_start3A_356 : memref<128x64xf32, #tpu.memory_space<hbm>>) target(%dma_start3A_354 : memref<128x64xf32, #tpu.memory_space<vmem>>) target_semaphore(%arg19 : memref<!tpu.dma_semaphore, #tpu.memory_space<semaphore_mem>>)
      %dma_wait3A_357 = arith.constant 0 : i32
      %dma_wait3A_358 = arith.constant 0 : i32
      %dma_wait3A_359 = arith.constant 0 : i32
      %dma_wait3A_360 = tpu.memref_slice %arg15[%dma_wait3A_358, %dma_wait3A_359] : memref<8x128xi32, #tpu.memory_space<vmem>> -> memref<1x128xi32, #tpu.memory_space<vmem>>
      %dma_wait3A_361 = tpu.memref_squeeze %dma_wait3A_360 : memref<1x128xi32, #tpu.memory_space<vmem>> -> memref<128xi32, #tpu.memory_space<vmem>>
      %dma_wait3A_362 = arith.constant 0 : i32
      %dma_wait3A_363 = tpu.memref_slice %arg13[%dma_wait3A_357, %dma_wait3A_362] : memref<8x128xi32, #tpu.memory_space<vmem>> -> memref<1x128xi32, #tpu.memory_space<vmem>>
      %dma_wait3A_364 = tpu.memref_squeeze %dma_wait3A_363 : memref<1x128xi32, #tpu.memory_space<vmem>> -> memref<128xi32, #tpu.memory_space<vmem>>
      %dma_wait3A_365 = arith.constant 0 : i32
      %dma_wait3A_366 = tpu.memref_slice %arg10[%dma_wait3A_365] : memref<100000xi32, #tpu.memory_space<vmem_shared>> -> memref<100000xi32, #tpu.memory_space<vmem_shared>>
      tpu.wait_indirect_dma semaphore(%arg18 : memref<!tpu.dma_semaphore, #tpu.memory_space<semaphore_mem>>) src(%dma_wait3A_366 : memref<100000xi32, #tpu.memory_space<vmem_shared>>) dst(%dma_wait3A_361 : memref<128xi32, #tpu.memory_space<vmem>>)
      %dma_wait3A_367 = arith.constant 0 : i32
      %dma_wait3A_368 = arith.constant 0 : i32
      %dma_wait3A_369 = arith.constant 0 : i32
      %dma_wait3A_370 = tpu.memref_slice %arg17[%dma_wait3A_367, %dma_wait3A_368, %dma_wait3A_369] : memref<2x128x80xf32, #tpu.memory_space<vmem>> -> memref<1x128x64xf32, #tpu.memory_space<vmem>>
      %dma_wait3A_371 = tpu.memref_squeeze %dma_wait3A_370 : memref<1x128x64xf32, #tpu.memory_space<vmem>> -> memref<128x64xf32, #tpu.memory_space<vmem>>
      %dma_wait3A_372 = arith.constant 0 : i32
      %dma_wait3A_373 = tpu.memref_slice %arg5[%mul3A_324, %dma_wait3A_372] : memref<16384x64xf32, #tpu.memory_space<hbm>> -> memref<128x64xf32, #tpu.memory_space<hbm>>
      %dma_wait3A_374 = arith.constant 0 : i32
      %dma_wait3A_375 = arith.constant 0 : i32
      %dma_wait3A_376 = tpu.memref_slice %arg17[%dma_wait3A_367, %dma_wait3A_374, %dma_wait3A_375] : memref<2x128x80xf32, #tpu.memory_space<vmem>> -> memref<1x128x64xf32, #tpu.memory_space<vmem>>
      %dma_wait3A_377 = tpu.memref_squeeze %dma_wait3A_376 : memref<1x128x64xf32, #tpu.memory_space<vmem>> -> memref<128x64xf32, #tpu.memory_space<vmem>>
      %dma_wait3A_378 = arith.constant 0 : i32
      %dma_wait3A_379 = tpu.memref_slice %arg5[%mul3A_324, %dma_wait3A_378] : memref<16384x64xf32, #tpu.memory_space<hbm>> -> memref<128x64xf32, #tpu.memory_space<hbm>>
      tpu.wait_dma2 semaphore(%arg19 : memref<!tpu.dma_semaphore, #tpu.memory_space<semaphore_mem>>) src(%dma_wait3A_379 : memref<128x64xf32, #tpu.memory_space<hbm>>) dst(%dma_wait3A_377 : memref<128x64xf32, #tpu.memory_space<vmem>>)
      %dma_start3A_380 = arith.constant 0 : i32
      %dma_start3A_381 = arith.constant 0 : i32
      %dma_start3A_382 = arith.constant 0 : i32
      %dma_start3A_383 = arith.constant 0 : i32
      %dma_start3A_384 = tpu.memref_slice %arg17[%dma_start3A_380, %dma_start3A_382, %dma_start3A_383] : memref<2x128x80xf32, #tpu.memory_space<vmem>> -> memref<1x128x80xf32, #tpu.memory_space<vmem>>
      %dma_start3A_385 = tpu.memref_squeeze %dma_start3A_384 : memref<1x128x80xf32, #tpu.memory_space<vmem>> -> memref<128x80xf32, #tpu.memory_space<vmem>>
      %dma_start3A_386 = arith.constant 0 : i32
      %dma_start3A_387 = tpu.memref_slice %arg15[%dma_start3A_381, %dma_start3A_386] : memref<8x128xi32, #tpu.memory_space<vmem>> -> memref<1x128xi32, #tpu.memory_space<vmem>>
      %dma_start3A_388 = tpu.memref_squeeze %dma_start3A_387 : memref<1x128xi32, #tpu.memory_space<vmem>> -> memref<128xi32, #tpu.memory_space<vmem>>
      %dma_start3A_389 = arith.constant 0 : i32
      %dma_start3A_390 = arith.constant 0 : i32
      %dma_start3A_391 = tpu.memref_slice %arg11[%dma_start3A_389, %dma_start3A_390] : memref<16384x80xf32, #tpu.memory_space<vmem_shared>> -> memref<16384x80xf32, #tpu.memory_space<vmem_shared>>
      tpu.enqueue_indirect_dma source(%dma_start3A_385 : memref<128x80xf32, #tpu.memory_space<vmem>>) target(%dma_start3A_391 : memref<16384x80xf32, #tpu.memory_space<vmem_shared>>) offsets(%dma_start3A_388 : memref<128xi32, #tpu.memory_space<vmem>>) semaphore(%arg20 : memref<!tpu.dma_semaphore, #tpu.memory_space<semaphore_mem>>) {add = true}
      %dma_wait3A_392 = arith.constant 0 : i32
      %dma_wait3A_393 = arith.constant 0 : i32
      %dma_wait3A_394 = arith.constant 0 : i32
      %dma_wait3A_395 = arith.constant 0 : i32
      %dma_wait3A_396 = tpu.memref_slice %arg17[%dma_wait3A_392, %dma_wait3A_394, %dma_wait3A_395] : memref<2x128x80xf32, #tpu.memory_space<vmem>> -> memref<1x128x80xf32, #tpu.memory_space<vmem>>
      %dma_wait3A_397 = tpu.memref_squeeze %dma_wait3A_396 : memref<1x128x80xf32, #tpu.memory_space<vmem>> -> memref<128x80xf32, #tpu.memory_space<vmem>>
      %dma_wait3A_398 = arith.constant 0 : i32
      %dma_wait3A_399 = tpu.memref_slice %arg15[%dma_wait3A_393, %dma_wait3A_398] : memref<8x128xi32, #tpu.memory_space<vmem>> -> memref<1x128xi32, #tpu.memory_space<vmem>>
      %dma_wait3A_400 = tpu.memref_squeeze %dma_wait3A_399 : memref<1x128xi32, #tpu.memory_space<vmem>> -> memref<128xi32, #tpu.memory_space<vmem>>
      %dma_wait3A_401 = arith.constant 0 : i32
      %dma_wait3A_402 = arith.constant 0 : i32
      %dma_wait3A_403 = tpu.memref_slice %arg11[%dma_wait3A_401, %dma_wait3A_402] : memref<16384x80xf32, #tpu.memory_space<vmem_shared>> -> memref<16384x80xf32, #tpu.memory_space<vmem_shared>>
      tpu.wait_indirect_dma semaphore(%arg20 : memref<!tpu.dma_semaphore, #tpu.memory_space<semaphore_mem>>) src(%dma_wait3A_397 : memref<128x80xf32, #tpu.memory_space<vmem>>) dst(%dma_wait3A_403 : memref<16384x80xf32, #tpu.memory_space<vmem_shared>>)
      %mul3A_404 = arith.constant 8 : i32
      %mul3A_405 = arith.muli %arg1, %mul3A_404 : i32
      %add3A_406 = arith.constant 2 : i32
      %add3A_407 = arith.addi %mul3A_405, %add3A_406 : i32
      %mul3A_408 = arith.constant 128 : i32
      %mul3A_409 = arith.muli %add3A_407, %mul3A_408 : i32
      %dma_start3A_410 = arith.constant 0 : i32
      %dma_start3A_411 = arith.constant 0 : i32
      %dma_start3A_412 = arith.constant 0 : i32
      %dma_start3A_413 = tpu.memref_slice %arg17[%dma_start3A_410, %dma_start3A_411, %dma_start3A_412] : memref<2x128x80xf32, #tpu.memory_space<vmem>> -> memref<1x128x64xf32, #tpu.memory_space<vmem>>
      %dma_start3A_414 = tpu.memref_squeeze %dma_start3A_413 : memref<1x128x64xf32, #tpu.memory_space<vmem>> -> memref<128x64xf32, #tpu.memory_space<vmem>>
      %dma_start3A_415 = arith.constant 0 : i32
      %dma_start3A_416 = tpu.memref_slice %arg5[%mul3A_409, %dma_start3A_415] : memref<16384x64xf32, #tpu.memory_space<hbm>> -> memref<128x64xf32, #tpu.memory_space<hbm>>
      %dma_start3A_417 = arith.constant 0 : i32
      %dma_start3A_418 = arith.constant 0 : i32
      %dma_start3A_419 = tpu.memref_slice %arg17[%dma_start3A_410, %dma_start3A_417, %dma_start3A_418] : memref<2x128x80xf32, #tpu.memory_space<vmem>> -> memref<1x128x64xf32, #tpu.memory_space<vmem>>
      %dma_start3A_420 = tpu.memref_squeeze %dma_start3A_419 : memref<1x128x64xf32, #tpu.memory_space<vmem>> -> memref<128x64xf32, #tpu.memory_space<vmem>>
      %dma_start3A_421 = arith.constant 0 : i32
      %dma_start3A_422 = tpu.memref_slice %arg5[%mul3A_409, %dma_start3A_421] : memref<16384x64xf32, #tpu.memory_space<hbm>> -> memref<128x64xf32, #tpu.memory_space<hbm>>
      tpu.enqueue_dma source(%dma_start3A_422 : memref<128x64xf32, #tpu.memory_space<hbm>>) target(%dma_start3A_420 : memref<128x64xf32, #tpu.memory_space<vmem>>) target_semaphore(%arg19 : memref<!tpu.dma_semaphore, #tpu.memory_space<semaphore_mem>>)
      %dma_wait3A_423 = arith.constant 1 : i32
      %dma_wait3A_424 = arith.constant 1 : i32
      %dma_wait3A_425 = arith.constant 0 : i32
      %dma_wait3A_426 = tpu.memref_slice %arg15[%dma_wait3A_424, %dma_wait3A_425] : memref<8x128xi32, #tpu.memory_space<vmem>> -> memref<1x128xi32, #tpu.memory_space<vmem>>
      %dma_wait3A_427 = tpu.memref_squeeze %dma_wait3A_426 : memref<1x128xi32, #tpu.memory_space<vmem>> -> memref<128xi32, #tpu.memory_space<vmem>>
      %dma_wait3A_428 = arith.constant 0 : i32
      %dma_wait3A_429 = tpu.memref_slice %arg13[%dma_wait3A_423, %dma_wait3A_428] : memref<8x128xi32, #tpu.memory_space<vmem>> -> memref<1x128xi32, #tpu.memory_space<vmem>>
      %dma_wait3A_430 = tpu.memref_squeeze %dma_wait3A_429 : memref<1x128xi32, #tpu.memory_space<vmem>> -> memref<128xi32, #tpu.memory_space<vmem>>
      %dma_wait3A_431 = arith.constant 0 : i32
      %dma_wait3A_432 = tpu.memref_slice %arg10[%dma_wait3A_431] : memref<100000xi32, #tpu.memory_space<vmem_shared>> -> memref<100000xi32, #tpu.memory_space<vmem_shared>>
      tpu.wait_indirect_dma semaphore(%arg18 : memref<!tpu.dma_semaphore, #tpu.memory_space<semaphore_mem>>) src(%dma_wait3A_432 : memref<100000xi32, #tpu.memory_space<vmem_shared>>) dst(%dma_wait3A_427 : memref<128xi32, #tpu.memory_space<vmem>>)
      %dma_wait3A_433 = arith.constant 1 : i32
      %dma_wait3A_434 = arith.constant 0 : i32
      %dma_wait3A_435 = arith.constant 0 : i32
      %dma_wait3A_436 = tpu.memref_slice %arg17[%dma_wait3A_433, %dma_wait3A_434, %dma_wait3A_435] : memref<2x128x80xf32, #tpu.memory_space<vmem>> -> memref<1x128x64xf32, #tpu.memory_space<vmem>>
      %dma_wait3A_437 = tpu.memref_squeeze %dma_wait3A_436 : memref<1x128x64xf32, #tpu.memory_space<vmem>> -> memref<128x64xf32, #tpu.memory_space<vmem>>
      %dma_wait3A_438 = arith.constant 0 : i32
      %dma_wait3A_439 = tpu.memref_slice %arg5[%mul3A_343, %dma_wait3A_438] : memref<16384x64xf32, #tpu.memory_space<hbm>> -> memref<128x64xf32, #tpu.memory_space<hbm>>
      %dma_wait3A_440 = arith.constant 0 : i32
      %dma_wait3A_441 = arith.constant 0 : i32
      %dma_wait3A_442 = tpu.memref_slice %arg17[%dma_wait3A_433, %dma_wait3A_440, %dma_wait3A_441] : memref<2x128x80xf32, #tpu.memory_space<vmem>> -> memref<1x128x64xf32, #tpu.memory_space<vmem>>
      %dma_wait3A_443 = tpu.memref_squeeze %dma_wait3A_442 : memref<1x128x64xf32, #tpu.memory_space<vmem>> -> memref<128x64xf32, #tpu.memory_space<vmem>>
      %dma_wait3A_444 = arith.constant 0 : i32
      %dma_wait3A_445 = tpu.memref_slice %arg5[%mul3A_343, %dma_wait3A_444] : memref<16384x64xf32, #tpu.memory_space<hbm>> -> memref<128x64xf32, #tpu.memory_space<hbm>>
      tpu.wait_dma2 semaphore(%arg19 : memref<!tpu.dma_semaphore, #tpu.memory_space<semaphore_mem>>) src(%dma_wait3A_445 : memref<128x64xf32, #tpu.memory_space<hbm>>) dst(%dma_wait3A_443 : memref<128x64xf32, #tpu.memory_space<vmem>>)
      %dma_start3A_446 = arith.constant 1 : i32
      %dma_start3A_447 = arith.constant 1 : i32
      %dma_start3A_448 = arith.constant 0 : i32
      %dma_start3A_449 = arith.constant 0 : i32
      %dma_start3A_450 = tpu.memref_slice %arg17[%dma_start3A_446, %dma_start3A_448, %dma_start3A_449] : memref<2x128x80xf32, #tpu.memory_space<vmem>> -> memref<1x128x80xf32, #tpu.memory_space<vmem>>
      %dma_start3A_451 = tpu.memref_squeeze %dma_start3A_450 : memref<1x128x80xf32, #tpu.memory_space<vmem>> -> memref<128x80xf32, #tpu.memory_space<vmem>>
      %dma_start3A_452 = arith.constant 0 : i32
      %dma_start3A_453 = tpu.memref_slice %arg15[%dma_start3A_447, %dma_start3A_452] : memref<8x128xi32, #tpu.memory_space<vmem>> -> memref<1x128xi32, #tpu.memory_space<vmem>>
      %dma_start3A_454 = tpu.memref_squeeze %dma_start3A_453 : memref<1x128xi32, #tpu.memory_space<vmem>> -> memref<128xi32, #tpu.memory_space<vmem>>
      %dma_start3A_455 = arith.constant 0 : i32
      %dma_start3A_456 = arith.constant 0 : i32
      %dma_start3A_457 = tpu.memref_slice %arg11[%dma_start3A_455, %dma_start3A_456] : memref<16384x80xf32, #tpu.memory_space<vmem_shared>> -> memref<16384x80xf32, #tpu.memory_space<vmem_shared>>
      tpu.enqueue_indirect_dma source(%dma_start3A_451 : memref<128x80xf32, #tpu.memory_space<vmem>>) target(%dma_start3A_457 : memref<16384x80xf32, #tpu.memory_space<vmem_shared>>) offsets(%dma_start3A_454 : memref<128xi32, #tpu.memory_space<vmem>>) semaphore(%arg20 : memref<!tpu.dma_semaphore, #tpu.memory_space<semaphore_mem>>) {add = true}
      %dma_wait3A_458 = arith.constant 1 : i32
      %dma_wait3A_459 = arith.constant 1 : i32
      %dma_wait3A_460 = arith.constant 0 : i32
      %dma_wait3A_461 = arith.constant 0 : i32
      %dma_wait3A_462 = tpu.memref_slice %arg17[%dma_wait3A_458, %dma_wait3A_460, %dma_wait3A_461] : memref<2x128x80xf32, #tpu.memory_space<vmem>> -> memref<1x128x80xf32, #tpu.memory_space<vmem>>
      %dma_wait3A_463 = tpu.memref_squeeze %dma_wait3A_462 : memref<1x128x80xf32, #tpu.memory_space<vmem>> -> memref<128x80xf32, #tpu.memory_space<vmem>>
      %dma_wait3A_464 = arith.constant 0 : i32
      %dma_wait3A_465 = tpu.memref_slice %arg15[%dma_wait3A_459, %dma_wait3A_464] : memref<8x128xi32, #tpu.memory_space<vmem>> -> memref<1x128xi32, #tpu.memory_space<vmem>>
      %dma_wait3A_466 = tpu.memref_squeeze %dma_wait3A_465 : memref<1x128xi32, #tpu.memory_space<vmem>> -> memref<128xi32, #tpu.memory_space<vmem>>
      %dma_wait3A_467 = arith.constant 0 : i32
      %dma_wait3A_468 = arith.constant 0 : i32
      %dma_wait3A_469 = tpu.memref_slice %arg11[%dma_wait3A_467, %dma_wait3A_468] : memref<16384x80xf32, #tpu.memory_space<vmem_shared>> -> memref<16384x80xf32, #tpu.memory_space<vmem_shared>>
      tpu.wait_indirect_dma semaphore(%arg20 : memref<!tpu.dma_semaphore, #tpu.memory_space<semaphore_mem>>) src(%dma_wait3A_463 : memref<128x80xf32, #tpu.memory_space<vmem>>) dst(%dma_wait3A_469 : memref<16384x80xf32, #tpu.memory_space<vmem_shared>>)
      %mul3A_470 = arith.constant 8 : i32
      %mul3A_471 = arith.muli %arg1, %mul3A_470 : i32
      %add3A_472 = arith.constant 3 : i32
      %add3A_473 = arith.addi %mul3A_471, %add3A_472 : i32
      %mul3A_474 = arith.constant 128 : i32
      %mul3A_475 = arith.muli %add3A_473, %mul3A_474 : i32
      %dma_start3A_476 = arith.constant 1 : i32
      %dma_start3A_477 = arith.constant 0 : i32
      %dma_start3A_478 = arith.constant 0 : i32
      %dma_start3A_479 = tpu.memref_slice %arg17[%dma_start3A_476, %dma_start3A_477, %dma_start3A_478] : memref<2x128x80xf32, #tpu.memory_space<vmem>> -> memref<1x128x64xf32, #tpu.memory_space<vmem>>
      %dma_start3A_480 = tpu.memref_squeeze %dma_start3A_479 : memref<1x128x64xf32, #tpu.memory_space<vmem>> -> memref<128x64xf32, #tpu.memory_space<vmem>>
      %dma_start3A_481 = arith.constant 0 : i32
      %dma_start3A_482 = tpu.memref_slice %arg5[%mul3A_475, %dma_start3A_481] : memref<16384x64xf32, #tpu.memory_space<hbm>> -> memref<128x64xf32, #tpu.memory_space<hbm>>
      %dma_start3A_483 = arith.constant 0 : i32
      %dma_start3A_484 = arith.constant 0 : i32
      %dma_start3A_485 = tpu.memref_slice %arg17[%dma_start3A_476, %dma_start3A_483, %dma_start3A_484] : memref<2x128x80xf32, #tpu.memory_space<vmem>> -> memref<1x128x64xf32, #tpu.memory_space<vmem>>
      %dma_start3A_486 = tpu.memref_squeeze %dma_start3A_485 : memref<1x128x64xf32, #tpu.memory_space<vmem>> -> memref<128x64xf32, #tpu.memory_space<vmem>>
      %dma_start3A_487 = arith.constant 0 : i32
      %dma_start3A_488 = tpu.memref_slice %arg5[%mul3A_475, %dma_start3A_487] : memref<16384x64xf32, #tpu.memory_space<hbm>> -> memref<128x64xf32, #tpu.memory_space<hbm>>
      tpu.enqueue_dma source(%dma_start3A_488 : memref<128x64xf32, #tpu.memory_space<hbm>>) target(%dma_start3A_486 : memref<128x64xf32, #tpu.memory_space<vmem>>) target_semaphore(%arg19 : memref<!tpu.dma_semaphore, #tpu.memory_space<semaphore_mem>>)
      %dma_wait3A_489 = arith.constant 2 : i32
      %dma_wait3A_490 = arith.constant 2 : i32
      %dma_wait3A_491 = arith.constant 0 : i32
      %dma_wait3A_492 = tpu.memref_slice %arg15[%dma_wait3A_490, %dma_wait3A_491] : memref<8x128xi32, #tpu.memory_space<vmem>> -> memref<1x128xi32, #tpu.memory_space<vmem>>
      %dma_wait3A_493 = tpu.memref_squeeze %dma_wait3A_492 : memref<1x128xi32, #tpu.memory_space<vmem>> -> memref<128xi32, #tpu.memory_space<vmem>>
      %dma_wait3A_494 = arith.constant 0 : i32
      %dma_wait3A_495 = tpu.memref_slice %arg13[%dma_wait3A_489, %dma_wait3A_494] : memref<8x128xi32, #tpu.memory_space<vmem>> -> memref<1x128xi32, #tpu.memory_space<vmem>>
      %dma_wait3A_496 = tpu.memref_squeeze %dma_wait3A_495 : memref<1x128xi32, #tpu.memory_space<vmem>> -> memref<128xi32, #tpu.memory_space<vmem>>
      %dma_wait3A_497 = arith.constant 0 : i32
      %dma_wait3A_498 = tpu.memref_slice %arg10[%dma_wait3A_497] : memref<100000xi32, #tpu.memory_space<vmem_shared>> -> memref<100000xi32, #tpu.memory_space<vmem_shared>>
      tpu.wait_indirect_dma semaphore(%arg18 : memref<!tpu.dma_semaphore, #tpu.memory_space<semaphore_mem>>) src(%dma_wait3A_498 : memref<100000xi32, #tpu.memory_space<vmem_shared>>) dst(%dma_wait3A_493 : memref<128xi32, #tpu.memory_space<vmem>>)
      %dma_wait3A_499 = arith.constant 0 : i32
      %dma_wait3A_500 = arith.constant 0 : i32
      %dma_wait3A_501 = arith.constant 0 : i32
      %dma_wait3A_502 = tpu.memref_slice %arg17[%dma_wait3A_499, %dma_wait3A_500, %dma_wait3A_501] : memref<2x128x80xf32, #tpu.memory_space<vmem>> -> memref<1x128x64xf32, #tpu.memory_space<vmem>>
      %dma_wait3A_503 = tpu.memref_squeeze %dma_wait3A_502 : memref<1x128x64xf32, #tpu.memory_space<vmem>> -> memref<128x64xf32, #tpu.memory_space<vmem>>
      %dma_wait3A_504 = arith.constant 0 : i32
      %dma_wait3A_505 = tpu.memref_slice %arg5[%mul3A_409, %dma_wait3A_504] : memref<16384x64xf32, #tpu.memory_space<hbm>> -> memref<128x64xf32, #tpu.memory_space<hbm>>
      %dma_wait3A_506 = arith.constant 0 : i32
      %dma_wait3A_507 = arith.constant 0 : i32
      %dma_wait3A_508 = tpu.memref_slice %arg17[%dma_wait3A_499, %dma_wait3A_506, %dma_wait3A_507] : memref<2x128x80xf32, #tpu.memory_space<vmem>> -> memref<1x128x64xf32, #tpu.memory_space<vmem>>
      %dma_wait3A_509 = tpu.memref_squeeze %dma_wait3A_508 : memref<1x128x64xf32, #tpu.memory_space<vmem>> -> memref<128x64xf32, #tpu.memory_space<vmem>>
      %dma_wait3A_510 = arith.constant 0 : i32
      %dma_wait3A_511 = tpu.memref_slice %arg5[%mul3A_409, %dma_wait3A_510] : memref<16384x64xf32, #tpu.memory_space<hbm>> -> memref<128x64xf32, #tpu.memory_space<hbm>>
      tpu.wait_dma2 semaphore(%arg19 : memref<!tpu.dma_semaphore, #tpu.memory_space<semaphore_mem>>) src(%dma_wait3A_511 : memref<128x64xf32, #tpu.memory_space<hbm>>) dst(%dma_wait3A_509 : memref<128x64xf32, #tpu.memory_space<vmem>>)
      %dma_start3A_512 = arith.constant 0 : i32
      %dma_start3A_513 = arith.constant 2 : i32
      %dma_start3A_514 = arith.constant 0 : i32
      %dma_start3A_515 = arith.constant 0 : i32
      %dma_start3A_516 = tpu.memref_slice %arg17[%dma_start3A_512, %dma_start3A_514, %dma_start3A_515] : memref<2x128x80xf32, #tpu.memory_space<vmem>> -> memref<1x128x80xf32, #tpu.memory_space<vmem>>
      %dma_start3A_517 = tpu.memref_squeeze %dma_start3A_516 : memref<1x128x80xf32, #tpu.memory_space<vmem>> -> memref<128x80xf32, #tpu.memory_space<vmem>>
      %dma_start3A_518 = arith.constant 0 : i32
      %dma_start3A_519 = tpu.memref_slice %arg15[%dma_start3A_513, %dma_start3A_518] : memref<8x128xi32, #tpu.memory_space<vmem>> -> memref<1x128xi32, #tpu.memory_space<vmem>>
      %dma_start3A_520 = tpu.memref_squeeze %dma_start3A_519 : memref<1x128xi32, #tpu.memory_space<vmem>> -> memref<128xi32, #tpu.memory_space<vmem>>
      %dma_start3A_521 = arith.constant 0 : i32
      %dma_start3A_522 = arith.constant 0 : i32
      %dma_start3A_523 = tpu.memref_slice %arg11[%dma_start3A_521, %dma_start3A_522] : memref<16384x80xf32, #tpu.memory_space<vmem_shared>> -> memref<16384x80xf32, #tpu.memory_space<vmem_shared>>
      tpu.enqueue_indirect_dma source(%dma_start3A_517 : memref<128x80xf32, #tpu.memory_space<vmem>>) target(%dma_start3A_523 : memref<16384x80xf32, #tpu.memory_space<vmem_shared>>) offsets(%dma_start3A_520 : memref<128xi32, #tpu.memory_space<vmem>>) semaphore(%arg20 : memref<!tpu.dma_semaphore, #tpu.memory_space<semaphore_mem>>) {add = true}
      %dma_wait3A_524 = arith.constant 0 : i32
      %dma_wait3A_525 = arith.constant 2 : i32
      %dma_wait3A_526 = arith.constant 0 : i32
      %dma_wait3A_527 = arith.constant 0 : i32
      %dma_wait3A_528 = tpu.memref_slice %arg17[%dma_wait3A_524, %dma_wait3A_526, %dma_wait3A_527] : memref<2x128x80xf32, #tpu.memory_space<vmem>> -> memref<1x128x80xf32, #tpu.memory_space<vmem>>
      %dma_wait3A_529 = tpu.memref_squeeze %dma_wait3A_528 : memref<1x128x80xf32, #tpu.memory_space<vmem>> -> memref<128x80xf32, #tpu.memory_space<vmem>>
      %dma_wait3A_530 = arith.constant 0 : i32
      %dma_wait3A_531 = tpu.memref_slice %arg15[%dma_wait3A_525, %dma_wait3A_530] : memref<8x128xi32, #tpu.memory_space<vmem>> -> memref<1x128xi32, #tpu.memory_space<vmem>>
      %dma_wait3A_532 = tpu.memref_squeeze %dma_wait3A_531 : memref<1x128xi32, #tpu.memory_space<vmem>> -> memref<128xi32, #tpu.memory_space<vmem>>
      %dma_wait3A_533 = arith.constant 0 : i32
      %dma_wait3A_534 = arith.constant 0 : i32
      %dma_wait3A_535 = tpu.memref_slice %arg11[%dma_wait3A_533, %dma_wait3A_534] : memref<16384x80xf32, #tpu.memory_space<vmem_shared>> -> memref<16384x80xf32, #tpu.memory_space<vmem_shared>>
      tpu.wait_indirect_dma semaphore(%arg20 : memref<!tpu.dma_semaphore, #tpu.memory_space<semaphore_mem>>) src(%dma_wait3A_529 : memref<128x80xf32, #tpu.memory_space<vmem>>) dst(%dma_wait3A_535 : memref<16384x80xf32, #tpu.memory_space<vmem_shared>>)
      %mul3A_536 = arith.constant 8 : i32
      %mul3A_537 = arith.muli %arg1, %mul3A_536 : i32
      %add3A_538 = arith.constant 4 : i32
      %add3A_539 = arith.addi %mul3A_537, %add3A_538 : i32
      %mul3A_540 = arith.constant 128 : i32
      %mul3A_541 = arith.muli %add3A_539, %mul3A_540 : i32
      %dma_start3A_542 = arith.constant 0 : i32
      %dma_start3A_543 = arith.constant 0 : i32
      %dma_start3A_544 = arith.constant 0 : i32
      %dma_start3A_545 = tpu.memref_slice %arg17[%dma_start3A_542, %dma_start3A_543, %dma_start3A_544] : memref<2x128x80xf32, #tpu.memory_space<vmem>> -> memref<1x128x64xf32, #tpu.memory_space<vmem>>
      %dma_start3A_546 = tpu.memref_squeeze %dma_start3A_545 : memref<1x128x64xf32, #tpu.memory_space<vmem>> -> memref<128x64xf32, #tpu.memory_space<vmem>>
      %dma_start3A_547 = arith.constant 0 : i32
      %dma_start3A_548 = tpu.memref_slice %arg5[%mul3A_541, %dma_start3A_547] : memref<16384x64xf32, #tpu.memory_space<hbm>> -> memref<128x64xf32, #tpu.memory_space<hbm>>
      %dma_start3A_549 = arith.constant 0 : i32
      %dma_start3A_550 = arith.constant 0 : i32
      %dma_start3A_551 = tpu.memref_slice %arg17[%dma_start3A_542, %dma_start3A_549, %dma_start3A_550] : memref<2x128x80xf32, #tpu.memory_space<vmem>> -> memref<1x128x64xf32, #tpu.memory_space<vmem>>
      %dma_start3A_552 = tpu.memref_squeeze %dma_start3A_551 : memref<1x128x64xf32, #tpu.memory_space<vmem>> -> memref<128x64xf32, #tpu.memory_space<vmem>>
      %dma_start3A_553 = arith.constant 0 : i32
      %dma_start3A_554 = tpu.memref_slice %arg5[%mul3A_541, %dma_start3A_553] : memref<16384x64xf32, #tpu.memory_space<hbm>> -> memref<128x64xf32, #tpu.memory_space<hbm>>
      tpu.enqueue_dma source(%dma_start3A_554 : memref<128x64xf32, #tpu.memory_space<hbm>>) target(%dma_start3A_552 : memref<128x64xf32, #tpu.memory_space<vmem>>) target_semaphore(%arg19 : memref<!tpu.dma_semaphore, #tpu.memory_space<semaphore_mem>>)
      %dma_wait3A_555 = arith.constant 3 : i32
      %dma_wait3A_556 = arith.constant 3 : i32
      %dma_wait3A_557 = arith.constant 0 : i32
      %dma_wait3A_558 = tpu.memref_slice %arg15[%dma_wait3A_556, %dma_wait3A_557] : memref<8x128xi32, #tpu.memory_space<vmem>> -> memref<1x128xi32, #tpu.memory_space<vmem>>
      %dma_wait3A_559 = tpu.memref_squeeze %dma_wait3A_558 : memref<1x128xi32, #tpu.memory_space<vmem>> -> memref<128xi32, #tpu.memory_space<vmem>>
      %dma_wait3A_560 = arith.constant 0 : i32
      %dma_wait3A_561 = tpu.memref_slice %arg13[%dma_wait3A_555, %dma_wait3A_560] : memref<8x128xi32, #tpu.memory_space<vmem>> -> memref<1x128xi32, #tpu.memory_space<vmem>>
      %dma_wait3A_562 = tpu.memref_squeeze %dma_wait3A_561 : memref<1x128xi32, #tpu.memory_space<vmem>> -> memref<128xi32, #tpu.memory_space<vmem>>
      %dma_wait3A_563 = arith.constant 0 : i32
      %dma_wait3A_564 = tpu.memref_slice %arg10[%dma_wait3A_563] : memref<100000xi32, #tpu.memory_space<vmem_shared>> -> memref<100000xi32, #tpu.memory_space<vmem_shared>>
      tpu.wait_indirect_dma semaphore(%arg18 : memref<!tpu.dma_semaphore, #tpu.memory_space<semaphore_mem>>) src(%dma_wait3A_564 : memref<100000xi32, #tpu.memory_space<vmem_shared>>) dst(%dma_wait3A_559 : memref<128xi32, #tpu.memory_space<vmem>>)
      %dma_wait3A_565 = arith.constant 1 : i32
      %dma_wait3A_566 = arith.constant 0 : i32
      %dma_wait3A_567 = arith.constant 0 : i32
      %dma_wait3A_568 = tpu.memref_slice %arg17[%dma_wait3A_565, %dma_wait3A_566, %dma_wait3A_567] : memref<2x128x80xf32, #tpu.memory_space<vmem>> -> memref<1x128x64xf32, #tpu.memory_space<vmem>>
      %dma_wait3A_569 = tpu.memref_squeeze %dma_wait3A_568 : memref<1x128x64xf32, #tpu.memory_space<vmem>> -> memref<128x64xf32, #tpu.memory_space<vmem>>
      %dma_wait3A_570 = arith.constant 0 : i32
      %dma_wait3A_571 = tpu.memref_slice %arg5[%mul3A_475, %dma_wait3A_570] : memref<16384x64xf32, #tpu.memory_space<hbm>> -> memref<128x64xf32, #tpu.memory_space<hbm>>
      %dma_wait3A_572 = arith.constant 0 : i32
      %dma_wait3A_573 = arith.constant 0 : i32
      %dma_wait3A_574 = tpu.memref_slice %arg17[%dma_wait3A_565, %dma_wait3A_572, %dma_wait3A_573] : memref<2x128x80xf32, #tpu.memory_space<vmem>> -> memref<1x128x64xf32, #tpu.memory_space<vmem>>
      %dma_wait3A_575 = tpu.memref_squeeze %dma_wait3A_574 : memref<1x128x64xf32, #tpu.memory_space<vmem>> -> memref<128x64xf32, #tpu.memory_space<vmem>>
      %dma_wait3A_576 = arith.constant 0 : i32
      %dma_wait3A_577 = tpu.memref_slice %arg5[%mul3A_475, %dma_wait3A_576] : memref<16384x64xf32, #tpu.memory_space<hbm>> -> memref<128x64xf32, #tpu.memory_space<hbm>>
      tpu.wait_dma2 semaphore(%arg19 : memref<!tpu.dma_semaphore, #tpu.memory_space<semaphore_mem>>) src(%dma_wait3A_577 : memref<128x64xf32, #tpu.memory_space<hbm>>) dst(%dma_wait3A_575 : memref<128x64xf32, #tpu.memory_space<vmem>>)
      %dma_start3A_578 = arith.constant 1 : i32
      %dma_start3A_579 = arith.constant 3 : i32
      %dma_start3A_580 = arith.constant 0 : i32
      %dma_start3A_581 = arith.constant 0 : i32
      %dma_start3A_582 = tpu.memref_slice %arg17[%dma_start3A_578, %dma_start3A_580, %dma_start3A_581] : memref<2x128x80xf32, #tpu.memory_space<vmem>> -> memref<1x128x80xf32, #tpu.memory_space<vmem>>
      %dma_start3A_583 = tpu.memref_squeeze %dma_start3A_582 : memref<1x128x80xf32, #tpu.memory_space<vmem>> -> memref<128x80xf32, #tpu.memory_space<vmem>>
      %dma_start3A_584 = arith.constant 0 : i32
      %dma_start3A_585 = tpu.memref_slice %arg15[%dma_start3A_579, %dma_start3A_584] : memref<8x128xi32, #tpu.memory_space<vmem>> -> memref<1x128xi32, #tpu.memory_space<vmem>>
      %dma_start3A_586 = tpu.memref_squeeze %dma_start3A_585 : memref<1x128xi32, #tpu.memory_space<vmem>> -> memref<128xi32, #tpu.memory_space<vmem>>
      %dma_start3A_587 = arith.constant 0 : i32
      %dma_start3A_588 = arith.constant 0 : i32
      %dma_start3A_589 = tpu.memref_slice %arg11[%dma_start3A_587, %dma_start3A_588] : memref<16384x80xf32, #tpu.memory_space<vmem_shared>> -> memref<16384x80xf32, #tpu.memory_space<vmem_shared>>
      tpu.enqueue_indirect_dma source(%dma_start3A_583 : memref<128x80xf32, #tpu.memory_space<vmem>>) target(%dma_start3A_589 : memref<16384x80xf32, #tpu.memory_space<vmem_shared>>) offsets(%dma_start3A_586 : memref<128xi32, #tpu.memory_space<vmem>>) semaphore(%arg20 : memref<!tpu.dma_semaphore, #tpu.memory_space<semaphore_mem>>) {add = true}
      %dma_wait3A_590 = arith.constant 1 : i32
      %dma_wait3A_591 = arith.constant 3 : i32
      %dma_wait3A_592 = arith.constant 0 : i32
      %dma_wait3A_593 = arith.constant 0 : i32
      %dma_wait3A_594 = tpu.memref_slice %arg17[%dma_wait3A_590, %dma_wait3A_592, %dma_wait3A_593] : memref<2x128x80xf32, #tpu.memory_space<vmem>> -> memref<1x128x80xf32, #tpu.memory_space<vmem>>
      %dma_wait3A_595 = tpu.memref_squeeze %dma_wait3A_594 : memref<1x128x80xf32, #tpu.memory_space<vmem>> -> memref<128x80xf32, #tpu.memory_space<vmem>>
      %dma_wait3A_596 = arith.constant 0 : i32
      %dma_wait3A_597 = tpu.memref_slice %arg15[%dma_wait3A_591, %dma_wait3A_596] : memref<8x128xi32, #tpu.memory_space<vmem>> -> memref<1x128xi32, #tpu.memory_space<vmem>>
      %dma_wait3A_598 = tpu.memref_squeeze %dma_wait3A_597 : memref<1x128xi32, #tpu.memory_space<vmem>> -> memref<128xi32, #tpu.memory_space<vmem>>
      %dma_wait3A_599 = arith.constant 0 : i32
      %dma_wait3A_600 = arith.constant 0 : i32
      %dma_wait3A_601 = tpu.memref_slice %arg11[%dma_wait3A_599, %dma_wait3A_600] : memref<16384x80xf32, #tpu.memory_space<vmem_shared>> -> memref<16384x80xf32, #tpu.memory_space<vmem_shared>>
      tpu.wait_indirect_dma semaphore(%arg20 : memref<!tpu.dma_semaphore, #tpu.memory_space<semaphore_mem>>) src(%dma_wait3A_595 : memref<128x80xf32, #tpu.memory_space<vmem>>) dst(%dma_wait3A_601 : memref<16384x80xf32, #tpu.memory_space<vmem_shared>>)
      %mul3A_602 = arith.constant 8 : i32
      %mul3A_603 = arith.muli %arg1, %mul3A_602 : i32
      %add3A_604 = arith.constant 5 : i32
      %add3A_605 = arith.addi %mul3A_603, %add3A_604 : i32
      %mul3A_606 = arith.constant 128 : i32
      %mul3A_607 = arith.muli %add3A_605, %mul3A_606 : i32
      %dma_start3A_608 = arith.constant 1 : i32
      %dma_start3A_609 = arith.constant 0 : i32
      %dma_start3A_610 = arith.constant 0 : i32
      %dma_start3A_611 = tpu.memref_slice %arg17[%dma_start3A_608, %dma_start3A_609, %dma_start3A_610] : memref<2x128x80xf32, #tpu.memory_space<vmem>> -> memref<1x128x64xf32, #tpu.memory_space<vmem>>
      %dma_start3A_612 = tpu.memref_squeeze %dma_start3A_611 : memref<1x128x64xf32, #tpu.memory_space<vmem>> -> memref<128x64xf32, #tpu.memory_space<vmem>>
      %dma_start3A_613 = arith.constant 0 : i32
      %dma_start3A_614 = tpu.memref_slice %arg5[%mul3A_607, %dma_start3A_613] : memref<16384x64xf32, #tpu.memory_space<hbm>> -> memref<128x64xf32, #tpu.memory_space<hbm>>
      %dma_start3A_615 = arith.constant 0 : i32
      %dma_start3A_616 = arith.constant 0 : i32
      %dma_start3A_617 = tpu.memref_slice %arg17[%dma_start3A_608, %dma_start3A_615, %dma_start3A_616] : memref<2x128x80xf32, #tpu.memory_space<vmem>> -> memref<1x128x64xf32, #tpu.memory_space<vmem>>
      %dma_start3A_618 = tpu.memref_squeeze %dma_start3A_617 : memref<1x128x64xf32, #tpu.memory_space<vmem>> -> memref<128x64xf32, #tpu.memory_space<vmem>>
      %dma_start3A_619 = arith.constant 0 : i32
      %dma_start3A_620 = tpu.memref_slice %arg5[%mul3A_607, %dma_start3A_619] : memref<16384x64xf32, #tpu.memory_space<hbm>> -> memref<128x64xf32, #tpu.memory_space<hbm>>
      tpu.enqueue_dma source(%dma_start3A_620 : memref<128x64xf32, #tpu.memory_space<hbm>>) target(%dma_start3A_618 : memref<128x64xf32, #tpu.memory_space<vmem>>) target_semaphore(%arg19 : memref<!tpu.dma_semaphore, #tpu.memory_space<semaphore_mem>>)
      %dma_wait3A_621 = arith.constant 4 : i32
      %dma_wait3A_622 = arith.constant 4 : i32
      %dma_wait3A_623 = arith.constant 0 : i32
      %dma_wait3A_624 = tpu.memref_slice %arg15[%dma_wait3A_622, %dma_wait3A_623] : memref<8x128xi32, #tpu.memory_space<vmem>> -> memref<1x128xi32, #tpu.memory_space<vmem>>
      %dma_wait3A_625 = tpu.memref_squeeze %dma_wait3A_624 : memref<1x128xi32, #tpu.memory_space<vmem>> -> memref<128xi32, #tpu.memory_space<vmem>>
      %dma_wait3A_626 = arith.constant 0 : i32
      %dma_wait3A_627 = tpu.memref_slice %arg13[%dma_wait3A_621, %dma_wait3A_626] : memref<8x128xi32, #tpu.memory_space<vmem>> -> memref<1x128xi32, #tpu.memory_space<vmem>>
      %dma_wait3A_628 = tpu.memref_squeeze %dma_wait3A_627 : memref<1x128xi32, #tpu.memory_space<vmem>> -> memref<128xi32, #tpu.memory_space<vmem>>
      %dma_wait3A_629 = arith.constant 0 : i32
      %dma_wait3A_630 = tpu.memref_slice %arg10[%dma_wait3A_629] : memref<100000xi32, #tpu.memory_space<vmem_shared>> -> memref<100000xi32, #tpu.memory_space<vmem_shared>>
      tpu.wait_indirect_dma semaphore(%arg18 : memref<!tpu.dma_semaphore, #tpu.memory_space<semaphore_mem>>) src(%dma_wait3A_630 : memref<100000xi32, #tpu.memory_space<vmem_shared>>) dst(%dma_wait3A_625 : memref<128xi32, #tpu.memory_space<vmem>>)
      %dma_wait3A_631 = arith.constant 0 : i32
      %dma_wait3A_632 = arith.constant 0 : i32
      %dma_wait3A_633 = arith.constant 0 : i32
      %dma_wait3A_634 = tpu.memref_slice %arg17[%dma_wait3A_631, %dma_wait3A_632, %dma_wait3A_633] : memref<2x128x80xf32, #tpu.memory_space<vmem>> -> memref<1x128x64xf32, #tpu.memory_space<vmem>>
      %dma_wait3A_635 = tpu.memref_squeeze %dma_wait3A_634 : memref<1x128x64xf32, #tpu.memory_space<vmem>> -> memref<128x64xf32, #tpu.memory_space<vmem>>
      %dma_wait3A_636 = arith.constant 0 : i32
      %dma_wait3A_637 = tpu.memref_slice %arg5[%mul3A_541, %dma_wait3A_636] : memref<16384x64xf32, #tpu.memory_space<hbm>> -> memref<128x64xf32, #tpu.memory_space<hbm>>
      %dma_wait3A_638 = arith.constant 0 : i32
      %dma_wait3A_639 = arith.constant 0 : i32
      %dma_wait3A_640 = tpu.memref_slice %arg17[%dma_wait3A_631, %dma_wait3A_638, %dma_wait3A_639] : memref<2x128x80xf32, #tpu.memory_space<vmem>> -> memref<1x128x64xf32, #tpu.memory_space<vmem>>
      %dma_wait3A_641 = tpu.memref_squeeze %dma_wait3A_640 : memref<1x128x64xf32, #tpu.memory_space<vmem>> -> memref<128x64xf32, #tpu.memory_space<vmem>>
      %dma_wait3A_642 = arith.constant 0 : i32
      %dma_wait3A_643 = tpu.memref_slice %arg5[%mul3A_541, %dma_wait3A_642] : memref<16384x64xf32, #tpu.memory_space<hbm>> -> memref<128x64xf32, #tpu.memory_space<hbm>>
      tpu.wait_dma2 semaphore(%arg19 : memref<!tpu.dma_semaphore, #tpu.memory_space<semaphore_mem>>) src(%dma_wait3A_643 : memref<128x64xf32, #tpu.memory_space<hbm>>) dst(%dma_wait3A_641 : memref<128x64xf32, #tpu.memory_space<vmem>>)
      %dma_start3A_644 = arith.constant 0 : i32
      %dma_start3A_645 = arith.constant 4 : i32
      %dma_start3A_646 = arith.constant 0 : i32
      %dma_start3A_647 = arith.constant 0 : i32
      %dma_start3A_648 = tpu.memref_slice %arg17[%dma_start3A_644, %dma_start3A_646, %dma_start3A_647] : memref<2x128x80xf32, #tpu.memory_space<vmem>> -> memref<1x128x80xf32, #tpu.memory_space<vmem>>
      %dma_start3A_649 = tpu.memref_squeeze %dma_start3A_648 : memref<1x128x80xf32, #tpu.memory_space<vmem>> -> memref<128x80xf32, #tpu.memory_space<vmem>>
      %dma_start3A_650 = arith.constant 0 : i32
      %dma_start3A_651 = tpu.memref_slice %arg15[%dma_start3A_645, %dma_start3A_650] : memref<8x128xi32, #tpu.memory_space<vmem>> -> memref<1x128xi32, #tpu.memory_space<vmem>>
      %dma_start3A_652 = tpu.memref_squeeze %dma_start3A_651 : memref<1x128xi32, #tpu.memory_space<vmem>> -> memref<128xi32, #tpu.memory_space<vmem>>
      %dma_start3A_653 = arith.constant 0 : i32
      %dma_start3A_654 = arith.constant 0 : i32
      %dma_start3A_655 = tpu.memref_slice %arg11[%dma_start3A_653, %dma_start3A_654] : memref<16384x80xf32, #tpu.memory_space<vmem_shared>> -> memref<16384x80xf32, #tpu.memory_space<vmem_shared>>
      tpu.enqueue_indirect_dma source(%dma_start3A_649 : memref<128x80xf32, #tpu.memory_space<vmem>>) target(%dma_start3A_655 : memref<16384x80xf32, #tpu.memory_space<vmem_shared>>) offsets(%dma_start3A_652 : memref<128xi32, #tpu.memory_space<vmem>>) semaphore(%arg20 : memref<!tpu.dma_semaphore, #tpu.memory_space<semaphore_mem>>) {add = true}
      %dma_wait3A_656 = arith.constant 0 : i32
      %dma_wait3A_657 = arith.constant 4 : i32
      %dma_wait3A_658 = arith.constant 0 : i32
      %dma_wait3A_659 = arith.constant 0 : i32
      %dma_wait3A_660 = tpu.memref_slice %arg17[%dma_wait3A_656, %dma_wait3A_658, %dma_wait3A_659] : memref<2x128x80xf32, #tpu.memory_space<vmem>> -> memref<1x128x80xf32, #tpu.memory_space<vmem>>
      %dma_wait3A_661 = tpu.memref_squeeze %dma_wait3A_660 : memref<1x128x80xf32, #tpu.memory_space<vmem>> -> memref<128x80xf32, #tpu.memory_space<vmem>>
      %dma_wait3A_662 = arith.constant 0 : i32
      %dma_wait3A_663 = tpu.memref_slice %arg15[%dma_wait3A_657, %dma_wait3A_662] : memref<8x128xi32, #tpu.memory_space<vmem>> -> memref<1x128xi32, #tpu.memory_space<vmem>>
      %dma_wait3A_664 = tpu.memref_squeeze %dma_wait3A_663 : memref<1x128xi32, #tpu.memory_space<vmem>> -> memref<128xi32, #tpu.memory_space<vmem>>
      %dma_wait3A_665 = arith.constant 0 : i32
      %dma_wait3A_666 = arith.constant 0 : i32
      %dma_wait3A_667 = tpu.memref_slice %arg11[%dma_wait3A_665, %dma_wait3A_666] : memref<16384x80xf32, #tpu.memory_space<vmem_shared>> -> memref<16384x80xf32, #tpu.memory_space<vmem_shared>>
      tpu.wait_indirect_dma semaphore(%arg20 : memref<!tpu.dma_semaphore, #tpu.memory_space<semaphore_mem>>) src(%dma_wait3A_661 : memref<128x80xf32, #tpu.memory_space<vmem>>) dst(%dma_wait3A_667 : memref<16384x80xf32, #tpu.memory_space<vmem_shared>>)
      %mul3A_668 = arith.constant 8 : i32
      %mul3A_669 = arith.muli %arg1, %mul3A_668 : i32
      %add3A_670 = arith.constant 6 : i32
      %add3A_671 = arith.addi %mul3A_669, %add3A_670 : i32
      %mul3A_672 = arith.constant 128 : i32
      %mul3A_673 = arith.muli %add3A_671, %mul3A_672 : i32
      %dma_start3A_674 = arith.constant 0 : i32
      %dma_start3A_675 = arith.constant 0 : i32
      %dma_start3A_676 = arith.constant 0 : i32
      %dma_start3A_677 = tpu.memref_slice %arg17[%dma_start3A_674, %dma_start3A_675, %dma_start3A_676] : memref<2x128x80xf32, #tpu.memory_space<vmem>> -> memref<1x128x64xf32, #tpu.memory_space<vmem>>
      %dma_start3A_678 = tpu.memref_squeeze %dma_start3A_677 : memref<1x128x64xf32, #tpu.memory_space<vmem>> -> memref<128x64xf32, #tpu.memory_space<vmem>>
      %dma_start3A_679 = arith.constant 0 : i32
      %dma_start3A_680 = tpu.memref_slice %arg5[%mul3A_673, %dma_start3A_679] : memref<16384x64xf32, #tpu.memory_space<hbm>> -> memref<128x64xf32, #tpu.memory_space<hbm>>
      %dma_start3A_681 = arith.constant 0 : i32
      %dma_start3A_682 = arith.constant 0 : i32
      %dma_start3A_683 = tpu.memref_slice %arg17[%dma_start3A_674, %dma_start3A_681, %dma_start3A_682] : memref<2x128x80xf32, #tpu.memory_space<vmem>> -> memref<1x128x64xf32, #tpu.memory_space<vmem>>
      %dma_start3A_684 = tpu.memref_squeeze %dma_start3A_683 : memref<1x128x64xf32, #tpu.memory_space<vmem>> -> memref<128x64xf32, #tpu.memory_space<vmem>>
      %dma_start3A_685 = arith.constant 0 : i32
      %dma_start3A_686 = tpu.memref_slice %arg5[%mul3A_673, %dma_start3A_685] : memref<16384x64xf32, #tpu.memory_space<hbm>> -> memref<128x64xf32, #tpu.memory_space<hbm>>
      tpu.enqueue_dma source(%dma_start3A_686 : memref<128x64xf32, #tpu.memory_space<hbm>>) target(%dma_start3A_684 : memref<128x64xf32, #tpu.memory_space<vmem>>) target_semaphore(%arg19 : memref<!tpu.dma_semaphore, #tpu.memory_space<semaphore_mem>>)
      %dma_wait3A_687 = arith.constant 5 : i32
      %dma_wait3A_688 = arith.constant 5 : i32
      %dma_wait3A_689 = arith.constant 0 : i32
      %dma_wait3A_690 = tpu.memref_slice %arg15[%dma_wait3A_688, %dma_wait3A_689] : memref<8x128xi32, #tpu.memory_space<vmem>> -> memref<1x128xi32, #tpu.memory_space<vmem>>
      %dma_wait3A_691 = tpu.memref_squeeze %dma_wait3A_690 : memref<1x128xi32, #tpu.memory_space<vmem>> -> memref<128xi32, #tpu.memory_space<vmem>>
      %dma_wait3A_692 = arith.constant 0 : i32
      %dma_wait3A_693 = tpu.memref_slice %arg13[%dma_wait3A_687, %dma_wait3A_692] : memref<8x128xi32, #tpu.memory_space<vmem>> -> memref<1x128xi32, #tpu.memory_space<vmem>>
      %dma_wait3A_694 = tpu.memref_squeeze %dma_wait3A_693 : memref<1x128xi32, #tpu.memory_space<vmem>> -> memref<128xi32, #tpu.memory_space<vmem>>
      %dma_wait3A_695 = arith.constant 0 : i32
      %dma_wait3A_696 = tpu.memref_slice %arg10[%dma_wait3A_695] : memref<100000xi32, #tpu.memory_space<vmem_shared>> -> memref<100000xi32, #tpu.memory_space<vmem_shared>>
      tpu.wait_indirect_dma semaphore(%arg18 : memref<!tpu.dma_semaphore, #tpu.memory_space<semaphore_mem>>) src(%dma_wait3A_696 : memref<100000xi32, #tpu.memory_space<vmem_shared>>) dst(%dma_wait3A_691 : memref<128xi32, #tpu.memory_space<vmem>>)
      %dma_wait3A_697 = arith.constant 1 : i32
      %dma_wait3A_698 = arith.constant 0 : i32
      %dma_wait3A_699 = arith.constant 0 : i32
      %dma_wait3A_700 = tpu.memref_slice %arg17[%dma_wait3A_697, %dma_wait3A_698, %dma_wait3A_699] : memref<2x128x80xf32, #tpu.memory_space<vmem>> -> memref<1x128x64xf32, #tpu.memory_space<vmem>>
      %dma_wait3A_701 = tpu.memref_squeeze %dma_wait3A_700 : memref<1x128x64xf32, #tpu.memory_space<vmem>> -> memref<128x64xf32, #tpu.memory_space<vmem>>
      %dma_wait3A_702 = arith.constant 0 : i32
      %dma_wait3A_703 = tpu.memref_slice %arg5[%mul3A_607, %dma_wait3A_702] : memref<16384x64xf32, #tpu.memory_space<hbm>> -> memref<128x64xf32, #tpu.memory_space<hbm>>
      %dma_wait3A_704 = arith.constant 0 : i32
      %dma_wait3A_705 = arith.constant 0 : i32
      %dma_wait3A_706 = tpu.memref_slice %arg17[%dma_wait3A_697, %dma_wait3A_704, %dma_wait3A_705] : memref<2x128x80xf32, #tpu.memory_space<vmem>> -> memref<1x128x64xf32, #tpu.memory_space<vmem>>
      %dma_wait3A_707 = tpu.memref_squeeze %dma_wait3A_706 : memref<1x128x64xf32, #tpu.memory_space<vmem>> -> memref<128x64xf32, #tpu.memory_space<vmem>>
      %dma_wait3A_708 = arith.constant 0 : i32
      %dma_wait3A_709 = tpu.memref_slice %arg5[%mul3A_607, %dma_wait3A_708] : memref<16384x64xf32, #tpu.memory_space<hbm>> -> memref<128x64xf32, #tpu.memory_space<hbm>>
      tpu.wait_dma2 semaphore(%arg19 : memref<!tpu.dma_semaphore, #tpu.memory_space<semaphore_mem>>) src(%dma_wait3A_709 : memref<128x64xf32, #tpu.memory_space<hbm>>) dst(%dma_wait3A_707 : memref<128x64xf32, #tpu.memory_space<vmem>>)
      %dma_start3A_710 = arith.constant 1 : i32
      %dma_start3A_711 = arith.constant 5 : i32
      %dma_start3A_712 = arith.constant 0 : i32
      %dma_start3A_713 = arith.constant 0 : i32
      %dma_start3A_714 = tpu.memref_slice %arg17[%dma_start3A_710, %dma_start3A_712, %dma_start3A_713] : memref<2x128x80xf32, #tpu.memory_space<vmem>> -> memref<1x128x80xf32, #tpu.memory_space<vmem>>
      %dma_start3A_715 = tpu.memref_squeeze %dma_start3A_714 : memref<1x128x80xf32, #tpu.memory_space<vmem>> -> memref<128x80xf32, #tpu.memory_space<vmem>>
      %dma_start3A_716 = arith.constant 0 : i32
      %dma_start3A_717 = tpu.memref_slice %arg15[%dma_start3A_711, %dma_start3A_716] : memref<8x128xi32, #tpu.memory_space<vmem>> -> memref<1x128xi32, #tpu.memory_space<vmem>>
      %dma_start3A_718 = tpu.memref_squeeze %dma_start3A_717 : memref<1x128xi32, #tpu.memory_space<vmem>> -> memref<128xi32, #tpu.memory_space<vmem>>
      %dma_start3A_719 = arith.constant 0 : i32
      %dma_start3A_720 = arith.constant 0 : i32
      %dma_start3A_721 = tpu.memref_slice %arg11[%dma_start3A_719, %dma_start3A_720] : memref<16384x80xf32, #tpu.memory_space<vmem_shared>> -> memref<16384x80xf32, #tpu.memory_space<vmem_shared>>
      tpu.enqueue_indirect_dma source(%dma_start3A_715 : memref<128x80xf32, #tpu.memory_space<vmem>>) target(%dma_start3A_721 : memref<16384x80xf32, #tpu.memory_space<vmem_shared>>) offsets(%dma_start3A_718 : memref<128xi32, #tpu.memory_space<vmem>>) semaphore(%arg20 : memref<!tpu.dma_semaphore, #tpu.memory_space<semaphore_mem>>) {add = true}
      %dma_wait3A_722 = arith.constant 1 : i32
      %dma_wait3A_723 = arith.constant 5 : i32
      %dma_wait3A_724 = arith.constant 0 : i32
      %dma_wait3A_725 = arith.constant 0 : i32
      %dma_wait3A_726 = tpu.memref_slice %arg17[%dma_wait3A_722, %dma_wait3A_724, %dma_wait3A_725] : memref<2x128x80xf32, #tpu.memory_space<vmem>> -> memref<1x128x80xf32, #tpu.memory_space<vmem>>
      %dma_wait3A_727 = tpu.memref_squeeze %dma_wait3A_726 : memref<1x128x80xf32, #tpu.memory_space<vmem>> -> memref<128x80xf32, #tpu.memory_space<vmem>>
      %dma_wait3A_728 = arith.constant 0 : i32
      %dma_wait3A_729 = tpu.memref_slice %arg15[%dma_wait3A_723, %dma_wait3A_728] : memref<8x128xi32, #tpu.memory_space<vmem>> -> memref<1x128xi32, #tpu.memory_space<vmem>>
      %dma_wait3A_730 = tpu.memref_squeeze %dma_wait3A_729 : memref<1x128xi32, #tpu.memory_space<vmem>> -> memref<128xi32, #tpu.memory_space<vmem>>
      %dma_wait3A_731 = arith.constant 0 : i32
      %dma_wait3A_732 = arith.constant 0 : i32
      %dma_wait3A_733 = tpu.memref_slice %arg11[%dma_wait3A_731, %dma_wait3A_732] : memref<16384x80xf32, #tpu.memory_space<vmem_shared>> -> memref<16384x80xf32, #tpu.memory_space<vmem_shared>>
      tpu.wait_indirect_dma semaphore(%arg20 : memref<!tpu.dma_semaphore, #tpu.memory_space<semaphore_mem>>) src(%dma_wait3A_727 : memref<128x80xf32, #tpu.memory_space<vmem>>) dst(%dma_wait3A_733 : memref<16384x80xf32, #tpu.memory_space<vmem_shared>>)
      %mul3A_734 = arith.constant 8 : i32
      %mul3A_735 = arith.muli %arg1, %mul3A_734 : i32
      %add3A_736 = arith.constant 7 : i32
      %add3A_737 = arith.addi %mul3A_735, %add3A_736 : i32
      %mul3A_738 = arith.constant 128 : i32
      %mul3A_739 = arith.muli %add3A_737, %mul3A_738 : i32
      %dma_start3A_740 = arith.constant 1 : i32
      %dma_start3A_741 = arith.constant 0 : i32
      %dma_start3A_742 = arith.constant 0 : i32
      %dma_start3A_743 = tpu.memref_slice %arg17[%dma_start3A_740, %dma_start3A_741, %dma_start3A_742] : memref<2x128x80xf32, #tpu.memory_space<vmem>> -> memref<1x128x64xf32, #tpu.memory_space<vmem>>
      %dma_start3A_744 = tpu.memref_squeeze %dma_start3A_743 : memref<1x128x64xf32, #tpu.memory_space<vmem>> -> memref<128x64xf32, #tpu.memory_space<vmem>>
      %dma_start3A_745 = arith.constant 0 : i32
      %dma_start3A_746 = tpu.memref_slice %arg5[%mul3A_739, %dma_start3A_745] : memref<16384x64xf32, #tpu.memory_space<hbm>> -> memref<128x64xf32, #tpu.memory_space<hbm>>
      %dma_start3A_747 = arith.constant 0 : i32
      %dma_start3A_748 = arith.constant 0 : i32
      %dma_start3A_749 = tpu.memref_slice %arg17[%dma_start3A_740, %dma_start3A_747, %dma_start3A_748] : memref<2x128x80xf32, #tpu.memory_space<vmem>> -> memref<1x128x64xf32, #tpu.memory_space<vmem>>
      %dma_start3A_750 = tpu.memref_squeeze %dma_start3A_749 : memref<1x128x64xf32, #tpu.memory_space<vmem>> -> memref<128x64xf32, #tpu.memory_space<vmem>>
      %dma_start3A_751 = arith.constant 0 : i32
      %dma_start3A_752 = tpu.memref_slice %arg5[%mul3A_739, %dma_start3A_751] : memref<16384x64xf32, #tpu.memory_space<hbm>> -> memref<128x64xf32, #tpu.memory_space<hbm>>
      tpu.enqueue_dma source(%dma_start3A_752 : memref<128x64xf32, #tpu.memory_space<hbm>>) target(%dma_start3A_750 : memref<128x64xf32, #tpu.memory_space<vmem>>) target_semaphore(%arg19 : memref<!tpu.dma_semaphore, #tpu.memory_space<semaphore_mem>>)
      %dma_wait3A_753 = arith.constant 6 : i32
      %dma_wait3A_754 = arith.constant 6 : i32
      %dma_wait3A_755 = arith.constant 0 : i32
      %dma_wait3A_756 = tpu.memref_slice %arg15[%dma_wait3A_754, %dma_wait3A_755] : memref<8x128xi32, #tpu.memory_space<vmem>> -> memref<1x128xi32, #tpu.memory_space<vmem>>
      %dma_wait3A_757 = tpu.memref_squeeze %dma_wait3A_756 : memref<1x128xi32, #tpu.memory_space<vmem>> -> memref<128xi32, #tpu.memory_space<vmem>>
      %dma_wait3A_758 = arith.constant 0 : i32
      %dma_wait3A_759 = tpu.memref_slice %arg13[%dma_wait3A_753, %dma_wait3A_758] : memref<8x128xi32, #tpu.memory_space<vmem>> -> memref<1x128xi32, #tpu.memory_space<vmem>>
      %dma_wait3A_760 = tpu.memref_squeeze %dma_wait3A_759 : memref<1x128xi32, #tpu.memory_space<vmem>> -> memref<128xi32, #tpu.memory_space<vmem>>
      %dma_wait3A_761 = arith.constant 0 : i32
      %dma_wait3A_762 = tpu.memref_slice %arg10[%dma_wait3A_761] : memref<100000xi32, #tpu.memory_space<vmem_shared>> -> memref<100000xi32, #tpu.memory_space<vmem_shared>>
      tpu.wait_indirect_dma semaphore(%arg18 : memref<!tpu.dma_semaphore, #tpu.memory_space<semaphore_mem>>) src(%dma_wait3A_762 : memref<100000xi32, #tpu.memory_space<vmem_shared>>) dst(%dma_wait3A_757 : memref<128xi32, #tpu.memory_space<vmem>>)
      %dma_wait3A_763 = arith.constant 0 : i32
      %dma_wait3A_764 = arith.constant 0 : i32
      %dma_wait3A_765 = arith.constant 0 : i32
      %dma_wait3A_766 = tpu.memref_slice %arg17[%dma_wait3A_763, %dma_wait3A_764, %dma_wait3A_765] : memref<2x128x80xf32, #tpu.memory_space<vmem>> -> memref<1x128x64xf32, #tpu.memory_space<vmem>>
      %dma_wait3A_767 = tpu.memref_squeeze %dma_wait3A_766 : memref<1x128x64xf32, #tpu.memory_space<vmem>> -> memref<128x64xf32, #tpu.memory_space<vmem>>
      %dma_wait3A_768 = arith.constant 0 : i32
      %dma_wait3A_769 = tpu.memref_slice %arg5[%mul3A_673, %dma_wait3A_768] : memref<16384x64xf32, #tpu.memory_space<hbm>> -> memref<128x64xf32, #tpu.memory_space<hbm>>
      %dma_wait3A_770 = arith.constant 0 : i32
      %dma_wait3A_771 = arith.constant 0 : i32
      %dma_wait3A_772 = tpu.memref_slice %arg17[%dma_wait3A_763, %dma_wait3A_770, %dma_wait3A_771] : memref<2x128x80xf32, #tpu.memory_space<vmem>> -> memref<1x128x64xf32, #tpu.memory_space<vmem>>
      %dma_wait3A_773 = tpu.memref_squeeze %dma_wait3A_772 : memref<1x128x64xf32, #tpu.memory_space<vmem>> -> memref<128x64xf32, #tpu.memory_space<vmem>>
      %dma_wait3A_774 = arith.constant 0 : i32
      %dma_wait3A_775 = tpu.memref_slice %arg5[%mul3A_673, %dma_wait3A_774] : memref<16384x64xf32, #tpu.memory_space<hbm>> -> memref<128x64xf32, #tpu.memory_space<hbm>>
      tpu.wait_dma2 semaphore(%arg19 : memref<!tpu.dma_semaphore, #tpu.memory_space<semaphore_mem>>) src(%dma_wait3A_775 : memref<128x64xf32, #tpu.memory_space<hbm>>) dst(%dma_wait3A_773 : memref<128x64xf32, #tpu.memory_space<vmem>>)
      %dma_start3A_776 = arith.constant 0 : i32
      %dma_start3A_777 = arith.constant 6 : i32
      %dma_start3A_778 = arith.constant 0 : i32
      %dma_start3A_779 = arith.constant 0 : i32
      %dma_start3A_780 = tpu.memref_slice %arg17[%dma_start3A_776, %dma_start3A_778, %dma_start3A_779] : memref<2x128x80xf32, #tpu.memory_space<vmem>> -> memref<1x128x80xf32, #tpu.memory_space<vmem>>
      %dma_start3A_781 = tpu.memref_squeeze %dma_start3A_780 : memref<1x128x80xf32, #tpu.memory_space<vmem>> -> memref<128x80xf32, #tpu.memory_space<vmem>>
      %dma_start3A_782 = arith.constant 0 : i32
      %dma_start3A_783 = tpu.memref_slice %arg15[%dma_start3A_777, %dma_start3A_782] : memref<8x128xi32, #tpu.memory_space<vmem>> -> memref<1x128xi32, #tpu.memory_space<vmem>>
      %dma_start3A_784 = tpu.memref_squeeze %dma_start3A_783 : memref<1x128xi32, #tpu.memory_space<vmem>> -> memref<128xi32, #tpu.memory_space<vmem>>
      %dma_start3A_785 = arith.constant 0 : i32
      %dma_start3A_786 = arith.constant 0 : i32
      %dma_start3A_787 = tpu.memref_slice %arg11[%dma_start3A_785, %dma_start3A_786] : memref<16384x80xf32, #tpu.memory_space<vmem_shared>> -> memref<16384x80xf32, #tpu.memory_space<vmem_shared>>
      tpu.enqueue_indirect_dma source(%dma_start3A_781 : memref<128x80xf32, #tpu.memory_space<vmem>>) target(%dma_start3A_787 : memref<16384x80xf32, #tpu.memory_space<vmem_shared>>) offsets(%dma_start3A_784 : memref<128xi32, #tpu.memory_space<vmem>>) semaphore(%arg20 : memref<!tpu.dma_semaphore, #tpu.memory_space<semaphore_mem>>) {add = true}
      %dma_wait3A_788 = arith.constant 7 : i32
      %dma_wait3A_789 = arith.constant 7 : i32
      %dma_wait3A_790 = arith.constant 0 : i32
      %dma_wait3A_791 = tpu.memref_slice %arg15[%dma_wait3A_789, %dma_wait3A_790] : memref<8x128xi32, #tpu.memory_space<vmem>> -> memref<1x128xi32, #tpu.memory_space<vmem>>
      %dma_wait3A_792 = tpu.memref_squeeze %dma_wait3A_791 : memref<1x128xi32, #tpu.memory_space<vmem>> -> memref<128xi32, #tpu.memory_space<vmem>>
      %dma_wait3A_793 = arith.constant 0 : i32
      %dma_wait3A_794 = tpu.memref_slice %arg13[%dma_wait3A_788, %dma_wait3A_793] : memref<8x128xi32, #tpu.memory_space<vmem>> -> memref<1x128xi32, #tpu.memory_space<vmem>>
      %dma_wait3A_795 = tpu.memref_squeeze %dma_wait3A_794 : memref<1x128xi32, #tpu.memory_space<vmem>> -> memref<128xi32, #tpu.memory_space<vmem>>
      %dma_wait3A_796 = arith.constant 0 : i32
      %dma_wait3A_797 = tpu.memref_slice %arg10[%dma_wait3A_796] : memref<100000xi32, #tpu.memory_space<vmem_shared>> -> memref<100000xi32, #tpu.memory_space<vmem_shared>>
      tpu.wait_indirect_dma semaphore(%arg18 : memref<!tpu.dma_semaphore, #tpu.memory_space<semaphore_mem>>) src(%dma_wait3A_797 : memref<100000xi32, #tpu.memory_space<vmem_shared>>) dst(%dma_wait3A_792 : memref<128xi32, #tpu.memory_space<vmem>>)
      %dma_wait3A_798 = arith.constant 1 : i32
      %dma_wait3A_799 = arith.constant 0 : i32
      %dma_wait3A_800 = arith.constant 0 : i32
      %dma_wait3A_801 = tpu.memref_slice %arg17[%dma_wait3A_798, %dma_wait3A_799, %dma_wait3A_800] : memref<2x128x80xf32, #tpu.memory_space<vmem>> -> memref<1x128x64xf32, #tpu.memory_space<vmem>>
      %dma_wait3A_802 = tpu.memref_squeeze %dma_wait3A_801 : memref<1x128x64xf32, #tpu.memory_space<vmem>> -> memref<128x64xf32, #tpu.memory_space<vmem>>
      %dma_wait3A_803 = arith.constant 0 : i32
      %dma_wait3A_804 = tpu.memref_slice %arg5[%mul3A_739, %dma_wait3A_803] : memref<16384x64xf32, #tpu.memory_space<hbm>> -> memref<128x64xf32, #tpu.memory_space<hbm>>
      %dma_wait3A_805 = arith.constant 0 : i32
      %dma_wait3A_806 = arith.constant 0 : i32
      %dma_wait3A_807 = tpu.memref_slice %arg17[%dma_wait3A_798, %dma_wait3A_805, %dma_wait3A_806] : memref<2x128x80xf32, #tpu.memory_space<vmem>> -> memref<1x128x64xf32, #tpu.memory_space<vmem>>
      %dma_wait3A_808 = tpu.memref_squeeze %dma_wait3A_807 : memref<1x128x64xf32, #tpu.memory_space<vmem>> -> memref<128x64xf32, #tpu.memory_space<vmem>>
      %dma_wait3A_809 = arith.constant 0 : i32
      %dma_wait3A_810 = tpu.memref_slice %arg5[%mul3A_739, %dma_wait3A_809] : memref<16384x64xf32, #tpu.memory_space<hbm>> -> memref<128x64xf32, #tpu.memory_space<hbm>>
      tpu.wait_dma2 semaphore(%arg19 : memref<!tpu.dma_semaphore, #tpu.memory_space<semaphore_mem>>) src(%dma_wait3A_810 : memref<128x64xf32, #tpu.memory_space<hbm>>) dst(%dma_wait3A_808 : memref<128x64xf32, #tpu.memory_space<vmem>>)
      %dma_start3A_811 = arith.constant 1 : i32
      %dma_start3A_812 = arith.constant 7 : i32
      %dma_start3A_813 = arith.constant 0 : i32
      %dma_start3A_814 = arith.constant 0 : i32
      %dma_start3A_815 = tpu.memref_slice %arg17[%dma_start3A_811, %dma_start3A_813, %dma_start3A_814] : memref<2x128x80xf32, #tpu.memory_space<vmem>> -> memref<1x128x80xf32, #tpu.memory_space<vmem>>
      %dma_start3A_816 = tpu.memref_squeeze %dma_start3A_815 : memref<1x128x80xf32, #tpu.memory_space<vmem>> -> memref<128x80xf32, #tpu.memory_space<vmem>>
      %dma_start3A_817 = arith.constant 0 : i32
      %dma_start3A_818 = tpu.memref_slice %arg15[%dma_start3A_812, %dma_start3A_817] : memref<8x128xi32, #tpu.memory_space<vmem>> -> memref<1x128xi32, #tpu.memory_space<vmem>>
      %dma_start3A_819 = tpu.memref_squeeze %dma_start3A_818 : memref<1x128xi32, #tpu.memory_space<vmem>> -> memref<128xi32, #tpu.memory_space<vmem>>
      %dma_start3A_820 = arith.constant 0 : i32
      %dma_start3A_821 = arith.constant 0 : i32
      %dma_start3A_822 = tpu.memref_slice %arg11[%dma_start3A_820, %dma_start3A_821] : memref<16384x80xf32, #tpu.memory_space<vmem_shared>> -> memref<16384x80xf32, #tpu.memory_space<vmem_shared>>
      tpu.enqueue_indirect_dma source(%dma_start3A_816 : memref<128x80xf32, #tpu.memory_space<vmem>>) target(%dma_start3A_822 : memref<16384x80xf32, #tpu.memory_space<vmem_shared>>) offsets(%dma_start3A_819 : memref<128xi32, #tpu.memory_space<vmem>>) semaphore(%arg20 : memref<!tpu.dma_semaphore, #tpu.memory_space<semaphore_mem>>) {add = true}
      %dma_wait3A_823 = arith.constant 0 : i32
      %dma_wait3A_824 = arith.constant 6 : i32
      %dma_wait3A_825 = arith.constant 0 : i32
      %dma_wait3A_826 = arith.constant 0 : i32
      %dma_wait3A_827 = tpu.memref_slice %arg17[%dma_wait3A_823, %dma_wait3A_825, %dma_wait3A_826] : memref<2x128x80xf32, #tpu.memory_space<vmem>> -> memref<1x128x80xf32, #tpu.memory_space<vmem>>
      %dma_wait3A_828 = tpu.memref_squeeze %dma_wait3A_827 : memref<1x128x80xf32, #tpu.memory_space<vmem>> -> memref<128x80xf32, #tpu.memory_space<vmem>>
      %dma_wait3A_829 = arith.constant 0 : i32
      %dma_wait3A_830 = tpu.memref_slice %arg15[%dma_wait3A_824, %dma_wait3A_829] : memref<8x128xi32, #tpu.memory_space<vmem>> -> memref<1x128xi32, #tpu.memory_space<vmem>>
      %dma_wait3A_831 = tpu.memref_squeeze %dma_wait3A_830 : memref<1x128xi32, #tpu.memory_space<vmem>> -> memref<128xi32, #tpu.memory_space<vmem>>
      %dma_wait3A_832 = arith.constant 0 : i32
      %dma_wait3A_833 = arith.constant 0 : i32
      %dma_wait3A_834 = tpu.memref_slice %arg11[%dma_wait3A_832, %dma_wait3A_833] : memref<16384x80xf32, #tpu.memory_space<vmem_shared>> -> memref<16384x80xf32, #tpu.memory_space<vmem_shared>>
      tpu.wait_indirect_dma semaphore(%arg20 : memref<!tpu.dma_semaphore, #tpu.memory_space<semaphore_mem>>) src(%dma_wait3A_828 : memref<128x80xf32, #tpu.memory_space<vmem>>) dst(%dma_wait3A_834 : memref<16384x80xf32, #tpu.memory_space<vmem_shared>>)
      %dma_wait3A_835 = arith.constant 1 : i32
      %dma_wait3A_836 = arith.constant 7 : i32
      %dma_wait3A_837 = arith.constant 0 : i32
      %dma_wait3A_838 = arith.constant 0 : i32
      %dma_wait3A_839 = tpu.memref_slice %arg17[%dma_wait3A_835, %dma_wait3A_837, %dma_wait3A_838] : memref<2x128x80xf32, #tpu.memory_space<vmem>> -> memref<1x128x80xf32, #tpu.memory_space<vmem>>
      %dma_wait3A_840 = tpu.memref_squeeze %dma_wait3A_839 : memref<1x128x80xf32, #tpu.memory_space<vmem>> -> memref<128x80xf32, #tpu.memory_space<vmem>>
      %dma_wait3A_841 = arith.constant 0 : i32
      %dma_wait3A_842 = tpu.memref_slice %arg15[%dma_wait3A_836, %dma_wait3A_841] : memref<8x128xi32, #tpu.memory_space<vmem>> -> memref<1x128xi32, #tpu.memory_space<vmem>>
      %dma_wait3A_843 = tpu.memref_squeeze %dma_wait3A_842 : memref<1x128xi32, #tpu.memory_space<vmem>> -> memref<128xi32, #tpu.memory_space<vmem>>
      %dma_wait3A_844 = arith.constant 0 : i32
      %dma_wait3A_845 = arith.constant 0 : i32
      %dma_wait3A_846 = tpu.memref_slice %arg11[%dma_wait3A_844, %dma_wait3A_845] : memref<16384x80xf32, #tpu.memory_space<vmem_shared>> -> memref<16384x80xf32, #tpu.memory_space<vmem_shared>>
      tpu.wait_indirect_dma semaphore(%arg20 : memref<!tpu.dma_semaphore, #tpu.memory_space<semaphore_mem>>) src(%dma_wait3A_840 : memref<128x80xf32, #tpu.memory_space<vmem>>) dst(%dma_wait3A_846 : memref<16384x80xf32, #tpu.memory_space<vmem_shared>>)
    } else {
    }
    %barrier3A_232 = arith.constant 0 : index
    tpu.barrier barrier_id(%barrier3A_232)
    %eq3A_233 = arith.constant 0 : i32
    %eq3A_234 = arith.cmpi eq, %arg0, %eq3A_233 : i32
    %convert_element_type3A_235 = arith.extui %eq3A_234 : i1 to i32
    %cond3A_236 = arith.constant 0 : i32
    %cond3A_237 = arith.cmpi ne, %convert_element_type3A_235, %cond3A_236 : i32
    scf.if %cond3A_237 {
      %dma_start3A_238 = arith.constant 0 : i32
      %dma_start3A_239 = arith.constant 0 : i32
      %dma_start3A_240 = arith.constant 0 : i32
      %dma_start3A_241 = arith.constant 0 : i32
      %dma_start3A_242 = tpu.memref_slice %arg17[%dma_start3A_239, %dma_start3A_240, %dma_start3A_241] : memref<2x128x80xf32, #tpu.memory_space<vmem>> -> memref<1x128x80xf32, #tpu.memory_space<vmem>>
      %dma_start3A_243 = tpu.memref_squeeze %dma_start3A_242 : memref<1x128x80xf32, #tpu.memory_space<vmem>> -> memref<128x80xf32, #tpu.memory_space<vmem>>
      %dma_start3A_244 = arith.constant 0 : i32
      %dma_start3A_245 = tpu.memref_slice %arg15[%dma_start3A_238, %dma_start3A_244] : memref<8x128xi32, #tpu.memory_space<vmem>> -> memref<1x128xi32, #tpu.memory_space<vmem>>
      %dma_start3A_246 = tpu.memref_squeeze %dma_start3A_245 : memref<1x128xi32, #tpu.memory_space<vmem>> -> memref<128xi32, #tpu.memory_space<vmem>>
      %dma_start3A_247 = arith.constant 0 : i32
      %dma_start3A_248 = arith.constant 0 : i32
      %dma_start3A_249 = tpu.memref_slice %arg11[%dma_start3A_247, %dma_start3A_248] : memref<16384x80xf32, #tpu.memory_space<vmem_shared>> -> memref<16384x80xf32, #tpu.memory_space<vmem_shared>>
      tpu.enqueue_indirect_dma source(%dma_start3A_249 : memref<16384x80xf32, #tpu.memory_space<vmem_shared>>) target(%dma_start3A_243 : memref<128x80xf32, #tpu.memory_space<vmem>>) offsets(%dma_start3A_246 : memref<128xi32, #tpu.memory_space<vmem>>) semaphore(%arg18 : memref<!tpu.dma_semaphore, #tpu.memory_space<semaphore_mem>>)
      %dma_start3A_250 = arith.constant 1 : i32
      %dma_start3A_251 = arith.constant 1 : i32
      %dma_start3A_252 = arith.constant 0 : i32
      %dma_start3A_253 = arith.constant 0 : i32
      %dma_start3A_254 = tpu.memref_slice %arg17[%dma_start3A_251, %dma_start3A_252, %dma_start3A_253] : memref<2x128x80xf32, #tpu.memory_space<vmem>> -> memref<1x128x80xf32, #tpu.memory_space<vmem>>
      %dma_start3A_255 = tpu.memref_squeeze %dma_start3A_254 : memref<1x128x80xf32, #tpu.memory_space<vmem>> -> memref<128x80xf32, #tpu.memory_space<vmem>>
      %dma_start3A_256 = arith.constant 0 : i32
      %dma_start3A_257 = tpu.memref_slice %arg15[%dma_start3A_250, %dma_start3A_256] : memref<8x128xi32, #tpu.memory_space<vmem>> -> memref<1x128xi32, #tpu.memory_space<vmem>>
      %dma_start3A_258 = tpu.memref_squeeze %dma_start3A_257 : memref<1x128xi32, #tpu.memory_space<vmem>> -> memref<128xi32, #tpu.memory_space<vmem>>
      %dma_start3A_259 = arith.constant 0 : i32
      %dma_start3A_260 = arith.constant 0 : i32
      %dma_start3A_261 = tpu.memref_slice %arg11[%dma_start3A_259, %dma_start3A_260] : memref<16384x80xf32, #tpu.memory_space<vmem_shared>> -> memref<16384x80xf32, #tpu.memory_space<vmem_shared>>
      tpu.enqueue_indirect_dma source(%dma_start3A_261 : memref<16384x80xf32, #tpu.memory_space<vmem_shared>>) target(%dma_start3A_255 : memref<128x80xf32, #tpu.memory_space<vmem>>) offsets(%dma_start3A_258 : memref<128xi32, #tpu.memory_space<vmem>>) semaphore(%arg18 : memref<!tpu.dma_semaphore, #tpu.memory_space<semaphore_mem>>)
      %dma_wait3A_262 = arith.constant 0 : i32
      %dma_wait3A_263 = arith.constant 0 : i32
      %dma_wait3A_264 = arith.constant 0 : i32
      %dma_wait3A_265 = arith.constant 0 : i32
      %dma_wait3A_266 = tpu.memref_slice %arg17[%dma_wait3A_263, %dma_wait3A_264, %dma_wait3A_265] : memref<2x128x80xf32, #tpu.memory_space<vmem>> -> memref<1x128x80xf32, #tpu.memory_space<vmem>>
      %dma_wait3A_267 = tpu.memref_squeeze %dma_wait3A_266 : memref<1x128x80xf32, #tpu.memory_space<vmem>> -> memref<128x80xf32, #tpu.memory_space<vmem>>
      %dma_wait3A_268 = arith.constant 0 : i32
      %dma_wait3A_269 = tpu.memref_slice %arg15[%dma_wait3A_262, %dma_wait3A_268] : memref<8x128xi32, #tpu.memory_space<vmem>> -> memref<1x128xi32, #tpu.memory_space<vmem>>
      %dma_wait3A_270 = tpu.memref_squeeze %dma_wait3A_269 : memref<1x128xi32, #tpu.memory_space<vmem>> -> memref<128xi32, #tpu.memory_space<vmem>>
      %dma_wait3A_271 = arith.constant 0 : i32
      %dma_wait3A_272 = arith.constant 0 : i32
      %dma_wait3A_273 = tpu.memref_slice %arg11[%dma_wait3A_271, %dma_wait3A_272] : memref<16384x80xf32, #tpu.memory_space<vmem_shared>> -> memref<16384x80xf32, #tpu.memory_space<vmem_shared>>
      tpu.wait_indirect_dma semaphore(%arg18 : memref<!tpu.dma_semaphore, #tpu.memory_space<semaphore_mem>>) src(%dma_wait3A_273 : memref<16384x80xf32, #tpu.memory_space<vmem_shared>>) dst(%dma_wait3A_267 : memref<128x80xf32, #tpu.memory_space<vmem>>)
      %mul3A_274 = arith.constant 8 : i32
      %mul3A_275 = arith.muli %arg1, %mul3A_274 : i32
      %add3A_276 = arith.constant 0 : i32
      %add3A_277 = arith.addi %mul3A_275, %add3A_276 : i32
      %mul3A_278 = arith.constant 128 : i32
      %mul3A_279 = arith.muli %add3A_277, %mul3A_278 : i32
      %dma_start3A_280 = arith.constant 0 : i32
      %dma_start3A_281 = arith.constant 0 : i32
      %dma_start3A_282 = arith.constant 0 : i32
      %dma_start3A_283 = tpu.memref_slice %arg17[%dma_start3A_280, %dma_start3A_281, %dma_start3A_282] : memref<2x128x80xf32, #tpu.memory_space<vmem>> -> memref<1x128x80xf32, #tpu.memory_space<vmem>>
      %dma_start3A_284 = tpu.memref_squeeze %dma_start3A_283 : memref<1x128x80xf32, #tpu.memory_space<vmem>> -> memref<128x80xf32, #tpu.memory_space<vmem>>
      %dma_start3A_285 = arith.constant 0 : i32
      %dma_start3A_286 = tpu.memref_slice %arg9[%mul3A_279, %dma_start3A_285] : memref<16384x80xf32, #tpu.memory_space<hbm>> -> memref<128x80xf32, #tpu.memory_space<hbm>>
      %dma_start3A_287 = arith.constant 0 : i32
      %dma_start3A_288 = tpu.memref_slice %arg9[%mul3A_279, %dma_start3A_287] : memref<16384x80xf32, #tpu.memory_space<hbm>> -> memref<128x80xf32, #tpu.memory_space<hbm>>
      %dma_start3A_289 = arith.constant 0 : i32
      %dma_start3A_290 = arith.constant 0 : i32
      %dma_start3A_291 = tpu.memref_slice %arg17[%dma_start3A_280, %dma_start3A_289, %dma_start3A_290] : memref<2x128x80xf32, #tpu.memory_space<vmem>> -> memref<1x128x80xf32, #tpu.memory_space<vmem>>
      %dma_start3A_292 = tpu.memref_squeeze %dma_start3A_291 : memref<1x128x80xf32, #tpu.memory_space<vmem>> -> memref<128x80xf32, #tpu.memory_space<vmem>>
      tpu.enqueue_dma source(%dma_start3A_292 : memref<128x80xf32, #tpu.memory_space<vmem>>) target(%dma_start3A_288 : memref<128x80xf32, #tpu.memory_space<hbm>>) target_semaphore(%arg19 : memref<!tpu.dma_semaphore, #tpu.memory_space<semaphore_mem>>)
      %dma_wait3A_293 = arith.constant 0 : i32
      %dma_wait3A_294 = arith.constant 0 : i32
      %dma_wait3A_295 = arith.constant 0 : i32
      %dma_wait3A_296 = tpu.memref_slice %arg17[%dma_wait3A_293, %dma_wait3A_294, %dma_wait3A_295] : memref<2x128x80xf32, #tpu.memory_space<vmem>> -> memref<1x128x80xf32, #tpu.memory_space<vmem>>
      %dma_wait3A_297 = tpu.memref_squeeze %dma_wait3A_296 : memref<1x128x80xf32, #tpu.memory_space<vmem>> -> memref<128x80xf32, #tpu.memory_space<vmem>>
      %dma_wait3A_298 = arith.constant 0 : i32
      %dma_wait3A_299 = tpu.memref_slice %arg9[%mul3A_279, %dma_wait3A_298] : memref<16384x80xf32, #tpu.memory_space<hbm>> -> memref<128x80xf32, #tpu.memory_space<hbm>>
      %dma_wait3A_300 = arith.constant 0 : i32
      %dma_wait3A_301 = tpu.memref_slice %arg9[%mul3A_279, %dma_wait3A_300] : memref<16384x80xf32, #tpu.memory_space<hbm>> -> memref<128x80xf32, #tpu.memory_space<hbm>>
      %dma_wait3A_302 = arith.constant 0 : i32
      %dma_wait3A_303 = arith.constant 0 : i32
      %dma_wait3A_304 = tpu.memref_slice %arg17[%dma_wait3A_293, %dma_wait3A_302, %dma_wait3A_303] : memref<2x128x80xf32, #tpu.memory_space<vmem>> -> memref<1x128x80xf32, #tpu.memory_space<vmem>>
      %dma_wait3A_305 = tpu.memref_squeeze %dma_wait3A_304 : memref<1x128x80xf32, #tpu.memory_space<vmem>> -> memref<128x80xf32, #tpu.memory_space<vmem>>
      tpu.wait_dma2 semaphore(%arg19 : memref<!tpu.dma_semaphore, #tpu.memory_space<semaphore_mem>>) src(%dma_wait3A_305 : memref<128x80xf32, #tpu.memory_space<vmem>>) dst(%dma_wait3A_301 : memref<128x80xf32, #tpu.memory_space<hbm>>)
      %dma_start3A_306 = arith.constant 2 : i32
      %dma_start3A_307 = arith.constant 0 : i32
      %dma_start3A_308 = arith.constant 0 : i32
      %dma_start3A_309 = arith.constant 0 : i32
      %dma_start3A_310 = tpu.memref_slice %arg17[%dma_start3A_307, %dma_start3A_308, %dma_start3A_309] : memref<2x128x80xf32, #tpu.memory_space<vmem>> -> memref<1x128x80xf32, #tpu.memory_space<vmem>>
      %dma_start3A_311 = tpu.memref_squeeze %dma_start3A_310 : memref<1x128x80xf32, #tpu.memory_space<vmem>> -> memref<128x80xf32, #tpu.memory_space<vmem>>
      %dma_start3A_312 = arith.constant 0 : i32
      %dma_start3A_313 = tpu.memref_slice %arg15[%dma_start3A_306, %dma_start3A_312] : memref<8x128xi32, #tpu.memory_space<vmem>> -> memref<1x128xi32, #tpu.memory_space<vmem>>
      %dma_start3A_314 = tpu.memref_squeeze %dma_start3A_313 : memref<1x128xi32, #tpu.memory_space<vmem>> -> memref<128xi32, #tpu.memory_space<vmem>>
      %dma_start3A_315 = arith.constant 0 : i32
      %dma_start3A_316 = arith.constant 0 : i32
      %dma_start3A_317 = tpu.memref_slice %arg11[%dma_start3A_315, %dma_start3A_316] : memref<16384x80xf32, #tpu.memory_space<vmem_shared>> -> memref<16384x80xf32, #tpu.memory_space<vmem_shared>>
      tpu.enqueue_indirect_dma source(%dma_start3A_317 : memref<16384x80xf32, #tpu.memory_space<vmem_shared>>) target(%dma_start3A_311 : memref<128x80xf32, #tpu.memory_space<vmem>>) offsets(%dma_start3A_314 : memref<128xi32, #tpu.memory_space<vmem>>) semaphore(%arg18 : memref<!tpu.dma_semaphore, #tpu.memory_space<semaphore_mem>>)
      %dma_wait3A_318 = arith.constant 1 : i32
      %dma_wait3A_319 = arith.constant 1 : i32
      %dma_wait3A_320 = arith.constant 0 : i32
      %dma_wait3A_321 = arith.constant 0 : i32
      %dma_wait3A_322 = tpu.memref_slice %arg17[%dma_wait3A_319, %dma_wait3A_320, %dma_wait3A_321] : memref<2x128x80xf32, #tpu.memory_space<vmem>> -> memref<1x128x80xf32, #tpu.memory_space<vmem>>
      %dma_wait3A_323 = tpu.memref_squeeze %dma_wait3A_322 : memref<1x128x80xf32, #tpu.memory_space<vmem>> -> memref<128x80xf32, #tpu.memory_space<vmem>>
      %dma_wait3A_324 = arith.constant 0 : i32
      %dma_wait3A_325 = tpu.memref_slice %arg15[%dma_wait3A_318, %dma_wait3A_324] : memref<8x128xi32, #tpu.memory_space<vmem>> -> memref<1x128xi32, #tpu.memory_space<vmem>>
      %dma_wait3A_326 = tpu.memref_squeeze %dma_wait3A_325 : memref<1x128xi32, #tpu.memory_space<vmem>> -> memref<128xi32, #tpu.memory_space<vmem>>
      %dma_wait3A_327 = arith.constant 0 : i32
      %dma_wait3A_328 = arith.constant 0 : i32
      %dma_wait3A_329 = tpu.memref_slice %arg11[%dma_wait3A_327, %dma_wait3A_328] : memref<16384x80xf32, #tpu.memory_space<vmem_shared>> -> memref<16384x80xf32, #tpu.memory_space<vmem_shared>>
      tpu.wait_indirect_dma semaphore(%arg18 : memref<!tpu.dma_semaphore, #tpu.memory_space<semaphore_mem>>) src(%dma_wait3A_329 : memref<16384x80xf32, #tpu.memory_space<vmem_shared>>) dst(%dma_wait3A_323 : memref<128x80xf32, #tpu.memory_space<vmem>>)
      %mul3A_330 = arith.constant 8 : i32
      %mul3A_331 = arith.muli %arg1, %mul3A_330 : i32
      %add3A_332 = arith.constant 1 : i32
      %add3A_333 = arith.addi %mul3A_331, %add3A_332 : i32
      %mul3A_334 = arith.constant 128 : i32
      %mul3A_335 = arith.muli %add3A_333, %mul3A_334 : i32
      %dma_start3A_336 = arith.constant 1 : i32
      %dma_start3A_337 = arith.constant 0 : i32
      %dma_start3A_338 = arith.constant 0 : i32
      %dma_start3A_339 = tpu.memref_slice %arg17[%dma_start3A_336, %dma_start3A_337, %dma_start3A_338] : memref<2x128x80xf32, #tpu.memory_space<vmem>> -> memref<1x128x80xf32, #tpu.memory_space<vmem>>
      %dma_start3A_340 = tpu.memref_squeeze %dma_start3A_339 : memref<1x128x80xf32, #tpu.memory_space<vmem>> -> memref<128x80xf32, #tpu.memory_space<vmem>>
      %dma_start3A_341 = arith.constant 0 : i32
      %dma_start3A_342 = tpu.memref_slice %arg9[%mul3A_335, %dma_start3A_341] : memref<16384x80xf32, #tpu.memory_space<hbm>> -> memref<128x80xf32, #tpu.memory_space<hbm>>
      %dma_start3A_343 = arith.constant 0 : i32
      %dma_start3A_344 = tpu.memref_slice %arg9[%mul3A_335, %dma_start3A_343] : memref<16384x80xf32, #tpu.memory_space<hbm>> -> memref<128x80xf32, #tpu.memory_space<hbm>>
      %dma_start3A_345 = arith.constant 0 : i32
      %dma_start3A_346 = arith.constant 0 : i32
      %dma_start3A_347 = tpu.memref_slice %arg17[%dma_start3A_336, %dma_start3A_345, %dma_start3A_346] : memref<2x128x80xf32, #tpu.memory_space<vmem>> -> memref<1x128x80xf32, #tpu.memory_space<vmem>>
      %dma_start3A_348 = tpu.memref_squeeze %dma_start3A_347 : memref<1x128x80xf32, #tpu.memory_space<vmem>> -> memref<128x80xf32, #tpu.memory_space<vmem>>
      tpu.enqueue_dma source(%dma_start3A_348 : memref<128x80xf32, #tpu.memory_space<vmem>>) target(%dma_start3A_344 : memref<128x80xf32, #tpu.memory_space<hbm>>) target_semaphore(%arg19 : memref<!tpu.dma_semaphore, #tpu.memory_space<semaphore_mem>>)
      %dma_wait3A_349 = arith.constant 1 : i32
      %dma_wait3A_350 = arith.constant 0 : i32
      %dma_wait3A_351 = arith.constant 0 : i32
      %dma_wait3A_352 = tpu.memref_slice %arg17[%dma_wait3A_349, %dma_wait3A_350, %dma_wait3A_351] : memref<2x128x80xf32, #tpu.memory_space<vmem>> -> memref<1x128x80xf32, #tpu.memory_space<vmem>>
      %dma_wait3A_353 = tpu.memref_squeeze %dma_wait3A_352 : memref<1x128x80xf32, #tpu.memory_space<vmem>> -> memref<128x80xf32, #tpu.memory_space<vmem>>
      %dma_wait3A_354 = arith.constant 0 : i32
      %dma_wait3A_355 = tpu.memref_slice %arg9[%mul3A_335, %dma_wait3A_354] : memref<16384x80xf32, #tpu.memory_space<hbm>> -> memref<128x80xf32, #tpu.memory_space<hbm>>
      %dma_wait3A_356 = arith.constant 0 : i32
      %dma_wait3A_357 = tpu.memref_slice %arg9[%mul3A_335, %dma_wait3A_356] : memref<16384x80xf32, #tpu.memory_space<hbm>> -> memref<128x80xf32, #tpu.memory_space<hbm>>
      %dma_wait3A_358 = arith.constant 0 : i32
      %dma_wait3A_359 = arith.constant 0 : i32
      %dma_wait3A_360 = tpu.memref_slice %arg17[%dma_wait3A_349, %dma_wait3A_358, %dma_wait3A_359] : memref<2x128x80xf32, #tpu.memory_space<vmem>> -> memref<1x128x80xf32, #tpu.memory_space<vmem>>
      %dma_wait3A_361 = tpu.memref_squeeze %dma_wait3A_360 : memref<1x128x80xf32, #tpu.memory_space<vmem>> -> memref<128x80xf32, #tpu.memory_space<vmem>>
      tpu.wait_dma2 semaphore(%arg19 : memref<!tpu.dma_semaphore, #tpu.memory_space<semaphore_mem>>) src(%dma_wait3A_361 : memref<128x80xf32, #tpu.memory_space<vmem>>) dst(%dma_wait3A_357 : memref<128x80xf32, #tpu.memory_space<hbm>>)
      %dma_start3A_362 = arith.constant 3 : i32
      %dma_start3A_363 = arith.constant 1 : i32
      %dma_start3A_364 = arith.constant 0 : i32
      %dma_start3A_365 = arith.constant 0 : i32
      %dma_start3A_366 = tpu.memref_slice %arg17[%dma_start3A_363, %dma_start3A_364, %dma_start3A_365] : memref<2x128x80xf32, #tpu.memory_space<vmem>> -> memref<1x128x80xf32, #tpu.memory_space<vmem>>
      %dma_start3A_367 = tpu.memref_squeeze %dma_start3A_366 : memref<1x128x80xf32, #tpu.memory_space<vmem>> -> memref<128x80xf32, #tpu.memory_space<vmem>>
      %dma_start3A_368 = arith.constant 0 : i32
      %dma_start3A_369 = tpu.memref_slice %arg15[%dma_start3A_362, %dma_start3A_368] : memref<8x128xi32, #tpu.memory_space<vmem>> -> memref<1x128xi32, #tpu.memory_space<vmem>>
      %dma_start3A_370 = tpu.memref_squeeze %dma_start3A_369 : memref<1x128xi32, #tpu.memory_space<vmem>> -> memref<128xi32, #tpu.memory_space<vmem>>
      %dma_start3A_371 = arith.constant 0 : i32
      %dma_start3A_372 = arith.constant 0 : i32
      %dma_start3A_373 = tpu.memref_slice %arg11[%dma_start3A_371, %dma_start3A_372] : memref<16384x80xf32, #tpu.memory_space<vmem_shared>> -> memref<16384x80xf32, #tpu.memory_space<vmem_shared>>
      tpu.enqueue_indirect_dma source(%dma_start3A_373 : memref<16384x80xf32, #tpu.memory_space<vmem_shared>>) target(%dma_start3A_367 : memref<128x80xf32, #tpu.memory_space<vmem>>) offsets(%dma_start3A_370 : memref<128xi32, #tpu.memory_space<vmem>>) semaphore(%arg18 : memref<!tpu.dma_semaphore, #tpu.memory_space<semaphore_mem>>)
      %dma_wait3A_374 = arith.constant 2 : i32
      %dma_wait3A_375 = arith.constant 0 : i32
      %dma_wait3A_376 = arith.constant 0 : i32
      %dma_wait3A_377 = arith.constant 0 : i32
      %dma_wait3A_378 = tpu.memref_slice %arg17[%dma_wait3A_375, %dma_wait3A_376, %dma_wait3A_377] : memref<2x128x80xf32, #tpu.memory_space<vmem>> -> memref<1x128x80xf32, #tpu.memory_space<vmem>>
      %dma_wait3A_379 = tpu.memref_squeeze %dma_wait3A_378 : memref<1x128x80xf32, #tpu.memory_space<vmem>> -> memref<128x80xf32, #tpu.memory_space<vmem>>
      %dma_wait3A_380 = arith.constant 0 : i32
      %dma_wait3A_381 = tpu.memref_slice %arg15[%dma_wait3A_374, %dma_wait3A_380] : memref<8x128xi32, #tpu.memory_space<vmem>> -> memref<1x128xi32, #tpu.memory_space<vmem>>
      %dma_wait3A_382 = tpu.memref_squeeze %dma_wait3A_381 : memref<1x128xi32, #tpu.memory_space<vmem>> -> memref<128xi32, #tpu.memory_space<vmem>>
      %dma_wait3A_383 = arith.constant 0 : i32
      %dma_wait3A_384 = arith.constant 0 : i32
      %dma_wait3A_385 = tpu.memref_slice %arg11[%dma_wait3A_383, %dma_wait3A_384] : memref<16384x80xf32, #tpu.memory_space<vmem_shared>> -> memref<16384x80xf32, #tpu.memory_space<vmem_shared>>
      tpu.wait_indirect_dma semaphore(%arg18 : memref<!tpu.dma_semaphore, #tpu.memory_space<semaphore_mem>>) src(%dma_wait3A_385 : memref<16384x80xf32, #tpu.memory_space<vmem_shared>>) dst(%dma_wait3A_379 : memref<128x80xf32, #tpu.memory_space<vmem>>)
      %mul3A_386 = arith.constant 8 : i32
      %mul3A_387 = arith.muli %arg1, %mul3A_386 : i32
      %add3A_388 = arith.constant 2 : i32
      %add3A_389 = arith.addi %mul3A_387, %add3A_388 : i32
      %mul3A_390 = arith.constant 128 : i32
      %mul3A_391 = arith.muli %add3A_389, %mul3A_390 : i32
      %dma_start3A_392 = arith.constant 0 : i32
      %dma_start3A_393 = arith.constant 0 : i32
      %dma_start3A_394 = arith.constant 0 : i32
      %dma_start3A_395 = tpu.memref_slice %arg17[%dma_start3A_392, %dma_start3A_393, %dma_start3A_394] : memref<2x128x80xf32, #tpu.memory_space<vmem>> -> memref<1x128x80xf32, #tpu.memory_space<vmem>>
      %dma_start3A_396 = tpu.memref_squeeze %dma_start3A_395 : memref<1x128x80xf32, #tpu.memory_space<vmem>> -> memref<128x80xf32, #tpu.memory_space<vmem>>
      %dma_start3A_397 = arith.constant 0 : i32
      %dma_start3A_398 = tpu.memref_slice %arg9[%mul3A_391, %dma_start3A_397] : memref<16384x80xf32, #tpu.memory_space<hbm>> -> memref<128x80xf32, #tpu.memory_space<hbm>>
      %dma_start3A_399 = arith.constant 0 : i32
      %dma_start3A_400 = tpu.memref_slice %arg9[%mul3A_391, %dma_start3A_399] : memref<16384x80xf32, #tpu.memory_space<hbm>> -> memref<128x80xf32, #tpu.memory_space<hbm>>
      %dma_start3A_401 = arith.constant 0 : i32
      %dma_start3A_402 = arith.constant 0 : i32
      %dma_start3A_403 = tpu.memref_slice %arg17[%dma_start3A_392, %dma_start3A_401, %dma_start3A_402] : memref<2x128x80xf32, #tpu.memory_space<vmem>> -> memref<1x128x80xf32, #tpu.memory_space<vmem>>
      %dma_start3A_404 = tpu.memref_squeeze %dma_start3A_403 : memref<1x128x80xf32, #tpu.memory_space<vmem>> -> memref<128x80xf32, #tpu.memory_space<vmem>>
      tpu.enqueue_dma source(%dma_start3A_404 : memref<128x80xf32, #tpu.memory_space<vmem>>) target(%dma_start3A_400 : memref<128x80xf32, #tpu.memory_space<hbm>>) target_semaphore(%arg19 : memref<!tpu.dma_semaphore, #tpu.memory_space<semaphore_mem>>)
      %dma_wait3A_405 = arith.constant 0 : i32
      %dma_wait3A_406 = arith.constant 0 : i32
      %dma_wait3A_407 = arith.constant 0 : i32
      %dma_wait3A_408 = tpu.memref_slice %arg17[%dma_wait3A_405, %dma_wait3A_406, %dma_wait3A_407] : memref<2x128x80xf32, #tpu.memory_space<vmem>> -> memref<1x128x80xf32, #tpu.memory_space<vmem>>
      %dma_wait3A_409 = tpu.memref_squeeze %dma_wait3A_408 : memref<1x128x80xf32, #tpu.memory_space<vmem>> -> memref<128x80xf32, #tpu.memory_space<vmem>>
      %dma_wait3A_410 = arith.constant 0 : i32
      %dma_wait3A_411 = tpu.memref_slice %arg9[%mul3A_391, %dma_wait3A_410] : memref<16384x80xf32, #tpu.memory_space<hbm>> -> memref<128x80xf32, #tpu.memory_space<hbm>>
      %dma_wait3A_412 = arith.constant 0 : i32
      %dma_wait3A_413 = tpu.memref_slice %arg9[%mul3A_391, %dma_wait3A_412] : memref<16384x80xf32, #tpu.memory_space<hbm>> -> memref<128x80xf32, #tpu.memory_space<hbm>>
      %dma_wait3A_414 = arith.constant 0 : i32
      %dma_wait3A_415 = arith.constant 0 : i32
      %dma_wait3A_416 = tpu.memref_slice %arg17[%dma_wait3A_405, %dma_wait3A_414, %dma_wait3A_415] : memref<2x128x80xf32, #tpu.memory_space<vmem>> -> memref<1x128x80xf32, #tpu.memory_space<vmem>>
      %dma_wait3A_417 = tpu.memref_squeeze %dma_wait3A_416 : memref<1x128x80xf32, #tpu.memory_space<vmem>> -> memref<128x80xf32, #tpu.memory_space<vmem>>
      tpu.wait_dma2 semaphore(%arg19 : memref<!tpu.dma_semaphore, #tpu.memory_space<semaphore_mem>>) src(%dma_wait3A_417 : memref<128x80xf32, #tpu.memory_space<vmem>>) dst(%dma_wait3A_413 : memref<128x80xf32, #tpu.memory_space<hbm>>)
      %dma_start3A_418 = arith.constant 4 : i32
      %dma_start3A_419 = arith.constant 0 : i32
      %dma_start3A_420 = arith.constant 0 : i32
      %dma_start3A_421 = arith.constant 0 : i32
      %dma_start3A_422 = tpu.memref_slice %arg17[%dma_start3A_419, %dma_start3A_420, %dma_start3A_421] : memref<2x128x80xf32, #tpu.memory_space<vmem>> -> memref<1x128x80xf32, #tpu.memory_space<vmem>>
      %dma_start3A_423 = tpu.memref_squeeze %dma_start3A_422 : memref<1x128x80xf32, #tpu.memory_space<vmem>> -> memref<128x80xf32, #tpu.memory_space<vmem>>
      %dma_start3A_424 = arith.constant 0 : i32
      %dma_start3A_425 = tpu.memref_slice %arg15[%dma_start3A_418, %dma_start3A_424] : memref<8x128xi32, #tpu.memory_space<vmem>> -> memref<1x128xi32, #tpu.memory_space<vmem>>
      %dma_start3A_426 = tpu.memref_squeeze %dma_start3A_425 : memref<1x128xi32, #tpu.memory_space<vmem>> -> memref<128xi32, #tpu.memory_space<vmem>>
      %dma_start3A_427 = arith.constant 0 : i32
      %dma_start3A_428 = arith.constant 0 : i32
      %dma_start3A_429 = tpu.memref_slice %arg11[%dma_start3A_427, %dma_start3A_428] : memref<16384x80xf32, #tpu.memory_space<vmem_shared>> -> memref<16384x80xf32, #tpu.memory_space<vmem_shared>>
      tpu.enqueue_indirect_dma source(%dma_start3A_429 : memref<16384x80xf32, #tpu.memory_space<vmem_shared>>) target(%dma_start3A_423 : memref<128x80xf32, #tpu.memory_space<vmem>>) offsets(%dma_start3A_426 : memref<128xi32, #tpu.memory_space<vmem>>) semaphore(%arg18 : memref<!tpu.dma_semaphore, #tpu.memory_space<semaphore_mem>>)
      %dma_wait3A_430 = arith.constant 3 : i32
      %dma_wait3A_431 = arith.constant 1 : i32
      %dma_wait3A_432 = arith.constant 0 : i32
      %dma_wait3A_433 = arith.constant 0 : i32
      %dma_wait3A_434 = tpu.memref_slice %arg17[%dma_wait3A_431, %dma_wait3A_432, %dma_wait3A_433] : memref<2x128x80xf32, #tpu.memory_space<vmem>> -> memref<1x128x80xf32, #tpu.memory_space<vmem>>
      %dma_wait3A_435 = tpu.memref_squeeze %dma_wait3A_434 : memref<1x128x80xf32, #tpu.memory_space<vmem>> -> memref<128x80xf32, #tpu.memory_space<vmem>>
      %dma_wait3A_436 = arith.constant 0 : i32
      %dma_wait3A_437 = tpu.memref_slice %arg15[%dma_wait3A_430, %dma_wait3A_436] : memref<8x128xi32, #tpu.memory_space<vmem>> -> memref<1x128xi32, #tpu.memory_space<vmem>>
      %dma_wait3A_438 = tpu.memref_squeeze %dma_wait3A_437 : memref<1x128xi32, #tpu.memory_space<vmem>> -> memref<128xi32, #tpu.memory_space<vmem>>
      %dma_wait3A_439 = arith.constant 0 : i32
      %dma_wait3A_440 = arith.constant 0 : i32
      %dma_wait3A_441 = tpu.memref_slice %arg11[%dma_wait3A_439, %dma_wait3A_440] : memref<16384x80xf32, #tpu.memory_space<vmem_shared>> -> memref<16384x80xf32, #tpu.memory_space<vmem_shared>>
      tpu.wait_indirect_dma semaphore(%arg18 : memref<!tpu.dma_semaphore, #tpu.memory_space<semaphore_mem>>) src(%dma_wait3A_441 : memref<16384x80xf32, #tpu.memory_space<vmem_shared>>) dst(%dma_wait3A_435 : memref<128x80xf32, #tpu.memory_space<vmem>>)
      %mul3A_442 = arith.constant 8 : i32
      %mul3A_443 = arith.muli %arg1, %mul3A_442 : i32
      %add3A_444 = arith.constant 3 : i32
      %add3A_445 = arith.addi %mul3A_443, %add3A_444 : i32
      %mul3A_446 = arith.constant 128 : i32
      %mul3A_447 = arith.muli %add3A_445, %mul3A_446 : i32
      %dma_start3A_448 = arith.constant 1 : i32
      %dma_start3A_449 = arith.constant 0 : i32
      %dma_start3A_450 = arith.constant 0 : i32
      %dma_start3A_451 = tpu.memref_slice %arg17[%dma_start3A_448, %dma_start3A_449, %dma_start3A_450] : memref<2x128x80xf32, #tpu.memory_space<vmem>> -> memref<1x128x80xf32, #tpu.memory_space<vmem>>
      %dma_start3A_452 = tpu.memref_squeeze %dma_start3A_451 : memref<1x128x80xf32, #tpu.memory_space<vmem>> -> memref<128x80xf32, #tpu.memory_space<vmem>>
      %dma_start3A_453 = arith.constant 0 : i32
      %dma_start3A_454 = tpu.memref_slice %arg9[%mul3A_447, %dma_start3A_453] : memref<16384x80xf32, #tpu.memory_space<hbm>> -> memref<128x80xf32, #tpu.memory_space<hbm>>
      %dma_start3A_455 = arith.constant 0 : i32
      %dma_start3A_456 = tpu.memref_slice %arg9[%mul3A_447, %dma_start3A_455] : memref<16384x80xf32, #tpu.memory_space<hbm>> -> memref<128x80xf32, #tpu.memory_space<hbm>>
      %dma_start3A_457 = arith.constant 0 : i32
      %dma_start3A_458 = arith.constant 0 : i32
      %dma_start3A_459 = tpu.memref_slice %arg17[%dma_start3A_448, %dma_start3A_457, %dma_start3A_458] : memref<2x128x80xf32, #tpu.memory_space<vmem>> -> memref<1x128x80xf32, #tpu.memory_space<vmem>>
      %dma_start3A_460 = tpu.memref_squeeze %dma_start3A_459 : memref<1x128x80xf32, #tpu.memory_space<vmem>> -> memref<128x80xf32, #tpu.memory_space<vmem>>
      tpu.enqueue_dma source(%dma_start3A_460 : memref<128x80xf32, #tpu.memory_space<vmem>>) target(%dma_start3A_456 : memref<128x80xf32, #tpu.memory_space<hbm>>) target_semaphore(%arg19 : memref<!tpu.dma_semaphore, #tpu.memory_space<semaphore_mem>>)
      %dma_wait3A_461 = arith.constant 1 : i32
      %dma_wait3A_462 = arith.constant 0 : i32
      %dma_wait3A_463 = arith.constant 0 : i32
      %dma_wait3A_464 = tpu.memref_slice %arg17[%dma_wait3A_461, %dma_wait3A_462, %dma_wait3A_463] : memref<2x128x80xf32, #tpu.memory_space<vmem>> -> memref<1x128x80xf32, #tpu.memory_space<vmem>>
      %dma_wait3A_465 = tpu.memref_squeeze %dma_wait3A_464 : memref<1x128x80xf32, #tpu.memory_space<vmem>> -> memref<128x80xf32, #tpu.memory_space<vmem>>
      %dma_wait3A_466 = arith.constant 0 : i32
      %dma_wait3A_467 = tpu.memref_slice %arg9[%mul3A_447, %dma_wait3A_466] : memref<16384x80xf32, #tpu.memory_space<hbm>> -> memref<128x80xf32, #tpu.memory_space<hbm>>
      %dma_wait3A_468 = arith.constant 0 : i32
      %dma_wait3A_469 = tpu.memref_slice %arg9[%mul3A_447, %dma_wait3A_468] : memref<16384x80xf32, #tpu.memory_space<hbm>> -> memref<128x80xf32, #tpu.memory_space<hbm>>
      %dma_wait3A_470 = arith.constant 0 : i32
      %dma_wait3A_471 = arith.constant 0 : i32
      %dma_wait3A_472 = tpu.memref_slice %arg17[%dma_wait3A_461, %dma_wait3A_470, %dma_wait3A_471] : memref<2x128x80xf32, #tpu.memory_space<vmem>> -> memref<1x128x80xf32, #tpu.memory_space<vmem>>
      %dma_wait3A_473 = tpu.memref_squeeze %dma_wait3A_472 : memref<1x128x80xf32, #tpu.memory_space<vmem>> -> memref<128x80xf32, #tpu.memory_space<vmem>>
      tpu.wait_dma2 semaphore(%arg19 : memref<!tpu.dma_semaphore, #tpu.memory_space<semaphore_mem>>) src(%dma_wait3A_473 : memref<128x80xf32, #tpu.memory_space<vmem>>) dst(%dma_wait3A_469 : memref<128x80xf32, #tpu.memory_space<hbm>>)
      %dma_start3A_474 = arith.constant 5 : i32
      %dma_start3A_475 = arith.constant 1 : i32
      %dma_start3A_476 = arith.constant 0 : i32
      %dma_start3A_477 = arith.constant 0 : i32
      %dma_start3A_478 = tpu.memref_slice %arg17[%dma_start3A_475, %dma_start3A_476, %dma_start3A_477] : memref<2x128x80xf32, #tpu.memory_space<vmem>> -> memref<1x128x80xf32, #tpu.memory_space<vmem>>
      %dma_start3A_479 = tpu.memref_squeeze %dma_start3A_478 : memref<1x128x80xf32, #tpu.memory_space<vmem>> -> memref<128x80xf32, #tpu.memory_space<vmem>>
      %dma_start3A_480 = arith.constant 0 : i32
      %dma_start3A_481 = tpu.memref_slice %arg15[%dma_start3A_474, %dma_start3A_480] : memref<8x128xi32, #tpu.memory_space<vmem>> -> memref<1x128xi32, #tpu.memory_space<vmem>>
      %dma_start3A_482 = tpu.memref_squeeze %dma_start3A_481 : memref<1x128xi32, #tpu.memory_space<vmem>> -> memref<128xi32, #tpu.memory_space<vmem>>
      %dma_start3A_483 = arith.constant 0 : i32
      %dma_start3A_484 = arith.constant 0 : i32
      %dma_start3A_485 = tpu.memref_slice %arg11[%dma_start3A_483, %dma_start3A_484] : memref<16384x80xf32, #tpu.memory_space<vmem_shared>> -> memref<16384x80xf32, #tpu.memory_space<vmem_shared>>
      tpu.enqueue_indirect_dma source(%dma_start3A_485 : memref<16384x80xf32, #tpu.memory_space<vmem_shared>>) target(%dma_start3A_479 : memref<128x80xf32, #tpu.memory_space<vmem>>) offsets(%dma_start3A_482 : memref<128xi32, #tpu.memory_space<vmem>>) semaphore(%arg18 : memref<!tpu.dma_semaphore, #tpu.memory_space<semaphore_mem>>)
      %dma_wait3A_486 = arith.constant 4 : i32
      %dma_wait3A_487 = arith.constant 0 : i32
      %dma_wait3A_488 = arith.constant 0 : i32
      %dma_wait3A_489 = arith.constant 0 : i32
      %dma_wait3A_490 = tpu.memref_slice %arg17[%dma_wait3A_487, %dma_wait3A_488, %dma_wait3A_489] : memref<2x128x80xf32, #tpu.memory_space<vmem>> -> memref<1x128x80xf32, #tpu.memory_space<vmem>>
      %dma_wait3A_491 = tpu.memref_squeeze %dma_wait3A_490 : memref<1x128x80xf32, #tpu.memory_space<vmem>> -> memref<128x80xf32, #tpu.memory_space<vmem>>
      %dma_wait3A_492 = arith.constant 0 : i32
      %dma_wait3A_493 = tpu.memref_slice %arg15[%dma_wait3A_486, %dma_wait3A_492] : memref<8x128xi32, #tpu.memory_space<vmem>> -> memref<1x128xi32, #tpu.memory_space<vmem>>
      %dma_wait3A_494 = tpu.memref_squeeze %dma_wait3A_493 : memref<1x128xi32, #tpu.memory_space<vmem>> -> memref<128xi32, #tpu.memory_space<vmem>>
      %dma_wait3A_495 = arith.constant 0 : i32
      %dma_wait3A_496 = arith.constant 0 : i32
      %dma_wait3A_497 = tpu.memref_slice %arg11[%dma_wait3A_495, %dma_wait3A_496] : memref<16384x80xf32, #tpu.memory_space<vmem_shared>> -> memref<16384x80xf32, #tpu.memory_space<vmem_shared>>
      tpu.wait_indirect_dma semaphore(%arg18 : memref<!tpu.dma_semaphore, #tpu.memory_space<semaphore_mem>>) src(%dma_wait3A_497 : memref<16384x80xf32, #tpu.memory_space<vmem_shared>>) dst(%dma_wait3A_491 : memref<128x80xf32, #tpu.memory_space<vmem>>)
      %mul3A_498 = arith.constant 8 : i32
      %mul3A_499 = arith.muli %arg1, %mul3A_498 : i32
      %add3A_500 = arith.constant 4 : i32
      %add3A_501 = arith.addi %mul3A_499, %add3A_500 : i32
      %mul3A_502 = arith.constant 128 : i32
      %mul3A_503 = arith.muli %add3A_501, %mul3A_502 : i32
      %dma_start3A_504 = arith.constant 0 : i32
      %dma_start3A_505 = arith.constant 0 : i32
      %dma_start3A_506 = arith.constant 0 : i32
      %dma_start3A_507 = tpu.memref_slice %arg17[%dma_start3A_504, %dma_start3A_505, %dma_start3A_506] : memref<2x128x80xf32, #tpu.memory_space<vmem>> -> memref<1x128x80xf32, #tpu.memory_space<vmem>>
      %dma_start3A_508 = tpu.memref_squeeze %dma_start3A_507 : memref<1x128x80xf32, #tpu.memory_space<vmem>> -> memref<128x80xf32, #tpu.memory_space<vmem>>
      %dma_start3A_509 = arith.constant 0 : i32
      %dma_start3A_510 = tpu.memref_slice %arg9[%mul3A_503, %dma_start3A_509] : memref<16384x80xf32, #tpu.memory_space<hbm>> -> memref<128x80xf32, #tpu.memory_space<hbm>>
      %dma_start3A_511 = arith.constant 0 : i32
      %dma_start3A_512 = tpu.memref_slice %arg9[%mul3A_503, %dma_start3A_511] : memref<16384x80xf32, #tpu.memory_space<hbm>> -> memref<128x80xf32, #tpu.memory_space<hbm>>
      %dma_start3A_513 = arith.constant 0 : i32
      %dma_start3A_514 = arith.constant 0 : i32
      %dma_start3A_515 = tpu.memref_slice %arg17[%dma_start3A_504, %dma_start3A_513, %dma_start3A_514] : memref<2x128x80xf32, #tpu.memory_space<vmem>> -> memref<1x128x80xf32, #tpu.memory_space<vmem>>
      %dma_start3A_516 = tpu.memref_squeeze %dma_start3A_515 : memref<1x128x80xf32, #tpu.memory_space<vmem>> -> memref<128x80xf32, #tpu.memory_space<vmem>>
      tpu.enqueue_dma source(%dma_start3A_516 : memref<128x80xf32, #tpu.memory_space<vmem>>) target(%dma_start3A_512 : memref<128x80xf32, #tpu.memory_space<hbm>>) target_semaphore(%arg19 : memref<!tpu.dma_semaphore, #tpu.memory_space<semaphore_mem>>)
      %dma_wait3A_517 = arith.constant 0 : i32
      %dma_wait3A_518 = arith.constant 0 : i32
      %dma_wait3A_519 = arith.constant 0 : i32
      %dma_wait3A_520 = tpu.memref_slice %arg17[%dma_wait3A_517, %dma_wait3A_518, %dma_wait3A_519] : memref<2x128x80xf32, #tpu.memory_space<vmem>> -> memref<1x128x80xf32, #tpu.memory_space<vmem>>
      %dma_wait3A_521 = tpu.memref_squeeze %dma_wait3A_520 : memref<1x128x80xf32, #tpu.memory_space<vmem>> -> memref<128x80xf32, #tpu.memory_space<vmem>>
      %dma_wait3A_522 = arith.constant 0 : i32
      %dma_wait3A_523 = tpu.memref_slice %arg9[%mul3A_503, %dma_wait3A_522] : memref<16384x80xf32, #tpu.memory_space<hbm>> -> memref<128x80xf32, #tpu.memory_space<hbm>>
      %dma_wait3A_524 = arith.constant 0 : i32
      %dma_wait3A_525 = tpu.memref_slice %arg9[%mul3A_503, %dma_wait3A_524] : memref<16384x80xf32, #tpu.memory_space<hbm>> -> memref<128x80xf32, #tpu.memory_space<hbm>>
      %dma_wait3A_526 = arith.constant 0 : i32
      %dma_wait3A_527 = arith.constant 0 : i32
      %dma_wait3A_528 = tpu.memref_slice %arg17[%dma_wait3A_517, %dma_wait3A_526, %dma_wait3A_527] : memref<2x128x80xf32, #tpu.memory_space<vmem>> -> memref<1x128x80xf32, #tpu.memory_space<vmem>>
      %dma_wait3A_529 = tpu.memref_squeeze %dma_wait3A_528 : memref<1x128x80xf32, #tpu.memory_space<vmem>> -> memref<128x80xf32, #tpu.memory_space<vmem>>
      tpu.wait_dma2 semaphore(%arg19 : memref<!tpu.dma_semaphore, #tpu.memory_space<semaphore_mem>>) src(%dma_wait3A_529 : memref<128x80xf32, #tpu.memory_space<vmem>>) dst(%dma_wait3A_525 : memref<128x80xf32, #tpu.memory_space<hbm>>)
      %dma_start3A_530 = arith.constant 6 : i32
      %dma_start3A_531 = arith.constant 0 : i32
      %dma_start3A_532 = arith.constant 0 : i32
      %dma_start3A_533 = arith.constant 0 : i32
      %dma_start3A_534 = tpu.memref_slice %arg17[%dma_start3A_531, %dma_start3A_532, %dma_start3A_533] : memref<2x128x80xf32, #tpu.memory_space<vmem>> -> memref<1x128x80xf32, #tpu.memory_space<vmem>>
      %dma_start3A_535 = tpu.memref_squeeze %dma_start3A_534 : memref<1x128x80xf32, #tpu.memory_space<vmem>> -> memref<128x80xf32, #tpu.memory_space<vmem>>
      %dma_start3A_536 = arith.constant 0 : i32
      %dma_start3A_537 = tpu.memref_slice %arg15[%dma_start3A_530, %dma_start3A_536] : memref<8x128xi32, #tpu.memory_space<vmem>> -> memref<1x128xi32, #tpu.memory_space<vmem>>
      %dma_start3A_538 = tpu.memref_squeeze %dma_start3A_537 : memref<1x128xi32, #tpu.memory_space<vmem>> -> memref<128xi32, #tpu.memory_space<vmem>>
      %dma_start3A_539 = arith.constant 0 : i32
      %dma_start3A_540 = arith.constant 0 : i32
      %dma_start3A_541 = tpu.memref_slice %arg11[%dma_start3A_539, %dma_start3A_540] : memref<16384x80xf32, #tpu.memory_space<vmem_shared>> -> memref<16384x80xf32, #tpu.memory_space<vmem_shared>>
      tpu.enqueue_indirect_dma source(%dma_start3A_541 : memref<16384x80xf32, #tpu.memory_space<vmem_shared>>) target(%dma_start3A_535 : memref<128x80xf32, #tpu.memory_space<vmem>>) offsets(%dma_start3A_538 : memref<128xi32, #tpu.memory_space<vmem>>) semaphore(%arg18 : memref<!tpu.dma_semaphore, #tpu.memory_space<semaphore_mem>>)
      %dma_wait3A_542 = arith.constant 5 : i32
      %dma_wait3A_543 = arith.constant 1 : i32
      %dma_wait3A_544 = arith.constant 0 : i32
      %dma_wait3A_545 = arith.constant 0 : i32
      %dma_wait3A_546 = tpu.memref_slice %arg17[%dma_wait3A_543, %dma_wait3A_544, %dma_wait3A_545] : memref<2x128x80xf32, #tpu.memory_space<vmem>> -> memref<1x128x80xf32, #tpu.memory_space<vmem>>
      %dma_wait3A_547 = tpu.memref_squeeze %dma_wait3A_546 : memref<1x128x80xf32, #tpu.memory_space<vmem>> -> memref<128x80xf32, #tpu.memory_space<vmem>>
      %dma_wait3A_548 = arith.constant 0 : i32
      %dma_wait3A_549 = tpu.memref_slice %arg15[%dma_wait3A_542, %dma_wait3A_548] : memref<8x128xi32, #tpu.memory_space<vmem>> -> memref<1x128xi32, #tpu.memory_space<vmem>>
      %dma_wait3A_550 = tpu.memref_squeeze %dma_wait3A_549 : memref<1x128xi32, #tpu.memory_space<vmem>> -> memref<128xi32, #tpu.memory_space<vmem>>
      %dma_wait3A_551 = arith.constant 0 : i32
      %dma_wait3A_552 = arith.constant 0 : i32
      %dma_wait3A_553 = tpu.memref_slice %arg11[%dma_wait3A_551, %dma_wait3A_552] : memref<16384x80xf32, #tpu.memory_space<vmem_shared>> -> memref<16384x80xf32, #tpu.memory_space<vmem_shared>>
      tpu.wait_indirect_dma semaphore(%arg18 : memref<!tpu.dma_semaphore, #tpu.memory_space<semaphore_mem>>) src(%dma_wait3A_553 : memref<16384x80xf32, #tpu.memory_space<vmem_shared>>) dst(%dma_wait3A_547 : memref<128x80xf32, #tpu.memory_space<vmem>>)
      %mul3A_554 = arith.constant 8 : i32
      %mul3A_555 = arith.muli %arg1, %mul3A_554 : i32
      %add3A_556 = arith.constant 5 : i32
      %add3A_557 = arith.addi %mul3A_555, %add3A_556 : i32
      %mul3A_558 = arith.constant 128 : i32
      %mul3A_559 = arith.muli %add3A_557, %mul3A_558 : i32
      %dma_start3A_560 = arith.constant 1 : i32
      %dma_start3A_561 = arith.constant 0 : i32
      %dma_start3A_562 = arith.constant 0 : i32
      %dma_start3A_563 = tpu.memref_slice %arg17[%dma_start3A_560, %dma_start3A_561, %dma_start3A_562] : memref<2x128x80xf32, #tpu.memory_space<vmem>> -> memref<1x128x80xf32, #tpu.memory_space<vmem>>
      %dma_start3A_564 = tpu.memref_squeeze %dma_start3A_563 : memref<1x128x80xf32, #tpu.memory_space<vmem>> -> memref<128x80xf32, #tpu.memory_space<vmem>>
      %dma_start3A_565 = arith.constant 0 : i32
      %dma_start3A_566 = tpu.memref_slice %arg9[%mul3A_559, %dma_start3A_565] : memref<16384x80xf32, #tpu.memory_space<hbm>> -> memref<128x80xf32, #tpu.memory_space<hbm>>
      %dma_start3A_567 = arith.constant 0 : i32
      %dma_start3A_568 = tpu.memref_slice %arg9[%mul3A_559, %dma_start3A_567] : memref<16384x80xf32, #tpu.memory_space<hbm>> -> memref<128x80xf32, #tpu.memory_space<hbm>>
      %dma_start3A_569 = arith.constant 0 : i32
      %dma_start3A_570 = arith.constant 0 : i32
      %dma_start3A_571 = tpu.memref_slice %arg17[%dma_start3A_560, %dma_start3A_569, %dma_start3A_570] : memref<2x128x80xf32, #tpu.memory_space<vmem>> -> memref<1x128x80xf32, #tpu.memory_space<vmem>>
      %dma_start3A_572 = tpu.memref_squeeze %dma_start3A_571 : memref<1x128x80xf32, #tpu.memory_space<vmem>> -> memref<128x80xf32, #tpu.memory_space<vmem>>
      tpu.enqueue_dma source(%dma_start3A_572 : memref<128x80xf32, #tpu.memory_space<vmem>>) target(%dma_start3A_568 : memref<128x80xf32, #tpu.memory_space<hbm>>) target_semaphore(%arg19 : memref<!tpu.dma_semaphore, #tpu.memory_space<semaphore_mem>>)
      %dma_wait3A_573 = arith.constant 1 : i32
      %dma_wait3A_574 = arith.constant 0 : i32
      %dma_wait3A_575 = arith.constant 0 : i32
      %dma_wait3A_576 = tpu.memref_slice %arg17[%dma_wait3A_573, %dma_wait3A_574, %dma_wait3A_575] : memref<2x128x80xf32, #tpu.memory_space<vmem>> -> memref<1x128x80xf32, #tpu.memory_space<vmem>>
      %dma_wait3A_577 = tpu.memref_squeeze %dma_wait3A_576 : memref<1x128x80xf32, #tpu.memory_space<vmem>> -> memref<128x80xf32, #tpu.memory_space<vmem>>
      %dma_wait3A_578 = arith.constant 0 : i32
      %dma_wait3A_579 = tpu.memref_slice %arg9[%mul3A_559, %dma_wait3A_578] : memref<16384x80xf32, #tpu.memory_space<hbm>> -> memref<128x80xf32, #tpu.memory_space<hbm>>
      %dma_wait3A_580 = arith.constant 0 : i32
      %dma_wait3A_581 = tpu.memref_slice %arg9[%mul3A_559, %dma_wait3A_580] : memref<16384x80xf32, #tpu.memory_space<hbm>> -> memref<128x80xf32, #tpu.memory_space<hbm>>
      %dma_wait3A_582 = arith.constant 0 : i32
      %dma_wait3A_583 = arith.constant 0 : i32
      %dma_wait3A_584 = tpu.memref_slice %arg17[%dma_wait3A_573, %dma_wait3A_582, %dma_wait3A_583] : memref<2x128x80xf32, #tpu.memory_space<vmem>> -> memref<1x128x80xf32, #tpu.memory_space<vmem>>
      %dma_wait3A_585 = tpu.memref_squeeze %dma_wait3A_584 : memref<1x128x80xf32, #tpu.memory_space<vmem>> -> memref<128x80xf32, #tpu.memory_space<vmem>>
      tpu.wait_dma2 semaphore(%arg19 : memref<!tpu.dma_semaphore, #tpu.memory_space<semaphore_mem>>) src(%dma_wait3A_585 : memref<128x80xf32, #tpu.memory_space<vmem>>) dst(%dma_wait3A_581 : memref<128x80xf32, #tpu.memory_space<hbm>>)
      %dma_start3A_586 = arith.constant 7 : i32
      %dma_start3A_587 = arith.constant 1 : i32
      %dma_start3A_588 = arith.constant 0 : i32
      %dma_start3A_589 = arith.constant 0 : i32
      %dma_start3A_590 = tpu.memref_slice %arg17[%dma_start3A_587, %dma_start3A_588, %dma_start3A_589] : memref<2x128x80xf32, #tpu.memory_space<vmem>> -> memref<1x128x80xf32, #tpu.memory_space<vmem>>
      %dma_start3A_591 = tpu.memref_squeeze %dma_start3A_590 : memref<1x128x80xf32, #tpu.memory_space<vmem>> -> memref<128x80xf32, #tpu.memory_space<vmem>>
      %dma_start3A_592 = arith.constant 0 : i32
      %dma_start3A_593 = tpu.memref_slice %arg15[%dma_start3A_586, %dma_start3A_592] : memref<8x128xi32, #tpu.memory_space<vmem>> -> memref<1x128xi32, #tpu.memory_space<vmem>>
      %dma_start3A_594 = tpu.memref_squeeze %dma_start3A_593 : memref<1x128xi32, #tpu.memory_space<vmem>> -> memref<128xi32, #tpu.memory_space<vmem>>
      %dma_start3A_595 = arith.constant 0 : i32
      %dma_start3A_596 = arith.constant 0 : i32
      %dma_start3A_597 = tpu.memref_slice %arg11[%dma_start3A_595, %dma_start3A_596] : memref<16384x80xf32, #tpu.memory_space<vmem_shared>> -> memref<16384x80xf32, #tpu.memory_space<vmem_shared>>
      tpu.enqueue_indirect_dma source(%dma_start3A_597 : memref<16384x80xf32, #tpu.memory_space<vmem_shared>>) target(%dma_start3A_591 : memref<128x80xf32, #tpu.memory_space<vmem>>) offsets(%dma_start3A_594 : memref<128xi32, #tpu.memory_space<vmem>>) semaphore(%arg18 : memref<!tpu.dma_semaphore, #tpu.memory_space<semaphore_mem>>)
      %dma_wait3A_598 = arith.constant 6 : i32
      %dma_wait3A_599 = arith.constant 0 : i32
      %dma_wait3A_600 = arith.constant 0 : i32
      %dma_wait3A_601 = arith.constant 0 : i32
      %dma_wait3A_602 = tpu.memref_slice %arg17[%dma_wait3A_599, %dma_wait3A_600, %dma_wait3A_601] : memref<2x128x80xf32, #tpu.memory_space<vmem>> -> memref<1x128x80xf32, #tpu.memory_space<vmem>>
      %dma_wait3A_603 = tpu.memref_squeeze %dma_wait3A_602 : memref<1x128x80xf32, #tpu.memory_space<vmem>> -> memref<128x80xf32, #tpu.memory_space<vmem>>
      %dma_wait3A_604 = arith.constant 0 : i32
      %dma_wait3A_605 = tpu.memref_slice %arg15[%dma_wait3A_598, %dma_wait3A_604] : memref<8x128xi32, #tpu.memory_space<vmem>> -> memref<1x128xi32, #tpu.memory_space<vmem>>
      %dma_wait3A_606 = tpu.memref_squeeze %dma_wait3A_605 : memref<1x128xi32, #tpu.memory_space<vmem>> -> memref<128xi32, #tpu.memory_space<vmem>>
      %dma_wait3A_607 = arith.constant 0 : i32
      %dma_wait3A_608 = arith.constant 0 : i32
      %dma_wait3A_609 = tpu.memref_slice %arg11[%dma_wait3A_607, %dma_wait3A_608] : memref<16384x80xf32, #tpu.memory_space<vmem_shared>> -> memref<16384x80xf32, #tpu.memory_space<vmem_shared>>
      tpu.wait_indirect_dma semaphore(%arg18 : memref<!tpu.dma_semaphore, #tpu.memory_space<semaphore_mem>>) src(%dma_wait3A_609 : memref<16384x80xf32, #tpu.memory_space<vmem_shared>>) dst(%dma_wait3A_603 : memref<128x80xf32, #tpu.memory_space<vmem>>)
      %mul3A_610 = arith.constant 8 : i32
      %mul3A_611 = arith.muli %arg1, %mul3A_610 : i32
      %add3A_612 = arith.constant 6 : i32
      %add3A_613 = arith.addi %mul3A_611, %add3A_612 : i32
      %mul3A_614 = arith.constant 128 : i32
      %mul3A_615 = arith.muli %add3A_613, %mul3A_614 : i32
      %dma_start3A_616 = arith.constant 0 : i32
      %dma_start3A_617 = arith.constant 0 : i32
      %dma_start3A_618 = arith.constant 0 : i32
      %dma_start3A_619 = tpu.memref_slice %arg17[%dma_start3A_616, %dma_start3A_617, %dma_start3A_618] : memref<2x128x80xf32, #tpu.memory_space<vmem>> -> memref<1x128x80xf32, #tpu.memory_space<vmem>>
      %dma_start3A_620 = tpu.memref_squeeze %dma_start3A_619 : memref<1x128x80xf32, #tpu.memory_space<vmem>> -> memref<128x80xf32, #tpu.memory_space<vmem>>
      %dma_start3A_621 = arith.constant 0 : i32
      %dma_start3A_622 = tpu.memref_slice %arg9[%mul3A_615, %dma_start3A_621] : memref<16384x80xf32, #tpu.memory_space<hbm>> -> memref<128x80xf32, #tpu.memory_space<hbm>>
      %dma_start3A_623 = arith.constant 0 : i32
      %dma_start3A_624 = tpu.memref_slice %arg9[%mul3A_615, %dma_start3A_623] : memref<16384x80xf32, #tpu.memory_space<hbm>> -> memref<128x80xf32, #tpu.memory_space<hbm>>
      %dma_start3A_625 = arith.constant 0 : i32
      %dma_start3A_626 = arith.constant 0 : i32
      %dma_start3A_627 = tpu.memref_slice %arg17[%dma_start3A_616, %dma_start3A_625, %dma_start3A_626] : memref<2x128x80xf32, #tpu.memory_space<vmem>> -> memref<1x128x80xf32, #tpu.memory_space<vmem>>
      %dma_start3A_628 = tpu.memref_squeeze %dma_start3A_627 : memref<1x128x80xf32, #tpu.memory_space<vmem>> -> memref<128x80xf32, #tpu.memory_space<vmem>>
      tpu.enqueue_dma source(%dma_start3A_628 : memref<128x80xf32, #tpu.memory_space<vmem>>) target(%dma_start3A_624 : memref<128x80xf32, #tpu.memory_space<hbm>>) target_semaphore(%arg19 : memref<!tpu.dma_semaphore, #tpu.memory_space<semaphore_mem>>)
      %dma_wait3A_629 = arith.constant 7 : i32
      %dma_wait3A_630 = arith.constant 1 : i32
      %dma_wait3A_631 = arith.constant 0 : i32
      %dma_wait3A_632 = arith.constant 0 : i32
      %dma_wait3A_633 = tpu.memref_slice %arg17[%dma_wait3A_630, %dma_wait3A_631, %dma_wait3A_632] : memref<2x128x80xf32, #tpu.memory_space<vmem>> -> memref<1x128x80xf32, #tpu.memory_space<vmem>>
      %dma_wait3A_634 = tpu.memref_squeeze %dma_wait3A_633 : memref<1x128x80xf32, #tpu.memory_space<vmem>> -> memref<128x80xf32, #tpu.memory_space<vmem>>
      %dma_wait3A_635 = arith.constant 0 : i32
      %dma_wait3A_636 = tpu.memref_slice %arg15[%dma_wait3A_629, %dma_wait3A_635] : memref<8x128xi32, #tpu.memory_space<vmem>> -> memref<1x128xi32, #tpu.memory_space<vmem>>
      %dma_wait3A_637 = tpu.memref_squeeze %dma_wait3A_636 : memref<1x128xi32, #tpu.memory_space<vmem>> -> memref<128xi32, #tpu.memory_space<vmem>>
      %dma_wait3A_638 = arith.constant 0 : i32
      %dma_wait3A_639 = arith.constant 0 : i32
      %dma_wait3A_640 = tpu.memref_slice %arg11[%dma_wait3A_638, %dma_wait3A_639] : memref<16384x80xf32, #tpu.memory_space<vmem_shared>> -> memref<16384x80xf32, #tpu.memory_space<vmem_shared>>
      tpu.wait_indirect_dma semaphore(%arg18 : memref<!tpu.dma_semaphore, #tpu.memory_space<semaphore_mem>>) src(%dma_wait3A_640 : memref<16384x80xf32, #tpu.memory_space<vmem_shared>>) dst(%dma_wait3A_634 : memref<128x80xf32, #tpu.memory_space<vmem>>)
      %mul3A_641 = arith.constant 8 : i32
      %mul3A_642 = arith.muli %arg1, %mul3A_641 : i32
      %add3A_643 = arith.constant 7 : i32
      %add3A_644 = arith.addi %mul3A_642, %add3A_643 : i32
      %mul3A_645 = arith.constant 128 : i32
      %mul3A_646 = arith.muli %add3A_644, %mul3A_645 : i32
      %dma_start3A_647 = arith.constant 1 : i32
      %dma_start3A_648 = arith.constant 0 : i32
      %dma_start3A_649 = arith.constant 0 : i32
      %dma_start3A_650 = tpu.memref_slice %arg17[%dma_start3A_647, %dma_start3A_648, %dma_start3A_649] : memref<2x128x80xf32, #tpu.memory_space<vmem>> -> memref<1x128x80xf32, #tpu.memory_space<vmem>>
      %dma_start3A_651 = tpu.memref_squeeze %dma_start3A_650 : memref<1x128x80xf32, #tpu.memory_space<vmem>> -> memref<128x80xf32, #tpu.memory_space<vmem>>
      %dma_start3A_652 = arith.constant 0 : i32
      %dma_start3A_653 = tpu.memref_slice %arg9[%mul3A_646, %dma_start3A_652] : memref<16384x80xf32, #tpu.memory_space<hbm>> -> memref<128x80xf32, #tpu.memory_space<hbm>>
      %dma_start3A_654 = arith.constant 0 : i32
      %dma_start3A_655 = tpu.memref_slice %arg9[%mul3A_646, %dma_start3A_654] : memref<16384x80xf32, #tpu.memory_space<hbm>> -> memref<128x80xf32, #tpu.memory_space<hbm>>
      %dma_start3A_656 = arith.constant 0 : i32
      %dma_start3A_657 = arith.constant 0 : i32
      %dma_start3A_658 = tpu.memref_slice %arg17[%dma_start3A_647, %dma_start3A_656, %dma_start3A_657] : memref<2x128x80xf32, #tpu.memory_space<vmem>> -> memref<1x128x80xf32, #tpu.memory_space<vmem>>
      %dma_start3A_659 = tpu.memref_squeeze %dma_start3A_658 : memref<1x128x80xf32, #tpu.memory_space<vmem>> -> memref<128x80xf32, #tpu.memory_space<vmem>>
      tpu.enqueue_dma source(%dma_start3A_659 : memref<128x80xf32, #tpu.memory_space<vmem>>) target(%dma_start3A_655 : memref<128x80xf32, #tpu.memory_space<hbm>>) target_semaphore(%arg19 : memref<!tpu.dma_semaphore, #tpu.memory_space<semaphore_mem>>)
      %dma_wait3A_660 = arith.constant 0 : i32
      %dma_wait3A_661 = arith.constant 0 : i32
      %dma_wait3A_662 = arith.constant 0 : i32
      %dma_wait3A_663 = tpu.memref_slice %arg17[%dma_wait3A_660, %dma_wait3A_661, %dma_wait3A_662] : memref<2x128x80xf32, #tpu.memory_space<vmem>> -> memref<1x128x80xf32, #tpu.memory_space<vmem>>
      %dma_wait3A_664 = tpu.memref_squeeze %dma_wait3A_663 : memref<1x128x80xf32, #tpu.memory_space<vmem>> -> memref<128x80xf32, #tpu.memory_space<vmem>>
      %dma_wait3A_665 = arith.constant 0 : i32
      %dma_wait3A_666 = tpu.memref_slice %arg9[%mul3A_615, %dma_wait3A_665] : memref<16384x80xf32, #tpu.memory_space<hbm>> -> memref<128x80xf32, #tpu.memory_space<hbm>>
      %dma_wait3A_667 = arith.constant 0 : i32
      %dma_wait3A_668 = tpu.memref_slice %arg9[%mul3A_615, %dma_wait3A_667] : memref<16384x80xf32, #tpu.memory_space<hbm>> -> memref<128x80xf32, #tpu.memory_space<hbm>>
      %dma_wait3A_669 = arith.constant 0 : i32
      %dma_wait3A_670 = arith.constant 0 : i32
      %dma_wait3A_671 = tpu.memref_slice %arg17[%dma_wait3A_660, %dma_wait3A_669, %dma_wait3A_670] : memref<2x128x80xf32, #tpu.memory_space<vmem>> -> memref<1x128x80xf32, #tpu.memory_space<vmem>>
      %dma_wait3A_672 = tpu.memref_squeeze %dma_wait3A_671 : memref<1x128x80xf32, #tpu.memory_space<vmem>> -> memref<128x80xf32, #tpu.memory_space<vmem>>
      tpu.wait_dma2 semaphore(%arg19 : memref<!tpu.dma_semaphore, #tpu.memory_space<semaphore_mem>>) src(%dma_wait3A_672 : memref<128x80xf32, #tpu.memory_space<vmem>>) dst(%dma_wait3A_668 : memref<128x80xf32, #tpu.memory_space<hbm>>)
      %dma_wait3A_673 = arith.constant 1 : i32
      %dma_wait3A_674 = arith.constant 0 : i32
      %dma_wait3A_675 = arith.constant 0 : i32
      %dma_wait3A_676 = tpu.memref_slice %arg17[%dma_wait3A_673, %dma_wait3A_674, %dma_wait3A_675] : memref<2x128x80xf32, #tpu.memory_space<vmem>> -> memref<1x128x80xf32, #tpu.memory_space<vmem>>
      %dma_wait3A_677 = tpu.memref_squeeze %dma_wait3A_676 : memref<1x128x80xf32, #tpu.memory_space<vmem>> -> memref<128x80xf32, #tpu.memory_space<vmem>>
      %dma_wait3A_678 = arith.constant 0 : i32
      %dma_wait3A_679 = tpu.memref_slice %arg9[%mul3A_646, %dma_wait3A_678] : memref<16384x80xf32, #tpu.memory_space<hbm>> -> memref<128x80xf32, #tpu.memory_space<hbm>>
      %dma_wait3A_680 = arith.constant 0 : i32
      %dma_wait3A_681 = tpu.memref_slice %arg9[%mul3A_646, %dma_wait3A_680] : memref<16384x80xf32, #tpu.memory_space<hbm>> -> memref<128x80xf32, #tpu.memory_space<hbm>>
      %dma_wait3A_682 = arith.constant 0 : i32
      %dma_wait3A_683 = arith.constant 0 : i32
      %dma_wait3A_684 = tpu.memref_slice %arg17[%dma_wait3A_673, %dma_wait3A_682, %dma_wait3A_683] : memref<2x128x80xf32, #tpu.memory_space<vmem>> -> memref<1x128x80xf32, #tpu.memory_space<vmem>>
      %dma_wait3A_685 = tpu.memref_squeeze %dma_wait3A_684 : memref<1x128x80xf32, #tpu.memory_space<vmem>> -> memref<128x80xf32, #tpu.memory_space<vmem>>
      tpu.wait_dma2 semaphore(%arg19 : memref<!tpu.dma_semaphore, #tpu.memory_space<semaphore_mem>>) src(%dma_wait3A_685 : memref<128x80xf32, #tpu.memory_space<vmem>>) dst(%dma_wait3A_681 : memref<128x80xf32, #tpu.memory_space<hbm>>)
    } else {
    }
    return
  }
}

#map = affine_map<(d0, d1) -> (0, 0)>
module attributes {stable_mosaic.version = 14 : i64} {
  func.func @_k4_body(%arg0: i32, %arg1: i32, %arg2: memref<128x128xi32, #tpu.memory_space<hbm>>, %arg3: memref<16384x64xf32, #tpu.memory_space<hbm>>, %arg4: memref<100000x64xf32, #tpu.memory_space<hbm>>, %arg5: memref<100000x64xf32, #tpu.memory_space<hbm>>, %arg6: memref<4x128xi32, #tpu.memory_space<vmem>>, %arg7: memref<4x128x64xf32, #tpu.memory_space<vmem>>, %arg8: memref<!tpu.dma_semaphore, #tpu.memory_space<semaphore_mem>>, %arg9: memref<!tpu.dma_semaphore, #tpu.memory_space<semaphore_mem>>) attributes {dimension_semantics = [#tpu.dimension_semantics<core_parallel>, #tpu.dimension_semantics<subcore_parallel>], iteration_bounds = array<i64: 2, 16>, scalar_prefetch = 0 : i64, scratch_operands = 4 : i64, tpu.core_type = #tpu.core_type<sc_vector_subcore>, window_params = [{transform_indices = #map}, {transform_indices = #map}, {transform_indices = #map}, {transform_indices = #map}]} {
    %mul3A = arith.constant 16 : i32
    %mul3A_0 = arith.muli %arg0, %mul3A : i32
    %add3A = arith.addi %mul3A_0, %arg1 : i32
    %mul3A_1 = arith.constant 4 : i32
    %mul3A_2 = arith.muli %add3A, %mul3A_1 : i32
    "tpu.region"() ({
      %run_scoped3A = tpu.sem_alloc : memref<!tpu.dma_semaphore, #tpu.memory_space<semaphore_mem>>
      %dma_start3A_225 = arith.constant 0 : i32
      %dma_start3A_226 = tpu.memref_slice %arg2[%mul3A_2, %dma_start3A_225] : memref<128x128xi32, #tpu.memory_space<hbm>> -> memref<4x128xi32, #tpu.memory_space<hbm>>
      %dma_start3A_227 = arith.constant 0 : i32
      %dma_start3A_228 = tpu.memref_slice %arg2[%mul3A_2, %dma_start3A_227] : memref<128x128xi32, #tpu.memory_space<hbm>> -> memref<4x128xi32, #tpu.memory_space<hbm>>
      tpu.enqueue_dma source(%dma_start3A_228 : memref<4x128xi32, #tpu.memory_space<hbm>>) target(%arg6 : memref<4x128xi32, #tpu.memory_space<vmem>>) target_semaphore(%run_scoped3A : memref<!tpu.dma_semaphore, #tpu.memory_space<semaphore_mem>>)
      %dma_wait3A_229 = arith.constant 0 : i32
      %dma_wait3A_230 = tpu.memref_slice %arg2[%mul3A_2, %dma_wait3A_229] : memref<128x128xi32, #tpu.memory_space<hbm>> -> memref<4x128xi32, #tpu.memory_space<hbm>>
      %dma_wait3A_231 = arith.constant 0 : i32
      %dma_wait3A_232 = tpu.memref_slice %arg2[%mul3A_2, %dma_wait3A_231] : memref<128x128xi32, #tpu.memory_space<hbm>> -> memref<4x128xi32, #tpu.memory_space<hbm>>
      tpu.wait_dma2 semaphore(%run_scoped3A : memref<!tpu.dma_semaphore, #tpu.memory_space<semaphore_mem>>) src(%dma_wait3A_232 : memref<4x128xi32, #tpu.memory_space<hbm>>) dst(%arg6 : memref<4x128xi32, #tpu.memory_space<vmem>>)
      tpu.yield
    }) : () -> ()
    %mul3A_3 = arith.constant 4 : i32
    %mul3A_4 = arith.muli %add3A, %mul3A_3 : i32
    %add3A_5 = arith.constant 0 : i32
    %add3A_6 = arith.addi %mul3A_4, %add3A_5 : i32
    %mul3A_7 = arith.constant 128 : i32
    %mul3A_8 = arith.muli %add3A_6, %mul3A_7 : i32
    %dma_start3A = arith.constant 0 : i32
    %dma_start3A_9 = arith.constant 0 : i32
    %dma_start3A_10 = arith.constant 0 : i32
    %dma_start3A_11 = tpu.memref_slice %arg7[%dma_start3A, %dma_start3A_9, %dma_start3A_10] : memref<4x128x64xf32, #tpu.memory_space<vmem>> -> memref<1x128x64xf32, #tpu.memory_space<vmem>>
    %dma_start3A_12 = tpu.memref_squeeze %dma_start3A_11 : memref<1x128x64xf32, #tpu.memory_space<vmem>> -> memref<128x64xf32, #tpu.memory_space<vmem>>
    %dma_start3A_13 = arith.constant 0 : i32
    %dma_start3A_14 = tpu.memref_slice %arg3[%mul3A_8, %dma_start3A_13] : memref<16384x64xf32, #tpu.memory_space<hbm>> -> memref<128x64xf32, #tpu.memory_space<hbm>>
    %dma_start3A_15 = arith.constant 0 : i32
    %dma_start3A_16 = arith.constant 0 : i32
    %dma_start3A_17 = tpu.memref_slice %arg7[%dma_start3A, %dma_start3A_15, %dma_start3A_16] : memref<4x128x64xf32, #tpu.memory_space<vmem>> -> memref<1x128x64xf32, #tpu.memory_space<vmem>>
    %dma_start3A_18 = tpu.memref_squeeze %dma_start3A_17 : memref<1x128x64xf32, #tpu.memory_space<vmem>> -> memref<128x64xf32, #tpu.memory_space<vmem>>
    %dma_start3A_19 = arith.constant 0 : i32
    %dma_start3A_20 = tpu.memref_slice %arg3[%mul3A_8, %dma_start3A_19] : memref<16384x64xf32, #tpu.memory_space<hbm>> -> memref<128x64xf32, #tpu.memory_space<hbm>>
    tpu.enqueue_dma source(%dma_start3A_20 : memref<128x64xf32, #tpu.memory_space<hbm>>) target(%dma_start3A_18 : memref<128x64xf32, #tpu.memory_space<vmem>>) target_semaphore(%arg8 : memref<!tpu.dma_semaphore, #tpu.memory_space<semaphore_mem>>)
    %mul3A_21 = arith.constant 4 : i32
    %mul3A_22 = arith.muli %add3A, %mul3A_21 : i32
    %add3A_23 = arith.constant 1 : i32
    %add3A_24 = arith.addi %mul3A_22, %add3A_23 : i32
    %mul3A_25 = arith.constant 128 : i32
    %mul3A_26 = arith.muli %add3A_24, %mul3A_25 : i32
    %dma_start3A_27 = arith.constant 1 : i32
    %dma_start3A_28 = arith.constant 0 : i32
    %dma_start3A_29 = arith.constant 0 : i32
    %dma_start3A_30 = tpu.memref_slice %arg7[%dma_start3A_27, %dma_start3A_28, %dma_start3A_29] : memref<4x128x64xf32, #tpu.memory_space<vmem>> -> memref<1x128x64xf32, #tpu.memory_space<vmem>>
    %dma_start3A_31 = tpu.memref_squeeze %dma_start3A_30 : memref<1x128x64xf32, #tpu.memory_space<vmem>> -> memref<128x64xf32, #tpu.memory_space<vmem>>
    %dma_start3A_32 = arith.constant 0 : i32
    %dma_start3A_33 = tpu.memref_slice %arg3[%mul3A_26, %dma_start3A_32] : memref<16384x64xf32, #tpu.memory_space<hbm>> -> memref<128x64xf32, #tpu.memory_space<hbm>>
    %dma_start3A_34 = arith.constant 0 : i32
    %dma_start3A_35 = arith.constant 0 : i32
    %dma_start3A_36 = tpu.memref_slice %arg7[%dma_start3A_27, %dma_start3A_34, %dma_start3A_35] : memref<4x128x64xf32, #tpu.memory_space<vmem>> -> memref<1x128x64xf32, #tpu.memory_space<vmem>>
    %dma_start3A_37 = tpu.memref_squeeze %dma_start3A_36 : memref<1x128x64xf32, #tpu.memory_space<vmem>> -> memref<128x64xf32, #tpu.memory_space<vmem>>
    %dma_start3A_38 = arith.constant 0 : i32
    %dma_start3A_39 = tpu.memref_slice %arg3[%mul3A_26, %dma_start3A_38] : memref<16384x64xf32, #tpu.memory_space<hbm>> -> memref<128x64xf32, #tpu.memory_space<hbm>>
    tpu.enqueue_dma source(%dma_start3A_39 : memref<128x64xf32, #tpu.memory_space<hbm>>) target(%dma_start3A_37 : memref<128x64xf32, #tpu.memory_space<vmem>>) target_semaphore(%arg8 : memref<!tpu.dma_semaphore, #tpu.memory_space<semaphore_mem>>)
    %mul3A_40 = arith.constant 4 : i32
    %mul3A_41 = arith.muli %add3A, %mul3A_40 : i32
    %add3A_42 = arith.constant 2 : i32
    %add3A_43 = arith.addi %mul3A_41, %add3A_42 : i32
    %mul3A_44 = arith.constant 128 : i32
    %mul3A_45 = arith.muli %add3A_43, %mul3A_44 : i32
    %dma_start3A_46 = arith.constant 2 : i32
    %dma_start3A_47 = arith.constant 0 : i32
    %dma_start3A_48 = arith.constant 0 : i32
    %dma_start3A_49 = tpu.memref_slice %arg7[%dma_start3A_46, %dma_start3A_47, %dma_start3A_48] : memref<4x128x64xf32, #tpu.memory_space<vmem>> -> memref<1x128x64xf32, #tpu.memory_space<vmem>>
    %dma_start3A_50 = tpu.memref_squeeze %dma_start3A_49 : memref<1x128x64xf32, #tpu.memory_space<vmem>> -> memref<128x64xf32, #tpu.memory_space<vmem>>
    %dma_start3A_51 = arith.constant 0 : i32
    %dma_start3A_52 = tpu.memref_slice %arg3[%mul3A_45, %dma_start3A_51] : memref<16384x64xf32, #tpu.memory_space<hbm>> -> memref<128x64xf32, #tpu.memory_space<hbm>>
    %dma_start3A_53 = arith.constant 0 : i32
    %dma_start3A_54 = arith.constant 0 : i32
    %dma_start3A_55 = tpu.memref_slice %arg7[%dma_start3A_46, %dma_start3A_53, %dma_start3A_54] : memref<4x128x64xf32, #tpu.memory_space<vmem>> -> memref<1x128x64xf32, #tpu.memory_space<vmem>>
    %dma_start3A_56 = tpu.memref_squeeze %dma_start3A_55 : memref<1x128x64xf32, #tpu.memory_space<vmem>> -> memref<128x64xf32, #tpu.memory_space<vmem>>
    %dma_start3A_57 = arith.constant 0 : i32
    %dma_start3A_58 = tpu.memref_slice %arg3[%mul3A_45, %dma_start3A_57] : memref<16384x64xf32, #tpu.memory_space<hbm>> -> memref<128x64xf32, #tpu.memory_space<hbm>>
    tpu.enqueue_dma source(%dma_start3A_58 : memref<128x64xf32, #tpu.memory_space<hbm>>) target(%dma_start3A_56 : memref<128x64xf32, #tpu.memory_space<vmem>>) target_semaphore(%arg8 : memref<!tpu.dma_semaphore, #tpu.memory_space<semaphore_mem>>)
    %mul3A_59 = arith.constant 4 : i32
    %mul3A_60 = arith.muli %add3A, %mul3A_59 : i32
    %add3A_61 = arith.constant 3 : i32
    %add3A_62 = arith.addi %mul3A_60, %add3A_61 : i32
    %mul3A_63 = arith.constant 128 : i32
    %mul3A_64 = arith.muli %add3A_62, %mul3A_63 : i32
    %dma_start3A_65 = arith.constant 3 : i32
    %dma_start3A_66 = arith.constant 0 : i32
    %dma_start3A_67 = arith.constant 0 : i32
    %dma_start3A_68 = tpu.memref_slice %arg7[%dma_start3A_65, %dma_start3A_66, %dma_start3A_67] : memref<4x128x64xf32, #tpu.memory_space<vmem>> -> memref<1x128x64xf32, #tpu.memory_space<vmem>>
    %dma_start3A_69 = tpu.memref_squeeze %dma_start3A_68 : memref<1x128x64xf32, #tpu.memory_space<vmem>> -> memref<128x64xf32, #tpu.memory_space<vmem>>
    %dma_start3A_70 = arith.constant 0 : i32
    %dma_start3A_71 = tpu.memref_slice %arg3[%mul3A_64, %dma_start3A_70] : memref<16384x64xf32, #tpu.memory_space<hbm>> -> memref<128x64xf32, #tpu.memory_space<hbm>>
    %dma_start3A_72 = arith.constant 0 : i32
    %dma_start3A_73 = arith.constant 0 : i32
    %dma_start3A_74 = tpu.memref_slice %arg7[%dma_start3A_65, %dma_start3A_72, %dma_start3A_73] : memref<4x128x64xf32, #tpu.memory_space<vmem>> -> memref<1x128x64xf32, #tpu.memory_space<vmem>>
    %dma_start3A_75 = tpu.memref_squeeze %dma_start3A_74 : memref<1x128x64xf32, #tpu.memory_space<vmem>> -> memref<128x64xf32, #tpu.memory_space<vmem>>
    %dma_start3A_76 = arith.constant 0 : i32
    %dma_start3A_77 = tpu.memref_slice %arg3[%mul3A_64, %dma_start3A_76] : memref<16384x64xf32, #tpu.memory_space<hbm>> -> memref<128x64xf32, #tpu.memory_space<hbm>>
    tpu.enqueue_dma source(%dma_start3A_77 : memref<128x64xf32, #tpu.memory_space<hbm>>) target(%dma_start3A_75 : memref<128x64xf32, #tpu.memory_space<vmem>>) target_semaphore(%arg8 : memref<!tpu.dma_semaphore, #tpu.memory_space<semaphore_mem>>)
    %dma_wait3A = arith.constant 0 : i32
    %dma_wait3A_78 = arith.constant 0 : i32
    %dma_wait3A_79 = arith.constant 0 : i32
    %dma_wait3A_80 = tpu.memref_slice %arg7[%dma_wait3A, %dma_wait3A_78, %dma_wait3A_79] : memref<4x128x64xf32, #tpu.memory_space<vmem>> -> memref<1x128x64xf32, #tpu.memory_space<vmem>>
    %dma_wait3A_81 = tpu.memref_squeeze %dma_wait3A_80 : memref<1x128x64xf32, #tpu.memory_space<vmem>> -> memref<128x64xf32, #tpu.memory_space<vmem>>
    %dma_wait3A_82 = arith.constant 0 : i32
    %dma_wait3A_83 = tpu.memref_slice %arg3[%mul3A_8, %dma_wait3A_82] : memref<16384x64xf32, #tpu.memory_space<hbm>> -> memref<128x64xf32, #tpu.memory_space<hbm>>
    %dma_wait3A_84 = arith.constant 0 : i32
    %dma_wait3A_85 = arith.constant 0 : i32
    %dma_wait3A_86 = tpu.memref_slice %arg7[%dma_wait3A, %dma_wait3A_84, %dma_wait3A_85] : memref<4x128x64xf32, #tpu.memory_space<vmem>> -> memref<1x128x64xf32, #tpu.memory_space<vmem>>
    %dma_wait3A_87 = tpu.memref_squeeze %dma_wait3A_86 : memref<1x128x64xf32, #tpu.memory_space<vmem>> -> memref<128x64xf32, #tpu.memory_space<vmem>>
    %dma_wait3A_88 = arith.constant 0 : i32
    %dma_wait3A_89 = tpu.memref_slice %arg3[%mul3A_8, %dma_wait3A_88] : memref<16384x64xf32, #tpu.memory_space<hbm>> -> memref<128x64xf32, #tpu.memory_space<hbm>>
    tpu.wait_dma2 semaphore(%arg8 : memref<!tpu.dma_semaphore, #tpu.memory_space<semaphore_mem>>) src(%dma_wait3A_89 : memref<128x64xf32, #tpu.memory_space<hbm>>) dst(%dma_wait3A_87 : memref<128x64xf32, #tpu.memory_space<vmem>>)
    %dma_start3A_90 = arith.constant 0 : i32
    %dma_start3A_91 = arith.constant 0 : i32
    %dma_start3A_92 = arith.constant 0 : i32
    %dma_start3A_93 = arith.constant 0 : i32
    %dma_start3A_94 = tpu.memref_slice %arg7[%dma_start3A_90, %dma_start3A_92, %dma_start3A_93] : memref<4x128x64xf32, #tpu.memory_space<vmem>> -> memref<1x128x64xf32, #tpu.memory_space<vmem>>
    %dma_start3A_95 = tpu.memref_squeeze %dma_start3A_94 : memref<1x128x64xf32, #tpu.memory_space<vmem>> -> memref<128x64xf32, #tpu.memory_space<vmem>>
    %dma_start3A_96 = arith.constant 0 : i32
    %dma_start3A_97 = tpu.memref_slice %arg6[%dma_start3A_91, %dma_start3A_96] : memref<4x128xi32, #tpu.memory_space<vmem>> -> memref<1x128xi32, #tpu.memory_space<vmem>>
    %dma_start3A_98 = tpu.memref_squeeze %dma_start3A_97 : memref<1x128xi32, #tpu.memory_space<vmem>> -> memref<128xi32, #tpu.memory_space<vmem>>
    %dma_start3A_99 = arith.constant 0 : i32
    %dma_start3A_100 = arith.constant 0 : i32
    %dma_start3A_101 = tpu.memref_slice %arg5[%dma_start3A_99, %dma_start3A_100] : memref<100000x64xf32, #tpu.memory_space<hbm>> -> memref<100000x64xf32, #tpu.memory_space<hbm>>
    tpu.enqueue_indirect_dma source(%dma_start3A_95 : memref<128x64xf32, #tpu.memory_space<vmem>>) target(%dma_start3A_101 : memref<100000x64xf32, #tpu.memory_space<hbm>>) offsets(%dma_start3A_98 : memref<128xi32, #tpu.memory_space<vmem>>) semaphore(%arg9 : memref<!tpu.dma_semaphore, #tpu.memory_space<semaphore_mem>>)
    %dma_wait3A_102 = arith.constant 1 : i32
    %dma_wait3A_103 = arith.constant 0 : i32
    %dma_wait3A_104 = arith.constant 0 : i32
    %dma_wait3A_105 = tpu.memref_slice %arg7[%dma_wait3A_102, %dma_wait3A_103, %dma_wait3A_104] : memref<4x128x64xf32, #tpu.memory_space<vmem>> -> memref<1x128x64xf32, #tpu.memory_space<vmem>>
    %dma_wait3A_106 = tpu.memref_squeeze %dma_wait3A_105 : memref<1x128x64xf32, #tpu.memory_space<vmem>> -> memref<128x64xf32, #tpu.memory_space<vmem>>
    %dma_wait3A_107 = arith.constant 0 : i32
    %dma_wait3A_108 = tpu.memref_slice %arg3[%mul3A_26, %dma_wait3A_107] : memref<16384x64xf32, #tpu.memory_space<hbm>> -> memref<128x64xf32, #tpu.memory_space<hbm>>
    %dma_wait3A_109 = arith.constant 0 : i32
    %dma_wait3A_110 = arith.constant 0 : i32
    %dma_wait3A_111 = tpu.memref_slice %arg7[%dma_wait3A_102, %dma_wait3A_109, %dma_wait3A_110] : memref<4x128x64xf32, #tpu.memory_space<vmem>> -> memref<1x128x64xf32, #tpu.memory_space<vmem>>
    %dma_wait3A_112 = tpu.memref_squeeze %dma_wait3A_111 : memref<1x128x64xf32, #tpu.memory_space<vmem>> -> memref<128x64xf32, #tpu.memory_space<vmem>>
    %dma_wait3A_113 = arith.constant 0 : i32
    %dma_wait3A_114 = tpu.memref_slice %arg3[%mul3A_26, %dma_wait3A_113] : memref<16384x64xf32, #tpu.memory_space<hbm>> -> memref<128x64xf32, #tpu.memory_space<hbm>>
    tpu.wait_dma2 semaphore(%arg8 : memref<!tpu.dma_semaphore, #tpu.memory_space<semaphore_mem>>) src(%dma_wait3A_114 : memref<128x64xf32, #tpu.memory_space<hbm>>) dst(%dma_wait3A_112 : memref<128x64xf32, #tpu.memory_space<vmem>>)
    %dma_start3A_115 = arith.constant 1 : i32
    %dma_start3A_116 = arith.constant 1 : i32
    %dma_start3A_117 = arith.constant 0 : i32
    %dma_start3A_118 = arith.constant 0 : i32
    %dma_start3A_119 = tpu.memref_slice %arg7[%dma_start3A_115, %dma_start3A_117, %dma_start3A_118] : memref<4x128x64xf32, #tpu.memory_space<vmem>> -> memref<1x128x64xf32, #tpu.memory_space<vmem>>
    %dma_start3A_120 = tpu.memref_squeeze %dma_start3A_119 : memref<1x128x64xf32, #tpu.memory_space<vmem>> -> memref<128x64xf32, #tpu.memory_space<vmem>>
    %dma_start3A_121 = arith.constant 0 : i32
    %dma_start3A_122 = tpu.memref_slice %arg6[%dma_start3A_116, %dma_start3A_121] : memref<4x128xi32, #tpu.memory_space<vmem>> -> memref<1x128xi32, #tpu.memory_space<vmem>>
    %dma_start3A_123 = tpu.memref_squeeze %dma_start3A_122 : memref<1x128xi32, #tpu.memory_space<vmem>> -> memref<128xi32, #tpu.memory_space<vmem>>
    %dma_start3A_124 = arith.constant 0 : i32
    %dma_start3A_125 = arith.constant 0 : i32
    %dma_start3A_126 = tpu.memref_slice %arg5[%dma_start3A_124, %dma_start3A_125] : memref<100000x64xf32, #tpu.memory_space<hbm>> -> memref<100000x64xf32, #tpu.memory_space<hbm>>
    tpu.enqueue_indirect_dma source(%dma_start3A_120 : memref<128x64xf32, #tpu.memory_space<vmem>>) target(%dma_start3A_126 : memref<100000x64xf32, #tpu.memory_space<hbm>>) offsets(%dma_start3A_123 : memref<128xi32, #tpu.memory_space<vmem>>) semaphore(%arg9 : memref<!tpu.dma_semaphore, #tpu.memory_space<semaphore_mem>>)
    %dma_wait3A_127 = arith.constant 2 : i32
    %dma_wait3A_128 = arith.constant 0 : i32
    %dma_wait3A_129 = arith.constant 0 : i32
    %dma_wait3A_130 = tpu.memref_slice %arg7[%dma_wait3A_127, %dma_wait3A_128, %dma_wait3A_129] : memref<4x128x64xf32, #tpu.memory_space<vmem>> -> memref<1x128x64xf32, #tpu.memory_space<vmem>>
    %dma_wait3A_131 = tpu.memref_squeeze %dma_wait3A_130 : memref<1x128x64xf32, #tpu.memory_space<vmem>> -> memref<128x64xf32, #tpu.memory_space<vmem>>
    %dma_wait3A_132 = arith.constant 0 : i32
    %dma_wait3A_133 = tpu.memref_slice %arg3[%mul3A_45, %dma_wait3A_132] : memref<16384x64xf32, #tpu.memory_space<hbm>> -> memref<128x64xf32, #tpu.memory_space<hbm>>
    %dma_wait3A_134 = arith.constant 0 : i32
    %dma_wait3A_135 = arith.constant 0 : i32
    %dma_wait3A_136 = tpu.memref_slice %arg7[%dma_wait3A_127, %dma_wait3A_134, %dma_wait3A_135] : memref<4x128x64xf32, #tpu.memory_space<vmem>> -> memref<1x128x64xf32, #tpu.memory_space<vmem>>
    %dma_wait3A_137 = tpu.memref_squeeze %dma_wait3A_136 : memref<1x128x64xf32, #tpu.memory_space<vmem>> -> memref<128x64xf32, #tpu.memory_space<vmem>>
    %dma_wait3A_138 = arith.constant 0 : i32
    %dma_wait3A_139 = tpu.memref_slice %arg3[%mul3A_45, %dma_wait3A_138] : memref<16384x64xf32, #tpu.memory_space<hbm>> -> memref<128x64xf32, #tpu.memory_space<hbm>>
    tpu.wait_dma2 semaphore(%arg8 : memref<!tpu.dma_semaphore, #tpu.memory_space<semaphore_mem>>) src(%dma_wait3A_139 : memref<128x64xf32, #tpu.memory_space<hbm>>) dst(%dma_wait3A_137 : memref<128x64xf32, #tpu.memory_space<vmem>>)
    %dma_start3A_140 = arith.constant 2 : i32
    %dma_start3A_141 = arith.constant 2 : i32
    %dma_start3A_142 = arith.constant 0 : i32
    %dma_start3A_143 = arith.constant 0 : i32
    %dma_start3A_144 = tpu.memref_slice %arg7[%dma_start3A_140, %dma_start3A_142, %dma_start3A_143] : memref<4x128x64xf32, #tpu.memory_space<vmem>> -> memref<1x128x64xf32, #tpu.memory_space<vmem>>
    %dma_start3A_145 = tpu.memref_squeeze %dma_start3A_144 : memref<1x128x64xf32, #tpu.memory_space<vmem>> -> memref<128x64xf32, #tpu.memory_space<vmem>>
    %dma_start3A_146 = arith.constant 0 : i32
    %dma_start3A_147 = tpu.memref_slice %arg6[%dma_start3A_141, %dma_start3A_146] : memref<4x128xi32, #tpu.memory_space<vmem>> -> memref<1x128xi32, #tpu.memory_space<vmem>>
    %dma_start3A_148 = tpu.memref_squeeze %dma_start3A_147 : memref<1x128xi32, #tpu.memory_space<vmem>> -> memref<128xi32, #tpu.memory_space<vmem>>
    %dma_start3A_149 = arith.constant 0 : i32
    %dma_start3A_150 = arith.constant 0 : i32
    %dma_start3A_151 = tpu.memref_slice %arg5[%dma_start3A_149, %dma_start3A_150] : memref<100000x64xf32, #tpu.memory_space<hbm>> -> memref<100000x64xf32, #tpu.memory_space<hbm>>
    tpu.enqueue_indirect_dma source(%dma_start3A_145 : memref<128x64xf32, #tpu.memory_space<vmem>>) target(%dma_start3A_151 : memref<100000x64xf32, #tpu.memory_space<hbm>>) offsets(%dma_start3A_148 : memref<128xi32, #tpu.memory_space<vmem>>) semaphore(%arg9 : memref<!tpu.dma_semaphore, #tpu.memory_space<semaphore_mem>>)
    %dma_wait3A_152 = arith.constant 3 : i32
    %dma_wait3A_153 = arith.constant 0 : i32
    %dma_wait3A_154 = arith.constant 0 : i32
    %dma_wait3A_155 = tpu.memref_slice %arg7[%dma_wait3A_152, %dma_wait3A_153, %dma_wait3A_154] : memref<4x128x64xf32, #tpu.memory_space<vmem>> -> memref<1x128x64xf32, #tpu.memory_space<vmem>>
    %dma_wait3A_156 = tpu.memref_squeeze %dma_wait3A_155 : memref<1x128x64xf32, #tpu.memory_space<vmem>> -> memref<128x64xf32, #tpu.memory_space<vmem>>
    %dma_wait3A_157 = arith.constant 0 : i32
    %dma_wait3A_158 = tpu.memref_slice %arg3[%mul3A_64, %dma_wait3A_157] : memref<16384x64xf32, #tpu.memory_space<hbm>> -> memref<128x64xf32, #tpu.memory_space<hbm>>
    %dma_wait3A_159 = arith.constant 0 : i32
    %dma_wait3A_160 = arith.constant 0 : i32
    %dma_wait3A_161 = tpu.memref_slice %arg7[%dma_wait3A_152, %dma_wait3A_159, %dma_wait3A_160] : memref<4x128x64xf32, #tpu.memory_space<vmem>> -> memref<1x128x64xf32, #tpu.memory_space<vmem>>
    %dma_wait3A_162 = tpu.memref_squeeze %dma_wait3A_161 : memref<1x128x64xf32, #tpu.memory_space<vmem>> -> memref<128x64xf32, #tpu.memory_space<vmem>>
    %dma_wait3A_163 = arith.constant 0 : i32
    %dma_wait3A_164 = tpu.memref_slice %arg3[%mul3A_64, %dma_wait3A_163] : memref<16384x64xf32, #tpu.memory_space<hbm>> -> memref<128x64xf32, #tpu.memory_space<hbm>>
    tpu.wait_dma2 semaphore(%arg8 : memref<!tpu.dma_semaphore, #tpu.memory_space<semaphore_mem>>) src(%dma_wait3A_164 : memref<128x64xf32, #tpu.memory_space<hbm>>) dst(%dma_wait3A_162 : memref<128x64xf32, #tpu.memory_space<vmem>>)
    %dma_start3A_165 = arith.constant 3 : i32
    %dma_start3A_166 = arith.constant 3 : i32
    %dma_start3A_167 = arith.constant 0 : i32
    %dma_start3A_168 = arith.constant 0 : i32
    %dma_start3A_169 = tpu.memref_slice %arg7[%dma_start3A_165, %dma_start3A_167, %dma_start3A_168] : memref<4x128x64xf32, #tpu.memory_space<vmem>> -> memref<1x128x64xf32, #tpu.memory_space<vmem>>
    %dma_start3A_170 = tpu.memref_squeeze %dma_start3A_169 : memref<1x128x64xf32, #tpu.memory_space<vmem>> -> memref<128x64xf32, #tpu.memory_space<vmem>>
    %dma_start3A_171 = arith.constant 0 : i32
    %dma_start3A_172 = tpu.memref_slice %arg6[%dma_start3A_166, %dma_start3A_171] : memref<4x128xi32, #tpu.memory_space<vmem>> -> memref<1x128xi32, #tpu.memory_space<vmem>>
    %dma_start3A_173 = tpu.memref_squeeze %dma_start3A_172 : memref<1x128xi32, #tpu.memory_space<vmem>> -> memref<128xi32, #tpu.memory_space<vmem>>
    %dma_start3A_174 = arith.constant 0 : i32
    %dma_start3A_175 = arith.constant 0 : i32
    %dma_start3A_176 = tpu.memref_slice %arg5[%dma_start3A_174, %dma_start3A_175] : memref<100000x64xf32, #tpu.memory_space<hbm>> -> memref<100000x64xf32, #tpu.memory_space<hbm>>
    tpu.enqueue_indirect_dma source(%dma_start3A_170 : memref<128x64xf32, #tpu.memory_space<vmem>>) target(%dma_start3A_176 : memref<100000x64xf32, #tpu.memory_space<hbm>>) offsets(%dma_start3A_173 : memref<128xi32, #tpu.memory_space<vmem>>) semaphore(%arg9 : memref<!tpu.dma_semaphore, #tpu.memory_space<semaphore_mem>>)
    %dma_wait3A_177 = arith.constant 0 : i32
    %dma_wait3A_178 = arith.constant 0 : i32
    %dma_wait3A_179 = arith.constant 0 : i32
    %dma_wait3A_180 = arith.constant 0 : i32
    %dma_wait3A_181 = tpu.memref_slice %arg7[%dma_wait3A_177, %dma_wait3A_179, %dma_wait3A_180] : memref<4x128x64xf32, #tpu.memory_space<vmem>> -> memref<1x128x64xf32, #tpu.memory_space<vmem>>
    %dma_wait3A_182 = tpu.memref_squeeze %dma_wait3A_181 : memref<1x128x64xf32, #tpu.memory_space<vmem>> -> memref<128x64xf32, #tpu.memory_space<vmem>>
    %dma_wait3A_183 = arith.constant 0 : i32
    %dma_wait3A_184 = tpu.memref_slice %arg6[%dma_wait3A_178, %dma_wait3A_183] : memref<4x128xi32, #tpu.memory_space<vmem>> -> memref<1x128xi32, #tpu.memory_space<vmem>>
    %dma_wait3A_185 = tpu.memref_squeeze %dma_wait3A_184 : memref<1x128xi32, #tpu.memory_space<vmem>> -> memref<128xi32, #tpu.memory_space<vmem>>
    %dma_wait3A_186 = arith.constant 0 : i32
    %dma_wait3A_187 = arith.constant 0 : i32
    %dma_wait3A_188 = tpu.memref_slice %arg5[%dma_wait3A_186, %dma_wait3A_187] : memref<100000x64xf32, #tpu.memory_space<hbm>> -> memref<100000x64xf32, #tpu.memory_space<hbm>>
    tpu.wait_indirect_dma semaphore(%arg9 : memref<!tpu.dma_semaphore, #tpu.memory_space<semaphore_mem>>) src(%dma_wait3A_182 : memref<128x64xf32, #tpu.memory_space<vmem>>) dst(%dma_wait3A_188 : memref<100000x64xf32, #tpu.memory_space<hbm>>)
    %dma_wait3A_189 = arith.constant 1 : i32
    %dma_wait3A_190 = arith.constant 1 : i32
    %dma_wait3A_191 = arith.constant 0 : i32
    %dma_wait3A_192 = arith.constant 0 : i32
    %dma_wait3A_193 = tpu.memref_slice %arg7[%dma_wait3A_189, %dma_wait3A_191, %dma_wait3A_192] : memref<4x128x64xf32, #tpu.memory_space<vmem>> -> memref<1x128x64xf32, #tpu.memory_space<vmem>>
    %dma_wait3A_194 = tpu.memref_squeeze %dma_wait3A_193 : memref<1x128x64xf32, #tpu.memory_space<vmem>> -> memref<128x64xf32, #tpu.memory_space<vmem>>
    %dma_wait3A_195 = arith.constant 0 : i32
    %dma_wait3A_196 = tpu.memref_slice %arg6[%dma_wait3A_190, %dma_wait3A_195] : memref<4x128xi32, #tpu.memory_space<vmem>> -> memref<1x128xi32, #tpu.memory_space<vmem>>
    %dma_wait3A_197 = tpu.memref_squeeze %dma_wait3A_196 : memref<1x128xi32, #tpu.memory_space<vmem>> -> memref<128xi32, #tpu.memory_space<vmem>>
    %dma_wait3A_198 = arith.constant 0 : i32
    %dma_wait3A_199 = arith.constant 0 : i32
    %dma_wait3A_200 = tpu.memref_slice %arg5[%dma_wait3A_198, %dma_wait3A_199] : memref<100000x64xf32, #tpu.memory_space<hbm>> -> memref<100000x64xf32, #tpu.memory_space<hbm>>
    tpu.wait_indirect_dma semaphore(%arg9 : memref<!tpu.dma_semaphore, #tpu.memory_space<semaphore_mem>>) src(%dma_wait3A_194 : memref<128x64xf32, #tpu.memory_space<vmem>>) dst(%dma_wait3A_200 : memref<100000x64xf32, #tpu.memory_space<hbm>>)
    %dma_wait3A_201 = arith.constant 2 : i32
    %dma_wait3A_202 = arith.constant 2 : i32
    %dma_wait3A_203 = arith.constant 0 : i32
    %dma_wait3A_204 = arith.constant 0 : i32
    %dma_wait3A_205 = tpu.memref_slice %arg7[%dma_wait3A_201, %dma_wait3A_203, %dma_wait3A_204] : memref<4x128x64xf32, #tpu.memory_space<vmem>> -> memref<1x128x64xf32, #tpu.memory_space<vmem>>
    %dma_wait3A_206 = tpu.memref_squeeze %dma_wait3A_205 : memref<1x128x64xf32, #tpu.memory_space<vmem>> -> memref<128x64xf32, #tpu.memory_space<vmem>>
    %dma_wait3A_207 = arith.constant 0 : i32
    %dma_wait3A_208 = tpu.memref_slice %arg6[%dma_wait3A_202, %dma_wait3A_207] : memref<4x128xi32, #tpu.memory_space<vmem>> -> memref<1x128xi32, #tpu.memory_space<vmem>>
    %dma_wait3A_209 = tpu.memref_squeeze %dma_wait3A_208 : memref<1x128xi32, #tpu.memory_space<vmem>> -> memref<128xi32, #tpu.memory_space<vmem>>
    %dma_wait3A_210 = arith.constant 0 : i32
    %dma_wait3A_211 = arith.constant 0 : i32
    %dma_wait3A_212 = tpu.memref_slice %arg5[%dma_wait3A_210, %dma_wait3A_211] : memref<100000x64xf32, #tpu.memory_space<hbm>> -> memref<100000x64xf32, #tpu.memory_space<hbm>>
    tpu.wait_indirect_dma semaphore(%arg9 : memref<!tpu.dma_semaphore, #tpu.memory_space<semaphore_mem>>) src(%dma_wait3A_206 : memref<128x64xf32, #tpu.memory_space<vmem>>) dst(%dma_wait3A_212 : memref<100000x64xf32, #tpu.memory_space<hbm>>)
    %dma_wait3A_213 = arith.constant 3 : i32
    %dma_wait3A_214 = arith.constant 3 : i32
    %dma_wait3A_215 = arith.constant 0 : i32
    %dma_wait3A_216 = arith.constant 0 : i32
    %dma_wait3A_217 = tpu.memref_slice %arg7[%dma_wait3A_213, %dma_wait3A_215, %dma_wait3A_216] : memref<4x128x64xf32, #tpu.memory_space<vmem>> -> memref<1x128x64xf32, #tpu.memory_space<vmem>>
    %dma_wait3A_218 = tpu.memref_squeeze %dma_wait3A_217 : memref<1x128x64xf32, #tpu.memory_space<vmem>> -> memref<128x64xf32, #tpu.memory_space<vmem>>
    %dma_wait3A_219 = arith.constant 0 : i32
    %dma_wait3A_220 = tpu.memref_slice %arg6[%dma_wait3A_214, %dma_wait3A_219] : memref<4x128xi32, #tpu.memory_space<vmem>> -> memref<1x128xi32, #tpu.memory_space<vmem>>
    %dma_wait3A_221 = tpu.memref_squeeze %dma_wait3A_220 : memref<1x128xi32, #tpu.memory_space<vmem>> -> memref<128xi32, #tpu.memory_space<vmem>>
    %dma_wait3A_222 = arith.constant 0 : i32
    %dma_wait3A_223 = arith.constant 0 : i32
    %dma_wait3A_224 = tpu.memref_slice %arg5[%dma_wait3A_222, %dma_wait3A_223] : memref<100000x64xf32, #tpu.memory_space<hbm>> -> memref<100000x64xf32, #tpu.memory_space<hbm>>
    tpu.wait_indirect_dma semaphore(%arg9 : memref<!tpu.dma_semaphore, #tpu.memory_space<semaphore_mem>>) src(%dma_wait3A_218 : memref<128x64xf32, #tpu.memory_space<vmem>>) dst(%dma_wait3A_224 : memref<100000x64xf32, #tpu.memory_space<hbm>>)
    return
  }
}

module attributes {stable_mosaic.version = 14 : i64} {
  func.func @_k3_body(%arg0: i32, %arg1: memref<2048x64xf32, #tpu.memory_space<vmem>>, %arg2: memref<2048x80xf32, #tpu.memory_space<vmem>>, %arg3: memref<64x64xf32, #tpu.memory_space<vmem>>, %arg4: memref<2048x64xf32, #tpu.memory_space<vmem>>, %arg5: memref<2048x64xf32, #tpu.memory_space<vmem>>) attributes {dimension_semantics = [#tpu.dimension_semantics<arbitrary>], iteration_bounds = array<i64: 8>, scalar_prefetch = 0 : i64, scratch_operands = 0 : i64, tpu.core_type = #tpu.core_type<tc>, window_params = [{transform_indices = @transform_0, window_bounds = array<i64: 2048, 64>}, {transform_indices = @transform_1, window_bounds = array<i64: 2048, 80>}, {pipeline_mode = #tpu.pipeline_mode<synchronous>, transform_indices = @transform_2, window_bounds = array<i64: 64, 64>}, {transform_indices = @transform_3, window_bounds = array<i64: 2048, 64>}, {transform_indices = @transform_4, window_bounds = array<i64: 2048, 64>}]} {
    %get3A = arith.constant 0 : index
    %get3A_0 = arith.constant 0 : index
    %get3A_1 = vector.load %arg2[%get3A, %get3A_0] : memref<2048x80xf32, #tpu.memory_space<vmem>>, vector<2048x64xf32>
    %get3A_2 = arith.constant 0 : index
    %get3A_3 = arith.constant 64 : index
    %get3A_4 = vector.load %arg2[%get3A_2, %get3A_3] : memref<2048x80xf32, #tpu.memory_space<vmem>>, vector<2048x1xf32>
    %get3A_5 = arith.constant 0 : index
    %get3A_6 = arith.constant 0 : index
    %get3A_7 = vector.load %arg1[%get3A_5, %get3A_6] : memref<2048x64xf32, #tpu.memory_space<vmem>>, vector<2048x64xf32>
    %mul3A = arith.constant 0.899999976 : f32
    %mul3A_8 = vector.broadcast %mul3A : f32 to vector<2048x64xf32>
    %mul3A_9 = arith.mulf %mul3A_8, %get3A_7 : vector<2048x64xf32>
    %div3A = vector.broadcast %get3A_4 : vector<2048x1xf32> to vector<2048x64xf32>
    %div3A_10 = arith.divf %get3A_1, %div3A : vector<2048x64xf32>
    %mul3A_11 = arith.constant 1.000000e-01 : f32
    %mul3A_12 = vector.broadcast %mul3A_11 : f32 to vector<2048x64xf32>
    %mul3A_13 = arith.mulf %mul3A_12, %div3A_10 : vector<2048x64xf32>
    %add3A = arith.addf %mul3A_9, %mul3A_13 : vector<2048x64xf32>
    %swap3A = arith.constant 0 : index
    %swap3A_14 = arith.constant 0 : index
    %swap3A_15 = vector.load %arg4[%swap3A, %swap3A_14] : memref<2048x64xf32, #tpu.memory_space<vmem>>, vector<2048x64xf32>
    tpu.vector_store %arg4[%swap3A, %swap3A_14], %add3A {strides = array<i32>} : memref<2048x64xf32, #tpu.memory_space<vmem>>, vector<2048x64xf32>,
    %get3A_16 = arith.constant 0 : index
    %get3A_17 = arith.constant 0 : index
    %get3A_18 = vector.load %arg3[%get3A_16, %get3A_17] : memref<64x64xf32, #tpu.memory_space<vmem>>, vector<64x64xf32>
    %dot_general3A = arith.constant dense<0.000000e+00> : vector<2048x64xf32>
    %dot_general3A_19 = tpu.matmul %add3A, %get3A_18, %dot_general3A {dimension_numbers = #tpu.dot_dimension_numbers<[1], [1], [0], [0], [0, 0, 1, 0], [], []>, transpose_lhs_hint = false} : vector<2048x64xf32>, vector<64x64xf32>, vector<2048x64xf32> -> vector<2048x64xf32>
    %swap3A_20 = arith.constant 0 : index
    %swap3A_21 = arith.constant 0 : index
    %swap3A_22 = vector.load %arg5[%swap3A_20, %swap3A_21] : memref<2048x64xf32, #tpu.memory_space<vmem>>, vector<2048x64xf32>
    tpu.vector_store %arg5[%swap3A_20, %swap3A_21], %dot_general3A_19 {strides = array<i32>} : memref<2048x64xf32, #tpu.memory_space<vmem>>, vector<2048x64xf32>,
    return
  }
  func.func @transform_0(%arg0: i32) -> (i32, i32) {
    %c0_i32 = arith.constant 0 : i32
    %c0_i32_0 = arith.constant 0 : i32
    return %arg0, %c0_i32 : i32, i32
  }
  func.func @transform_1(%arg0: i32) -> (i32, i32) {
    %c0_i32 = arith.constant 0 : i32
    %c0_i32_0 = arith.constant 0 : i32
    return %arg0, %c0_i32 : i32, i32
  }
  func.func @transform_2(%arg0: i32) -> (i32, i32) {
    %c0_i32 = arith.constant 0 : i32
    %c0_i32_0 = arith.constant 0 : i32
    %c0_i32_1 = arith.constant 0 : i32
    return %c0_i32, %c0_i32_0 : i32, i32
  }
  func.func @transform_3(%arg0: i32) -> (i32, i32) {
    %c0_i32 = arith.constant 0 : i32
    %c0_i32_0 = arith.constant 0 : i32
    return %arg0, %c0_i32 : i32, i32
  }
  func.func @transform_4(%arg0: i32) -> (i32, i32) {
    %c0_i32 = arith.constant 0 : i32
    %c0_i32_0 = arith.constant 0 : i32
    return %arg0, %c0_i32 : i32, i32
  }
}

</mosaic_0001>

<sc_bundles>
// kernel: kernel.5.cloned.1.call-start
scs
__scs_entry_jumppad:
0x0: {  	(pc) =	sbr.rel $0x88, $3  }
0x1: {  	(tag) =	ssettag $0x0;
	lr =	simm.s32 $0x1  }
0x2: {  	[smem:$0x3F9D] =	sst lr;
	_ =	strace $0xD0000000  }
0x3: {  	_ = 	snop  }
0x4: {  	_ = 	snop  }
0x5: {  	_ = 	snop  }
0x6: {  	_ = 	snop  }
0x7: {  	_ = 	snop  }
__scs_overlays_trampoline_lowered:
0x8: {  	[smem:$0x3FAC] =	sst s0  }
0x9: {  	[smem:$0x3FAD] =	sst s1  }
0xa: {  	[smem:$0x3FAE] =	sst s2  }
0xb: {  	[smem:$0x3FAF] =	sst s3  }
0xc: {  	[smem:$0x3FB0] =	sst s4  }
0xd: {  	[smem:$0x3FB1] =	sst s5  }
0xe: {  	[smem:$0x3FB2] =	sst s6  }
0xf: {  	[smem:$0x3FB3] =	sst s7  }
0x10: {  	[smem:$0x3FB4] =	sst s8  }
0x11: {  	[smem:$0x3FB5] =	sst s9;
	s0 =	simm.s32 @!p0 $0x0  }
0x12: {  	s1 =	sld [smem:$0x3F9B];
	s0 =	simm.s32 @p0 $0x1  }
0x13: {  	[smem:$0x3FB6] =	sst s0;
	s0 =	simm.s32 @!p1 $0x0  }
0x14: {  	s2 =	sld [smem:$0x3F9A];
	s0 =	simm.s32 @p1 $0x1  }
0x15: {  	[smem:$0x3FB7] =	sst s0;
	s0 =	simm.s32 @!p2 $0x0  }
0x16: {  	s3 =	sld [smem:$0x3FDB];
	s0 =	simm.s32 @p2 $0x1  }
0x17: {  	s4 =	simm.s32 $0x1BF5;
	[smem:$0x3FB9] =	sst s0  }
0x18: {  	s0 =	sld [smem:$0x3F9C];
	_ =	swait.ge [sflag:s4], $0x0  }
0x19: {  	s7 =	sld [smem:$0x3F9D]  }
0x1a: {  	s8 =	sadd.s32 $0xFFFFE003, lr  }
0x1b: {  	s9 =	sadd.s32 $0xFFFFFEF7, lr;
	s5 =	simm.s32 $0xFFFFFFFF;
	p2 =	slt.u32 s8, $0xFFFFF086  }
0x1c: {  	p1 =	slt.u32 s9, $0xF7A;
	s5 =	simm.s32 @!p2 $0x0  }
0x1d: {  	s5 =	simm.s32 @p1 $0x1;
	p0 =	seq.s32 s7, s2  }
0x1e: {  	s7 =	smul.u32 @!p0 $0xF7A, s2;
	p2 =	seq.s32 @!p0 s5, $0x0  }
0x1f: {  	s9 =	smul.u32 $0xF7A, s1;
	s8 =	simm.s32 @!p0 $0x1BF5;
	p2 =	por !p2, p0  }
0x20: {  	[sflag:s8] =	ssyncset.s32 @!p0 $0xFFFFF086;
	s6 =	sadd.s32 @!p0 s3, s7;
	s7 =	simm.s32 @!p0 $0x108  }
0x21: {  	s3 =	sadd.s32 s3, s9;
	s6 =	sadd.s32 @!p0 $0x88, s6;
	s7 =	simm.s32 @p2 $0x1082  }
0x22: {  	[simem:s7], [sflag:s8] =	dma.local @!p0 [hbm:s6], $0xF7A  }
0x23: {  	s9 =	sor.u32 $0xD0000000, s2;
	s6 =	simm.s32 $0x108;
	_ =	swait.ge @!p0 [sflag:s8], $0x0  }
0x24: {  	s3 =	sadd.s32 $0x88, s3;
	s6 =	simm.s32 @!p1 $0x1082;
	[sflag:s4] =	ssyncset.s32 $0xFFFFF086  }
0x25: {  	[simem:s6], [sflag:s4] =	dma.local [hbm:s3], $0xF7A  }
0x26: {  	[smem:$0x3F9D] =	sst s1;
	(tag) =	ssettag s2;
	_ =	strace s9  }
0x27: {  	s1 =	sld [smem:$0x3FAD]  }
0x28: {  	s2 =	sld [smem:$0x3FAE]  }
0x29: {  	s4 =	sld [smem:$0x3FB0]  }
0x2a: {  	p0 =	seq.s32 s5, $0x0;
	s5 =	sld [smem:$0x3FB1]  }
0x2b: {  	s6 =	sld [smem:$0x3FB2]  }
0x2c: {  	s7 =	sld [smem:$0x3FB3]  }
0x2d: {  	s3 =	simm.s32 $0x108;
	s8 =	sld [smem:$0x3FB4]  }
0x2e: {  	s3 =	simm.s32 @!p0 $0x1082;
	s9 =	sld [smem:$0x3FB5]  }
0x2f: {  	lr =	sadd.s32 s0, s3;
	s0 =	sld [smem:$0x3FAC]  }
0x30: {  	s3 =	sld [smem:$0x3FAF]  }
0x31: {  	[smem:$0x3FB8] =	sst s10  }
0x32: {  	s10 =	sld [smem:$0x3FB6];
	_ =	sdelay $0x3  }
0x33: {  	p0 =	seq.s32 s10, $0x1;
	s10 =	sld [smem:$0x3FB8];
	_ =	sdelay $0x3  }
0x34: {  	[smem:$0x3FB8] =	sst s10  }
0x35: {  	s10 =	sld [smem:$0x3FB7];
	_ =	sdelay $0x3  }
0x36: {  	p1 =	seq.s32 s10, $0x1;
	s10 =	sld [smem:$0x3FB8];
	_ =	sdelay $0x3  }
0x37: {  	[smem:$0x3FB8] =	sst s10  }
0x38: {  	s10 =	sld [smem:$0x3FB9]  }
0x39: {  	_ = 	snop;
	(pc) =	sbr.ind lr, $3  }
0x3a: {  	_ = 	snop  }
0x3b: {  	_ = 	snop  }
0x3c: {  	p2 =	seq.s32 s10, $0x1;
	s10 =	sld [smem:$0x3FB8]  }
0x3d: {  	_ =	shalt  }
0x3e: {  	_ =	shalt  }
0x3f: {  	_ =	shalt  }
0x40: {  	_ =	shalt  }
0x41: {  	_ =	shalt  }
0x42: {  	_ =	shalt  }
0x43: {  	_ =	shalt  }
0x44: {  	_ =	shalt  }
0x45: {  	_ =	shalt  }
0x46: {  	_ =	shalt  }
0x47: {  	_ =	shalt  }
0x48: {  	_ =	shalt  }
0x49: {  	_ =	shalt  }
0x4a: {  	_ =	shalt  }
0x4b: {  	_ =	shalt  }
0x4c: {  	_ =	shalt  }
0x4d: {  	_ =	shalt  }
0x4e: {  	_ =	shalt  }
0x4f: {  	_ =	shalt  }
0x50: {  	_ =	shalt  }
0x51: {  	_ =	shalt  }
0x52: {  	_ =	shalt  }
0x53: {  	_ =	shalt  }
0x54: {  	_ =	shalt  }
0x55: {  	_ =	shalt  }
0x56: {  	_ =	shalt  }
0x57: {  	_ =	shalt  }
0x58: {  	_ =	shalt  }
0x59: {  	_ =	shalt  }
0x5a: {  	_ =	shalt  }
0x5b: {  	_ =	shalt  }
0x5c: {  	_ =	shalt  }
0x5d: {  	_ =	shalt  }
0x5e: {  	_ =	shalt  }
0x5f: {  	_ =	shalt  }
0x60: {  	_ =	shalt  }
0x61: {  	_ =	shalt  }
0x62: {  	_ =	shalt  }
0x63: {  	_ =	shalt  }
0x64: {  	_ =	shalt  }
0x65: {  	_ =	shalt  }
0x66: {  	_ =	shalt  }
0x67: {  	_ =	shalt  }
0x68: {  	_ =	shalt  }
0x69: {  	_ =	shalt  }
0x6a: {  	_ =	shalt  }
0x6b: {  	_ =	shalt  }
0x6c: {  	_ =	shalt  }
0x6d: {  	_ =	shalt  }
0x6e: {  	_ =	shalt  }
0x6f: {  	_ =	shalt  }
0x70: {  	_ =	shalt  }
0x71: {  	_ =	shalt  }
0x72: {  	_ =	shalt  }
0x73: {  	_ =	shalt  }
0x74: {  	_ =	shalt  }
0x75: {  	_ =	shalt  }
0x76: {  	_ =	shalt  }
0x77: {  	_ =	shalt  }
0x78: {  	_ =	shalt  }
0x79: {  	_ =	shalt  }
0x7a: {  	_ =	shalt  }
0x7b: {  	_ =	shalt  }
0x7c: {  	_ =	shalt  }
0x7d: {  	_ =	shalt  }
0x7e: {  	_ =	shalt  }
0x7f: {  	_ =	shalt  }
0x80: {  	_ =	shalt  }
0x81: {  	_ =	shalt  }
0x82: {  	_ =	shalt  }
0x83: {  	_ =	shalt  }
0x84: {  	_ =	shalt  }
0x85: {  	_ =	shalt  }
0x86: {  	_ =	shalt  }
0x87: {  	_ =	shalt  }
.Lfunc_end0:
.L_simem_size_0:
called_computation_lowered:
.L_overlay_start_0:
0x88: {  	s2 =	sld [smem:$0x3FD9]  }
0x89: {  	s3 =	sld [smem:$0x3FFE];
	_ =	sdelay $0x1  }
0x8a: {  	s1 =	srdreg.scid  }
0x8b: {  	s0 =	sand.u32 $0x1, s1  }
0x8c: {  	s14 =	sshll.u32 s0, $0xA;
	s2 =	sadd.s32 s3, s2  }
0x8d: {  	s2 =	sadd.s32 s2, s14  }
0x8e: {  	[smem:$0x3FC4] =	sst s2  }
0x8f: {  	_ = 	snop  }
0x90: {  	s2 =	sld [smem:$0x3FD0];
	_ =	sdelay $0x2  }
0x91: {  	s4 =	simm.s32 $0xA;
	s5 =	simm.s32 $0x10;
	s15 =	sld [smem:$0x3FC9]  }
0x92: {  	[smem:s5], [sflag:s4] =	dma.local [hbm:s2], $0x1  }
0x93: {  	_ =	swait.eq [sflag:s4], $0x1  }
0x94: {  	[sflag:s4] =	ssyncset.done $0x0  }
0x95: {  	s16 =	sld [smem:$0x10];
	[sflag:s4] =	ssyncadd.s32 $0xFFFFFFFF  }
0x96: {  	s17 =	sld [smem:$0x11];
	(tm) =	ssettm $0x1  }
0x97: {  	s18 =	sld [smem:$0x3FFB];
	_ =	sdelay $0x3  }
0x98: {  	_ =	strace s18  }
0x99: {  	s5 =	sld [smem:$0x3FFC];
	_ =	sdelay $0x3  }
0x9a: {  	_ =	strace s5  }
0x9b: {  	s5 =	sld [smem:$0x3FFD];
	_ =	sdelay $0x3  }
0x9c: {  	_ =	strace s5  }
0x9d: {  	_ =	strace $0x8FFFFFFF  }
0x9e: {  	s19 =	sld [smem:$0x3FDB];
	_ =	sdelay $0x1  }
0x9f: {  	s6 =	simm.s32 $_scs_section_size  }
0xa0: {  	s7 =	simm.s32 $_size__tile_overlayer_lowered;
	s8 =	simm.s32 $_tile_overlayer_lowered  }
0xa1: {  	s22 =	simm.s32 $0x1BFF;
	s21 =	sshll.u32 s8, $0x1;
	s5 =	sadd.s32 s6, s19  }
0xa2: {  	s9 =	simm.s32 $0x0;
	s20 =	sshll.u32 s7, $0x1;
	s7 =	sadd.s32 s21, s5  }
0xa3: {  	[timem:s9], [sflag:s22] =	dma.local [hbm:s7], s20  }
0xa4: {  	_ =	swait.ge [sflag:s22], s20  }
0xa5: {  	s6 =	ssub.s32 $0x0, s20;
	[sflag:s22] =	ssyncset.done $0x0  }
0xa6: {  	[sflag:s22] =	ssyncadd.s32 s6;
	_ =	sdelay $0x1  }
0xa7: {  	s23 =	simm.s32 $0x1B8B  }
0xa8: {  	_ =	swait.ge [sflag:s23], $0x1  }
0xa9: {  	[sflag:s23] =	ssyncset.done $0x0  }
0xaa: {  	s25 =	simm.s32 $0x1B8E;
	s24 =	sld [smem:$0x3FFE];
	[sflag:s23] =	ssyncadd.s32 $0xFFFFFFFF  }
0xab: {  	s26 =	simm.s32 $execute0_lowered;
	[smem:$0x3FD2] =	sst s25  }
0xac: {  	s7 =	sshll.u32 s26, $0x1;
	_ =	strace $0x80000046;
	[dreg:$0x1] =	wrdreg $0xFFFFFFFF  }
0xad: {  	s28 =	simm.s32 $_size_execute0_lowered;
	s5 =	sadd.s32 s5, s7;
	[dreg:$0x0] =	wrdreg $0x0  }
0xae: {  	s7 =	sshll.u32 s28, $0x1;
	[dreg:$0x2] =	wrdreg s5  }
0xaf: {  	[dreg:$0x3] =	wrdreg s7  }
0xb0: {  	[dreg:$0x4] =	wrdreg $0xC0  }
0xb1: {  	_ =	task [dreg:s9], $0x5FFFF  }
0xb2: {  	[dreg:$0x1] =	wrdreg $0xFFFFFFFF  }
0xb3: {  	[dreg:$0x0] =	wrdreg $0x60  }
0xb4: {  	[dreg:$0x2] =	wrdreg s16  }
0xb5: {  	[dreg:$0x3] =	wrdreg s15  }
0xb6: {  	[dreg:$0x4] =	wrdreg s24  }
0xb7: {  	[dreg:$0x5] =	wrdreg s17  }
0xb8: {  	[dreg:$0x6] =	wrdreg $0x18700  }
0xb9: {  	[dreg:$0x7] =	wrdreg $0x0  }
0xba: {  	[dreg:$0x8] =	wrdreg $0x9  }
0xbb: {  	_ =	task.clear_ibuf [dreg:s9], $0x9FFFF;
	_ =	strace $0x90000046  }
0xbc: {  	s29 =	simm.s32 $0x9;
	_ =	strace $0x80000048  }
0xbd: {  	_ =	swait.ge [sflag:s29], $0x1  }
0xbe: {  	[sflag:s29] =	ssyncadd.s32 $0xFFFFFFFF  }
0xbf: {  	_ =	strace $0x90000048  }
0xc0: {  	_ =	sfence  }
0xc1: {  	s30 =	sld [smem:$0x0];
	_ =	sdelay $0x2  }
0xc2: {  	s31 =	sshll.u32 s1, $0xD;
	s1 =	sshrl.u32 s1, $0x2  }
0xc3: {  	s3 =	sand.u32 $0x4000, s31;
	s1 =	sadd.s32 s1, s30  }
0xc4: {  	s0 =	sor.u32 s3, s0;
	s1 =	sshll.u32 s1, $0x11  }
0xc5: {  	s0 =	sor.u32 s1, s0  }
0xc6: {  	s0 =	sadd.s32 $0x8F2B, s0  }
0xc7: {  	[sflag:s0] =	ssyncadd.remote.s32 $0x1  }
0xc8: {  	_ =	sfence.sel $0xFFFF  }
0xc9: {  	[dreg:$0x0] =	wrdreg $0xFFFFFFFF;
	(pc) =	sbr.abs _section_cstart, $3  }
0xca: {  	[dreg:$0x1] =	wrdreg $0xFFFFFFFF  }
0xcb: {  	_ =	task.clear_ibuf [dreg:s9], $0x2FFFF;
	_ =	strace $0x9FFFFFFF  }
0xcc: {  	(tm) =	ssettm $0x7FFFFFFF  }
0xcd: {  	_ =	shalt  }
tec
execute0_lowered:
.L_overlay_start_1:
0x0: {  	(tag) =	ssettag $0x1  }
0x1: {  	s0 =	rddreg [dreg:$0x0]  }
0x2: {  	s10 =	rddreg [dreg:$0x1]  }
0x3: {  	s1 =	rddreg [dreg:$0x2]  }
0x4: {  	s12 =	rddreg [dreg:$0x3]  }
0x5: {  	s3 =	srdreg.scid;
	s2 =	rddreg [dreg:$0x4]  }
0x6: {  	s25 =	stileid.u32;
	s28 =	simm.s32 $0x80;
	s14 =	sand.u32 $0x1, s3  }
0x7: {  	s3 =	rddreg [dreg:$0x5];
	s15 =	sadd.s32 $0x2200, s1;
	s23 =	sshll.u32 s25, $0xD  }
0x8: {  	s11 =	sshll.u32 s25, $0xA;
	s21 =	smul.u32 $0x2800, s25;
	s4 =	ssub.s32 $0x2, s14  }
0x9: {  	s16 =	sor.u32 $0x80, s11;
	s17 =	sor.u32 $0x100, s11;
	s18 =	sor.u32 $0x180, s11  }
0xa: {  	s19 =	sor.u32 $0x200, s11;
	s20 =	sor.u32 $0x280, s11;
	s22 =	sor.u32 $0x300, s11  }
0xb: {  	p0 =	sne.s32 s14, $0x0;
	s24 =	sshll.u32 s16, $0x3;
	s16 =	smul.u32 $0xA, s16  }
0xc: {  	s5 =	sshrl.u32 s4, $0x1;
	s6 =	sshll.u32 s17, $0x3;
	s17 =	smul.u32 $0xA, s17  }
0xd: {  	s7 =	sshll.u32 s18, $0x3;
	s8 =	sshll.u32 s19, $0x3;
	s18 =	smul.u32 $0xA, s18  }
0xe: {  	s9 =	sshll.u32 s20, $0x3;
	s26 =	sshll.u32 s22, $0x3;
	s19 =	smul.u32 $0xA, s19  }
0xf: {  	s21 =	sadd.s32 s15, s21;
	s20 =	smul.u32 $0xA, s20;
	s13 =	ssub.s32 s4, s5  }
0x10: {  	s4 =	sadd.s32 s12, s23;
	s5 =	sadd.s32 s12, s24;
	s6 =	sadd.s32 s12, s6  }
0x11: {  	s7 =	sadd.s32 s12, s7;
	s8 =	sadd.s32 s12, s8;
	s9 =	sadd.s32 s12, s9  }
0x12: {  	s23 =	sor.u32 $0x380, s11;
	s11 =	sadd.s32 s12, s26;
	[dreg:$0x7] =	wrdreg s21  }
0x13: {  	s24 =	sshll.u32 s23, $0x3;
	s16 =	sadd.s32 s15, s16;
	s17 =	sadd.s32 s15, s17  }
0x14: {  	s21 =	sadd.s32 s15, s18;
	s26 =	sadd.s32 s15, s20;
	[dreg:$0x8] =	wrdreg s16  }
0x15: {  	s20 =	simm.s32 $0x0;
	s30 =	smax.u32 s13, $0x1;
	[dreg:$0x9] =	wrdreg s17  }
0x16: {  	s13 =	simm.s32 $0x0;
	s12 =	sadd.s32 s12, s24;
	[dreg:$0xa] =	wrdreg s21  }
0x17: {  	s16 =	smul.u32 $0xA, s22;
	s22 =	sadd.s32 s15, s19;
	[dreg:$0xc] =	wrdreg s26  }
0x18: {  	s24 =	smul.u32 $0xA, s23;
	[smem:$0x7FF] =	sst s20;
	s17 =	sshll.u32 s14, $0x4  }
0x19: {  	s19 =	sshll.u32 s25, $0x7;
	s21 =	smul.u32 $0x50000, s25;
	s26 =	sadd.s32 $0x1C00, s1  }
0x1a: {  	[dreg:$0xb] =	wrdreg s22;
	s18 =	sor.u32 s25, s17;
	s16 =	sadd.s32 s15, s16  }
0x1b: {  	s15 =	sadd.s32 s15, s24;
	s22 =	sshll.u32 s18, $0x6;
	[dreg:$0xd] =	wrdreg s16  }
0x1c: {  	[dreg:$0xe] =	wrdreg s15;
	s31 =	sadd.s32 s10, s22;
	s10 =	sadd.s32 s10, s19  }
0x1d: {  	s23 =	sadd.s32 s19, s1;
	_ =	strace $0x80000047;
	[dreg:$0xf] =	wrdreg s10  }
0x1e: {  	s24 =	sshrl.u32 s21, $0x2;
	s17 =	sadd.s32 $0x1200, s23;
	[dreg:$0x10] =	wrdreg s26  }
0x1f: {  	s14 =	sshll.u32 s18, $0xC;
	s15 =	sadd.s32 s24, s2;
	[dreg:$0x12] =	wrdreg s17  }
0x20: {  	s25 =	sadd.s32 $0x1A00, s1;
	s14 =	sadd.s32 s14, s1;
	[dreg:$0x11] =	wrdreg s15  }
0x21: {  	s16 =	simm.s32 $0x3;
	s18 =	sadd.s32 $0x2800, s15;
	[dreg:$0x14] =	wrdreg s30  }
0x22: {  	s10 =	sadd.s32 $0x2A200, s14;
	s19 =	sadd.s32 $0x5000, s15;
	[dreg:$0x15] =	wrdreg s18  }
0x23: {  	s1 =	sadd.s32 $0x2A600, s14;
	s21 =	sadd.s32 $0x7800, s15;
	[dreg:$0x16] =	wrdreg s19  }
0x24: {  	s17 =	sadd.s32 $0x2AA00, s14;
	s22 =	sadd.s32 $0xA000, s15;
	[dreg:$0x17] =	wrdreg s21  }
.Ltmp0:
0x25: {  	s23 =	sadd.s32 $0xC800, s15;
	[dreg:$0x18] =	wrdreg s22;
	(pc) =	sbr.rel .LBB2_1-.Ltmp0, $4  }
0x26: {  	s29 =	sadd.s32 $0x2AE00, s14;
	s24 =	sadd.s32 $0xF000, s15;
	[dreg:$0x19] =	wrdreg s23  }
0x27: {  	s26 =	sadd.s32 $0x11800, s15;
	s14 =	simm.s32 $0x2;
	[dreg:$0x1a] =	wrdreg s24  }
0x28: {  	s15 =	simm.s32 $0x1;
	[dreg:$0x1b] =	wrdreg s26;
	s21 =	simm.s32 $0x1A670  }
0x29: {  	s23 =	simm.s32 $0x4;
	s19 =	simm.s32 $0x165F0;
	[dreg:$0x13] =	wrdreg s29  }
.LBB2_25:
0x2a: {  	[bflag:$0x0] =	sbarrier.arrive $0xFFFF  }
.LBB2_26:
0x2b: {  	s13 =	sadd.s32 $0x1, s13  }
0x2c: {  	p1 =	sne.s32 s13, s30  }
.Ltmp1:
0x2d: {  	_ = 	snop;
	(pc) =	sbr.rel @!p1 .LBB2_27-.Ltmp1, $1  }
0x2e: {  	_ =	sdelay $0x3  }
.LBB2_1:
.Ltmp2:
0x2f: {  	(pc) =	sbr.rel @p0 .LBB2_3-.Ltmp2, $1  }
0x30: {  	_ =	sdelay $0x3  }
0x31: {  	s22 =	rddreg [dreg:$0x10]  }
0x32: {  	[tilespmem:s21], [sflag:$0x4] =	stream.linear.gather [hbm4b:s22+s20], $0x2800, $0x38;
	[tilespmem:$0x1F670] =	vst v63  }
0x33: {  	_ =	swait.ge [sflag:s23], $0x2800  }
0x34: {  	[sflag:s23] =	ssyncset.done $0x0  }
0x35: {  	s24 =	rddreg [dreg:$0x11];
	[sflag:s23] =	ssyncadd.s32 $0xFFFFD800  }
0x36: {  	[spmem:s24] =	stream.linear.scatter [tilespmem:s21], [sflag:$0x3], $0x2800, $0x38;
	[tilespmem:$0x1F670] =	vst v63  }
0x37: {  	s26 =	rddreg [dreg:$0x15]  }
0x38: {  	[spmem:s26] =	stream.linear.scatter [tilespmem:s21], [sflag:$0x3], $0x2800, $0x38;
	[tilespmem:$0x1F670] =	vst v63  }
0x39: {  	s18 =	rddreg [dreg:$0x16]  }
0x3a: {  	[spmem:s18] =	stream.linear.scatter [tilespmem:s21], [sflag:$0x3], $0x2800, $0x38;
	[tilespmem:$0x1F670] =	vst v63  }
0x3b: {  	s24 =	rddreg [dreg:$0x17]  }
0x3c: {  	[spmem:s24] =	stream.linear.scatter [tilespmem:s21], [sflag:$0x3], $0x2800, $0x38;
	[tilespmem:$0x1F670] =	vst v63  }
0x3d: {  	s26 =	rddreg [dreg:$0x18]  }
0x3e: {  	[spmem:s26] =	stream.linear.scatter [tilespmem:s21], [sflag:$0x3], $0x2800, $0x38;
	[tilespmem:$0x1F670] =	vst v63  }
0x3f: {  	s18 =	rddreg [dreg:$0x19]  }
0x40: {  	[spmem:s18] =	stream.linear.scatter [tilespmem:s21], [sflag:$0x3], $0x2800, $0x38;
	[tilespmem:$0x1F670] =	vst v63  }
0x41: {  	s24 =	rddreg [dreg:$0x1a]  }
0x42: {  	[spmem:s24] =	stream.linear.scatter [tilespmem:s21], [sflag:$0x3], $0x2800, $0x38;
	[tilespmem:$0x1F670] =	vst v63  }
0x43: {  	s26 =	rddreg [dreg:$0x1b]  }
0x44: {  	[spmem:s26] =	stream.linear.scatter [tilespmem:s21], [sflag:$0x3], $0x2800, $0x38;
	[tilespmem:$0x1F670] =	vst v63  }
0x45: {  	s18 =	rddreg [dreg:$0xf];
	s26 =	simm.s32 $0x15A70  }
0x46: {  	[tilespmem:s26], [sflag:$0x4] =	stream.linear.gather [hbm4b:s18+s20], $0x400, $0x38;
	[tilespmem:$0x1F670] =	vst v63  }
0x47: {  	_ =	swait.ge [sflag:s23], $0x400  }
0x48: {  	[sflag:s23] =	ssyncset.done $0x0  }
0x49: {  	s18 =	simm.s32 $0x15E70;
	s24 =	rddreg [dreg:$0x12];
	[sflag:s23] =	ssyncadd.s32 $0xFFFFFC00  }
0x4a: {  	[tilespmem:s18], [sflag:$0x4] =	stream.linear.gather [hbm4b:s24+s20], $0x400, $0x38;
	[tilespmem:$0x1F670] =	vst v63  }
0x4b: {  	_ =	swait.ge [sflag:s23], $0x400  }
0x4c: {  	[sflag:s23] =	ssyncset.done $0x0  }
0x4d: {  	[sflag:s23] =	ssyncadd.s32 $0xFFFFFC00  }
0x4e: {  	[spmem:s3] =	stream.indirect.scatter [tilespmem:s18], [sflag:$0x2], $0x1, s26, s28, $0xb8;
	[tilespmem:$0x1F670] =	vst v63  }
0x4f: {  	s24 =	simm.s32 $0x15AF0;
	s26 =	simm.s32 $0x15EF0  }
0x50: {  	[spmem:s3] =	stream.indirect.scatter [tilespmem:s26], [sflag:$0x2], $0x1, s24, s28, $0xb8;
	[tilespmem:$0x1F670] =	vst v63  }
0x51: {  	s18 =	simm.s32 $0x15B70;
	s24 =	simm.s32 $0x15F70  }
0x52: {  	[spmem:s3] =	stream.indirect.scatter [tilespmem:s24], [sflag:$0x2], $0x1, s18, s28, $0xb8;
	[tilespmem:$0x1F670] =	vst v63  }
0x53: {  	s18 =	simm.s32 $0x15BF0;
	s24 =	simm.s32 $0x15FF0  }
0x54: {  	[spmem:s3] =	stream.indirect.scatter [tilespmem:s24], [sflag:$0x2], $0x1, s18, s28, $0xb8;
	[tilespmem:$0x1F670] =	vst v63  }
0x55: {  	s18 =	simm.s32 $0x15C70;
	s24 =	simm.s32 $0x16070  }
0x56: {  	[spmem:s3] =	stream.indirect.scatter [tilespmem:s24], [sflag:$0x2], $0x1, s18, s28, $0xb8;
	[tilespmem:$0x1F670] =	vst v63  }
0x57: {  	s18 =	simm.s32 $0x15CF0;
	s24 =	simm.s32 $0x160F0  }
0x58: {  	[spmem:s3] =	stream.indirect.scatter [tilespmem:s24], [sflag:$0x2], $0x1, s18, s28, $0xb8;
	[tilespmem:$0x1F670] =	vst v63  }
0x59: {  	s18 =	simm.s32 $0x15D70;
	s24 =	simm.s32 $0x16170  }
0x5a: {  	[spmem:s3] =	stream.indirect.scatter [tilespmem:s24], [sflag:$0x2], $0x1, s18, s28, $0xb8;
	[tilespmem:$0x1F670] =	vst v63  }
0x5b: {  	s18 =	simm.s32 $0x15DF0;
	s24 =	simm.s32 $0x161F0  }
0x5c: {  	[spmem:s3] =	stream.indirect.scatter [tilespmem:s24], [sflag:$0x2], $0x1, s18, s28, $0xb8;
	[tilespmem:$0x1F670] =	vst v63  }
0x5d: {  	_ =	swait.ge [sflag:s16], $0x2800  }
0x5e: {  	[sflag:s16] =	ssyncset.done $0x0  }
0x5f: {  	[sflag:s16] =	ssyncadd.s32 $0xFFFFD800  }
0x60: {  	_ =	swait.ge [sflag:s16], $0x2800  }
0x61: {  	[sflag:s16] =	ssyncset.done $0x0  }
0x62: {  	[sflag:s16] =	ssyncadd.s32 $0xFFFFD800  }
0x63: {  	_ =	swait.ge [sflag:s16], $0x2800  }
0x64: {  	[sflag:s16] =	ssyncset.done $0x0  }
0x65: {  	[sflag:s16] =	ssyncadd.s32 $0xFFFFD800  }
0x66: {  	_ =	swait.ge [sflag:s16], $0x2800  }
0x67: {  	[sflag:s16] =	ssyncset.done $0x0  }
0x68: {  	[sflag:s16] =	ssyncadd.s32 $0xFFFFD800  }
0x69: {  	_ =	swait.ge [sflag:s16], $0x2800  }
0x6a: {  	[sflag:s16] =	ssyncset.done $0x0  }
0x6b: {  	[sflag:s16] =	ssyncadd.s32 $0xFFFFD800  }
0x6c: {  	_ =	swait.ge [sflag:s16], $0x2800  }
0x6d: {  	[sflag:s16] =	ssyncset.done $0x0  }
0x6e: {  	[sflag:s16] =	ssyncadd.s32 $0xFFFFD800  }
0x6f: {  	_ =	swait.ge [sflag:s16], $0x2800  }
0x70: {  	[sflag:s16] =	ssyncset.done $0x0  }
0x71: {  	[sflag:s16] =	ssyncadd.s32 $0xFFFFD800  }
0x72: {  	_ =	swait.ge [sflag:s16], $0x2800  }
0x73: {  	[sflag:s16] =	ssyncset.done $0x0  }
0x74: {  	[sflag:s16] =	ssyncadd.s32 $0xFFFFD800  }
0x75: {  	_ =	swait.ge [sflag:s14], $0x80  }
0x76: {  	[sflag:s14] =	ssyncset.done $0x0  }
0x77: {  	[sflag:s14] =	ssyncadd.s32 $0xFFFFFF80  }
0x78: {  	_ =	swait.ge [sflag:s14], $0x80  }
0x79: {  	[sflag:s14] =	ssyncset.done $0x0  }
0x7a: {  	[sflag:s14] =	ssyncadd.s32 $0xFFFFFF80  }
0x7b: {  	_ =	swait.ge [sflag:s14], $0x80  }
0x7c: {  	[sflag:s14] =	ssyncset.done $0x0  }
0x7d: {  	[sflag:s14] =	ssyncadd.s32 $0xFFFFFF80  }
0x7e: {  	_ =	swait.ge [sflag:s14], $0x80  }
0x7f: {  	[sflag:s14] =	ssyncset.done $0x0  }
0x80: {  	[sflag:s14] =	ssyncadd.s32 $0xFFFFFF80  }
0x81: {  	_ =	swait.ge [sflag:s14], $0x80  }
0x82: {  	[sflag:s14] =	ssyncset.done $0x0  }
0x83: {  	[sflag:s14] =	ssyncadd.s32 $0xFFFFFF80  }
0x84: {  	_ =	swait.ge [sflag:s14], $0x80  }
0x85: {  	[sflag:s14] =	ssyncset.done $0x0  }
0x86: {  	[sflag:s14] =	ssyncadd.s32 $0xFFFFFF80  }
0x87: {  	_ =	swait.ge [sflag:s14], $0x80  }
0x88: {  	[sflag:s14] =	ssyncset.done $0x0  }
0x89: {  	[sflag:s14] =	ssyncadd.s32 $0xFFFFFF80  }
0x8a: {  	_ =	swait.ge [sflag:s14], $0x80  }
0x8b: {  	[sflag:s14] =	ssyncset.done $0x0  }
0x8c: {  	[sflag:s14] =	ssyncadd.s32 $0xFFFFFF80  }
.LBB2_3:
0x8d: {  	s22 =	simm.s32 $0x0;
	s26 =	simm.s32 $0x15870  }
0x8e: {  	[tilespmem:s26], [sflag:$0x4] =	stream.linear.gather [hbm4b:s31+s22], $0x200, $0x38;
	[tilespmem:$0x1F670] =	vst v63  }
0x8f: {  	_ =	swait.ge [sflag:s23], $0x200  }
0x90: {  	[sflag:s23] =	ssyncset.done $0x0  }
0x91: {  	s18 =	simm.s32 $0x16670;
	[sflag:s23] =	ssyncadd.s32 $0xFFFFFE00  }
0x92: {  	[tilespmem:s18], [sflag:$0x1] =	stream.indirect.gather [hbm4b:s0+s28], $0x40, s26, s28, $0xb8;
	[tilespmem:$0x1F670] =	vst v63  }
0x93: {  	s24 =	simm.s32 $0x18670;
	s26 =	simm.s32 $0x158F0  }
0x94: {  	[tilespmem:s24], [sflag:$0x1] =	stream.indirect.gather [hbm4b:s0+s28], $0x40, s26, s28, $0xb8;
	[tilespmem:$0x1F670] =	vst v63  }
0x95: {  	_ =	swait.ge [sflag:s15], $0x2000  }
0x96: {  	[sflag:s15] =	ssyncset.done $0x0  }
0x97: {  	[sflag:s15] =	ssyncadd.s32 $0xFFFFE000  }
0x98: {  	[hbm4b:s10+s22] =	stream.linear.scatter [tilespmem:s18], [sflag:$0x2], $0x2000, $0x38;
	[tilespmem:$0x1F670] =	vst v63  }
0x99: {  	_ =	swait.ge [sflag:s14], $0x2000  }
0x9a: {  	[sflag:s14] =	ssyncset.done $0x0  }
0x9b: {  	s26 =	simm.s32 $0x15970;
	[sflag:s14] =	ssyncadd.s32 $0xFFFFE000  }
0x9c: {  	[tilespmem:s18], [sflag:$0x1] =	stream.indirect.gather [hbm4b:s0+s28], $0x40, s26, s28, $0xb8;
	[tilespmem:$0x1F670] =	vst v63  }
0x9d: {  	_ =	swait.ge [sflag:s15], $0x2000  }
0x9e: {  	[sflag:s15] =	ssyncset.done $0x0  }
0x9f: {  	[sflag:s15] =	ssyncadd.s32 $0xFFFFE000  }
0xa0: {  	[hbm4b:s1+s22] =	stream.linear.scatter [tilespmem:s24], [sflag:$0x2], $0x2000, $0x38;
	[tilespmem:$0x1F670] =	vst v63  }
0xa1: {  	_ =	swait.ge [sflag:s14], $0x2000  }
0xa2: {  	[sflag:s14] =	ssyncset.done $0x0  }
0xa3: {  	s26 =	simm.s32 $0x159F0;
	[sflag:s14] =	ssyncadd.s32 $0xFFFFE000  }
0xa4: {  	[tilespmem:s24], [sflag:$0x1] =	stream.indirect.gather [hbm4b:s0+s28], $0x40, s26, s28, $0xb8;
	[tilespmem:$0x1F670] =	vst v63  }
0xa5: {  	_ =	swait.ge [sflag:s15], $0x2000  }
0xa6: {  	[sflag:s15] =	ssyncset.done $0x0  }
0xa7: {  	[sflag:s15] =	ssyncadd.s32 $0xFFFFE000  }
0xa8: {  	[hbm4b:s17+s22] =	stream.linear.scatter [tilespmem:s18], [sflag:$0x2], $0x2000, $0x38;
	[tilespmem:$0x1F670] =	vst v63  }
0xa9: {  	_ =	swait.ge [sflag:s15], $0x2000  }
0xaa: {  	[sflag:s15] =	ssyncset.done $0x0  }
0xab: {  	[sflag:s15] =	ssyncadd.s32 $0xFFFFE000  }
0xac: {  	[hbm4b:s29+s22] =	stream.linear.scatter [tilespmem:s24], [sflag:$0x2], $0x2000, $0x38;
	[tilespmem:$0x1F670] =	vst v63  }
0xad: {  	_ =	swait.ge [sflag:s14], $0x2000  }
0xae: {  	[sflag:s14] =	ssyncset.done $0x0  }
0xaf: {  	[sflag:s14] =	ssyncadd.s32 $0xFFFFE000  }
.Ltmp3:
0xb0: {  	_ =	swait.ge [sflag:s14], $0x2000;
	(pc) =	sbr.rel @p0 .LBB2_25-.Ltmp3, $4  }
0xb1: {  	[sflag:s14] =	ssyncset.done $0x0  }
0xb2: {  	[sflag:s14] =	ssyncadd.s32 $0xFFFFE000  }
0xb3: {  	[bflag:$0x0] =	sbarrier.arrive $0xFFFF  }
0xb4: {  	s26 =	simm.s32 $0x1A6B0  }
0xb5: {  	s22 =	simm.s32 $0x2;
	s30 =	sadd.s32 $0x0, s25;
	s29 =	simm.s32 $0x1A700  }
.LBB2_5:
0xb6: {  	[tilespmem:s26], [sflag:$0x4] =	stream.linear.gather [hbm4b:s30+s20], $0x10, $0x38;
	[tilespmem:$0x1F670] =	vst v63  }
0xb7: {  	s30 =	smov.u32 s22;
	s26 =	smov.u32 s29;
	p1 =	sne.s32 s22, $0xFE  }
.Ltmp4:
0xb8: {  	s22 =	sadd.s32 $0x2, s22;
	(pc) =	sbr.rel @p1 .LBB2_5-.Ltmp4, $2  }
0xb9: {  	_ =	sdelay $0x2  }
0xba: {  	s29 =	sadd.s32 $0x50, s29;
	s30 =	sadd.s32 s30, s25  }
0xbb: {  	[tilespmem:s26], [sflag:$0x4] =	stream.linear.gather [hbm4b:s30+s20], $0x10, $0x38;
	[tilespmem:$0x1F670] =	vst v63  }
0xbc: {  	_ =	swait.ge [sflag:s23], $0x800  }
0xbd: {  	s26 =	simm.s32 $0x1CEB0;
	s22 =	simm.s32 $0x2;
	[sflag:s23] =	ssyncset.done $0x0  }
0xbe: {  	s30 =	sadd.s32 $0x0, s25;
	s29 =	simm.s32 $0x1CF00;
	[sflag:s23] =	ssyncadd.s32 $0xFFFFF800  }
.LBB2_7:
0xbf: {  	[tilespmem:s26], [sflag:$0x4] =	stream.linear.gather [hbm4b:s30+s20], $0x10, $0x38;
	[tilespmem:$0x1F670] =	vst v63  }
0xc0: {  	s30 =	smov.u32 s22;
	s26 =	smov.u32 s29;
	p1 =	sne.s32 s22, $0xFE  }
.Ltmp5:
0xc1: {  	s22 =	sadd.s32 $0x2, s22;
	(pc) =	sbr.rel @p1 .LBB2_7-.Ltmp5, $2  }
0xc2: {  	_ =	sdelay $0x2  }
0xc3: {  	s29 =	sadd.s32 $0x50, s29;
	s30 =	sadd.s32 s30, s25  }
0xc4: {  	[tilespmem:s26], [sflag:$0x4] =	stream.linear.gather [hbm4b:s30+s20], $0x10, $0x38;
	[tilespmem:$0x1F670] =	vst v63  }
0xc5: {  	_ =	swait.ge [sflag:s23], $0x800  }
0xc6: {  	[sflag:s23] =	ssyncset.done $0x0  }
0xc7: {  	s22 =	simm.s32 $0x15A70;
	s18 =	simm.s32 $0x16270;
	[sflag:s23] =	ssyncadd.s32 $0xFFFFF800  }
0xc8: {  	[tilespmem:s18], [sflag:$0x1] =	stream.indirect.gather [spmem:s3], $0x1, s22, s28, $0xb8;
	[tilespmem:$0x1F670] =	vst v63  }
0xc9: {  	s24 =	simm.s32 $0x15AF0;
	s26 =	simm.s32 $0x162F0  }
0xca: {  	[tilespmem:s26], [sflag:$0x1] =	stream.indirect.gather [spmem:s3], $0x1, s24, s28, $0xb8;
	[tilespmem:$0x1F670] =	vst v63  }
0xcb: {  	s24 =	simm.s32 $0x15B70;
	s26 =	simm.s32 $0x16370  }
0xcc: {  	[tilespmem:s26], [sflag:$0x1] =	stream.indirect.gather [spmem:s3], $0x1, s24, s28, $0xb8;
	[tilespmem:$0x1F670] =	vst v63  }
0xcd: {  	s24 =	simm.s32 $0x15BF0;
	s26 =	simm.s32 $0x163F0  }
0xce: {  	[tilespmem:s26], [sflag:$0x1] =	stream.indirect.gather [spmem:s3], $0x1, s24, s28, $0xb8;
	[tilespmem:$0x1F670] =	vst v63  }
0xcf: {  	s24 =	simm.s32 $0x15C70;
	s26 =	simm.s32 $0x16470  }
0xd0: {  	[tilespmem:s26], [sflag:$0x1] =	stream.indirect.gather [spmem:s3], $0x1, s24, s28, $0xb8;
	[tilespmem:$0x1F670] =	vst v63  }
0xd1: {  	s24 =	simm.s32 $0x15CF0;
	s26 =	simm.s32 $0x164F0  }
0xd2: {  	[tilespmem:s26], [sflag:$0x1] =	stream.indirect.gather [spmem:s3], $0x1, s24, s28, $0xb8;
	[tilespmem:$0x1F670] =	vst v63  }
0xd3: {  	s18 =	simm.s32 $0x15D70;
	s24 =	simm.s32 $0x16570  }
0xd4: {  	[tilespmem:s24], [sflag:$0x1] =	stream.indirect.gather [spmem:s3], $0x1, s18, s28, $0xb8;
	[tilespmem:$0x1F670] =	vst v63  }
0xd5: {  	s30 =	sadd.s32 $0x0, s4;
	s26 =	simm.s32 $0x15DF0  }
0xd6: {  	[tilespmem:s19], [sflag:$0x1] =	stream.indirect.gather [spmem:s3], $0x1, s26, s28, $0xb8;
	[tilespmem:$0x1F670] =	vst v63  }
0xd7: {  	s29 =	simm.s32 $0x1A6C0;
	s22 =	simm.s32 $0x8;
	s26 =	simm.s32 $0x1A670  }
.LBB2_9:
0xd8: {  	[tilespmem:s26], [sflag:$0x2] =	stream.linear.gather [hbm4b:s30+s20], $0x40, $0x38;
	[tilespmem:$0x1F670] =	vst v63  }
0xd9: {  	s30 =	smov.u32 s22;
	s26 =	smov.u32 s29;
	p1 =	sne.s32 s22, $0x3F8  }
.Ltmp6:
0xda: {  	s22 =	sadd.s32 $0x8, s22;
	(pc) =	sbr.rel @p1 .LBB2_9-.Ltmp6, $2  }
0xdb: {  	_ =	sdelay $0x2  }
0xdc: {  	s29 =	sadd.s32 $0x50, s29;
	s30 =	sadd.s32 s30, s4  }
0xdd: {  	[tilespmem:s26], [sflag:$0x2] =	stream.linear.gather [hbm4b:s30+s20], $0x40, $0x38;
	[tilespmem:$0x1F670] =	vst v63  }
0xde: {  	s26 =	simm.s32 $0x1CE70  }
0xdf: {  	s22 =	simm.s32 $0x8;
	s30 =	sadd.s32 $0x0, s5;
	s29 =	simm.s32 $0x1CEC0  }
.LBB2_11:
0xe0: {  	[tilespmem:s26], [sflag:$0x2] =	stream.linear.gather [hbm4b:s30+s20], $0x40, $0x38;
	[tilespmem:$0x1F670] =	vst v63  }
0xe1: {  	s30 =	smov.u32 s22;
	s26 =	smov.u32 s29;
	p1 =	sne.s32 s22, $0x3F8  }
.Ltmp7:
0xe2: {  	s22 =	sadd.s32 $0x8, s22;
	(pc) =	sbr.rel @p1 .LBB2_11-.Ltmp7, $2  }
0xe3: {  	_ =	sdelay $0x2  }
0xe4: {  	s29 =	sadd.s32 $0x50, s29;
	s30 =	sadd.s32 s30, s5  }
0xe5: {  	[tilespmem:s26], [sflag:$0x2] =	stream.linear.gather [hbm4b:s30+s20], $0x40, $0x38;
	[tilespmem:$0x1F670] =	vst v63  }
0xe6: {  	_ =	swait.ge [sflag:s15], $0x80  }
0xe7: {  	[sflag:s15] =	ssyncset.done $0x0  }
0xe8: {  	[sflag:s15] =	ssyncadd.s32 $0xFFFFFF80  }
0xe9: {  	_ =	swait.ge [sflag:s14], $0x2000  }
0xea: {  	[sflag:s14] =	ssyncset.done $0x0  }
0xeb: {  	s26 =	simm.s32 $0x1A670;
	s18 =	simm.s32 $0x16270;
	[sflag:s14] =	ssyncadd.s32 $0xFFFFE000  }
0xec: {  	[spmem:s2] =	stream.indirect.scatter.add.f32 [tilespmem:s26], [sflag:$0x3], $0x50, s18, s28, $0xb8;
	[tilespmem:$0x1F670] =	vst v63  }
0xed: {  	_ =	swait.ge [sflag:s16], $0x2800  }
0xee: {  	s22 =	simm.s32 $0x8;
	[sflag:s16] =	ssyncset.done $0x0  }
0xef: {  	s30 =	sadd.s32 $0x0, s6;
	s29 =	simm.s32 $0x1A6C0;
	[sflag:s16] =	ssyncadd.s32 $0xFFFFD800  }
.LBB2_13:
0xf0: {  	[tilespmem:s26], [sflag:$0x2] =	stream.linear.gather [hbm4b:s30+s20], $0x40, $0x38;
	[tilespmem:$0x1F670] =	vst v63  }
0xf1: {  	s30 =	smov.u32 s22;
	s26 =	smov.u32 s29;
	p1 =	sne.s32 s22, $0x3F8  }
.Ltmp8:
0xf2: {  	s22 =	sadd.s32 $0x8, s22;
	(pc) =	sbr.rel @p1 .LBB2_13-.Ltmp8, $2  }
0xf3: {  	_ =	sdelay $0x2  }
0xf4: {  	s29 =	sadd.s32 $0x50, s29;
	s30 =	sadd.s32 s30, s6  }
0xf5: {  	[tilespmem:s26], [sflag:$0x2] =	stream.linear.gather [hbm4b:s30+s20], $0x40, $0x38;
	[tilespmem:$0x1F670] =	vst v63  }
0xf6: {  	_ =	swait.ge [sflag:s15], $0x80  }
0xf7: {  	[sflag:s15] =	ssyncset.done $0x0  }
0xf8: {  	[sflag:s15] =	ssyncadd.s32 $0xFFFFFF80  }
0xf9: {  	_ =	swait.ge [sflag:s14], $0x2000  }
0xfa: {  	[sflag:s14] =	ssyncset.done $0x0  }
0xfb: {  	s26 =	simm.s32 $0x1CE70;
	s18 =	simm.s32 $0x162F0;
	[sflag:s14] =	ssyncadd.s32 $0xFFFFE000  }
0xfc: {  	[spmem:s2] =	stream.indirect.scatter.add.f32 [tilespmem:s26], [sflag:$0x3], $0x50, s18, s28, $0xb8;
	[tilespmem:$0x1F670] =	vst v63  }
0xfd: {  	_ =	swait.ge [sflag:s16], $0x2800  }
0xfe: {  	s22 =	simm.s32 $0x8;
	[sflag:s16] =	ssyncset.done $0x0  }
0xff: {  	s30 =	sadd.s32 $0x0, s7;
	s29 =	simm.s32 $0x1CEC0;
	[sflag:s16] =	ssyncadd.s32 $0xFFFFD800  }
.LBB2_15:
0x100: {  	[tilespmem:s26], [sflag:$0x2] =	stream.linear.gather [hbm4b:s30+s20], $0x40, $0x38;
	[tilespmem:$0x1F670] =	vst v63  }
0x101: {  	s30 =	smov.u32 s22;
	s26 =	smov.u32 s29;
	p1 =	sne.s32 s22, $0x3F8  }
.Ltmp9:
0x102: {  	s22 =	sadd.s32 $0x8, s22;
	(pc) =	sbr.rel @p1 .LBB2_15-.Ltmp9, $2  }
0x103: {  	_ =	sdelay $0x2  }
0x104: {  	s29 =	sadd.s32 $0x50, s29;
	s30 =	sadd.s32 s30, s7  }
0x105: {  	[tilespmem:s26], [sflag:$0x2] =	stream.linear.gather [hbm4b:s30+s20], $0x40, $0x38;
	[tilespmem:$0x1F670] =	vst v63  }
0x106: {  	_ =	swait.ge [sflag:s15], $0x80  }
0x107: {  	[sflag:s15] =	ssyncset.done $0x0  }
0x108: {  	[sflag:s15] =	ssyncadd.s32 $0xFFFFFF80  }
0x109: {  	_ =	swait.ge [sflag:s14], $0x2000  }
0x10a: {  	[sflag:s14] =	ssyncset.done $0x0  }
0x10b: {  	s26 =	simm.s32 $0x1A670;
	s18 =	simm.s32 $0x16370;
	[sflag:s14] =	ssyncadd.s32 $0xFFFFE000  }
0x10c: {  	[spmem:s2] =	stream.indirect.scatter.add.f32 [tilespmem:s26], [sflag:$0x3], $0x50, s18, s28, $0xb8;
	[tilespmem:$0x1F670] =	vst v63  }
0x10d: {  	_ =	swait.ge [sflag:s16], $0x2800  }
0x10e: {  	s22 =	simm.s32 $0x8;
	[sflag:s16] =	ssyncset.done $0x0  }
0x10f: {  	s30 =	sadd.s32 $0x0, s8;
	s29 =	simm.s32 $0x1A6C0;
	[sflag:s16] =	ssyncadd.s32 $0xFFFFD800  }
.LBB2_17:
0x110: {  	[tilespmem:s26], [sflag:$0x2] =	stream.linear.gather [hbm4b:s30+s20], $0x40, $0x38;
	[tilespmem:$0x1F670] =	vst v63  }
0x111: {  	s30 =	smov.u32 s22;
	s26 =	smov.u32 s29;
	p1 =	sne.s32 s22, $0x3F8  }
.Ltmp10:
0x112: {  	s22 =	sadd.s32 $0x8, s22;
	(pc) =	sbr.rel @p1 .LBB2_17-.Ltmp10, $2  }
0x113: {  	_ =	sdelay $0x2  }
0x114: {  	s29 =	sadd.s32 $0x50, s29;
	s30 =	sadd.s32 s30, s8  }
0x115: {  	[tilespmem:s26], [sflag:$0x2] =	stream.linear.gather [hbm4b:s30+s20], $0x40, $0x38;
	[tilespmem:$0x1F670] =	vst v63  }
0x116: {  	_ =	swait.ge [sflag:s15], $0x80  }
0x117: {  	[sflag:s15] =	ssyncset.done $0x0  }
0x118: {  	[sflag:s15] =	ssyncadd.s32 $0xFFFFFF80  }
0x119: {  	_ =	swait.ge [sflag:s14], $0x2000  }
0x11a: {  	[sflag:s14] =	ssyncset.done $0x0  }
0x11b: {  	s26 =	simm.s32 $0x1CE70;
	s18 =	simm.s32 $0x163F0;
	[sflag:s14] =	ssyncadd.s32 $0xFFFFE000  }
0x11c: {  	[spmem:s2] =	stream.indirect.scatter.add.f32 [tilespmem:s26], [sflag:$0x3], $0x50, s18, s28, $0xb8;
	[tilespmem:$0x1F670] =	vst v63  }
0x11d: {  	_ =	swait.ge [sflag:s16], $0x2800  }
0x11e: {  	s22 =	simm.s32 $0x8;
	[sflag:s16] =	ssyncset.done $0x0  }
0x11f: {  	s30 =	sadd.s32 $0x0, s9;
	s29 =	simm.s32 $0x1CEC0;
	[sflag:s16] =	ssyncadd.s32 $0xFFFFD800  }
.LBB2_19:
0x120: {  	[tilespmem:s26], [sflag:$0x2] =	stream.linear.gather [hbm4b:s30+s20], $0x40, $0x38;
	[tilespmem:$0x1F670] =	vst v63  }
0x121: {  	s30 =	smov.u32 s22;
	s26 =	smov.u32 s29;
	p1 =	sne.s32 s22, $0x3F8  }
.Ltmp11:
0x122: {  	s22 =	sadd.s32 $0x8, s22;
	(pc) =	sbr.rel @p1 .LBB2_19-.Ltmp11, $2  }
0x123: {  	_ =	sdelay $0x2  }
0x124: {  	s29 =	sadd.s32 $0x50, s29;
	s30 =	sadd.s32 s30, s9  }
0x125: {  	[tilespmem:s26], [sflag:$0x2] =	stream.linear.gather [hbm4b:s30+s20], $0x40, $0x38;
	[tilespmem:$0x1F670] =	vst v63  }
0x126: {  	_ =	swait.ge [sflag:s15], $0x80  }
0x127: {  	[sflag:s15] =	ssyncset.done $0x0  }
0x128: {  	[sflag:s15] =	ssyncadd.s32 $0xFFFFFF80  }
0x129: {  	_ =	swait.ge [sflag:s14], $0x2000  }
0x12a: {  	[sflag:s14] =	ssyncset.done $0x0  }
0x12b: {  	s26 =	simm.s32 $0x1A670;
	s18 =	simm.s32 $0x16470;
	[sflag:s14] =	ssyncadd.s32 $0xFFFFE000  }
0x12c: {  	[spmem:s2] =	stream.indirect.scatter.add.f32 [tilespmem:s26], [sflag:$0x3], $0x50, s18, s28, $0xb8;
	[tilespmem:$0x1F670] =	vst v63  }
0x12d: {  	_ =	swait.ge [sflag:s16], $0x2800  }
0x12e: {  	s22 =	simm.s32 $0x8;
	[sflag:s16] =	ssyncset.done $0x0  }
0x12f: {  	s30 =	sadd.s32 $0x0, s11;
	s29 =	simm.s32 $0x1A6C0;
	[sflag:s16] =	ssyncadd.s32 $0xFFFFD800  }
.LBB2_21:
0x130: {  	[tilespmem:s26], [sflag:$0x2] =	stream.linear.gather [hbm4b:s30+s20], $0x40, $0x38;
	[tilespmem:$0x1F670] =	vst v63  }
0x131: {  	s30 =	smov.u32 s22;
	s26 =	smov.u32 s29;
	p1 =	sne.s32 s22, $0x3F8  }
.Ltmp12:
0x132: {  	s22 =	sadd.s32 $0x8, s22;
	(pc) =	sbr.rel @p1 .LBB2_21-.Ltmp12, $2  }
0x133: {  	_ =	sdelay $0x2  }
0x134: {  	s29 =	sadd.s32 $0x50, s29;
	s30 =	sadd.s32 s30, s11  }
0x135: {  	[tilespmem:s26], [sflag:$0x2] =	stream.linear.gather [hbm4b:s30+s20], $0x40, $0x38;
	[tilespmem:$0x1F670] =	vst v63  }
0x136: {  	_ =	swait.ge [sflag:s15], $0x80  }
0x137: {  	[sflag:s15] =	ssyncset.done $0x0  }
0x138: {  	[sflag:s15] =	ssyncadd.s32 $0xFFFFFF80  }
0x139: {  	_ =	swait.ge [sflag:s14], $0x2000  }
0x13a: {  	[sflag:s14] =	ssyncset.done $0x0  }
0x13b: {  	s26 =	simm.s32 $0x1CE70;
	s18 =	simm.s32 $0x164F0;
	[sflag:s14] =	ssyncadd.s32 $0xFFFFE000  }
0x13c: {  	[spmem:s2] =	stream.indirect.scatter.add.f32 [tilespmem:s26], [sflag:$0x3], $0x50, s18, s28, $0xb8;
	[tilespmem:$0x1F670] =	vst v63  }
0x13d: {  	_ =	swait.ge [sflag:s16], $0x2800  }
0x13e: {  	s22 =	simm.s32 $0x8;
	[sflag:s16] =	ssyncset.done $0x0  }
0x13f: {  	s30 =	sadd.s32 $0x0, s12;
	s29 =	simm.s32 $0x1CEC0;
	[sflag:s16] =	ssyncadd.s32 $0xFFFFD800  }
.LBB2_23:
0x140: {  	[tilespmem:s26], [sflag:$0x2] =	stream.linear.gather [hbm4b:s30+s20], $0x40, $0x38;
	[tilespmem:$0x1F670] =	vst v63  }
0x141: {  	s30 =	smov.u32 s22;
	s26 =	smov.u32 s29;
	p1 =	sne.s32 s22, $0x3F8  }
.Ltmp13:
0x142: {  	s22 =	sadd.s32 $0x8, s22;
	(pc) =	sbr.rel @p1 .LBB2_23-.Ltmp13, $2  }
0x143: {  	_ =	sdelay $0x2  }
0x144: {  	s29 =	sadd.s32 $0x50, s29;
	s30 =	sadd.s32 s30, s12  }
0x145: {  	[tilespmem:s26], [sflag:$0x2] =	stream.linear.gather [hbm4b:s30+s20], $0x40, $0x38;
	[tilespmem:$0x1F670] =	vst v63  }
0x146: {  	_ =	swait.ge [sflag:s15], $0x80  }
0x147: {  	[sflag:s15] =	ssyncset.done $0x0  }
0x148: {  	[sflag:s15] =	ssyncadd.s32 $0xFFFFFF80  }
0x149: {  	_ =	swait.ge [sflag:s14], $0x2000  }
0x14a: {  	[sflag:s14] =	ssyncset.done $0x0  }
0x14b: {  	s26 =	simm.s32 $0x16570;
	[sflag:s14] =	ssyncadd.s32 $0xFFFFE000  }
0x14c: {  	[spmem:s2] =	stream.indirect.scatter.add.f32 [tilespmem:s21], [sflag:$0x3], $0x50, s26, s28, $0xb8;
	[tilespmem:$0x1F670] =	vst v63  }
0x14d: {  	_ =	swait.ge [sflag:s15], $0x80  }
0x14e: {  	[sflag:s15] =	ssyncset.done $0x0  }
0x14f: {  	[sflag:s15] =	ssyncadd.s32 $0xFFFFFF80  }
0x150: {  	_ =	swait.ge [sflag:s14], $0x2000  }
0x151: {  	[sflag:s14] =	ssyncset.done $0x0  }
0x152: {  	s24 =	simm.s32 $0x165F0;
	s29 =	simm.s32 $0x1CE70;
	[sflag:s14] =	ssyncadd.s32 $0xFFFFE000  }
0x153: {  	[spmem:s2] =	stream.indirect.scatter.add.f32 [tilespmem:s29], [sflag:$0x3], $0x50, s24, s28, $0xb8;
	[tilespmem:$0x1F670] =	vst v63  }
0x154: {  	_ =	swait.ge [sflag:s16], $0x2800  }
0x155: {  	[sflag:s16] =	ssyncset.done $0x0  }
0x156: {  	[sflag:s16] =	ssyncadd.s32 $0xFFFFD800  }
0x157: {  	_ =	swait.ge [sflag:s16], $0x2800  }
0x158: {  	[sflag:s16] =	ssyncset.done $0x0  }
0x159: {  	[sflag:s16] =	ssyncadd.s32 $0xFFFFD800  }
0x15a: {  	s18 =	simm.s32 $0x16270;
	[bflag:$0x0] =	sbarrier.arrive $0xFFFF  }
0x15b: {  	[tilespmem:s21], [sflag:$0x1] =	stream.indirect.gather [spmem:s2], $0x50, s18, s28, $0xb8;
	[tilespmem:$0x1F670] =	vst v63  }
0x15c: {  	s19 =	simm.s32 $0x162F0  }
0x15d: {  	[tilespmem:s29], [sflag:$0x1] =	stream.indirect.gather [spmem:s2], $0x50, s19, s28, $0xb8;
	[tilespmem:$0x1F670] =	vst v63  }
0x15e: {  	_ =	swait.ge [sflag:s15], $0x2800  }
0x15f: {  	[sflag:s15] =	ssyncset.done $0x0  }
0x160: {  	s22 =	rddreg [dreg:$0x7];
	[sflag:s15] =	ssyncadd.s32 $0xFFFFD800  }
0x161: {  	[hbm4b:s22+s20] =	stream.linear.scatter [tilespmem:s21], [sflag:$0x2], $0x2800, $0x38;
	[tilespmem:$0x1F670] =	vst v63  }
0x162: {  	_ =	swait.ge [sflag:s14], $0x2800  }
0x163: {  	[sflag:s14] =	ssyncset.done $0x0  }
0x164: {  	s22 =	simm.s32 $0x16370;
	[sflag:s14] =	ssyncadd.s32 $0xFFFFD800  }
0x165: {  	[tilespmem:s21], [sflag:$0x1] =	stream.indirect.gather [spmem:s2], $0x50, s22, s28, $0xb8;
	[tilespmem:$0x1F670] =	vst v63  }
0x166: {  	_ =	swait.ge [sflag:s15], $0x2800  }
0x167: {  	[sflag:s15] =	ssyncset.done $0x0  }
0x168: {  	s19 =	rddreg [dreg:$0x8];
	[sflag:s15] =	ssyncadd.s32 $0xFFFFD800  }
0x169: {  	[hbm4b:s19+s20] =	stream.linear.scatter [tilespmem:s29], [sflag:$0x2], $0x2800, $0x38;
	[tilespmem:$0x1F670] =	vst v63  }
0x16a: {  	_ =	swait.ge [sflag:s14], $0x2800  }
0x16b: {  	[sflag:s14] =	ssyncset.done $0x0  }
0x16c: {  	s22 =	simm.s32 $0x163F0;
	[sflag:s14] =	ssyncadd.s32 $0xFFFFD800  }
0x16d: {  	[tilespmem:s29], [sflag:$0x1] =	stream.indirect.gather [spmem:s2], $0x50, s22, s28, $0xb8;
	[tilespmem:$0x1F670] =	vst v63  }
0x16e: {  	_ =	swait.ge [sflag:s15], $0x2800  }
0x16f: {  	[sflag:s15] =	ssyncset.done $0x0  }
0x170: {  	s19 =	rddreg [dreg:$0x9];
	[sflag:s15] =	ssyncadd.s32 $0xFFFFD800  }
0x171: {  	[hbm4b:s19+s20] =	stream.linear.scatter [tilespmem:s21], [sflag:$0x2], $0x2800, $0x38;
	[tilespmem:$0x1F670] =	vst v63  }
0x172: {  	_ =	swait.ge [sflag:s14], $0x2800  }
0x173: {  	[sflag:s14] =	ssyncset.done $0x0  }
0x174: {  	s22 =	simm.s32 $0x16470;
	[sflag:s14] =	ssyncadd.s32 $0xFFFFD800  }
0x175: {  	[tilespmem:s21], [sflag:$0x1] =	stream.indirect.gather [spmem:s2], $0x50, s22, s28, $0xb8;
	[tilespmem:$0x1F670] =	vst v63  }
0x176: {  	_ =	swait.ge [sflag:s15], $0x2800  }
0x177: {  	[sflag:s15] =	ssyncset.done $0x0  }
0x178: {  	s19 =	rddreg [dreg:$0xa];
	[sflag:s15] =	ssyncadd.s32 $0xFFFFD800  }
0x179: {  	[hbm4b:s19+s20] =	stream.linear.scatter [tilespmem:s29], [sflag:$0x2], $0x2800, $0x38;
	[tilespmem:$0x1F670] =	vst v63  }
0x17a: {  	_ =	swait.ge [sflag:s14], $0x2800  }
0x17b: {  	[sflag:s14] =	ssyncset.done $0x0  }
0x17c: {  	s22 =	simm.s32 $0x164F0;
	[sflag:s14] =	ssyncadd.s32 $0xFFFFD800  }
0x17d: {  	[tilespmem:s29], [sflag:$0x1] =	stream.indirect.gather [spmem:s2], $0x50, s22, s28, $0xb8;
	[tilespmem:$0x1F670] =	vst v63  }
0x17e: {  	_ =	swait.ge [sflag:s15], $0x2800  }
0x17f: {  	[sflag:s15] =	ssyncset.done $0x0  }
0x180: {  	s18 =	rddreg [dreg:$0xb];
	[sflag:s15] =	ssyncadd.s32 $0xFFFFD800  }
0x181: {  	[hbm4b:s18+s20] =	stream.linear.scatter [tilespmem:s21], [sflag:$0x2], $0x2800, $0x38;
	[tilespmem:$0x1F670] =	vst v63  }
0x182: {  	_ =	swait.ge [sflag:s14], $0x2800  }
0x183: {  	[sflag:s14] =	ssyncset.done $0x0  }
0x184: {  	[sflag:s14] =	ssyncadd.s32 $0xFFFFD800  }
0x185: {  	[tilespmem:s21], [sflag:$0x1] =	stream.indirect.gather [spmem:s2], $0x50, s26, s28, $0xb8;
	[tilespmem:$0x1F670] =	vst v63  }
0x186: {  	_ =	swait.ge [sflag:s15], $0x2800  }
0x187: {  	[sflag:s15] =	ssyncset.done $0x0  }
0x188: {  	s19 =	rddreg [dreg:$0xc];
	[sflag:s15] =	ssyncadd.s32 $0xFFFFD800  }
0x189: {  	[hbm4b:s19+s20] =	stream.linear.scatter [tilespmem:s29], [sflag:$0x2], $0x2800, $0x38;
	[tilespmem:$0x1F670] =	vst v63  }
0x18a: {  	_ =	swait.ge [sflag:s14], $0x2800  }
0x18b: {  	[sflag:s14] =	ssyncset.done $0x0  }
0x18c: {  	[sflag:s14] =	ssyncadd.s32 $0xFFFFD800  }
0x18d: {  	[tilespmem:s29], [sflag:$0x1] =	stream.indirect.gather [spmem:s2], $0x50, s24, s28, $0xb8;
	[tilespmem:$0x1F670] =	vst v63  }
0x18e: {  	_ =	swait.ge [sflag:s15], $0x2800  }
0x18f: {  	[sflag:s15] =	ssyncset.done $0x0  }
0x190: {  	s24 =	rddreg [dreg:$0xd];
	[sflag:s15] =	ssyncadd.s32 $0xFFFFD800  }
0x191: {  	[hbm4b:s24+s20] =	stream.linear.scatter [tilespmem:s21], [sflag:$0x2], $0x2800, $0x38;
	[tilespmem:$0x1F670] =	vst v63  }
0x192: {  	_ =	swait.ge [sflag:s15], $0x2800  }
0x193: {  	[sflag:s15] =	ssyncset.done $0x0  }
0x194: {  	s26 =	rddreg [dreg:$0xe];
	[sflag:s15] =	ssyncadd.s32 $0xFFFFD800  }
0x195: {  	[hbm4b:s26+s20] =	stream.linear.scatter [tilespmem:s29], [sflag:$0x2], $0x2800, $0x38;
	[tilespmem:$0x1F670] =	vst v63  }
0x196: {  	_ =	swait.ge [sflag:s14], $0x2800  }
.Ltmp14:
0x197: {  	[sflag:s14] =	ssyncset.done $0x0;
	(pc) =	sbr.rel .LBB2_26-.Ltmp14, $4  }
0x198: {  	[sflag:s14] =	ssyncadd.s32 $0xFFFFD800  }
0x199: {  	_ =	swait.ge [sflag:s14], $0x2800  }
0x19a: {  	[sflag:s14] =	ssyncset.done $0x0;
	s29 =	rddreg [dreg:$0x13]  }
0x19b: {  	s19 =	simm.s32 $0x165F0;
	s30 =	rddreg [dreg:$0x14];
	[sflag:s14] =	ssyncadd.s32 $0xFFFFD800  }
.LBB2_27:
0x19c: {  	_ =	sfence.sel $0x180000  }
0x19d: {  	[bflag:$0x0] =	sbarrier.arrive $0xFFFF  }
0x19e: {  	_ =	strace $0x90000047  }
0x19f: {  	s0 =	stileid.u32;
	[bflag:$0x2] =	sbarrier.arrive $0xFFFF  }
0x1a0: {  	p0 =	sne.s32 s0, $0x0;
	s0 =	rddreg [dreg:$0x6]  }
0x1a1: {  	s0 =	sadd.s32 @!p0 $0x100000, s0  }
0x1a2: {  	[sflag:s0] =	ssyncadd.tile.s32 @!p0 $0x1;
	_ =	shalt  }
.Lfunc_end2:
_tile_overlayer_lowered:
.L_overlay_start_2:
0x1a3: {  	(tag) =	ssettag $0x2  }
0x1a4: {  	s0 =	rddreg [dreg:$0x0];
	s2 =	stileid.u32  }
0x1a5: {  	s1 =	rddreg [dreg:$0x1];
	p0 =	sne.s32 s2, $0x0  }
0x1a6: {  	s3 =	rddreg [dreg:$0x2];
	[bflag:$0x3] =	sbarrier.arrive $0xFFFF;
	s2 =	simm.s32 @!p0 $0x1C04  }
0x1a7: {  	[timem:s3], [sflag:s2] =	dma.local @!p0 [hbm:s0], s1  }
0x1a8: {  	s0 =	simm.s32 @!p0 $0x4  }
0x1a9: {  	_ =	swait.ge @!p0 [sflag:s0], s1  }
0x1aa: {  	s1 =	ssub.s32 @!p0 $0x0, s1;
	[sflag:s0] =	ssyncset.done @!p0 $0x0  }
0x1ab: {  	[sflag:s0] =	ssyncadd.s32 @!p0 s1  }
0x1ac: {  	[bflag:$0x3] =	sbarrier.arrive $0xFFFF  }
0x1ad: {  	_ =	shalt  }

// kernel: kernel.8.cloned.1.call-start
scs
__scs_entry_jumppad:
0x0: {  	(pc) =	sbr.rel $0x88, $3  }
0x1: {  	(tag) =	ssettag $0x0;
	lr =	simm.s32 $0x1  }
0x2: {  	[smem:$0x3F9D] =	sst lr;
	_ =	strace $0xD0000000  }
0x3: {  	_ = 	snop  }
0x4: {  	_ = 	snop  }
0x5: {  	_ = 	snop  }
0x6: {  	_ = 	snop  }
0x7: {  	_ = 	snop  }
__scs_overlays_trampoline_lowered:
0x8: {  	[smem:$0x3FAC] =	sst s0  }
0x9: {  	[smem:$0x3FAD] =	sst s1  }
0xa: {  	[smem:$0x3FAE] =	sst s2  }
0xb: {  	[smem:$0x3FAF] =	sst s3  }
0xc: {  	[smem:$0x3FB0] =	sst s4  }
0xd: {  	[smem:$0x3FB1] =	sst s5  }
0xe: {  	[smem:$0x3FB2] =	sst s6  }
0xf: {  	[smem:$0x3FB3] =	sst s7  }
0x10: {  	[smem:$0x3FB4] =	sst s8  }
0x11: {  	[smem:$0x3FB5] =	sst s9;
	s0 =	simm.s32 @!p0 $0x0  }
0x12: {  	s1 =	sld [smem:$0x3F9B];
	s0 =	simm.s32 @p0 $0x1  }
0x13: {  	[smem:$0x3FB6] =	sst s0;
	s0 =	simm.s32 @!p1 $0x0  }
0x14: {  	s2 =	sld [smem:$0x3F9A];
	s0 =	simm.s32 @p1 $0x1  }
0x15: {  	[smem:$0x3FB7] =	sst s0;
	s0 =	simm.s32 @!p2 $0x0  }
0x16: {  	s3 =	sld [smem:$0x3FDB];
	s0 =	simm.s32 @p2 $0x1  }
0x17: {  	s4 =	simm.s32 $0x1BF5;
	[smem:$0x3FB9] =	sst s0  }
0x18: {  	s0 =	sld [smem:$0x3F9C];
	_ =	swait.ge [sflag:s4], $0x0  }
0x19: {  	s7 =	sld [smem:$0x3F9D]  }
0x1a: {  	s8 =	sadd.s32 $0xFFFFE003, lr  }
0x1b: {  	s9 =	sadd.s32 $0xFFFFFEF7, lr;
	s5 =	simm.s32 $0xFFFFFFFF;
	p2 =	slt.u32 s8, $0xFFFFF086  }
0x1c: {  	p1 =	slt.u32 s9, $0xF7A;
	s5 =	simm.s32 @!p2 $0x0  }
0x1d: {  	s5 =	simm.s32 @p1 $0x1;
	p0 =	seq.s32 s7, s2  }
0x1e: {  	s7 =	smul.u32 @!p0 $0xF7A, s2;
	p2 =	seq.s32 @!p0 s5, $0x0  }
0x1f: {  	s9 =	smul.u32 $0xF7A, s1;
	s8 =	simm.s32 @!p0 $0x1BF5;
	p2 =	por !p2, p0  }
0x20: {  	[sflag:s8] =	ssyncset.s32 @!p0 $0xFFFFF086;
	s6 =	sadd.s32 @!p0 s3, s7;
	s7 =	simm.s32 @!p0 $0x108  }
0x21: {  	s3 =	sadd.s32 s3, s9;
	s6 =	sadd.s32 @!p0 $0x88, s6;
	s7 =	simm.s32 @p2 $0x1082  }
0x22: {  	[simem:s7], [sflag:s8] =	dma.local @!p0 [hbm:s6], $0xF7A  }
0x23: {  	s9 =	sor.u32 $0xD0000000, s2;
	s6 =	simm.s32 $0x108;
	_ =	swait.ge @!p0 [sflag:s8], $0x0  }
0x24: {  	s3 =	sadd.s32 $0x88, s3;
	s6 =	simm.s32 @!p1 $0x1082;
	[sflag:s4] =	ssyncset.s32 $0xFFFFF086  }
0x25: {  	[simem:s6], [sflag:s4] =	dma.local [hbm:s3], $0xF7A  }
0x26: {  	[smem:$0x3F9D] =	sst s1;
	(tag) =	ssettag s2;
	_ =	strace s9  }
0x27: {  	s1 =	sld [smem:$0x3FAD]  }
0x28: {  	s2 =	sld [smem:$0x3FAE]  }
0x29: {  	s4 =	sld [smem:$0x3FB0]  }
0x2a: {  	p0 =	seq.s32 s5, $0x0;
	s5 =	sld [smem:$0x3FB1]  }
0x2b: {  	s6 =	sld [smem:$0x3FB2]  }
0x2c: {  	s7 =	sld [smem:$0x3FB3]  }
0x2d: {  	s3 =	simm.s32 $0x108;
	s8 =	sld [smem:$0x3FB4]  }
0x2e: {  	s3 =	simm.s32 @!p0 $0x1082;
	s9 =	sld [smem:$0x3FB5]  }
0x2f: {  	lr =	sadd.s32 s0, s3;
	s0 =	sld [smem:$0x3FAC]  }
0x30: {  	s3 =	sld [smem:$0x3FAF]  }
0x31: {  	[smem:$0x3FB8] =	sst s10  }
0x32: {  	s10 =	sld [smem:$0x3FB6];
	_ =	sdelay $0x3  }
0x33: {  	p0 =	seq.s32 s10, $0x1;
	s10 =	sld [smem:$0x3FB8];
	_ =	sdelay $0x3  }
0x34: {  	[smem:$0x3FB8] =	sst s10  }
0x35: {  	s10 =	sld [smem:$0x3FB7];
	_ =	sdelay $0x3  }
0x36: {  	p1 =	seq.s32 s10, $0x1;
	s10 =	sld [smem:$0x3FB8];
	_ =	sdelay $0x3  }
0x37: {  	[smem:$0x3FB8] =	sst s10  }
0x38: {  	s10 =	sld [smem:$0x3FB9]  }
0x39: {  	_ = 	snop;
	(pc) =	sbr.ind lr, $3  }
0x3a: {  	_ = 	snop  }
0x3b: {  	_ = 	snop  }
0x3c: {  	p2 =	seq.s32 s10, $0x1;
	s10 =	sld [smem:$0x3FB8]  }
0x3d: {  	_ =	shalt  }
0x3e: {  	_ =	shalt  }
0x3f: {  	_ =	shalt  }
0x40: {  	_ =	shalt  }
0x41: {  	_ =	shalt  }
0x42: {  	_ =	shalt  }
0x43: {  	_ =	shalt  }
0x44: {  	_ =	shalt  }
0x45: {  	_ =	shalt  }
0x46: {  	_ =	shalt  }
0x47: {  	_ =	shalt  }
0x48: {  	_ =	shalt  }
0x49: {  	_ =	shalt  }
0x4a: {  	_ =	shalt  }
0x4b: {  	_ =	shalt  }
0x4c: {  	_ =	shalt  }
0x4d: {  	_ =	shalt  }
0x4e: {  	_ =	shalt  }
0x4f: {  	_ =	shalt  }
0x50: {  	_ =	shalt  }
0x51: {  	_ =	shalt  }
0x52: {  	_ =	shalt  }
0x53: {  	_ =	shalt  }
0x54: {  	_ =	shalt  }
0x55: {  	_ =	shalt  }
0x56: {  	_ =	shalt  }
0x57: {  	_ =	shalt  }
0x58: {  	_ =	shalt  }
0x59: {  	_ =	shalt  }
0x5a: {  	_ =	shalt  }
0x5b: {  	_ =	shalt  }
0x5c: {  	_ =	shalt  }
0x5d: {  	_ =	shalt  }
0x5e: {  	_ =	shalt  }
0x5f: {  	_ =	shalt  }
0x60: {  	_ =	shalt  }
0x61: {  	_ =	shalt  }
0x62: {  	_ =	shalt  }
0x63: {  	_ =	shalt  }
0x64: {  	_ =	shalt  }
0x65: {  	_ =	shalt  }
0x66: {  	_ =	shalt  }
0x67: {  	_ =	shalt  }
0x68: {  	_ =	shalt  }
0x69: {  	_ =	shalt  }
0x6a: {  	_ =	shalt  }
0x6b: {  	_ =	shalt  }
0x6c: {  	_ =	shalt  }
0x6d: {  	_ =	shalt  }
0x6e: {  	_ =	shalt  }
0x6f: {  	_ =	shalt  }
0x70: {  	_ =	shalt  }
0x71: {  	_ =	shalt  }
0x72: {  	_ =	shalt  }
0x73: {  	_ =	shalt  }
0x74: {  	_ =	shalt  }
0x75: {  	_ =	shalt  }
0x76: {  	_ =	shalt  }
0x77: {  	_ =	shalt  }
0x78: {  	_ =	shalt  }
0x79: {  	_ =	shalt  }
0x7a: {  	_ =	shalt  }
0x7b: {  	_ =	shalt  }
0x7c: {  	_ =	shalt  }
0x7d: {  	_ =	shalt  }
0x7e: {  	_ =	shalt  }
0x7f: {  	_ =	shalt  }
0x80: {  	_ =	shalt  }
0x81: {  	_ =	shalt  }
0x82: {  	_ =	shalt  }
0x83: {  	_ =	shalt  }
0x84: {  	_ =	shalt  }
0x85: {  	_ =	shalt  }
0x86: {  	_ =	shalt  }
0x87: {  	_ =	shalt  }
.Lfunc_end0:
.L_simem_size_0:
called_computation.1_lowered:
.L_overlay_start_0:
0x88: {  	s2 =	sld [smem:$0x3FD9]  }
0x89: {  	s3 =	sld [smem:$0x3FFE];
	_ =	sdelay $0x1  }
0x8a: {  	s1 =	srdreg.scid  }
0x8b: {  	s0 =	sand.u32 $0x1, s1  }
0x8c: {  	s14 =	sshll.u32 s0, $0xA;
	s2 =	sadd.s32 s3, s2  }
0x8d: {  	s2 =	sadd.s32 s2, s14  }
0x8e: {  	[smem:$0x3FC4] =	sst s2  }
0x8f: {  	_ = 	snop  }
0x90: {  	s2 =	sld [smem:$0x3FD0];
	_ =	sdelay $0x2  }
0x91: {  	s4 =	simm.s32 $0xA;
	s5 =	simm.s32 $0x10;
	s15 =	sld [smem:$0x3FC9]  }
0x92: {  	[smem:s5], [sflag:s4] =	dma.local [hbm:s2], $0x1  }
0x93: {  	_ =	swait.eq [sflag:s4], $0x1  }
0x94: {  	[sflag:s4] =	ssyncset.done $0x0  }
0x95: {  	[sflag:s4] =	ssyncadd.s32 $0xFFFFFFFF  }
0x96: {  	s16 =	sld [smem:$0x10];
	(tm) =	ssettm $0x1  }
0x97: {  	s17 =	sld [smem:$0x3FFB];
	_ =	sdelay $0x3  }
0x98: {  	_ =	strace s17  }
0x99: {  	s4 =	sld [smem:$0x3FFC];
	_ =	sdelay $0x3  }
0x9a: {  	_ =	strace s4  }
0x9b: {  	s4 =	sld [smem:$0x3FFD];
	_ =	sdelay $0x3  }
0x9c: {  	_ =	strace s4  }
0x9d: {  	_ =	strace $0x8FFFFFFF  }
0x9e: {  	s18 =	sld [smem:$0x3FDB];
	_ =	sdelay $0x1  }
0x9f: {  	s19 =	simm.s32 $_scs_section_size  }
0xa0: {  	s6 =	simm.s32 $_size__tile_overlayer_lowered;
	s7 =	simm.s32 $_tile_overlayer_lowered  }
0xa1: {  	s22 =	simm.s32 $0x1BFF;
	s21 =	sshll.u32 s7, $0x1;
	s4 =	sadd.s32 s19, s18  }
0xa2: {  	s8 =	simm.s32 $0x0;
	s20 =	sshll.u32 s6, $0x1;
	s6 =	sadd.s32 s21, s4  }
0xa3: {  	[timem:s8], [sflag:s22] =	dma.local [hbm:s6], s20  }
0xa4: {  	_ =	swait.ge [sflag:s22], s20  }
0xa5: {  	s5 =	ssub.s32 $0x0, s20;
	[sflag:s22] =	ssyncset.done $0x0  }
0xa6: {  	[sflag:s22] =	ssyncadd.s32 s5;
	_ =	sdelay $0x1  }
0xa7: {  	s23 =	simm.s32 $0x1B8B  }
0xa8: {  	_ =	swait.ge [sflag:s23], $0x1  }
0xa9: {  	[sflag:s23] =	ssyncset.done $0x0  }
0xaa: {  	s25 =	simm.s32 $0x1B8E;
	s24 =	sld [smem:$0x3FFE];
	[sflag:s23] =	ssyncadd.s32 $0xFFFFFFFF  }
0xab: {  	s26 =	simm.s32 $execute0_lowered;
	[smem:$0x3FD2] =	sst s25  }
0xac: {  	s6 =	sshll.u32 s26, $0x1;
	_ =	strace $0x80000049;
	[dreg:$0x1] =	wrdreg $0xFFFFFFFF  }
0xad: {  	s28 =	simm.s32 $_size_execute0_lowered;
	s4 =	sadd.s32 s4, s6;
	[dreg:$0x0] =	wrdreg $0x0  }
0xae: {  	s6 =	sshll.u32 s28, $0x1;
	[dreg:$0x2] =	wrdreg s4  }
0xaf: {  	[dreg:$0x3] =	wrdreg s6  }
0xb0: {  	[dreg:$0x4] =	wrdreg $0xC0  }
0xb1: {  	_ =	task [dreg:s8], $0x5FFFF  }
0xb2: {  	[dreg:$0x1] =	wrdreg $0xFFFFFFFF  }
0xb3: {  	[dreg:$0x0] =	wrdreg $0x60  }
0xb4: {  	[dreg:$0x2] =	wrdreg s15  }
0xb5: {  	[dreg:$0x3] =	wrdreg s24  }
0xb6: {  	[dreg:$0x4] =	wrdreg s16  }
0xb7: {  	[dreg:$0x5] =	wrdreg $0x9  }
0xb8: {  	_ =	task.clear_ibuf [dreg:s8], $0x6FFFF;
	_ =	strace $0x90000049  }
0xb9: {  	s29 =	simm.s32 $0x9;
	_ =	strace $0x8000004B  }
0xba: {  	_ =	swait.ge [sflag:s29], $0x1  }
0xbb: {  	[sflag:s29] =	ssyncadd.s32 $0xFFFFFFFF  }
0xbc: {  	_ =	strace $0x9000004B  }
0xbd: {  	_ =	sfence  }
0xbe: {  	s30 =	sld [smem:$0x0];
	_ =	sdelay $0x2  }
0xbf: {  	s31 =	sshll.u32 s1, $0xD;
	s1 =	sshrl.u32 s1, $0x2  }
0xc0: {  	s3 =	sand.u32 $0x4000, s31;
	s1 =	sadd.s32 s1, s30  }
0xc1: {  	s0 =	sor.u32 s3, s0;
	s1 =	sshll.u32 s1, $0x11  }
0xc2: {  	s0 =	sor.u32 s1, s0  }
0xc3: {  	s0 =	sadd.s32 $0x8F2B, s0  }
0xc4: {  	[sflag:s0] =	ssyncadd.remote.s32 $0x1  }
0xc5: {  	_ =	sfence.sel $0xFFFF  }
0xc6: {  	[dreg:$0x0] =	wrdreg $0xFFFFFFFF;
	(pc) =	sbr.abs _section_cstart, $3  }
0xc7: {  	[dreg:$0x1] =	wrdreg $0xFFFFFFFF  }
0xc8: {  	_ =	task.clear_ibuf [dreg:s8], $0x2FFFF;
	_ =	strace $0x9FFFFFFF  }
0xc9: {  	(tm) =	ssettm $0x7FFFFFFF  }
tec
execute0_lowered:
.L_overlay_start_1:
0x0: {  	(tag) =	ssettag $0x1  }
0x1: {  	s4 =	rddreg [dreg:$0x0];
	s0 =	srdreg.scid  }
0x2: {  	s6 =	rddreg [dreg:$0x1];
	s19 =	sand.u32 $0x1, s0  }
0x3: {  	s2 =	rddreg [dreg:$0x2];
	s1 =	stileid.u32;
	s5 =	sshll.u32 s19, $0x4  }
0x4: {  	s3 =	simm.s32 $0x0;
	s0 =	rddreg [dreg:$0x3];
	s7 =	sor.u32 s1, s5  }
0x5: {  	[smem:$0x7FF] =	sst s3;
	s5 =	sshll.u32 s7, $0x6  }
0x6: {  	_ =	strace $0x8000004A;
	s4 =	sadd.s32 s4, s5;
	s5 =	simm.s32 $0x3  }
0x7: {  	[tilespmem:s3], [sflag:$0x3] =	stream.linear.gather [hbm4b:s4+s3], $0x200, $0x38;
	[tilespmem:$0x8200] =	vst v63  }
0x8: {  	s7 =	sshll.u32 s7, $0xC;
	_ =	swait.ge [sflag:s5], $0x200  }
0x9: {  	s12 =	sadd.s32 s7, s6;
	[sflag:s5] =	ssyncset.done $0x0  }
0xa: {  	s7 =	simm.s32 $0x200;
	s6 =	sadd.s32 $0x1200, s12;
	[sflag:s5] =	ssyncadd.s32 $0xFFFFFE00  }
0xb: {  	[tilespmem:s7], [sflag:$0x1] =	stream.linear.gather [hbm4b:s6+s3], $0x2000, $0x38;
	[tilespmem:$0x8200] =	vst v63  }
0xc: {  	s9 =	simm.s32 $0x2200;
	s8 =	sadd.s32 $0x1600, s12  }
0xd: {  	[tilespmem:s9], [sflag:$0x1] =	stream.linear.gather [hbm4b:s8+s3], $0x2000, $0x38;
	[tilespmem:$0x8200] =	vst v63  }
0xe: {  	s11 =	simm.s32 $0x4200;
	s10 =	sadd.s32 $0x1A00, s12  }
0xf: {  	[tilespmem:s11], [sflag:$0x1] =	stream.linear.gather [hbm4b:s10+s3], $0x2000, $0x38;
	[tilespmem:$0x8200] =	vst v63  }
0x10: {  	s13 =	simm.s32 $0x6200;
	s14 =	simm.s32 $0x1;
	s12 =	sadd.s32 $0x1E00, s12  }
0x11: {  	[tilespmem:s13], [sflag:$0x1] =	stream.linear.gather [hbm4b:s12+s3], $0x2000, $0x38;
	[tilespmem:$0x8200] =	vst v63  }
0x12: {  	_ =	swait.ge [sflag:s14], $0x2000  }
0x13: {  	[sflag:s14] =	ssyncset.done $0x0  }
0x14: {  	s15 =	simm.s32 $0x80;
	[sflag:s14] =	ssyncadd.s32 $0xFFFFE000  }
0x15: {  	[hbm4b:s2+s15] =	stream.indirect.scatter [tilespmem:s7], [sflag:$0x2], $0x40, s3, s15, $0xb8;
	[tilespmem:$0x8200] =	vst v63  }
0x16: {  	_ =	swait.ge [sflag:s14], $0x2000  }
0x17: {  	[sflag:s14] =	ssyncset.done $0x0  }
0x18: {  	[sflag:s14] =	ssyncadd.s32 $0xFFFFE000  }
0x19: {  	[hbm4b:s2+s15] =	stream.indirect.scatter [tilespmem:s9], [sflag:$0x2], $0x40, s15, s15, $0xb8;
	[tilespmem:$0x8200] =	vst v63  }
0x1a: {  	_ =	swait.ge [sflag:s14], $0x2000  }
0x1b: {  	[sflag:s14] =	ssyncset.done $0x0  }
0x1c: {  	s16 =	simm.s32 $0x100;
	[sflag:s14] =	ssyncadd.s32 $0xFFFFE000  }
0x1d: {  	[hbm4b:s2+s15] =	stream.indirect.scatter [tilespmem:s11], [sflag:$0x2], $0x40, s16, s15, $0xb8;
	[tilespmem:$0x8200] =	vst v63  }
0x1e: {  	_ =	swait.ge [sflag:s14], $0x2000  }
0x1f: {  	[sflag:s14] =	ssyncset.done $0x0  }
0x20: {  	s18 =	simm.s32 $0x180;
	s17 =	simm.s32 $0x2;
	[sflag:s14] =	ssyncadd.s32 $0xFFFFE000  }
0x21: {  	[hbm4b:s2+s15] =	stream.indirect.scatter [tilespmem:s13], [sflag:$0x2], $0x40, s18, s15, $0xb8;
	[tilespmem:$0x8200] =	vst v63  }
0x22: {  	_ =	swait.ge [sflag:s17], $0x2000  }
0x23: {  	s19 =	ssub.s32 $0x2, s19;
	[sflag:s17] =	ssyncset.done $0x0  }
0x24: {  	s20 =	sshrl.u32 s19, $0x1;
	[sflag:s17] =	ssyncadd.s32 $0xFFFFE000  }
0x25: {  	s19 =	ssub.s32 s19, s20;
	_ =	swait.ge [sflag:s17], $0x2000  }
0x26: {  	s19 =	smax.u32 s19, $0x1;
	[sflag:s17] =	ssyncset.done $0x0  }
0x27: {  	p0 =	sne.s32 s19, $0x1;
	[sflag:s17] =	ssyncadd.s32 $0xFFFFE000  }
.Ltmp0:
0x28: {  	_ =	swait.ge [sflag:s17], $0x2000;
	(pc) =	sbr.rel @!p0 .LBB2_2-.Ltmp0, $4  }
0x29: {  	[sflag:s17] =	ssyncset.done $0x0  }
0x2a: {  	[sflag:s17] =	ssyncadd.s32 $0xFFFFE000  }
0x2b: {  	_ =	swait.ge [sflag:s17], $0x2000  }
0x2c: {  	s19 =	sadd.s32 $0xFFFFFFFF, s19;
	[sflag:s17] =	ssyncset.done $0x0  }
.LBB2_1:
0x2d: {  	p0 =	sne.s32 s19, $0x1;
	s19 =	sadd.s32 $0xFFFFFFFF, s19;
	[sflag:s17] =	ssyncadd.s32 $0xFFFFE000  }
0x2e: {  	[tilespmem:s3], [sflag:$0x3] =	stream.linear.gather [hbm4b:s4+s3], $0x200, $0x38;
	[tilespmem:$0x8200] =	vst v63  }
0x2f: {  	_ =	swait.ge [sflag:s5], $0x200  }
0x30: {  	[sflag:s5] =	ssyncset.done $0x0  }
0x31: {  	[sflag:s5] =	ssyncadd.s32 $0xFFFFFE00  }
0x32: {  	[tilespmem:s7], [sflag:$0x1] =	stream.linear.gather [hbm4b:s6+s3], $0x2000, $0x38;
	[tilespmem:$0x8200] =	vst v63  }
0x33: {  	_ = 	snop  }
0x34: {  	[tilespmem:s9], [sflag:$0x1] =	stream.linear.gather [hbm4b:s8+s3], $0x2000, $0x38;
	[tilespmem:$0x8200] =	vst v63  }
0x35: {  	_ = 	snop  }
0x36: {  	[tilespmem:s11], [sflag:$0x1] =	stream.linear.gather [hbm4b:s10+s3], $0x2000, $0x38;
	[tilespmem:$0x8200] =	vst v63  }
0x37: {  	_ = 	snop  }
0x38: {  	[tilespmem:s13], [sflag:$0x1] =	stream.linear.gather [hbm4b:s12+s3], $0x2000, $0x38;
	[tilespmem:$0x8200] =	vst v63  }
0x39: {  	_ =	swait.ge [sflag:s14], $0x2000  }
0x3a: {  	[sflag:s14] =	ssyncset.done $0x0  }
0x3b: {  	[sflag:s14] =	ssyncadd.s32 $0xFFFFE000  }
0x3c: {  	[hbm4b:s2+s15] =	stream.indirect.scatter [tilespmem:s7], [sflag:$0x2], $0x40, s3, s15, $0xb8;
	[tilespmem:$0x8200] =	vst v63  }
0x3d: {  	_ =	swait.ge [sflag:s14], $0x2000  }
0x3e: {  	[sflag:s14] =	ssyncset.done $0x0  }
0x3f: {  	[sflag:s14] =	ssyncadd.s32 $0xFFFFE000  }
0x40: {  	[hbm4b:s2+s15] =	stream.indirect.scatter [tilespmem:s9], [sflag:$0x2], $0x40, s15, s15, $0xb8;
	[tilespmem:$0x8200] =	vst v63  }
0x41: {  	_ =	swait.ge [sflag:s14], $0x2000  }
0x42: {  	[sflag:s14] =	ssyncset.done $0x0  }
0x43: {  	[sflag:s14] =	ssyncadd.s32 $0xFFFFE000  }
0x44: {  	[hbm4b:s2+s15] =	stream.indirect.scatter [tilespmem:s11], [sflag:$0x2], $0x40, s16, s15, $0xb8;
	[tilespmem:$0x8200] =	vst v63  }
0x45: {  	_ =	swait.ge [sflag:s14], $0x2000  }
0x46: {  	[sflag:s14] =	ssyncset.done $0x0  }
0x47: {  	[sflag:s14] =	ssyncadd.s32 $0xFFFFE000  }
0x48: {  	[hbm4b:s2+s15] =	stream.indirect.scatter [tilespmem:s13], [sflag:$0x2], $0x40, s18, s15, $0xb8;
	[tilespmem:$0x8200] =	vst v63  }
0x49: {  	_ =	swait.ge [sflag:s17], $0x2000  }
0x4a: {  	[sflag:s17] =	ssyncset.done $0x0  }
0x4b: {  	[sflag:s17] =	ssyncadd.s32 $0xFFFFE000  }
0x4c: {  	_ =	swait.ge [sflag:s17], $0x2000  }
0x4d: {  	[sflag:s17] =	ssyncset.done $0x0  }
0x4e: {  	[sflag:s17] =	ssyncadd.s32 $0xFFFFE000  }
.Ltmp1:
0x4f: {  	_ =	swait.ge [sflag:s17], $0x2000;
	(pc) =	sbr.rel @p0 .LBB2_1-.Ltmp1, $4  }
0x50: {  	[sflag:s17] =	ssyncset.done $0x0  }
0x51: {  	[sflag:s17] =	ssyncadd.s32 $0xFFFFE000  }
0x52: {  	_ =	swait.ge [sflag:s17], $0x2000  }
0x53: {  	[sflag:s17] =	ssyncset.done $0x0  }
.LBB2_2:
0x54: {  	[sflag:s17] =	ssyncadd.s32 $0xFFFFE000  }
0x55: {  	_ =	sfence.sel $0x180000  }
0x56: {  	[bflag:$0x0] =	sbarrier.arrive $0xFFFF  }
0x57: {  	p0 =	sne.s32 s1, $0x0;
	_ =	strace $0x9000004A  }
0x58: {  	s0 =	sadd.s32 @!p0 $0x100000, s0;
	[bflag:$0x2] =	sbarrier.arrive $0xFFFF  }
0x59: {  	[sflag:s0] =	ssyncadd.tile.s32 @!p0 $0x1;
	_ =	shalt  }
.Lfunc_end2:
_tile_overlayer_lowered:
.L_overlay_start_2:
0x5a: {  	(tag) =	ssettag $0x2  }
0x5b: {  	s0 =	rddreg [dreg:$0x0];
	s2 =	stileid.u32  }
0x5c: {  	s1 =	rddreg [dreg:$0x1];
	p0 =	sne.s32 s2, $0x0  }
0x5d: {  	s3 =	rddreg [dreg:$0x2];
	[bflag:$0x3] =	sbarrier.arrive $0xFFFF;
	s2 =	simm.s32 @!p0 $0x1C03  }
0x5e: {  	[timem:s3], [sflag:s2] =	dma.local @!p0 [hbm:s0], s1  }
0x5f: {  	s0 =	simm.s32 @!p0 $0x3  }
0x60: {  	_ =	swait.ge @!p0 [sflag:s0], s1  }
0x61: {  	s1 =	ssub.s32 @!p0 $0x0, s1;
	[sflag:s0] =	ssyncset.done @!p0 $0x0  }
0x62: {  	[sflag:s0] =	ssyncadd.s32 @!p0 s1  }
0x63: {  	[bflag:$0x3] =	sbarrier.arrive $0xFFFF  }
0x64: {  	_ =	shalt  }

</sc_bundles>
